<compile_context>
chip_gen: v7x
topology: tpu7x:2x2x1
jax: 0.10.2.dev20260603
libtpu: 0.0.44.dev20260713+nightly
codegen_flags: <defaults>
</compile_context>

<pallas_src>
import functools

import jax
import jax.numpy as jnp
from jax import lax
from jax.experimental import pallas as pl
from jax.experimental.pallas import tpu as pltpu
from jax.experimental.pallas import tpu_sc as plsc

B, L, V, D = 4096, 50, 100000, 128
NC, NS = 2, 16
NW = NC * NS
RPW = B // NW
IPW = RPW * L
LANES = 16
GRP = RPW // LANES

VB = 8192


def _proj_body(emb_ref, w_ref, q1_ref, q2_ref):
    w = w_ref[...]
    wd = w[1:2, :] - w[0:1, :]
    lhs = jnp.concatenate([wd[:, :D], wd[:, D:]], axis=0)
    r = lax.dot_general(lhs, emb_ref[...],
                        dimension_numbers=(((1,), (1,)), ((), ())),
                        preferred_element_type=jnp.float32)
    q1_ref[...] = r[0]
    q2_ref[...] = r[1]


_proj_call = pl.pallas_call(
    _proj_body,
    grid=((V + VB - 1) // VB,),
    in_specs=[
        pl.BlockSpec((VB, D), lambda i: (i, 0)),
        pl.BlockSpec((2, 2 * D), lambda i: (0, 0)),
    ],
    out_specs=[
        pl.BlockSpec((VB,), lambda i: (i,)),
        pl.BlockSpec((VB,), lambda i: (i,)),
    ],
    out_shape=[
        jax.ShapeDtypeStruct((V,), jnp.float32),
        jax.ShapeDtypeStruct((V,), jnp.float32),
    ],
)


@functools.partial(
    pl.kernel,
    out_type=jax.ShapeDtypeStruct((2 * B,), jnp.float32),
    mesh=plsc.VectorSubcoreMesh(core_axis_name="c", subcore_axis_name="s"),
    scratch_types=[
        pltpu.VMEM((IPW,), jnp.int32),
        pltpu.VMEM((IPW,), jnp.int32),
        pltpu.VMEM((IPW,), jnp.float32),
        pltpu.VMEM((IPW,), jnp.float32),
        pltpu.VMEM((RPW,), jnp.int32),
        pltpu.VMEM((RPW,), jnp.int32),
        pltpu.VMEM((LANES,), jnp.float32),
        pltpu.VMEM((RPW,), jnp.float32),
        pltpu.VMEM((RPW,), jnp.float32),
        pltpu.SemaphoreType.DMA,
        pltpu.SemaphoreType.DMA,
    ],
)
def _sc_pool(q1_hbm, q2_hbm, idx1_hbm, idx2_hbm, ls_hbm, rs_hbm,
             bias_hbm, out_hbm,
             idx1_v, idx2_v, rows1_v, rows2_v,
             ls_v, rs_v, bias_v, out0_v, out1_v, sem1, sem2):
    wid = lax.axis_index("s") * NC + lax.axis_index("c")
    base = wid * RPW
    ibase = wid * IPW

    pltpu.sync_copy(idx1_hbm.at[pl.ds(ibase, IPW)], idx1_v)
    cp1 = pltpu.async_copy(q1_hbm.at[idx1_v], rows1_v, sem1)
    pltpu.sync_copy(idx2_hbm.at[pl.ds(ibase, IPW)], idx2_v)
    cp2 = pltpu.async_copy(q2_hbm.at[idx2_v], rows2_v, sem2)
    pltpu.sync_copy(ls_hbm.at[pl.ds(base, RPW)], ls_v)
    pltpu.sync_copy(rs_hbm.at[pl.ds(base, RPW)], rs_v)
    pltpu.sync_copy(bias_hbm, bias_v)

    bd = bias_v[...]
    cp1.wait()
    s1 = [None] * GRP
    for g in range(GRP):
        acc = rows1_v[pl.ds(g * LANES, LANES)]
        for t in range(1, L):
            acc = acc + rows1_v[pl.ds(t * RPW + g * LANES, LANES)]
        s1[g] = acc
    cp2.wait()
    for g in range(GRP):
        acc = rows2_v[pl.ds(g * LANES, LANES)]
        for t in range(1, L):
            acc = acc + rows2_v[pl.ds(t * RPW + g * LANES, LANES)]
        rl = 1.0 / ls_v[pl.ds(g * LANES, LANES)].astype(jnp.float32)
        rr = 1.0 / rs_v[pl.ds(g * LANES, LANES)].astype(jnp.float32)
        dd = s1[g] * rl + acc * rr + bd
        r1 = 1.0 / (1.0 + jnp.exp(-dd))
        out0_v[pl.ds(g * LANES, LANES)] = 1.0 - r1
        out1_v[pl.ds(g * LANES, LANES)] = r1
    pltpu.sync_copy(out0_v, out_hbm.at[pl.ds(base, RPW)])
    pltpu.sync_copy(out1_v, out_hbm.at[pl.ds(B + base, RPW)])


def _wtr(sent):
    return sent.reshape(NW, RPW, L).transpose(0, 2, 1).reshape(-1)


def kernel(sent1, sent2, lsize_list, rsize_list, emb_table, W, b):
    q1, q2 = _proj_call(emb_table, W)

    bias_d = jnp.full((LANES,), b[1] - b[0], jnp.float32)
    out = _sc_pool(q1, q2, _wtr(sent1), _wtr(sent2),
                   lsize_list, rsize_list, bias_d)
    return out.reshape(2, B).T

# --- scband reference (transcript-rebuilt; emitter-appended) ---
"""Pipeline reference for scband-base-12652973654344 (READ-ONLY COPY).

The authoritative reference and input builder live on the scoring server;
editing this copy changes nothing except your own understanding.
"""

import jax, jax.numpy as jnp
import numpy as np

B, L, V, D = 4096, 50, 100000, 128

def setup_inputs(seed: int = 0) -> dict:
    key = jax.random.key(seed)
    k1, k2, k3, k4, k5, k6 = jax.random.split(key, 6)
    sent1 = jax.random.randint(k1, (B, L), 0, V, dtype=jnp.int32)
    sent2 = jax.random.randint(k2, (B, L), 0, V, dtype=jnp.int32)
    # sentence lengths: keep >= 1 to avoid div-by-zero (module divides by lengths)
    lsize_list = jax.random.randint(k3, (B,), 1, L + 1, dtype=jnp.int32)
    rsize_list = jax.random.randint(k4, (B,), 1, L + 1, dtype=jnp.int32)
    # frozen pretrained embedding table (vocab.vectors), requires_grad=False in torch
    emb_table = jax.random.normal(k5, (V, D), dtype=jnp.float32) * 0.02
    # linear_layer: nn.Linear(2*embedding_size, 2) -> weight [2, 2D], bias [2]
    W = jax.random.normal(k6, (2, 2 * D), dtype=jnp.float32) * 0.02
    b = jnp.zeros((2,), dtype=jnp.float32)
    return {"sent1": sent1, "sent2": sent2, "lsize_list": lsize_list,
            "rsize_list": rsize_list, "emb_table": emb_table, "W": W, "b": b}

def reference(sent1, sent2, lsize_list, rsize_list, emb_table, W, b):
    # embedding lookup (gather) -> [B, L, D]
    s1 = jnp.take(emb_table, sent1, axis=0)
    s2 = jnp.take(emb_table, sent2, axis=0)
    # sum over time, divide by lengths (torch: sum(dim=1) / lsize.float().unsqueeze(1))
    a1 = jnp.sum(s1, axis=1) / lsize_list.astype(jnp.float32)[:, None]
    a2 = jnp.sum(s2, axis=1) / rsize_list.astype(jnp.float32)[:, None]
    x = jnp.concatenate([a1, a2], axis=1)  # [B, 2D]
    out = x @ W.T + b                       # [B, 2]
    res = jax.nn.softmax(out, axis=1)
    return res

if __name__ == "__main__":
    import jax
    _d = setup_inputs()
    print(jax.jit(kernel)(*tuple(_d.values())))

</pallas_src>

<mosaic_0001>
#map = affine_map<(d0, d1) -> (0)>
module attributes {stable_mosaic.version = 14 : i64} {
  func.func @_sc_pool(%arg0: i32, %arg1: i32, %arg2: memref<100000xf32, #tpu.memory_space<hbm>>, %arg3: memref<100000xf32, #tpu.memory_space<hbm>>, %arg4: memref<204800xi32, #tpu.memory_space<hbm>>, %arg5: memref<204800xi32, #tpu.memory_space<hbm>>, %arg6: memref<4096xi32, #tpu.memory_space<hbm>>, %arg7: memref<4096xi32, #tpu.memory_space<hbm>>, %arg8: memref<16xf32, #tpu.memory_space<hbm>>, %arg9: memref<8192xf32, #tpu.memory_space<hbm>>, %arg10: memref<6400xi32, #tpu.memory_space<vmem>>, %arg11: memref<6400xi32, #tpu.memory_space<vmem>>, %arg12: memref<6400xf32, #tpu.memory_space<vmem>>, %arg13: memref<6400xf32, #tpu.memory_space<vmem>>, %arg14: memref<128xi32, #tpu.memory_space<vmem>>, %arg15: memref<128xi32, #tpu.memory_space<vmem>>, %arg16: memref<16xf32, #tpu.memory_space<vmem>>, %arg17: memref<128xf32, #tpu.memory_space<vmem>>, %arg18: memref<128xf32, #tpu.memory_space<vmem>>, %arg19: memref<!tpu.dma_semaphore, #tpu.memory_space<semaphore_mem>>, %arg20: memref<!tpu.dma_semaphore, #tpu.memory_space<semaphore_mem>>) attributes {dimension_semantics = [#tpu.dimension_semantics<core_parallel>, #tpu.dimension_semantics<subcore_parallel>], iteration_bounds = array<i64: 2, 16>, scalar_prefetch = 0 : i64, scratch_operands = 11 : i64, tpu.core_type = #tpu.core_type<sc_vector_subcore>, window_params = [{transform_indices = #map}, {transform_indices = #map}, {transform_indices = #map}, {transform_indices = #map}, {transform_indices = #map}, {transform_indices = #map}, {transform_indices = #map}, {transform_indices = #map}]} {
    %mul3A = arith.constant 2 : i32
    %mul3A_0 = arith.muli %arg1, %mul3A : i32
    %add3A = arith.addi %mul3A_0, %arg0 : i32
    %mul3A_1 = arith.constant 128 : i32
    %mul3A_2 = arith.muli %add3A, %mul3A_1 : i32
    %mul3A_3 = arith.constant 6400 : i32
    %mul3A_4 = arith.muli %add3A, %mul3A_3 : i32
    "tpu.region"() ({
      %run_scoped3A = tpu.sem_alloc : memref<!tpu.dma_semaphore, #tpu.memory_space<semaphore_mem>>
      %dma_start3A_3505 = tpu.memref_slice %arg4[%mul3A_4] : memref<204800xi32, #tpu.memory_space<hbm>> -> memref<6400xi32, #tpu.memory_space<hbm>>
      %dma_start3A_3506 = tpu.memref_slice %arg4[%mul3A_4] : memref<204800xi32, #tpu.memory_space<hbm>> -> memref<6400xi32, #tpu.memory_space<hbm>>
      tpu.enqueue_dma source(%dma_start3A_3506 : memref<6400xi32, #tpu.memory_space<hbm>>) target(%arg10 : memref<6400xi32, #tpu.memory_space<vmem>>) target_semaphore(%run_scoped3A : memref<!tpu.dma_semaphore, #tpu.memory_space<semaphore_mem>>)
      %dma_wait3A_3507 = tpu.memref_slice %arg4[%mul3A_4] : memref<204800xi32, #tpu.memory_space<hbm>> -> memref<6400xi32, #tpu.memory_space<hbm>>
      %dma_wait3A_3508 = tpu.memref_slice %arg4[%mul3A_4] : memref<204800xi32, #tpu.memory_space<hbm>> -> memref<6400xi32, #tpu.memory_space<hbm>>
      tpu.wait_dma2 semaphore(%run_scoped3A : memref<!tpu.dma_semaphore, #tpu.memory_space<semaphore_mem>>) src(%dma_wait3A_3508 : memref<6400xi32, #tpu.memory_space<hbm>>) dst(%arg10 : memref<6400xi32, #tpu.memory_space<vmem>>)
      tpu.yield
    }) : () -> ()
    %dma_start3A = arith.constant 0 : i32
    %dma_start3A_5 = tpu.memref_slice %arg2[%dma_start3A] : memref<100000xf32, #tpu.memory_space<hbm>> -> memref<100000xf32, #tpu.memory_space<hbm>>
    tpu.enqueue_indirect_dma source(%dma_start3A_5 : memref<100000xf32, #tpu.memory_space<hbm>>) target(%arg12 : memref<6400xf32, #tpu.memory_space<vmem>>) offsets(%arg10 : memref<6400xi32, #tpu.memory_space<vmem>>) semaphore(%arg19 : memref<!tpu.dma_semaphore, #tpu.memory_space<semaphore_mem>>)
    "tpu.region"() ({
      %run_scoped3A = tpu.sem_alloc : memref<!tpu.dma_semaphore, #tpu.memory_space<semaphore_mem>>
      %dma_start3A_3505 = tpu.memref_slice %arg5[%mul3A_4] : memref<204800xi32, #tpu.memory_space<hbm>> -> memref<6400xi32, #tpu.memory_space<hbm>>
      %dma_start3A_3506 = tpu.memref_slice %arg5[%mul3A_4] : memref<204800xi32, #tpu.memory_space<hbm>> -> memref<6400xi32, #tpu.memory_space<hbm>>
      tpu.enqueue_dma source(%dma_start3A_3506 : memref<6400xi32, #tpu.memory_space<hbm>>) target(%arg11 : memref<6400xi32, #tpu.memory_space<vmem>>) target_semaphore(%run_scoped3A : memref<!tpu.dma_semaphore, #tpu.memory_space<semaphore_mem>>)
      %dma_wait3A_3507 = tpu.memref_slice %arg5[%mul3A_4] : memref<204800xi32, #tpu.memory_space<hbm>> -> memref<6400xi32, #tpu.memory_space<hbm>>
      %dma_wait3A_3508 = tpu.memref_slice %arg5[%mul3A_4] : memref<204800xi32, #tpu.memory_space<hbm>> -> memref<6400xi32, #tpu.memory_space<hbm>>
      tpu.wait_dma2 semaphore(%run_scoped3A : memref<!tpu.dma_semaphore, #tpu.memory_space<semaphore_mem>>) src(%dma_wait3A_3508 : memref<6400xi32, #tpu.memory_space<hbm>>) dst(%arg11 : memref<6400xi32, #tpu.memory_space<vmem>>)
      tpu.yield
    }) : () -> ()
    %dma_start3A_6 = arith.constant 0 : i32
    %dma_start3A_7 = tpu.memref_slice %arg3[%dma_start3A_6] : memref<100000xf32, #tpu.memory_space<hbm>> -> memref<100000xf32, #tpu.memory_space<hbm>>
    tpu.enqueue_indirect_dma source(%dma_start3A_7 : memref<100000xf32, #tpu.memory_space<hbm>>) target(%arg13 : memref<6400xf32, #tpu.memory_space<vmem>>) offsets(%arg11 : memref<6400xi32, #tpu.memory_space<vmem>>) semaphore(%arg20 : memref<!tpu.dma_semaphore, #tpu.memory_space<semaphore_mem>>)
    "tpu.region"() ({
      %run_scoped3A = tpu.sem_alloc : memref<!tpu.dma_semaphore, #tpu.memory_space<semaphore_mem>>
      %dma_start3A_3505 = tpu.memref_slice %arg6[%mul3A_2] : memref<4096xi32, #tpu.memory_space<hbm>> -> memref<128xi32, #tpu.memory_space<hbm>>
      %dma_start3A_3506 = tpu.memref_slice %arg6[%mul3A_2] : memref<4096xi32, #tpu.memory_space<hbm>> -> memref<128xi32, #tpu.memory_space<hbm>>
      tpu.enqueue_dma source(%dma_start3A_3506 : memref<128xi32, #tpu.memory_space<hbm>>) target(%arg14 : memref<128xi32, #tpu.memory_space<vmem>>) target_semaphore(%run_scoped3A : memref<!tpu.dma_semaphore, #tpu.memory_space<semaphore_mem>>)
      %dma_wait3A_3507 = tpu.memref_slice %arg6[%mul3A_2] : memref<4096xi32, #tpu.memory_space<hbm>> -> memref<128xi32, #tpu.memory_space<hbm>>
      %dma_wait3A_3508 = tpu.memref_slice %arg6[%mul3A_2] : memref<4096xi32, #tpu.memory_space<hbm>> -> memref<128xi32, #tpu.memory_space<hbm>>
      tpu.wait_dma2 semaphore(%run_scoped3A : memref<!tpu.dma_semaphore, #tpu.memory_space<semaphore_mem>>) src(%dma_wait3A_3508 : memref<128xi32, #tpu.memory_space<hbm>>) dst(%arg14 : memref<128xi32, #tpu.memory_space<vmem>>)
      tpu.yield
    }) : () -> ()
    "tpu.region"() ({
      %run_scoped3A = tpu.sem_alloc : memref<!tpu.dma_semaphore, #tpu.memory_space<semaphore_mem>>
      %dma_start3A_3505 = tpu.memref_slice %arg7[%mul3A_2] : memref<4096xi32, #tpu.memory_space<hbm>> -> memref<128xi32, #tpu.memory_space<hbm>>
      %dma_start3A_3506 = tpu.memref_slice %arg7[%mul3A_2] : memref<4096xi32, #tpu.memory_space<hbm>> -> memref<128xi32, #tpu.memory_space<hbm>>
      tpu.enqueue_dma source(%dma_start3A_3506 : memref<128xi32, #tpu.memory_space<hbm>>) target(%arg15 : memref<128xi32, #tpu.memory_space<vmem>>) target_semaphore(%run_scoped3A : memref<!tpu.dma_semaphore, #tpu.memory_space<semaphore_mem>>)
      %dma_wait3A_3507 = tpu.memref_slice %arg7[%mul3A_2] : memref<4096xi32, #tpu.memory_space<hbm>> -> memref<128xi32, #tpu.memory_space<hbm>>
      %dma_wait3A_3508 = tpu.memref_slice %arg7[%mul3A_2] : memref<4096xi32, #tpu.memory_space<hbm>> -> memref<128xi32, #tpu.memory_space<hbm>>
      tpu.wait_dma2 semaphore(%run_scoped3A : memref<!tpu.dma_semaphore, #tpu.memory_space<semaphore_mem>>) src(%dma_wait3A_3508 : memref<128xi32, #tpu.memory_space<hbm>>) dst(%arg15 : memref<128xi32, #tpu.memory_space<vmem>>)
      tpu.yield
    }) : () -> ()
    "tpu.region"() ({
      %run_scoped3A = tpu.sem_alloc : memref<!tpu.dma_semaphore, #tpu.memory_space<semaphore_mem>>
      tpu.enqueue_dma source(%arg8 : memref<16xf32, #tpu.memory_space<hbm>>) target(%arg16 : memref<16xf32, #tpu.memory_space<vmem>>) target_semaphore(%run_scoped3A : memref<!tpu.dma_semaphore, #tpu.memory_space<semaphore_mem>>)
      tpu.wait_dma2 semaphore(%run_scoped3A : memref<!tpu.dma_semaphore, #tpu.memory_space<semaphore_mem>>) src(%arg8 : memref<16xf32, #tpu.memory_space<hbm>>) dst(%arg16 : memref<16xf32, #tpu.memory_space<vmem>>)
      tpu.yield
    }) : () -> ()
    %get3A = arith.constant 0 : index
    %get3A_8 = tpu.vector_load %arg16[%get3A] {strides = array<i32>} : memref<16xf32, #tpu.memory_space<vmem>>, vector<16xf32>,
    %get3A_9 = vector.shape_cast %get3A_8 : vector<16xf32> to vector<16xf32>
    %dma_wait3A = arith.constant 0 : i32
    %dma_wait3A_10 = tpu.memref_slice %arg2[%dma_wait3A] : memref<100000xf32, #tpu.memory_space<hbm>> -> memref<100000xf32, #tpu.memory_space<hbm>>
    tpu.wait_indirect_dma semaphore(%arg19 : memref<!tpu.dma_semaphore, #tpu.memory_space<semaphore_mem>>) src(%dma_wait3A_10 : memref<100000xf32, #tpu.memory_space<hbm>>) dst(%arg12 : memref<6400xf32, #tpu.memory_space<vmem>>)
    %get3A_11 = arith.constant 0 : index
    %get3A_12 = tpu.vector_load %arg12[%get3A_11] {strides = array<i32>} : memref<6400xf32, #tpu.memory_space<vmem>>, vector<16xf32>,
    %get3A_13 = vector.shape_cast %get3A_12 : vector<16xf32> to vector<16xf32>
    %get3A_14 = arith.constant 128 : index
    %get3A_15 = tpu.vector_load %arg12[%get3A_14] {strides = array<i32>} : memref<6400xf32, #tpu.memory_space<vmem>>, vector<16xf32>,
    %get3A_16 = vector.shape_cast %get3A_15 : vector<16xf32> to vector<16xf32>
    %add3A_17 = arith.addf %get3A_13, %get3A_16 : vector<16xf32>
    %get3A_18 = arith.constant 256 : index
    %get3A_19 = tpu.vector_load %arg12[%get3A_18] {strides = array<i32>} : memref<6400xf32, #tpu.memory_space<vmem>>, vector<16xf32>,
    %get3A_20 = vector.shape_cast %get3A_19 : vector<16xf32> to vector<16xf32>
    %add3A_21 = arith.addf %add3A_17, %get3A_20 : vector<16xf32>
    %get3A_22 = arith.constant 384 : index
    %get3A_23 = tpu.vector_load %arg12[%get3A_22] {strides = array<i32>} : memref<6400xf32, #tpu.memory_space<vmem>>, vector<16xf32>,
    %get3A_24 = vector.shape_cast %get3A_23 : vector<16xf32> to vector<16xf32>
    %add3A_25 = arith.addf %add3A_21, %get3A_24 : vector<16xf32>
    %get3A_26 = arith.constant 512 : index
    %get3A_27 = tpu.vector_load %arg12[%get3A_26] {strides = array<i32>} : memref<6400xf32, #tpu.memory_space<vmem>>, vector<16xf32>,
    %get3A_28 = vector.shape_cast %get3A_27 : vector<16xf32> to vector<16xf32>
    %add3A_29 = arith.addf %add3A_25, %get3A_28 : vector<16xf32>
    %get3A_30 = arith.constant 640 : index
    %get3A_31 = tpu.vector_load %arg12[%get3A_30] {strides = array<i32>} : memref<6400xf32, #tpu.memory_space<vmem>>, vector<16xf32>,
    %get3A_32 = vector.shape_cast %get3A_31 : vector<16xf32> to vector<16xf32>
    %add3A_33 = arith.addf %add3A_29, %get3A_32 : vector<16xf32>
    %get3A_34 = arith.constant 768 : index
    %get3A_35 = tpu.vector_load %arg12[%get3A_34] {strides = array<i32>} : memref<6400xf32, #tpu.memory_space<vmem>>, vector<16xf32>,
    %get3A_36 = vector.shape_cast %get3A_35 : vector<16xf32> to vector<16xf32>
    %add3A_37 = arith.addf %add3A_33, %get3A_36 : vector<16xf32>
    %get3A_38 = arith.constant 896 : index
    %get3A_39 = tpu.vector_load %arg12[%get3A_38] {strides = array<i32>} : memref<6400xf32, #tpu.memory_space<vmem>>, vector<16xf32>,
    %get3A_40 = vector.shape_cast %get3A_39 : vector<16xf32> to vector<16xf32>
    %add3A_41 = arith.addf %add3A_37, %get3A_40 : vector<16xf32>
    %get3A_42 = arith.constant 1024 : index
    %get3A_43 = tpu.vector_load %arg12[%get3A_42] {strides = array<i32>} : memref<6400xf32, #tpu.memory_space<vmem>>, vector<16xf32>,
    %get3A_44 = vector.shape_cast %get3A_43 : vector<16xf32> to vector<16xf32>
    %add3A_45 = arith.addf %add3A_41, %get3A_44 : vector<16xf32>
    %get3A_46 = arith.constant 1152 : index
    %get3A_47 = tpu.vector_load %arg12[%get3A_46] {strides = array<i32>} : memref<6400xf32, #tpu.memory_space<vmem>>, vector<16xf32>,
    %get3A_48 = vector.shape_cast %get3A_47 : vector<16xf32> to vector<16xf32>
    %add3A_49 = arith.addf %add3A_45, %get3A_48 : vector<16xf32>
    %get3A_50 = arith.constant 1280 : index
    %get3A_51 = tpu.vector_load %arg12[%get3A_50] {strides = array<i32>} : memref<6400xf32, #tpu.memory_space<vmem>>, vector<16xf32>,
    %get3A_52 = vector.shape_cast %get3A_51 : vector<16xf32> to vector<16xf32>
    %add3A_53 = arith.addf %add3A_49, %get3A_52 : vector<16xf32>
    %get3A_54 = arith.constant 1408 : index
    %get3A_55 = tpu.vector_load %arg12[%get3A_54] {strides = array<i32>} : memref<6400xf32, #tpu.memory_space<vmem>>, vector<16xf32>,
    %get3A_56 = vector.shape_cast %get3A_55 : vector<16xf32> to vector<16xf32>
    %add3A_57 = arith.addf %add3A_53, %get3A_56 : vector<16xf32>
    %get3A_58 = arith.constant 1536 : index
    %get3A_59 = tpu.vector_load %arg12[%get3A_58] {strides = array<i32>} : memref<6400xf32, #tpu.memory_space<vmem>>, vector<16xf32>,
    %get3A_60 = vector.shape_cast %get3A_59 : vector<16xf32> to vector<16xf32>
    %add3A_61 = arith.addf %add3A_57, %get3A_60 : vector<16xf32>
    %get3A_62 = arith.constant 1664 : index
    %get3A_63 = tpu.vector_load %arg12[%get3A_62] {strides = array<i32>} : memref<6400xf32, #tpu.memory_space<vmem>>, vector<16xf32>,
    %get3A_64 = vector.shape_cast %get3A_63 : vector<16xf32> to vector<16xf32>
    %add3A_65 = arith.addf %add3A_61, %get3A_64 : vector<16xf32>
    %get3A_66 = arith.constant 1792 : index
    %get3A_67 = tpu.vector_load %arg12[%get3A_66] {strides = array<i32>} : memref<6400xf32, #tpu.memory_space<vmem>>, vector<16xf32>,
    %get3A_68 = vector.shape_cast %get3A_67 : vector<16xf32> to vector<16xf32>
    %add3A_69 = arith.addf %add3A_65, %get3A_68 : vector<16xf32>
    %get3A_70 = arith.constant 1920 : index
    %get3A_71 = tpu.vector_load %arg12[%get3A_70] {strides = array<i32>} : memref<6400xf32, #tpu.memory_space<vmem>>, vector<16xf32>,
    %get3A_72 = vector.shape_cast %get3A_71 : vector<16xf32> to vector<16xf32>
    %add3A_73 = arith.addf %add3A_69, %get3A_72 : vector<16xf32>
    %get3A_74 = arith.constant 2048 : index
    %get3A_75 = tpu.vector_load %arg12[%get3A_74] {strides = array<i32>} : memref<6400xf32, #tpu.memory_space<vmem>>, vector<16xf32>,
    %get3A_76 = vector.shape_cast %get3A_75 : vector<16xf32> to vector<16xf32>
    %add3A_77 = arith.addf %add3A_73, %get3A_76 : vector<16xf32>
    %get3A_78 = arith.constant 2176 : index
    %get3A_79 = tpu.vector_load %arg12[%get3A_78] {strides = array<i32>} : memref<6400xf32, #tpu.memory_space<vmem>>, vector<16xf32>,
    %get3A_80 = vector.shape_cast %get3A_79 : vector<16xf32> to vector<16xf32>
    %add3A_81 = arith.addf %add3A_77, %get3A_80 : vector<16xf32>
    %get3A_82 = arith.constant 2304 : index
    %get3A_83 = tpu.vector_load %arg12[%get3A_82] {strides = array<i32>} : memref<6400xf32, #tpu.memory_space<vmem>>, vector<16xf32>,
    %get3A_84 = vector.shape_cast %get3A_83 : vector<16xf32> to vector<16xf32>
    %add3A_85 = arith.addf %add3A_81, %get3A_84 : vector<16xf32>
    %get3A_86 = arith.constant 2432 : index
    %get3A_87 = tpu.vector_load %arg12[%get3A_86] {strides = array<i32>} : memref<6400xf32, #tpu.memory_space<vmem>>, vector<16xf32>,
    %get3A_88 = vector.shape_cast %get3A_87 : vector<16xf32> to vector<16xf32>
    %add3A_89 = arith.addf %add3A_85, %get3A_88 : vector<16xf32>
    %get3A_90 = arith.constant 2560 : index
    %get3A_91 = tpu.vector_load %arg12[%get3A_90] {strides = array<i32>} : memref<6400xf32, #tpu.memory_space<vmem>>, vector<16xf32>,
    %get3A_92 = vector.shape_cast %get3A_91 : vector<16xf32> to vector<16xf32>
    %add3A_93 = arith.addf %add3A_89, %get3A_92 : vector<16xf32>
    %get3A_94 = arith.constant 2688 : index
    %get3A_95 = tpu.vector_load %arg12[%get3A_94] {strides = array<i32>} : memref<6400xf32, #tpu.memory_space<vmem>>, vector<16xf32>,
    %get3A_96 = vector.shape_cast %get3A_95 : vector<16xf32> to vector<16xf32>
    %add3A_97 = arith.addf %add3A_93, %get3A_96 : vector<16xf32>
    %get3A_98 = arith.constant 2816 : index
    %get3A_99 = tpu.vector_load %arg12[%get3A_98] {strides = array<i32>} : memref<6400xf32, #tpu.memory_space<vmem>>, vector<16xf32>,
    %get3A_100 = vector.shape_cast %get3A_99 : vector<16xf32> to vector<16xf32>
    %add3A_101 = arith.addf %add3A_97, %get3A_100 : vector<16xf32>
    %get3A_102 = arith.constant 2944 : index
    %get3A_103 = tpu.vector_load %arg12[%get3A_102] {strides = array<i32>} : memref<6400xf32, #tpu.memory_space<vmem>>, vector<16xf32>,
    %get3A_104 = vector.shape_cast %get3A_103 : vector<16xf32> to vector<16xf32>
    %add3A_105 = arith.addf %add3A_101, %get3A_104 : vector<16xf32>
    %get3A_106 = arith.constant 3072 : index
    %get3A_107 = tpu.vector_load %arg12[%get3A_106] {strides = array<i32>} : memref<6400xf32, #tpu.memory_space<vmem>>, vector<16xf32>,
    %get3A_108 = vector.shape_cast %get3A_107 : vector<16xf32> to vector<16xf32>
    %add3A_109 = arith.addf %add3A_105, %get3A_108 : vector<16xf32>
    %get3A_110 = arith.constant 3200 : index
    %get3A_111 = tpu.vector_load %arg12[%get3A_110] {strides = array<i32>} : memref<6400xf32, #tpu.memory_space<vmem>>, vector<16xf32>,
    %get3A_112 = vector.shape_cast %get3A_111 : vector<16xf32> to vector<16xf32>
    %add3A_113 = arith.addf %add3A_109, %get3A_112 : vector<16xf32>
    %get3A_114 = arith.constant 3328 : index
    %get3A_115 = tpu.vector_load %arg12[%get3A_114] {strides = array<i32>} : memref<6400xf32, #tpu.memory_space<vmem>>, vector<16xf32>,
    %get3A_116 = vector.shape_cast %get3A_115 : vector<16xf32> to vector<16xf32>
    %add3A_117 = arith.addf %add3A_113, %get3A_116 : vector<16xf32>
    %get3A_118 = arith.constant 3456 : index
    %get3A_119 = tpu.vector_load %arg12[%get3A_118] {strides = array<i32>} : memref<6400xf32, #tpu.memory_space<vmem>>, vector<16xf32>,
    %get3A_120 = vector.shape_cast %get3A_119 : vector<16xf32> to vector<16xf32>
    %add3A_121 = arith.addf %add3A_117, %get3A_120 : vector<16xf32>
    %get3A_122 = arith.constant 3584 : index
    %get3A_123 = tpu.vector_load %arg12[%get3A_122] {strides = array<i32>} : memref<6400xf32, #tpu.memory_space<vmem>>, vector<16xf32>,
    %get3A_124 = vector.shape_cast %get3A_123 : vector<16xf32> to vector<16xf32>
    %add3A_125 = arith.addf %add3A_121, %get3A_124 : vector<16xf32>
    %get3A_126 = arith.constant 3712 : index
    %get3A_127 = tpu.vector_load %arg12[%get3A_126] {strides = array<i32>} : memref<6400xf32, #tpu.memory_space<vmem>>, vector<16xf32>,
    %get3A_128 = vector.shape_cast %get3A_127 : vector<16xf32> to vector<16xf32>
    %add3A_129 = arith.addf %add3A_125, %get3A_128 : vector<16xf32>
    %get3A_130 = arith.constant 3840 : index
    %get3A_131 = tpu.vector_load %arg12[%get3A_130] {strides = array<i32>} : memref<6400xf32, #tpu.memory_space<vmem>>, vector<16xf32>,
    %get3A_132 = vector.shape_cast %get3A_131 : vector<16xf32> to vector<16xf32>
    %add3A_133 = arith.addf %add3A_129, %get3A_132 : vector<16xf32>
    %get3A_134 = arith.constant 3968 : index
    %get3A_135 = tpu.vector_load %arg12[%get3A_134] {strides = array<i32>} : memref<6400xf32, #tpu.memory_space<vmem>>, vector<16xf32>,
    %get3A_136 = vector.shape_cast %get3A_135 : vector<16xf32> to vector<16xf32>
    %add3A_137 = arith.addf %add3A_133, %get3A_136 : vector<16xf32>
    %get3A_138 = arith.constant 4096 : index
    %get3A_139 = tpu.vector_load %arg12[%get3A_138] {strides = array<i32>} : memref<6400xf32, #tpu.memory_space<vmem>>, vector<16xf32>,
    %get3A_140 = vector.shape_cast %get3A_139 : vector<16xf32> to vector<16xf32>
    %add3A_141 = arith.addf %add3A_137, %get3A_140 : vector<16xf32>
    %get3A_142 = arith.constant 4224 : index
    %get3A_143 = tpu.vector_load %arg12[%get3A_142] {strides = array<i32>} : memref<6400xf32, #tpu.memory_space<vmem>>, vector<16xf32>,
    %get3A_144 = vector.shape_cast %get3A_143 : vector<16xf32> to vector<16xf32>
    %add3A_145 = arith.addf %add3A_141, %get3A_144 : vector<16xf32>
    %get3A_146 = arith.constant 4352 : index
    %get3A_147 = tpu.vector_load %arg12[%get3A_146] {strides = array<i32>} : memref<6400xf32, #tpu.memory_space<vmem>>, vector<16xf32>,
    %get3A_148 = vector.shape_cast %get3A_147 : vector<16xf32> to vector<16xf32>
    %add3A_149 = arith.addf %add3A_145, %get3A_148 : vector<16xf32>
    %get3A_150 = arith.constant 4480 : index
    %get3A_151 = tpu.vector_load %arg12[%get3A_150] {strides = array<i32>} : memref<6400xf32, #tpu.memory_space<vmem>>, vector<16xf32>,
    %get3A_152 = vector.shape_cast %get3A_151 : vector<16xf32> to vector<16xf32>
    %add3A_153 = arith.addf %add3A_149, %get3A_152 : vector<16xf32>
    %get3A_154 = arith.constant 4608 : index
    %get3A_155 = tpu.vector_load %arg12[%get3A_154] {strides = array<i32>} : memref<6400xf32, #tpu.memory_space<vmem>>, vector<16xf32>,
    %get3A_156 = vector.shape_cast %get3A_155 : vector<16xf32> to vector<16xf32>
    %add3A_157 = arith.addf %add3A_153, %get3A_156 : vector<16xf32>
    %get3A_158 = arith.constant 4736 : index
    %get3A_159 = tpu.vector_load %arg12[%get3A_158] {strides = array<i32>} : memref<6400xf32, #tpu.memory_space<vmem>>, vector<16xf32>,
    %get3A_160 = vector.shape_cast %get3A_159 : vector<16xf32> to vector<16xf32>
    %add3A_161 = arith.addf %add3A_157, %get3A_160 : vector<16xf32>
    %get3A_162 = arith.constant 4864 : index
    %get3A_163 = tpu.vector_load %arg12[%get3A_162] {strides = array<i32>} : memref<6400xf32, #tpu.memory_space<vmem>>, vector<16xf32>,
    %get3A_164 = vector.shape_cast %get3A_163 : vector<16xf32> to vector<16xf32>
    %add3A_165 = arith.addf %add3A_161, %get3A_164 : vector<16xf32>
    %get3A_166 = arith.constant 4992 : index
    %get3A_167 = tpu.vector_load %arg12[%get3A_166] {strides = array<i32>} : memref<6400xf32, #tpu.memory_space<vmem>>, vector<16xf32>,
    %get3A_168 = vector.shape_cast %get3A_167 : vector<16xf32> to vector<16xf32>
    %add3A_169 = arith.addf %add3A_165, %get3A_168 : vector<16xf32>
    %get3A_170 = arith.constant 5120 : index
    %get3A_171 = tpu.vector_load %arg12[%get3A_170] {strides = array<i32>} : memref<6400xf32, #tpu.memory_space<vmem>>, vector<16xf32>,
    %get3A_172 = vector.shape_cast %get3A_171 : vector<16xf32> to vector<16xf32>
    %add3A_173 = arith.addf %add3A_169, %get3A_172 : vector<16xf32>
    %get3A_174 = arith.constant 5248 : index
    %get3A_175 = tpu.vector_load %arg12[%get3A_174] {strides = array<i32>} : memref<6400xf32, #tpu.memory_space<vmem>>, vector<16xf32>,
    %get3A_176 = vector.shape_cast %get3A_175 : vector<16xf32> to vector<16xf32>
    %add3A_177 = arith.addf %add3A_173, %get3A_176 : vector<16xf32>
    %get3A_178 = arith.constant 5376 : index
    %get3A_179 = tpu.vector_load %arg12[%get3A_178] {strides = array<i32>} : memref<6400xf32, #tpu.memory_space<vmem>>, vector<16xf32>,
    %get3A_180 = vector.shape_cast %get3A_179 : vector<16xf32> to vector<16xf32>
    %add3A_181 = arith.addf %add3A_177, %get3A_180 : vector<16xf32>
    %get3A_182 = arith.constant 5504 : index
    %get3A_183 = tpu.vector_load %arg12[%get3A_182] {strides = array<i32>} : memref<6400xf32, #tpu.memory_space<vmem>>, vector<16xf32>,
    %get3A_184 = vector.shape_cast %get3A_183 : vector<16xf32> to vector<16xf32>
    %add3A_185 = arith.addf %add3A_181, %get3A_184 : vector<16xf32>
    %get3A_186 = arith.constant 5632 : index
    %get3A_187 = tpu.vector_load %arg12[%get3A_186] {strides = array<i32>} : memref<6400xf32, #tpu.memory_space<vmem>>, vector<16xf32>,
    %get3A_188 = vector.shape_cast %get3A_187 : vector<16xf32> to vector<16xf32>
    %add3A_189 = arith.addf %add3A_185, %get3A_188 : vector<16xf32>
    %get3A_190 = arith.constant 5760 : index
    %get3A_191 = tpu.vector_load %arg12[%get3A_190] {strides = array<i32>} : memref<6400xf32, #tpu.memory_space<vmem>>, vector<16xf32>,
    %get3A_192 = vector.shape_cast %get3A_191 : vector<16xf32> to vector<16xf32>
    %add3A_193 = arith.addf %add3A_189, %get3A_192 : vector<16xf32>
    %get3A_194 = arith.constant 5888 : index
    %get3A_195 = tpu.vector_load %arg12[%get3A_194] {strides = array<i32>} : memref<6400xf32, #tpu.memory_space<vmem>>, vector<16xf32>,
    %get3A_196 = vector.shape_cast %get3A_195 : vector<16xf32> to vector<16xf32>
    %add3A_197 = arith.addf %add3A_193, %get3A_196 : vector<16xf32>
    %get3A_198 = arith.constant 6016 : index
    %get3A_199 = tpu.vector_load %arg12[%get3A_198] {strides = array<i32>} : memref<6400xf32, #tpu.memory_space<vmem>>, vector<16xf32>,
    %get3A_200 = vector.shape_cast %get3A_199 : vector<16xf32> to vector<16xf32>
    %add3A_201 = arith.addf %add3A_197, %get3A_200 : vector<16xf32>
    %get3A_202 = arith.constant 6144 : index
    %get3A_203 = tpu.vector_load %arg12[%get3A_202] {strides = array<i32>} : memref<6400xf32, #tpu.memory_space<vmem>>, vector<16xf32>,
    %get3A_204 = vector.shape_cast %get3A_203 : vector<16xf32> to vector<16xf32>
    %add3A_205 = arith.addf %add3A_201, %get3A_204 : vector<16xf32>
    %get3A_206 = arith.constant 6272 : index
    %get3A_207 = tpu.vector_load %arg12[%get3A_206] {strides = array<i32>} : memref<6400xf32, #tpu.memory_space<vmem>>, vector<16xf32>,
    %get3A_208 = vector.shape_cast %get3A_207 : vector<16xf32> to vector<16xf32>
    %add3A_209 = arith.addf %add3A_205, %get3A_208 : vector<16xf32>
    %get3A_210 = arith.constant 16 : index
    %get3A_211 = tpu.vector_load %arg12[%get3A_210] {strides = array<i32>} : memref<6400xf32, #tpu.memory_space<vmem>>, vector<16xf32>,
    %get3A_212 = vector.shape_cast %get3A_211 : vector<16xf32> to vector<16xf32>
    %get3A_213 = arith.constant 144 : index
    %get3A_214 = tpu.vector_load %arg12[%get3A_213] {strides = array<i32>} : memref<6400xf32, #tpu.memory_space<vmem>>, vector<16xf32>,
    %get3A_215 = vector.shape_cast %get3A_214 : vector<16xf32> to vector<16xf32>
    %add3A_216 = arith.addf %get3A_212, %get3A_215 : vector<16xf32>
    %get3A_217 = arith.constant 272 : index
    %get3A_218 = tpu.vector_load %arg12[%get3A_217] {strides = array<i32>} : memref<6400xf32, #tpu.memory_space<vmem>>, vector<16xf32>,
    %get3A_219 = vector.shape_cast %get3A_218 : vector<16xf32> to vector<16xf32>
    %add3A_220 = arith.addf %add3A_216, %get3A_219 : vector<16xf32>
    %get3A_221 = arith.constant 400 : index
    %get3A_222 = tpu.vector_load %arg12[%get3A_221] {strides = array<i32>} : memref<6400xf32, #tpu.memory_space<vmem>>, vector<16xf32>,
    %get3A_223 = vector.shape_cast %get3A_222 : vector<16xf32> to vector<16xf32>
    %add3A_224 = arith.addf %add3A_220, %get3A_223 : vector<16xf32>
    %get3A_225 = arith.constant 528 : index
    %get3A_226 = tpu.vector_load %arg12[%get3A_225] {strides = array<i32>} : memref<6400xf32, #tpu.memory_space<vmem>>, vector<16xf32>,
    %get3A_227 = vector.shape_cast %get3A_226 : vector<16xf32> to vector<16xf32>
    %add3A_228 = arith.addf %add3A_224, %get3A_227 : vector<16xf32>
    %get3A_229 = arith.constant 656 : index
    %get3A_230 = tpu.vector_load %arg12[%get3A_229] {strides = array<i32>} : memref<6400xf32, #tpu.memory_space<vmem>>, vector<16xf32>,
    %get3A_231 = vector.shape_cast %get3A_230 : vector<16xf32> to vector<16xf32>
    %add3A_232 = arith.addf %add3A_228, %get3A_231 : vector<16xf32>
    %get3A_233 = arith.constant 784 : index
    %get3A_234 = tpu.vector_load %arg12[%get3A_233] {strides = array<i32>} : memref<6400xf32, #tpu.memory_space<vmem>>, vector<16xf32>,
    %get3A_235 = vector.shape_cast %get3A_234 : vector<16xf32> to vector<16xf32>
    %add3A_236 = arith.addf %add3A_232, %get3A_235 : vector<16xf32>
    %get3A_237 = arith.constant 912 : index
    %get3A_238 = tpu.vector_load %arg12[%get3A_237] {strides = array<i32>} : memref<6400xf32, #tpu.memory_space<vmem>>, vector<16xf32>,
    %get3A_239 = vector.shape_cast %get3A_238 : vector<16xf32> to vector<16xf32>
    %add3A_240 = arith.addf %add3A_236, %get3A_239 : vector<16xf32>
    %get3A_241 = arith.constant 1040 : index
    %get3A_242 = tpu.vector_load %arg12[%get3A_241] {strides = array<i32>} : memref<6400xf32, #tpu.memory_space<vmem>>, vector<16xf32>,
    %get3A_243 = vector.shape_cast %get3A_242 : vector<16xf32> to vector<16xf32>
    %add3A_244 = arith.addf %add3A_240, %get3A_243 : vector<16xf32>
    %get3A_245 = arith.constant 1168 : index
    %get3A_246 = tpu.vector_load %arg12[%get3A_245] {strides = array<i32>} : memref<6400xf32, #tpu.memory_space<vmem>>, vector<16xf32>,
    %get3A_247 = vector.shape_cast %get3A_246 : vector<16xf32> to vector<16xf32>
    %add3A_248 = arith.addf %add3A_244, %get3A_247 : vector<16xf32>
    %get3A_249 = arith.constant 1296 : index
    %get3A_250 = tpu.vector_load %arg12[%get3A_249] {strides = array<i32>} : memref<6400xf32, #tpu.memory_space<vmem>>, vector<16xf32>,
    %get3A_251 = vector.shape_cast %get3A_250 : vector<16xf32> to vector<16xf32>
    %add3A_252 = arith.addf %add3A_248, %get3A_251 : vector<16xf32>
    %get3A_253 = arith.constant 1424 : index
    %get3A_254 = tpu.vector_load %arg12[%get3A_253] {strides = array<i32>} : memref<6400xf32, #tpu.memory_space<vmem>>, vector<16xf32>,
    %get3A_255 = vector.shape_cast %get3A_254 : vector<16xf32> to vector<16xf32>
    %add3A_256 = arith.addf %add3A_252, %get3A_255 : vector<16xf32>
    %get3A_257 = arith.constant 1552 : index
    %get3A_258 = tpu.vector_load %arg12[%get3A_257] {strides = array<i32>} : memref<6400xf32, #tpu.memory_space<vmem>>, vector<16xf32>,
    %get3A_259 = vector.shape_cast %get3A_258 : vector<16xf32> to vector<16xf32>
    %add3A_260 = arith.addf %add3A_256, %get3A_259 : vector<16xf32>
    %get3A_261 = arith.constant 1680 : index
    %get3A_262 = tpu.vector_load %arg12[%get3A_261] {strides = array<i32>} : memref<6400xf32, #tpu.memory_space<vmem>>, vector<16xf32>,
    %get3A_263 = vector.shape_cast %get3A_262 : vector<16xf32> to vector<16xf32>
    %add3A_264 = arith.addf %add3A_260, %get3A_263 : vector<16xf32>
    %get3A_265 = arith.constant 1808 : index
    %get3A_266 = tpu.vector_load %arg12[%get3A_265] {strides = array<i32>} : memref<6400xf32, #tpu.memory_space<vmem>>, vector<16xf32>,
    %get3A_267 = vector.shape_cast %get3A_266 : vector<16xf32> to vector<16xf32>
    %add3A_268 = arith.addf %add3A_264, %get3A_267 : vector<16xf32>
    %get3A_269 = arith.constant 1936 : index
    %get3A_270 = tpu.vector_load %arg12[%get3A_269] {strides = array<i32>} : memref<6400xf32, #tpu.memory_space<vmem>>, vector<16xf32>,
    %get3A_271 = vector.shape_cast %get3A_270 : vector<16xf32> to vector<16xf32>
    %add3A_272 = arith.addf %add3A_268, %get3A_271 : vector<16xf32>
    %get3A_273 = arith.constant 2064 : index
    %get3A_274 = tpu.vector_load %arg12[%get3A_273] {strides = array<i32>} : memref<6400xf32, #tpu.memory_space<vmem>>, vector<16xf32>,
    %get3A_275 = vector.shape_cast %get3A_274 : vector<16xf32> to vector<16xf32>
    %add3A_276 = arith.addf %add3A_272, %get3A_275 : vector<16xf32>
    %get3A_277 = arith.constant 2192 : index
    %get3A_278 = tpu.vector_load %arg12[%get3A_277] {strides = array<i32>} : memref<6400xf32, #tpu.memory_space<vmem>>, vector<16xf32>,
    %get3A_279 = vector.shape_cast %get3A_278 : vector<16xf32> to vector<16xf32>
    %add3A_280 = arith.addf %add3A_276, %get3A_279 : vector<16xf32>
    %get3A_281 = arith.constant 2320 : index
    %get3A_282 = tpu.vector_load %arg12[%get3A_281] {strides = array<i32>} : memref<6400xf32, #tpu.memory_space<vmem>>, vector<16xf32>,
    %get3A_283 = vector.shape_cast %get3A_282 : vector<16xf32> to vector<16xf32>
    %add3A_284 = arith.addf %add3A_280, %get3A_283 : vector<16xf32>
    %get3A_285 = arith.constant 2448 : index
    %get3A_286 = tpu.vector_load %arg12[%get3A_285] {strides = array<i32>} : memref<6400xf32, #tpu.memory_space<vmem>>, vector<16xf32>,
    %get3A_287 = vector.shape_cast %get3A_286 : vector<16xf32> to vector<16xf32>
    %add3A_288 = arith.addf %add3A_284, %get3A_287 : vector<16xf32>
    %get3A_289 = arith.constant 2576 : index
    %get3A_290 = tpu.vector_load %arg12[%get3A_289] {strides = array<i32>} : memref<6400xf32, #tpu.memory_space<vmem>>, vector<16xf32>,
    %get3A_291 = vector.shape_cast %get3A_290 : vector<16xf32> to vector<16xf32>
    %add3A_292 = arith.addf %add3A_288, %get3A_291 : vector<16xf32>
    %get3A_293 = arith.constant 2704 : index
    %get3A_294 = tpu.vector_load %arg12[%get3A_293] {strides = array<i32>} : memref<6400xf32, #tpu.memory_space<vmem>>, vector<16xf32>,
    %get3A_295 = vector.shape_cast %get3A_294 : vector<16xf32> to vector<16xf32>
    %add3A_296 = arith.addf %add3A_292, %get3A_295 : vector<16xf32>
    %get3A_297 = arith.constant 2832 : index
    %get3A_298 = tpu.vector_load %arg12[%get3A_297] {strides = array<i32>} : memref<6400xf32, #tpu.memory_space<vmem>>, vector<16xf32>,
    %get3A_299 = vector.shape_cast %get3A_298 : vector<16xf32> to vector<16xf32>
    %add3A_300 = arith.addf %add3A_296, %get3A_299 : vector<16xf32>
    %get3A_301 = arith.constant 2960 : index
    %get3A_302 = tpu.vector_load %arg12[%get3A_301] {strides = array<i32>} : memref<6400xf32, #tpu.memory_space<vmem>>, vector<16xf32>,
    %get3A_303 = vector.shape_cast %get3A_302 : vector<16xf32> to vector<16xf32>
    %add3A_304 = arith.addf %add3A_300, %get3A_303 : vector<16xf32>
    %get3A_305 = arith.constant 3088 : index
    %get3A_306 = tpu.vector_load %arg12[%get3A_305] {strides = array<i32>} : memref<6400xf32, #tpu.memory_space<vmem>>, vector<16xf32>,
    %get3A_307 = vector.shape_cast %get3A_306 : vector<16xf32> to vector<16xf32>
    %add3A_308 = arith.addf %add3A_304, %get3A_307 : vector<16xf32>
    %get3A_309 = arith.constant 3216 : index
    %get3A_310 = tpu.vector_load %arg12[%get3A_309] {strides = array<i32>} : memref<6400xf32, #tpu.memory_space<vmem>>, vector<16xf32>,
    %get3A_311 = vector.shape_cast %get3A_310 : vector<16xf32> to vector<16xf32>
    %add3A_312 = arith.addf %add3A_308, %get3A_311 : vector<16xf32>
    %get3A_313 = arith.constant 3344 : index
    %get3A_314 = tpu.vector_load %arg12[%get3A_313] {strides = array<i32>} : memref<6400xf32, #tpu.memory_space<vmem>>, vector<16xf32>,
    %get3A_315 = vector.shape_cast %get3A_314 : vector<16xf32> to vector<16xf32>
    %add3A_316 = arith.addf %add3A_312, %get3A_315 : vector<16xf32>
    %get3A_317 = arith.constant 3472 : index
    %get3A_318 = tpu.vector_load %arg12[%get3A_317] {strides = array<i32>} : memref<6400xf32, #tpu.memory_space<vmem>>, vector<16xf32>,
    %get3A_319 = vector.shape_cast %get3A_318 : vector<16xf32> to vector<16xf32>
    %add3A_320 = arith.addf %add3A_316, %get3A_319 : vector<16xf32>
    %get3A_321 = arith.constant 3600 : index
    %get3A_322 = tpu.vector_load %arg12[%get3A_321] {strides = array<i32>} : memref<6400xf32, #tpu.memory_space<vmem>>, vector<16xf32>,
    %get3A_323 = vector.shape_cast %get3A_322 : vector<16xf32> to vector<16xf32>
    %add3A_324 = arith.addf %add3A_320, %get3A_323 : vector<16xf32>
    %get3A_325 = arith.constant 3728 : index
    %get3A_326 = tpu.vector_load %arg12[%get3A_325] {strides = array<i32>} : memref<6400xf32, #tpu.memory_space<vmem>>, vector<16xf32>,
    %get3A_327 = vector.shape_cast %get3A_326 : vector<16xf32> to vector<16xf32>
    %add3A_328 = arith.addf %add3A_324, %get3A_327 : vector<16xf32>
    %get3A_329 = arith.constant 3856 : index
    %get3A_330 = tpu.vector_load %arg12[%get3A_329] {strides = array<i32>} : memref<6400xf32, #tpu.memory_space<vmem>>, vector<16xf32>,
    %get3A_331 = vector.shape_cast %get3A_330 : vector<16xf32> to vector<16xf32>
    %add3A_332 = arith.addf %add3A_328, %get3A_331 : vector<16xf32>
    %get3A_333 = arith.constant 3984 : index
    %get3A_334 = tpu.vector_load %arg12[%get3A_333] {strides = array<i32>} : memref<6400xf32, #tpu.memory_space<vmem>>, vector<16xf32>,
    %get3A_335 = vector.shape_cast %get3A_334 : vector<16xf32> to vector<16xf32>
    %add3A_336 = arith.addf %add3A_332, %get3A_335 : vector<16xf32>
    %get3A_337 = arith.constant 4112 : index
    %get3A_338 = tpu.vector_load %arg12[%get3A_337] {strides = array<i32>} : memref<6400xf32, #tpu.memory_space<vmem>>, vector<16xf32>,
    %get3A_339 = vector.shape_cast %get3A_338 : vector<16xf32> to vector<16xf32>
    %add3A_340 = arith.addf %add3A_336, %get3A_339 : vector<16xf32>
    %get3A_341 = arith.constant 4240 : index
    %get3A_342 = tpu.vector_load %arg12[%get3A_341] {strides = array<i32>} : memref<6400xf32, #tpu.memory_space<vmem>>, vector<16xf32>,
    %get3A_343 = vector.shape_cast %get3A_342 : vector<16xf32> to vector<16xf32>
    %add3A_344 = arith.addf %add3A_340, %get3A_343 : vector<16xf32>
    %get3A_345 = arith.constant 4368 : index
    %get3A_346 = tpu.vector_load %arg12[%get3A_345] {strides = array<i32>} : memref<6400xf32, #tpu.memory_space<vmem>>, vector<16xf32>,
    %get3A_347 = vector.shape_cast %get3A_346 : vector<16xf32> to vector<16xf32>
    %add3A_348 = arith.addf %add3A_344, %get3A_347 : vector<16xf32>
    %get3A_349 = arith.constant 4496 : index
    %get3A_350 = tpu.vector_load %arg12[%get3A_349] {strides = array<i32>} : memref<6400xf32, #tpu.memory_space<vmem>>, vector<16xf32>,
    %get3A_351 = vector.shape_cast %get3A_350 : vector<16xf32> to vector<16xf32>
    %add3A_352 = arith.addf %add3A_348, %get3A_351 : vector<16xf32>
    %get3A_353 = arith.constant 4624 : index
    %get3A_354 = tpu.vector_load %arg12[%get3A_353] {strides = array<i32>} : memref<6400xf32, #tpu.memory_space<vmem>>, vector<16xf32>,
    %get3A_355 = vector.shape_cast %get3A_354 : vector<16xf32> to vector<16xf32>
    %add3A_356 = arith.addf %add3A_352, %get3A_355 : vector<16xf32>
    %get3A_357 = arith.constant 4752 : index
    %get3A_358 = tpu.vector_load %arg12[%get3A_357] {strides = array<i32>} : memref<6400xf32, #tpu.memory_space<vmem>>, vector<16xf32>,
    %get3A_359 = vector.shape_cast %get3A_358 : vector<16xf32> to vector<16xf32>
    %add3A_360 = arith.addf %add3A_356, %get3A_359 : vector<16xf32>
    %get3A_361 = arith.constant 4880 : index
    %get3A_362 = tpu.vector_load %arg12[%get3A_361] {strides = array<i32>} : memref<6400xf32, #tpu.memory_space<vmem>>, vector<16xf32>,
    %get3A_363 = vector.shape_cast %get3A_362 : vector<16xf32> to vector<16xf32>
    %add3A_364 = arith.addf %add3A_360, %get3A_363 : vector<16xf32>
    %get3A_365 = arith.constant 5008 : index
    %get3A_366 = tpu.vector_load %arg12[%get3A_365] {strides = array<i32>} : memref<6400xf32, #tpu.memory_space<vmem>>, vector<16xf32>,
    %get3A_367 = vector.shape_cast %get3A_366 : vector<16xf32> to vector<16xf32>
    %add3A_368 = arith.addf %add3A_364, %get3A_367 : vector<16xf32>
    %get3A_369 = arith.constant 5136 : index
    %get3A_370 = tpu.vector_load %arg12[%get3A_369] {strides = array<i32>} : memref<6400xf32, #tpu.memory_space<vmem>>, vector<16xf32>,
    %get3A_371 = vector.shape_cast %get3A_370 : vector<16xf32> to vector<16xf32>
    %add3A_372 = arith.addf %add3A_368, %get3A_371 : vector<16xf32>
    %get3A_373 = arith.constant 5264 : index
    %get3A_374 = tpu.vector_load %arg12[%get3A_373] {strides = array<i32>} : memref<6400xf32, #tpu.memory_space<vmem>>, vector<16xf32>,
    %get3A_375 = vector.shape_cast %get3A_374 : vector<16xf32> to vector<16xf32>
    %add3A_376 = arith.addf %add3A_372, %get3A_375 : vector<16xf32>
    %get3A_377 = arith.constant 5392 : index
    %get3A_378 = tpu.vector_load %arg12[%get3A_377] {strides = array<i32>} : memref<6400xf32, #tpu.memory_space<vmem>>, vector<16xf32>,
    %get3A_379 = vector.shape_cast %get3A_378 : vector<16xf32> to vector<16xf32>
    %add3A_380 = arith.addf %add3A_376, %get3A_379 : vector<16xf32>
    %get3A_381 = arith.constant 5520 : index
    %get3A_382 = tpu.vector_load %arg12[%get3A_381] {strides = array<i32>} : memref<6400xf32, #tpu.memory_space<vmem>>, vector<16xf32>,
    %get3A_383 = vector.shape_cast %get3A_382 : vector<16xf32> to vector<16xf32>
    %add3A_384 = arith.addf %add3A_380, %get3A_383 : vector<16xf32>
    %get3A_385 = arith.constant 5648 : index
    %get3A_386 = tpu.vector_load %arg12[%get3A_385] {strides = array<i32>} : memref<6400xf32, #tpu.memory_space<vmem>>, vector<16xf32>,
    %get3A_387 = vector.shape_cast %get3A_386 : vector<16xf32> to vector<16xf32>
    %add3A_388 = arith.addf %add3A_384, %get3A_387 : vector<16xf32>
    %get3A_389 = arith.constant 5776 : index
    %get3A_390 = tpu.vector_load %arg12[%get3A_389] {strides = array<i32>} : memref<6400xf32, #tpu.memory_space<vmem>>, vector<16xf32>,
    %get3A_391 = vector.shape_cast %get3A_390 : vector<16xf32> to vector<16xf32>
    %add3A_392 = arith.addf %add3A_388, %get3A_391 : vector<16xf32>
    %get3A_393 = arith.constant 5904 : index
    %get3A_394 = tpu.vector_load %arg12[%get3A_393] {strides = array<i32>} : memref<6400xf32, #tpu.memory_space<vmem>>, vector<16xf32>,
    %get3A_395 = vector.shape_cast %get3A_394 : vector<16xf32> to vector<16xf32>
    %add3A_396 = arith.addf %add3A_392, %get3A_395 : vector<16xf32>
    %get3A_397 = arith.constant 6032 : index
    %get3A_398 = tpu.vector_load %arg12[%get3A_397] {strides = array<i32>} : memref<6400xf32, #tpu.memory_space<vmem>>, vector<16xf32>,
    %get3A_399 = vector.shape_cast %get3A_398 : vector<16xf32> to vector<16xf32>
    %add3A_400 = arith.addf %add3A_396, %get3A_399 : vector<16xf32>
    %get3A_401 = arith.constant 6160 : index
    %get3A_402 = tpu.vector_load %arg12[%get3A_401] {strides = array<i32>} : memref<6400xf32, #tpu.memory_space<vmem>>, vector<16xf32>,
    %get3A_403 = vector.shape_cast %get3A_402 : vector<16xf32> to vector<16xf32>
    %add3A_404 = arith.addf %add3A_400, %get3A_403 : vector<16xf32>
    %get3A_405 = arith.constant 6288 : index
    %get3A_406 = tpu.vector_load %arg12[%get3A_405] {strides = array<i32>} : memref<6400xf32, #tpu.memory_space<vmem>>, vector<16xf32>,
    %get3A_407 = vector.shape_cast %get3A_406 : vector<16xf32> to vector<16xf32>
    %add3A_408 = arith.addf %add3A_404, %get3A_407 : vector<16xf32>
    %get3A_409 = arith.constant 32 : index
    %get3A_410 = tpu.vector_load %arg12[%get3A_409] {strides = array<i32>} : memref<6400xf32, #tpu.memory_space<vmem>>, vector<16xf32>,
    %get3A_411 = vector.shape_cast %get3A_410 : vector<16xf32> to vector<16xf32>
    %get3A_412 = arith.constant 160 : index
    %get3A_413 = tpu.vector_load %arg12[%get3A_412] {strides = array<i32>} : memref<6400xf32, #tpu.memory_space<vmem>>, vector<16xf32>,
    %get3A_414 = vector.shape_cast %get3A_413 : vector<16xf32> to vector<16xf32>
    %add3A_415 = arith.addf %get3A_411, %get3A_414 : vector<16xf32>
    %get3A_416 = arith.constant 288 : index
    %get3A_417 = tpu.vector_load %arg12[%get3A_416] {strides = array<i32>} : memref<6400xf32, #tpu.memory_space<vmem>>, vector<16xf32>,
    %get3A_418 = vector.shape_cast %get3A_417 : vector<16xf32> to vector<16xf32>
    %add3A_419 = arith.addf %add3A_415, %get3A_418 : vector<16xf32>
    %get3A_420 = arith.constant 416 : index
    %get3A_421 = tpu.vector_load %arg12[%get3A_420] {strides = array<i32>} : memref<6400xf32, #tpu.memory_space<vmem>>, vector<16xf32>,
    %get3A_422 = vector.shape_cast %get3A_421 : vector<16xf32> to vector<16xf32>
    %add3A_423 = arith.addf %add3A_419, %get3A_422 : vector<16xf32>
    %get3A_424 = arith.constant 544 : index
    %get3A_425 = tpu.vector_load %arg12[%get3A_424] {strides = array<i32>} : memref<6400xf32, #tpu.memory_space<vmem>>, vector<16xf32>,
    %get3A_426 = vector.shape_cast %get3A_425 : vector<16xf32> to vector<16xf32>
    %add3A_427 = arith.addf %add3A_423, %get3A_426 : vector<16xf32>
    %get3A_428 = arith.constant 672 : index
    %get3A_429 = tpu.vector_load %arg12[%get3A_428] {strides = array<i32>} : memref<6400xf32, #tpu.memory_space<vmem>>, vector<16xf32>,
    %get3A_430 = vector.shape_cast %get3A_429 : vector<16xf32> to vector<16xf32>
    %add3A_431 = arith.addf %add3A_427, %get3A_430 : vector<16xf32>
    %get3A_432 = arith.constant 800 : index
    %get3A_433 = tpu.vector_load %arg12[%get3A_432] {strides = array<i32>} : memref<6400xf32, #tpu.memory_space<vmem>>, vector<16xf32>,
    %get3A_434 = vector.shape_cast %get3A_433 : vector<16xf32> to vector<16xf32>
    %add3A_435 = arith.addf %add3A_431, %get3A_434 : vector<16xf32>
    %get3A_436 = arith.constant 928 : index
    %get3A_437 = tpu.vector_load %arg12[%get3A_436] {strides = array<i32>} : memref<6400xf32, #tpu.memory_space<vmem>>, vector<16xf32>,
    %get3A_438 = vector.shape_cast %get3A_437 : vector<16xf32> to vector<16xf32>
    %add3A_439 = arith.addf %add3A_435, %get3A_438 : vector<16xf32>
    %get3A_440 = arith.constant 1056 : index
    %get3A_441 = tpu.vector_load %arg12[%get3A_440] {strides = array<i32>} : memref<6400xf32, #tpu.memory_space<vmem>>, vector<16xf32>,
    %get3A_442 = vector.shape_cast %get3A_441 : vector<16xf32> to vector<16xf32>
    %add3A_443 = arith.addf %add3A_439, %get3A_442 : vector<16xf32>
    %get3A_444 = arith.constant 1184 : index
    %get3A_445 = tpu.vector_load %arg12[%get3A_444] {strides = array<i32>} : memref<6400xf32, #tpu.memory_space<vmem>>, vector<16xf32>,
    %get3A_446 = vector.shape_cast %get3A_445 : vector<16xf32> to vector<16xf32>
    %add3A_447 = arith.addf %add3A_443, %get3A_446 : vector<16xf32>
    %get3A_448 = arith.constant 1312 : index
    %get3A_449 = tpu.vector_load %arg12[%get3A_448] {strides = array<i32>} : memref<6400xf32, #tpu.memory_space<vmem>>, vector<16xf32>,
    %get3A_450 = vector.shape_cast %get3A_449 : vector<16xf32> to vector<16xf32>
    %add3A_451 = arith.addf %add3A_447, %get3A_450 : vector<16xf32>
    %get3A_452 = arith.constant 1440 : index
    %get3A_453 = tpu.vector_load %arg12[%get3A_452] {strides = array<i32>} : memref<6400xf32, #tpu.memory_space<vmem>>, vector<16xf32>,
    %get3A_454 = vector.shape_cast %get3A_453 : vector<16xf32> to vector<16xf32>
    %add3A_455 = arith.addf %add3A_451, %get3A_454 : vector<16xf32>
    %get3A_456 = arith.constant 1568 : index
    %get3A_457 = tpu.vector_load %arg12[%get3A_456] {strides = array<i32>} : memref<6400xf32, #tpu.memory_space<vmem>>, vector<16xf32>,
    %get3A_458 = vector.shape_cast %get3A_457 : vector<16xf32> to vector<16xf32>
    %add3A_459 = arith.addf %add3A_455, %get3A_458 : vector<16xf32>
    %get3A_460 = arith.constant 1696 : index
    %get3A_461 = tpu.vector_load %arg12[%get3A_460] {strides = array<i32>} : memref<6400xf32, #tpu.memory_space<vmem>>, vector<16xf32>,
    %get3A_462 = vector.shape_cast %get3A_461 : vector<16xf32> to vector<16xf32>
    %add3A_463 = arith.addf %add3A_459, %get3A_462 : vector<16xf32>
    %get3A_464 = arith.constant 1824 : index
    %get3A_465 = tpu.vector_load %arg12[%get3A_464] {strides = array<i32>} : memref<6400xf32, #tpu.memory_space<vmem>>, vector<16xf32>,
    %get3A_466 = vector.shape_cast %get3A_465 : vector<16xf32> to vector<16xf32>
    %add3A_467 = arith.addf %add3A_463, %get3A_466 : vector<16xf32>
    %get3A_468 = arith.constant 1952 : index
    %get3A_469 = tpu.vector_load %arg12[%get3A_468] {strides = array<i32>} : memref<6400xf32, #tpu.memory_space<vmem>>, vector<16xf32>,
    %get3A_470 = vector.shape_cast %get3A_469 : vector<16xf32> to vector<16xf32>
    %add3A_471 = arith.addf %add3A_467, %get3A_470 : vector<16xf32>
    %get3A_472 = arith.constant 2080 : index
    %get3A_473 = tpu.vector_load %arg12[%get3A_472] {strides = array<i32>} : memref<6400xf32, #tpu.memory_space<vmem>>, vector<16xf32>,
    %get3A_474 = vector.shape_cast %get3A_473 : vector<16xf32> to vector<16xf32>
    %add3A_475 = arith.addf %add3A_471, %get3A_474 : vector<16xf32>
    %get3A_476 = arith.constant 2208 : index
    %get3A_477 = tpu.vector_load %arg12[%get3A_476] {strides = array<i32>} : memref<6400xf32, #tpu.memory_space<vmem>>, vector<16xf32>,
    %get3A_478 = vector.shape_cast %get3A_477 : vector<16xf32> to vector<16xf32>
    %add3A_479 = arith.addf %add3A_475, %get3A_478 : vector<16xf32>
    %get3A_480 = arith.constant 2336 : index
    %get3A_481 = tpu.vector_load %arg12[%get3A_480] {strides = array<i32>} : memref<6400xf32, #tpu.memory_space<vmem>>, vector<16xf32>,
    %get3A_482 = vector.shape_cast %get3A_481 : vector<16xf32> to vector<16xf32>
    %add3A_483 = arith.addf %add3A_479, %get3A_482 : vector<16xf32>
    %get3A_484 = arith.constant 2464 : index
    %get3A_485 = tpu.vector_load %arg12[%get3A_484] {strides = array<i32>} : memref<6400xf32, #tpu.memory_space<vmem>>, vector<16xf32>,
    %get3A_486 = vector.shape_cast %get3A_485 : vector<16xf32> to vector<16xf32>
    %add3A_487 = arith.addf %add3A_483, %get3A_486 : vector<16xf32>
    %get3A_488 = arith.constant 2592 : index
    %get3A_489 = tpu.vector_load %arg12[%get3A_488] {strides = array<i32>} : memref<6400xf32, #tpu.memory_space<vmem>>, vector<16xf32>,
    %get3A_490 = vector.shape_cast %get3A_489 : vector<16xf32> to vector<16xf32>
    %add3A_491 = arith.addf %add3A_487, %get3A_490 : vector<16xf32>
    %get3A_492 = arith.constant 2720 : index
    %get3A_493 = tpu.vector_load %arg12[%get3A_492] {strides = array<i32>} : memref<6400xf32, #tpu.memory_space<vmem>>, vector<16xf32>,
    %get3A_494 = vector.shape_cast %get3A_493 : vector<16xf32> to vector<16xf32>
    %add3A_495 = arith.addf %add3A_491, %get3A_494 : vector<16xf32>
    %get3A_496 = arith.constant 2848 : index
    %get3A_497 = tpu.vector_load %arg12[%get3A_496] {strides = array<i32>} : memref<6400xf32, #tpu.memory_space<vmem>>, vector<16xf32>,
    %get3A_498 = vector.shape_cast %get3A_497 : vector<16xf32> to vector<16xf32>
    %add3A_499 = arith.addf %add3A_495, %get3A_498 : vector<16xf32>
    %get3A_500 = arith.constant 2976 : index
    %get3A_501 = tpu.vector_load %arg12[%get3A_500] {strides = array<i32>} : memref<6400xf32, #tpu.memory_space<vmem>>, vector<16xf32>,
    %get3A_502 = vector.shape_cast %get3A_501 : vector<16xf32> to vector<16xf32>
    %add3A_503 = arith.addf %add3A_499, %get3A_502 : vector<16xf32>
    %get3A_504 = arith.constant 3104 : index
    %get3A_505 = tpu.vector_load %arg12[%get3A_504] {strides = array<i32>} : memref<6400xf32, #tpu.memory_space<vmem>>, vector<16xf32>,
    %get3A_506 = vector.shape_cast %get3A_505 : vector<16xf32> to vector<16xf32>
    %add3A_507 = arith.addf %add3A_503, %get3A_506 : vector<16xf32>
    %get3A_508 = arith.constant 3232 : index
    %get3A_509 = tpu.vector_load %arg12[%get3A_508] {strides = array<i32>} : memref<6400xf32, #tpu.memory_space<vmem>>, vector<16xf32>,
    %get3A_510 = vector.shape_cast %get3A_509 : vector<16xf32> to vector<16xf32>
    %add3A_511 = arith.addf %add3A_507, %get3A_510 : vector<16xf32>
    %get3A_512 = arith.constant 3360 : index
    %get3A_513 = tpu.vector_load %arg12[%get3A_512] {strides = array<i32>} : memref<6400xf32, #tpu.memory_space<vmem>>, vector<16xf32>,
    %get3A_514 = vector.shape_cast %get3A_513 : vector<16xf32> to vector<16xf32>
    %add3A_515 = arith.addf %add3A_511, %get3A_514 : vector<16xf32>
    %get3A_516 = arith.constant 3488 : index
    %get3A_517 = tpu.vector_load %arg12[%get3A_516] {strides = array<i32>} : memref<6400xf32, #tpu.memory_space<vmem>>, vector<16xf32>,
    %get3A_518 = vector.shape_cast %get3A_517 : vector<16xf32> to vector<16xf32>
    %add3A_519 = arith.addf %add3A_515, %get3A_518 : vector<16xf32>
    %get3A_520 = arith.constant 3616 : index
    %get3A_521 = tpu.vector_load %arg12[%get3A_520] {strides = array<i32>} : memref<6400xf32, #tpu.memory_space<vmem>>, vector<16xf32>,
    %get3A_522 = vector.shape_cast %get3A_521 : vector<16xf32> to vector<16xf32>
    %add3A_523 = arith.addf %add3A_519, %get3A_522 : vector<16xf32>
    %get3A_524 = arith.constant 3744 : index
    %get3A_525 = tpu.vector_load %arg12[%get3A_524] {strides = array<i32>} : memref<6400xf32, #tpu.memory_space<vmem>>, vector<16xf32>,
    %get3A_526 = vector.shape_cast %get3A_525 : vector<16xf32> to vector<16xf32>
    %add3A_527 = arith.addf %add3A_523, %get3A_526 : vector<16xf32>
    %get3A_528 = arith.constant 3872 : index
    %get3A_529 = tpu.vector_load %arg12[%get3A_528] {strides = array<i32>} : memref<6400xf32, #tpu.memory_space<vmem>>, vector<16xf32>,
    %get3A_530 = vector.shape_cast %get3A_529 : vector<16xf32> to vector<16xf32>
    %add3A_531 = arith.addf %add3A_527, %get3A_530 : vector<16xf32>
    %get3A_532 = arith.constant 4000 : index
    %get3A_533 = tpu.vector_load %arg12[%get3A_532] {strides = array<i32>} : memref<6400xf32, #tpu.memory_space<vmem>>, vector<16xf32>,
    %get3A_534 = vector.shape_cast %get3A_533 : vector<16xf32> to vector<16xf32>
    %add3A_535 = arith.addf %add3A_531, %get3A_534 : vector<16xf32>
    %get3A_536 = arith.constant 4128 : index
    %get3A_537 = tpu.vector_load %arg12[%get3A_536] {strides = array<i32>} : memref<6400xf32, #tpu.memory_space<vmem>>, vector<16xf32>,
    %get3A_538 = vector.shape_cast %get3A_537 : vector<16xf32> to vector<16xf32>
    %add3A_539 = arith.addf %add3A_535, %get3A_538 : vector<16xf32>
    %get3A_540 = arith.constant 4256 : index
    %get3A_541 = tpu.vector_load %arg12[%get3A_540] {strides = array<i32>} : memref<6400xf32, #tpu.memory_space<vmem>>, vector<16xf32>,
    %get3A_542 = vector.shape_cast %get3A_541 : vector<16xf32> to vector<16xf32>
    %add3A_543 = arith.addf %add3A_539, %get3A_542 : vector<16xf32>
    %get3A_544 = arith.constant 4384 : index
    %get3A_545 = tpu.vector_load %arg12[%get3A_544] {strides = array<i32>} : memref<6400xf32, #tpu.memory_space<vmem>>, vector<16xf32>,
    %get3A_546 = vector.shape_cast %get3A_545 : vector<16xf32> to vector<16xf32>
    %add3A_547 = arith.addf %add3A_543, %get3A_546 : vector<16xf32>
    %get3A_548 = arith.constant 4512 : index
    %get3A_549 = tpu.vector_load %arg12[%get3A_548] {strides = array<i32>} : memref<6400xf32, #tpu.memory_space<vmem>>, vector<16xf32>,
    %get3A_550 = vector.shape_cast %get3A_549 : vector<16xf32> to vector<16xf32>
    %add3A_551 = arith.addf %add3A_547, %get3A_550 : vector<16xf32>
    %get3A_552 = arith.constant 4640 : index
    %get3A_553 = tpu.vector_load %arg12[%get3A_552] {strides = array<i32>} : memref<6400xf32, #tpu.memory_space<vmem>>, vector<16xf32>,
    %get3A_554 = vector.shape_cast %get3A_553 : vector<16xf32> to vector<16xf32>
    %add3A_555 = arith.addf %add3A_551, %get3A_554 : vector<16xf32>
    %get3A_556 = arith.constant 4768 : index
    %get3A_557 = tpu.vector_load %arg12[%get3A_556] {strides = array<i32>} : memref<6400xf32, #tpu.memory_space<vmem>>, vector<16xf32>,
    %get3A_558 = vector.shape_cast %get3A_557 : vector<16xf32> to vector<16xf32>
    %add3A_559 = arith.addf %add3A_555, %get3A_558 : vector<16xf32>
    %get3A_560 = arith.constant 4896 : index
    %get3A_561 = tpu.vector_load %arg12[%get3A_560] {strides = array<i32>} : memref<6400xf32, #tpu.memory_space<vmem>>, vector<16xf32>,
    %get3A_562 = vector.shape_cast %get3A_561 : vector<16xf32> to vector<16xf32>
    %add3A_563 = arith.addf %add3A_559, %get3A_562 : vector<16xf32>
    %get3A_564 = arith.constant 5024 : index
    %get3A_565 = tpu.vector_load %arg12[%get3A_564] {strides = array<i32>} : memref<6400xf32, #tpu.memory_space<vmem>>, vector<16xf32>,
    %get3A_566 = vector.shape_cast %get3A_565 : vector<16xf32> to vector<16xf32>
    %add3A_567 = arith.addf %add3A_563, %get3A_566 : vector<16xf32>
    %get3A_568 = arith.constant 5152 : index
    %get3A_569 = tpu.vector_load %arg12[%get3A_568] {strides = array<i32>} : memref<6400xf32, #tpu.memory_space<vmem>>, vector<16xf32>,
    %get3A_570 = vector.shape_cast %get3A_569 : vector<16xf32> to vector<16xf32>
    %add3A_571 = arith.addf %add3A_567, %get3A_570 : vector<16xf32>
    %get3A_572 = arith.constant 5280 : index
    %get3A_573 = tpu.vector_load %arg12[%get3A_572] {strides = array<i32>} : memref<6400xf32, #tpu.memory_space<vmem>>, vector<16xf32>,
    %get3A_574 = vector.shape_cast %get3A_573 : vector<16xf32> to vector<16xf32>
    %add3A_575 = arith.addf %add3A_571, %get3A_574 : vector<16xf32>
    %get3A_576 = arith.constant 5408 : index
    %get3A_577 = tpu.vector_load %arg12[%get3A_576] {strides = array<i32>} : memref<6400xf32, #tpu.memory_space<vmem>>, vector<16xf32>,
    %get3A_578 = vector.shape_cast %get3A_577 : vector<16xf32> to vector<16xf32>
    %add3A_579 = arith.addf %add3A_575, %get3A_578 : vector<16xf32>
    %get3A_580 = arith.constant 5536 : index
    %get3A_581 = tpu.vector_load %arg12[%get3A_580] {strides = array<i32>} : memref<6400xf32, #tpu.memory_space<vmem>>, vector<16xf32>,
    %get3A_582 = vector.shape_cast %get3A_581 : vector<16xf32> to vector<16xf32>
    %add3A_583 = arith.addf %add3A_579, %get3A_582 : vector<16xf32>
    %get3A_584 = arith.constant 5664 : index
    %get3A_585 = tpu.vector_load %arg12[%get3A_584] {strides = array<i32>} : memref<6400xf32, #tpu.memory_space<vmem>>, vector<16xf32>,
    %get3A_586 = vector.shape_cast %get3A_585 : vector<16xf32> to vector<16xf32>
    %add3A_587 = arith.addf %add3A_583, %get3A_586 : vector<16xf32>
    %get3A_588 = arith.constant 5792 : index
    %get3A_589 = tpu.vector_load %arg12[%get3A_588] {strides = array<i32>} : memref<6400xf32, #tpu.memory_space<vmem>>, vector<16xf32>,
    %get3A_590 = vector.shape_cast %get3A_589 : vector<16xf32> to vector<16xf32>
    %add3A_591 = arith.addf %add3A_587, %get3A_590 : vector<16xf32>
    %get3A_592 = arith.constant 5920 : index
    %get3A_593 = tpu.vector_load %arg12[%get3A_592] {strides = array<i32>} : memref<6400xf32, #tpu.memory_space<vmem>>, vector<16xf32>,
    %get3A_594 = vector.shape_cast %get3A_593 : vector<16xf32> to vector<16xf32>
    %add3A_595 = arith.addf %add3A_591, %get3A_594 : vector<16xf32>
    %get3A_596 = arith.constant 6048 : index
    %get3A_597 = tpu.vector_load %arg12[%get3A_596] {strides = array<i32>} : memref<6400xf32, #tpu.memory_space<vmem>>, vector<16xf32>,
    %get3A_598 = vector.shape_cast %get3A_597 : vector<16xf32> to vector<16xf32>
    %add3A_599 = arith.addf %add3A_595, %get3A_598 : vector<16xf32>
    %get3A_600 = arith.constant 6176 : index
    %get3A_601 = tpu.vector_load %arg12[%get3A_600] {strides = array<i32>} : memref<6400xf32, #tpu.memory_space<vmem>>, vector<16xf32>,
    %get3A_602 = vector.shape_cast %get3A_601 : vector<16xf32> to vector<16xf32>
    %add3A_603 = arith.addf %add3A_599, %get3A_602 : vector<16xf32>
    %get3A_604 = arith.constant 6304 : index
    %get3A_605 = tpu.vector_load %arg12[%get3A_604] {strides = array<i32>} : memref<6400xf32, #tpu.memory_space<vmem>>, vector<16xf32>,
    %get3A_606 = vector.shape_cast %get3A_605 : vector<16xf32> to vector<16xf32>
    %add3A_607 = arith.addf %add3A_603, %get3A_606 : vector<16xf32>
    %get3A_608 = arith.constant 48 : index
    %get3A_609 = tpu.vector_load %arg12[%get3A_608] {strides = array<i32>} : memref<6400xf32, #tpu.memory_space<vmem>>, vector<16xf32>,
    %get3A_610 = vector.shape_cast %get3A_609 : vector<16xf32> to vector<16xf32>
    %get3A_611 = arith.constant 176 : index
    %get3A_612 = tpu.vector_load %arg12[%get3A_611] {strides = array<i32>} : memref<6400xf32, #tpu.memory_space<vmem>>, vector<16xf32>,
    %get3A_613 = vector.shape_cast %get3A_612 : vector<16xf32> to vector<16xf32>
    %add3A_614 = arith.addf %get3A_610, %get3A_613 : vector<16xf32>
    %get3A_615 = arith.constant 304 : index
    %get3A_616 = tpu.vector_load %arg12[%get3A_615] {strides = array<i32>} : memref<6400xf32, #tpu.memory_space<vmem>>, vector<16xf32>,
    %get3A_617 = vector.shape_cast %get3A_616 : vector<16xf32> to vector<16xf32>
    %add3A_618 = arith.addf %add3A_614, %get3A_617 : vector<16xf32>
    %get3A_619 = arith.constant 432 : index
    %get3A_620 = tpu.vector_load %arg12[%get3A_619] {strides = array<i32>} : memref<6400xf32, #tpu.memory_space<vmem>>, vector<16xf32>,
    %get3A_621 = vector.shape_cast %get3A_620 : vector<16xf32> to vector<16xf32>
    %add3A_622 = arith.addf %add3A_618, %get3A_621 : vector<16xf32>
    %get3A_623 = arith.constant 560 : index
    %get3A_624 = tpu.vector_load %arg12[%get3A_623] {strides = array<i32>} : memref<6400xf32, #tpu.memory_space<vmem>>, vector<16xf32>,
    %get3A_625 = vector.shape_cast %get3A_624 : vector<16xf32> to vector<16xf32>
    %add3A_626 = arith.addf %add3A_622, %get3A_625 : vector<16xf32>
    %get3A_627 = arith.constant 688 : index
    %get3A_628 = tpu.vector_load %arg12[%get3A_627] {strides = array<i32>} : memref<6400xf32, #tpu.memory_space<vmem>>, vector<16xf32>,
    %get3A_629 = vector.shape_cast %get3A_628 : vector<16xf32> to vector<16xf32>
    %add3A_630 = arith.addf %add3A_626, %get3A_629 : vector<16xf32>
    %get3A_631 = arith.constant 816 : index
    %get3A_632 = tpu.vector_load %arg12[%get3A_631] {strides = array<i32>} : memref<6400xf32, #tpu.memory_space<vmem>>, vector<16xf32>,
    %get3A_633 = vector.shape_cast %get3A_632 : vector<16xf32> to vector<16xf32>
    %add3A_634 = arith.addf %add3A_630, %get3A_633 : vector<16xf32>
    %get3A_635 = arith.constant 944 : index
    %get3A_636 = tpu.vector_load %arg12[%get3A_635] {strides = array<i32>} : memref<6400xf32, #tpu.memory_space<vmem>>, vector<16xf32>,
    %get3A_637 = vector.shape_cast %get3A_636 : vector<16xf32> to vector<16xf32>
    %add3A_638 = arith.addf %add3A_634, %get3A_637 : vector<16xf32>
    %get3A_639 = arith.constant 1072 : index
    %get3A_640 = tpu.vector_load %arg12[%get3A_639] {strides = array<i32>} : memref<6400xf32, #tpu.memory_space<vmem>>, vector<16xf32>,
    %get3A_641 = vector.shape_cast %get3A_640 : vector<16xf32> to vector<16xf32>
    %add3A_642 = arith.addf %add3A_638, %get3A_641 : vector<16xf32>
    %get3A_643 = arith.constant 1200 : index
    %get3A_644 = tpu.vector_load %arg12[%get3A_643] {strides = array<i32>} : memref<6400xf32, #tpu.memory_space<vmem>>, vector<16xf32>,
    %get3A_645 = vector.shape_cast %get3A_644 : vector<16xf32> to vector<16xf32>
    %add3A_646 = arith.addf %add3A_642, %get3A_645 : vector<16xf32>
    %get3A_647 = arith.constant 1328 : index
    %get3A_648 = tpu.vector_load %arg12[%get3A_647] {strides = array<i32>} : memref<6400xf32, #tpu.memory_space<vmem>>, vector<16xf32>,
    %get3A_649 = vector.shape_cast %get3A_648 : vector<16xf32> to vector<16xf32>
    %add3A_650 = arith.addf %add3A_646, %get3A_649 : vector<16xf32>
    %get3A_651 = arith.constant 1456 : index
    %get3A_652 = tpu.vector_load %arg12[%get3A_651] {strides = array<i32>} : memref<6400xf32, #tpu.memory_space<vmem>>, vector<16xf32>,
    %get3A_653 = vector.shape_cast %get3A_652 : vector<16xf32> to vector<16xf32>
    %add3A_654 = arith.addf %add3A_650, %get3A_653 : vector<16xf32>
    %get3A_655 = arith.constant 1584 : index
    %get3A_656 = tpu.vector_load %arg12[%get3A_655] {strides = array<i32>} : memref<6400xf32, #tpu.memory_space<vmem>>, vector<16xf32>,
    %get3A_657 = vector.shape_cast %get3A_656 : vector<16xf32> to vector<16xf32>
    %add3A_658 = arith.addf %add3A_654, %get3A_657 : vector<16xf32>
    %get3A_659 = arith.constant 1712 : index
    %get3A_660 = tpu.vector_load %arg12[%get3A_659] {strides = array<i32>} : memref<6400xf32, #tpu.memory_space<vmem>>, vector<16xf32>,
    %get3A_661 = vector.shape_cast %get3A_660 : vector<16xf32> to vector<16xf32>
    %add3A_662 = arith.addf %add3A_658, %get3A_661 : vector<16xf32>
    %get3A_663 = arith.constant 1840 : index
    %get3A_664 = tpu.vector_load %arg12[%get3A_663] {strides = array<i32>} : memref<6400xf32, #tpu.memory_space<vmem>>, vector<16xf32>,
    %get3A_665 = vector.shape_cast %get3A_664 : vector<16xf32> to vector<16xf32>
    %add3A_666 = arith.addf %add3A_662, %get3A_665 : vector<16xf32>
    %get3A_667 = arith.constant 1968 : index
    %get3A_668 = tpu.vector_load %arg12[%get3A_667] {strides = array<i32>} : memref<6400xf32, #tpu.memory_space<vmem>>, vector<16xf32>,
    %get3A_669 = vector.shape_cast %get3A_668 : vector<16xf32> to vector<16xf32>
    %add3A_670 = arith.addf %add3A_666, %get3A_669 : vector<16xf32>
    %get3A_671 = arith.constant 2096 : index
    %get3A_672 = tpu.vector_load %arg12[%get3A_671] {strides = array<i32>} : memref<6400xf32, #tpu.memory_space<vmem>>, vector<16xf32>,
    %get3A_673 = vector.shape_cast %get3A_672 : vector<16xf32> to vector<16xf32>
    %add3A_674 = arith.addf %add3A_670, %get3A_673 : vector<16xf32>
    %get3A_675 = arith.constant 2224 : index
    %get3A_676 = tpu.vector_load %arg12[%get3A_675] {strides = array<i32>} : memref<6400xf32, #tpu.memory_space<vmem>>, vector<16xf32>,
    %get3A_677 = vector.shape_cast %get3A_676 : vector<16xf32> to vector<16xf32>
    %add3A_678 = arith.addf %add3A_674, %get3A_677 : vector<16xf32>
    %get3A_679 = arith.constant 2352 : index
    %get3A_680 = tpu.vector_load %arg12[%get3A_679] {strides = array<i32>} : memref<6400xf32, #tpu.memory_space<vmem>>, vector<16xf32>,
    %get3A_681 = vector.shape_cast %get3A_680 : vector<16xf32> to vector<16xf32>
    %add3A_682 = arith.addf %add3A_678, %get3A_681 : vector<16xf32>
    %get3A_683 = arith.constant 2480 : index
    %get3A_684 = tpu.vector_load %arg12[%get3A_683] {strides = array<i32>} : memref<6400xf32, #tpu.memory_space<vmem>>, vector<16xf32>,
    %get3A_685 = vector.shape_cast %get3A_684 : vector<16xf32> to vector<16xf32>
    %add3A_686 = arith.addf %add3A_682, %get3A_685 : vector<16xf32>
    %get3A_687 = arith.constant 2608 : index
    %get3A_688 = tpu.vector_load %arg12[%get3A_687] {strides = array<i32>} : memref<6400xf32, #tpu.memory_space<vmem>>, vector<16xf32>,
    %get3A_689 = vector.shape_cast %get3A_688 : vector<16xf32> to vector<16xf32>
    %add3A_690 = arith.addf %add3A_686, %get3A_689 : vector<16xf32>
    %get3A_691 = arith.constant 2736 : index
    %get3A_692 = tpu.vector_load %arg12[%get3A_691] {strides = array<i32>} : memref<6400xf32, #tpu.memory_space<vmem>>, vector<16xf32>,
    %get3A_693 = vector.shape_cast %get3A_692 : vector<16xf32> to vector<16xf32>
    %add3A_694 = arith.addf %add3A_690, %get3A_693 : vector<16xf32>
    %get3A_695 = arith.constant 2864 : index
    %get3A_696 = tpu.vector_load %arg12[%get3A_695] {strides = array<i32>} : memref<6400xf32, #tpu.memory_space<vmem>>, vector<16xf32>,
    %get3A_697 = vector.shape_cast %get3A_696 : vector<16xf32> to vector<16xf32>
    %add3A_698 = arith.addf %add3A_694, %get3A_697 : vector<16xf32>
    %get3A_699 = arith.constant 2992 : index
    %get3A_700 = tpu.vector_load %arg12[%get3A_699] {strides = array<i32>} : memref<6400xf32, #tpu.memory_space<vmem>>, vector<16xf32>,
    %get3A_701 = vector.shape_cast %get3A_700 : vector<16xf32> to vector<16xf32>
    %add3A_702 = arith.addf %add3A_698, %get3A_701 : vector<16xf32>
    %get3A_703 = arith.constant 3120 : index
    %get3A_704 = tpu.vector_load %arg12[%get3A_703] {strides = array<i32>} : memref<6400xf32, #tpu.memory_space<vmem>>, vector<16xf32>,
    %get3A_705 = vector.shape_cast %get3A_704 : vector<16xf32> to vector<16xf32>
    %add3A_706 = arith.addf %add3A_702, %get3A_705 : vector<16xf32>
    %get3A_707 = arith.constant 3248 : index
    %get3A_708 = tpu.vector_load %arg12[%get3A_707] {strides = array<i32>} : memref<6400xf32, #tpu.memory_space<vmem>>, vector<16xf32>,
    %get3A_709 = vector.shape_cast %get3A_708 : vector<16xf32> to vector<16xf32>
    %add3A_710 = arith.addf %add3A_706, %get3A_709 : vector<16xf32>
    %get3A_711 = arith.constant 3376 : index
    %get3A_712 = tpu.vector_load %arg12[%get3A_711] {strides = array<i32>} : memref<6400xf32, #tpu.memory_space<vmem>>, vector<16xf32>,
    %get3A_713 = vector.shape_cast %get3A_712 : vector<16xf32> to vector<16xf32>
    %add3A_714 = arith.addf %add3A_710, %get3A_713 : vector<16xf32>
    %get3A_715 = arith.constant 3504 : index
    %get3A_716 = tpu.vector_load %arg12[%get3A_715] {strides = array<i32>} : memref<6400xf32, #tpu.memory_space<vmem>>, vector<16xf32>,
    %get3A_717 = vector.shape_cast %get3A_716 : vector<16xf32> to vector<16xf32>
    %add3A_718 = arith.addf %add3A_714, %get3A_717 : vector<16xf32>
    %get3A_719 = arith.constant 3632 : index
    %get3A_720 = tpu.vector_load %arg12[%get3A_719] {strides = array<i32>} : memref<6400xf32, #tpu.memory_space<vmem>>, vector<16xf32>,
    %get3A_721 = vector.shape_cast %get3A_720 : vector<16xf32> to vector<16xf32>
    %add3A_722 = arith.addf %add3A_718, %get3A_721 : vector<16xf32>
    %get3A_723 = arith.constant 3760 : index
    %get3A_724 = tpu.vector_load %arg12[%get3A_723] {strides = array<i32>} : memref<6400xf32, #tpu.memory_space<vmem>>, vector<16xf32>,
    %get3A_725 = vector.shape_cast %get3A_724 : vector<16xf32> to vector<16xf32>
    %add3A_726 = arith.addf %add3A_722, %get3A_725 : vector<16xf32>
    %get3A_727 = arith.constant 3888 : index
    %get3A_728 = tpu.vector_load %arg12[%get3A_727] {strides = array<i32>} : memref<6400xf32, #tpu.memory_space<vmem>>, vector<16xf32>,
    %get3A_729 = vector.shape_cast %get3A_728 : vector<16xf32> to vector<16xf32>
    %add3A_730 = arith.addf %add3A_726, %get3A_729 : vector<16xf32>
    %get3A_731 = arith.constant 4016 : index
    %get3A_732 = tpu.vector_load %arg12[%get3A_731] {strides = array<i32>} : memref<6400xf32, #tpu.memory_space<vmem>>, vector<16xf32>,
    %get3A_733 = vector.shape_cast %get3A_732 : vector<16xf32> to vector<16xf32>
    %add3A_734 = arith.addf %add3A_730, %get3A_733 : vector<16xf32>
    %get3A_735 = arith.constant 4144 : index
    %get3A_736 = tpu.vector_load %arg12[%get3A_735] {strides = array<i32>} : memref<6400xf32, #tpu.memory_space<vmem>>, vector<16xf32>,
    %get3A_737 = vector.shape_cast %get3A_736 : vector<16xf32> to vector<16xf32>
    %add3A_738 = arith.addf %add3A_734, %get3A_737 : vector<16xf32>
    %get3A_739 = arith.constant 4272 : index
    %get3A_740 = tpu.vector_load %arg12[%get3A_739] {strides = array<i32>} : memref<6400xf32, #tpu.memory_space<vmem>>, vector<16xf32>,
    %get3A_741 = vector.shape_cast %get3A_740 : vector<16xf32> to vector<16xf32>
    %add3A_742 = arith.addf %add3A_738, %get3A_741 : vector<16xf32>
    %get3A_743 = arith.constant 4400 : index
    %get3A_744 = tpu.vector_load %arg12[%get3A_743] {strides = array<i32>} : memref<6400xf32, #tpu.memory_space<vmem>>, vector<16xf32>,
    %get3A_745 = vector.shape_cast %get3A_744 : vector<16xf32> to vector<16xf32>
    %add3A_746 = arith.addf %add3A_742, %get3A_745 : vector<16xf32>
    %get3A_747 = arith.constant 4528 : index
    %get3A_748 = tpu.vector_load %arg12[%get3A_747] {strides = array<i32>} : memref<6400xf32, #tpu.memory_space<vmem>>, vector<16xf32>,
    %get3A_749 = vector.shape_cast %get3A_748 : vector<16xf32> to vector<16xf32>
    %add3A_750 = arith.addf %add3A_746, %get3A_749 : vector<16xf32>
    %get3A_751 = arith.constant 4656 : index
    %get3A_752 = tpu.vector_load %arg12[%get3A_751] {strides = array<i32>} : memref<6400xf32, #tpu.memory_space<vmem>>, vector<16xf32>,
    %get3A_753 = vector.shape_cast %get3A_752 : vector<16xf32> to vector<16xf32>
    %add3A_754 = arith.addf %add3A_750, %get3A_753 : vector<16xf32>
    %get3A_755 = arith.constant 4784 : index
    %get3A_756 = tpu.vector_load %arg12[%get3A_755] {strides = array<i32>} : memref<6400xf32, #tpu.memory_space<vmem>>, vector<16xf32>,
    %get3A_757 = vector.shape_cast %get3A_756 : vector<16xf32> to vector<16xf32>
    %add3A_758 = arith.addf %add3A_754, %get3A_757 : vector<16xf32>
    %get3A_759 = arith.constant 4912 : index
    %get3A_760 = tpu.vector_load %arg12[%get3A_759] {strides = array<i32>} : memref<6400xf32, #tpu.memory_space<vmem>>, vector<16xf32>,
    %get3A_761 = vector.shape_cast %get3A_760 : vector<16xf32> to vector<16xf32>
    %add3A_762 = arith.addf %add3A_758, %get3A_761 : vector<16xf32>
    %get3A_763 = arith.constant 5040 : index
    %get3A_764 = tpu.vector_load %arg12[%get3A_763] {strides = array<i32>} : memref<6400xf32, #tpu.memory_space<vmem>>, vector<16xf32>,
    %get3A_765 = vector.shape_cast %get3A_764 : vector<16xf32> to vector<16xf32>
    %add3A_766 = arith.addf %add3A_762, %get3A_765 : vector<16xf32>
    %get3A_767 = arith.constant 5168 : index
    %get3A_768 = tpu.vector_load %arg12[%get3A_767] {strides = array<i32>} : memref<6400xf32, #tpu.memory_space<vmem>>, vector<16xf32>,
    %get3A_769 = vector.shape_cast %get3A_768 : vector<16xf32> to vector<16xf32>
    %add3A_770 = arith.addf %add3A_766, %get3A_769 : vector<16xf32>
    %get3A_771 = arith.constant 5296 : index
    %get3A_772 = tpu.vector_load %arg12[%get3A_771] {strides = array<i32>} : memref<6400xf32, #tpu.memory_space<vmem>>, vector<16xf32>,
    %get3A_773 = vector.shape_cast %get3A_772 : vector<16xf32> to vector<16xf32>
    %add3A_774 = arith.addf %add3A_770, %get3A_773 : vector<16xf32>
    %get3A_775 = arith.constant 5424 : index
    %get3A_776 = tpu.vector_load %arg12[%get3A_775] {strides = array<i32>} : memref<6400xf32, #tpu.memory_space<vmem>>, vector<16xf32>,
    %get3A_777 = vector.shape_cast %get3A_776 : vector<16xf32> to vector<16xf32>
    %add3A_778 = arith.addf %add3A_774, %get3A_777 : vector<16xf32>
    %get3A_779 = arith.constant 5552 : index
    %get3A_780 = tpu.vector_load %arg12[%get3A_779] {strides = array<i32>} : memref<6400xf32, #tpu.memory_space<vmem>>, vector<16xf32>,
    %get3A_781 = vector.shape_cast %get3A_780 : vector<16xf32> to vector<16xf32>
    %add3A_782 = arith.addf %add3A_778, %get3A_781 : vector<16xf32>
    %get3A_783 = arith.constant 5680 : index
    %get3A_784 = tpu.vector_load %arg12[%get3A_783] {strides = array<i32>} : memref<6400xf32, #tpu.memory_space<vmem>>, vector<16xf32>,
    %get3A_785 = vector.shape_cast %get3A_784 : vector<16xf32> to vector<16xf32>
    %add3A_786 = arith.addf %add3A_782, %get3A_785 : vector<16xf32>
    %get3A_787 = arith.constant 5808 : index
    %get3A_788 = tpu.vector_load %arg12[%get3A_787] {strides = array<i32>} : memref<6400xf32, #tpu.memory_space<vmem>>, vector<16xf32>,
    %get3A_789 = vector.shape_cast %get3A_788 : vector<16xf32> to vector<16xf32>
    %add3A_790 = arith.addf %add3A_786, %get3A_789 : vector<16xf32>
    %get3A_791 = arith.constant 5936 : index
    %get3A_792 = tpu.vector_load %arg12[%get3A_791] {strides = array<i32>} : memref<6400xf32, #tpu.memory_space<vmem>>, vector<16xf32>,
    %get3A_793 = vector.shape_cast %get3A_792 : vector<16xf32> to vector<16xf32>
    %add3A_794 = arith.addf %add3A_790, %get3A_793 : vector<16xf32>
    %get3A_795 = arith.constant 6064 : index
    %get3A_796 = tpu.vector_load %arg12[%get3A_795] {strides = array<i32>} : memref<6400xf32, #tpu.memory_space<vmem>>, vector<16xf32>,
    %get3A_797 = vector.shape_cast %get3A_796 : vector<16xf32> to vector<16xf32>
    %add3A_798 = arith.addf %add3A_794, %get3A_797 : vector<16xf32>
    %get3A_799 = arith.constant 6192 : index
    %get3A_800 = tpu.vector_load %arg12[%get3A_799] {strides = array<i32>} : memref<6400xf32, #tpu.memory_space<vmem>>, vector<16xf32>,
    %get3A_801 = vector.shape_cast %get3A_800 : vector<16xf32> to vector<16xf32>
    %add3A_802 = arith.addf %add3A_798, %get3A_801 : vector<16xf32>
    %get3A_803 = arith.constant 6320 : index
    %get3A_804 = tpu.vector_load %arg12[%get3A_803] {strides = array<i32>} : memref<6400xf32, #tpu.memory_space<vmem>>, vector<16xf32>,
    %get3A_805 = vector.shape_cast %get3A_804 : vector<16xf32> to vector<16xf32>
    %add3A_806 = arith.addf %add3A_802, %get3A_805 : vector<16xf32>
    %get3A_807 = arith.constant 64 : index
    %get3A_808 = tpu.vector_load %arg12[%get3A_807] {strides = array<i32>} : memref<6400xf32, #tpu.memory_space<vmem>>, vector<16xf32>,
    %get3A_809 = vector.shape_cast %get3A_808 : vector<16xf32> to vector<16xf32>
    %get3A_810 = arith.constant 192 : index
    %get3A_811 = tpu.vector_load %arg12[%get3A_810] {strides = array<i32>} : memref<6400xf32, #tpu.memory_space<vmem>>, vector<16xf32>,
    %get3A_812 = vector.shape_cast %get3A_811 : vector<16xf32> to vector<16xf32>
    %add3A_813 = arith.addf %get3A_809, %get3A_812 : vector<16xf32>
    %get3A_814 = arith.constant 320 : index
    %get3A_815 = tpu.vector_load %arg12[%get3A_814] {strides = array<i32>} : memref<6400xf32, #tpu.memory_space<vmem>>, vector<16xf32>,
    %get3A_816 = vector.shape_cast %get3A_815 : vector<16xf32> to vector<16xf32>
    %add3A_817 = arith.addf %add3A_813, %get3A_816 : vector<16xf32>
    %get3A_818 = arith.constant 448 : index
    %get3A_819 = tpu.vector_load %arg12[%get3A_818] {strides = array<i32>} : memref<6400xf32, #tpu.memory_space<vmem>>, vector<16xf32>,
    %get3A_820 = vector.shape_cast %get3A_819 : vector<16xf32> to vector<16xf32>
    %add3A_821 = arith.addf %add3A_817, %get3A_820 : vector<16xf32>
    %get3A_822 = arith.constant 576 : index
    %get3A_823 = tpu.vector_load %arg12[%get3A_822] {strides = array<i32>} : memref<6400xf32, #tpu.memory_space<vmem>>, vector<16xf32>,
    %get3A_824 = vector.shape_cast %get3A_823 : vector<16xf32> to vector<16xf32>
    %add3A_825 = arith.addf %add3A_821, %get3A_824 : vector<16xf32>
    %get3A_826 = arith.constant 704 : index
    %get3A_827 = tpu.vector_load %arg12[%get3A_826] {strides = array<i32>} : memref<6400xf32, #tpu.memory_space<vmem>>, vector<16xf32>,
    %get3A_828 = vector.shape_cast %get3A_827 : vector<16xf32> to vector<16xf32>
    %add3A_829 = arith.addf %add3A_825, %get3A_828 : vector<16xf32>
    %get3A_830 = arith.constant 832 : index
    %get3A_831 = tpu.vector_load %arg12[%get3A_830] {strides = array<i32>} : memref<6400xf32, #tpu.memory_space<vmem>>, vector<16xf32>,
    %get3A_832 = vector.shape_cast %get3A_831 : vector<16xf32> to vector<16xf32>
    %add3A_833 = arith.addf %add3A_829, %get3A_832 : vector<16xf32>
    %get3A_834 = arith.constant 960 : index
    %get3A_835 = tpu.vector_load %arg12[%get3A_834] {strides = array<i32>} : memref<6400xf32, #tpu.memory_space<vmem>>, vector<16xf32>,
    %get3A_836 = vector.shape_cast %get3A_835 : vector<16xf32> to vector<16xf32>
    %add3A_837 = arith.addf %add3A_833, %get3A_836 : vector<16xf32>
    %get3A_838 = arith.constant 1088 : index
    %get3A_839 = tpu.vector_load %arg12[%get3A_838] {strides = array<i32>} : memref<6400xf32, #tpu.memory_space<vmem>>, vector<16xf32>,
    %get3A_840 = vector.shape_cast %get3A_839 : vector<16xf32> to vector<16xf32>
    %add3A_841 = arith.addf %add3A_837, %get3A_840 : vector<16xf32>
    %get3A_842 = arith.constant 1216 : index
    %get3A_843 = tpu.vector_load %arg12[%get3A_842] {strides = array<i32>} : memref<6400xf32, #tpu.memory_space<vmem>>, vector<16xf32>,
    %get3A_844 = vector.shape_cast %get3A_843 : vector<16xf32> to vector<16xf32>
    %add3A_845 = arith.addf %add3A_841, %get3A_844 : vector<16xf32>
    %get3A_846 = arith.constant 1344 : index
    %get3A_847 = tpu.vector_load %arg12[%get3A_846] {strides = array<i32>} : memref<6400xf32, #tpu.memory_space<vmem>>, vector<16xf32>,
    %get3A_848 = vector.shape_cast %get3A_847 : vector<16xf32> to vector<16xf32>
    %add3A_849 = arith.addf %add3A_845, %get3A_848 : vector<16xf32>
    %get3A_850 = arith.constant 1472 : index
    %get3A_851 = tpu.vector_load %arg12[%get3A_850] {strides = array<i32>} : memref<6400xf32, #tpu.memory_space<vmem>>, vector<16xf32>,
    %get3A_852 = vector.shape_cast %get3A_851 : vector<16xf32> to vector<16xf32>
    %add3A_853 = arith.addf %add3A_849, %get3A_852 : vector<16xf32>
    %get3A_854 = arith.constant 1600 : index
    %get3A_855 = tpu.vector_load %arg12[%get3A_854] {strides = array<i32>} : memref<6400xf32, #tpu.memory_space<vmem>>, vector<16xf32>,
    %get3A_856 = vector.shape_cast %get3A_855 : vector<16xf32> to vector<16xf32>
    %add3A_857 = arith.addf %add3A_853, %get3A_856 : vector<16xf32>
    %get3A_858 = arith.constant 1728 : index
    %get3A_859 = tpu.vector_load %arg12[%get3A_858] {strides = array<i32>} : memref<6400xf32, #tpu.memory_space<vmem>>, vector<16xf32>,
    %get3A_860 = vector.shape_cast %get3A_859 : vector<16xf32> to vector<16xf32>
    %add3A_861 = arith.addf %add3A_857, %get3A_860 : vector<16xf32>
    %get3A_862 = arith.constant 1856 : index
    %get3A_863 = tpu.vector_load %arg12[%get3A_862] {strides = array<i32>} : memref<6400xf32, #tpu.memory_space<vmem>>, vector<16xf32>,
    %get3A_864 = vector.shape_cast %get3A_863 : vector<16xf32> to vector<16xf32>
    %add3A_865 = arith.addf %add3A_861, %get3A_864 : vector<16xf32>
    %get3A_866 = arith.constant 1984 : index
    %get3A_867 = tpu.vector_load %arg12[%get3A_866] {strides = array<i32>} : memref<6400xf32, #tpu.memory_space<vmem>>, vector<16xf32>,
    %get3A_868 = vector.shape_cast %get3A_867 : vector<16xf32> to vector<16xf32>
    %add3A_869 = arith.addf %add3A_865, %get3A_868 : vector<16xf32>
    %get3A_870 = arith.constant 2112 : index
    %get3A_871 = tpu.vector_load %arg12[%get3A_870] {strides = array<i32>} : memref<6400xf32, #tpu.memory_space<vmem>>, vector<16xf32>,
    %get3A_872 = vector.shape_cast %get3A_871 : vector<16xf32> to vector<16xf32>
    %add3A_873 = arith.addf %add3A_869, %get3A_872 : vector<16xf32>
    %get3A_874 = arith.constant 2240 : index
    %get3A_875 = tpu.vector_load %arg12[%get3A_874] {strides = array<i32>} : memref<6400xf32, #tpu.memory_space<vmem>>, vector<16xf32>,
    %get3A_876 = vector.shape_cast %get3A_875 : vector<16xf32> to vector<16xf32>
    %add3A_877 = arith.addf %add3A_873, %get3A_876 : vector<16xf32>
    %get3A_878 = arith.constant 2368 : index
    %get3A_879 = tpu.vector_load %arg12[%get3A_878] {strides = array<i32>} : memref<6400xf32, #tpu.memory_space<vmem>>, vector<16xf32>,
    %get3A_880 = vector.shape_cast %get3A_879 : vector<16xf32> to vector<16xf32>
    %add3A_881 = arith.addf %add3A_877, %get3A_880 : vector<16xf32>
    %get3A_882 = arith.constant 2496 : index
    %get3A_883 = tpu.vector_load %arg12[%get3A_882] {strides = array<i32>} : memref<6400xf32, #tpu.memory_space<vmem>>, vector<16xf32>,
    %get3A_884 = vector.shape_cast %get3A_883 : vector<16xf32> to vector<16xf32>
    %add3A_885 = arith.addf %add3A_881, %get3A_884 : vector<16xf32>
    %get3A_886 = arith.constant 2624 : index
    %get3A_887 = tpu.vector_load %arg12[%get3A_886] {strides = array<i32>} : memref<6400xf32, #tpu.memory_space<vmem>>, vector<16xf32>,
    %get3A_888 = vector.shape_cast %get3A_887 : vector<16xf32> to vector<16xf32>
    %add3A_889 = arith.addf %add3A_885, %get3A_888 : vector<16xf32>
    %get3A_890 = arith.constant 2752 : index
    %get3A_891 = tpu.vector_load %arg12[%get3A_890] {strides = array<i32>} : memref<6400xf32, #tpu.memory_space<vmem>>, vector<16xf32>,
    %get3A_892 = vector.shape_cast %get3A_891 : vector<16xf32> to vector<16xf32>
    %add3A_893 = arith.addf %add3A_889, %get3A_892 : vector<16xf32>
    %get3A_894 = arith.constant 2880 : index
    %get3A_895 = tpu.vector_load %arg12[%get3A_894] {strides = array<i32>} : memref<6400xf32, #tpu.memory_space<vmem>>, vector<16xf32>,
    %get3A_896 = vector.shape_cast %get3A_895 : vector<16xf32> to vector<16xf32>
    %add3A_897 = arith.addf %add3A_893, %get3A_896 : vector<16xf32>
    %get3A_898 = arith.constant 3008 : index
    %get3A_899 = tpu.vector_load %arg12[%get3A_898] {strides = array<i32>} : memref<6400xf32, #tpu.memory_space<vmem>>, vector<16xf32>,
    %get3A_900 = vector.shape_cast %get3A_899 : vector<16xf32> to vector<16xf32>
    %add3A_901 = arith.addf %add3A_897, %get3A_900 : vector<16xf32>
    %get3A_902 = arith.constant 3136 : index
    %get3A_903 = tpu.vector_load %arg12[%get3A_902] {strides = array<i32>} : memref<6400xf32, #tpu.memory_space<vmem>>, vector<16xf32>,
    %get3A_904 = vector.shape_cast %get3A_903 : vector<16xf32> to vector<16xf32>
    %add3A_905 = arith.addf %add3A_901, %get3A_904 : vector<16xf32>
    %get3A_906 = arith.constant 3264 : index
    %get3A_907 = tpu.vector_load %arg12[%get3A_906] {strides = array<i32>} : memref<6400xf32, #tpu.memory_space<vmem>>, vector<16xf32>,
    %get3A_908 = vector.shape_cast %get3A_907 : vector<16xf32> to vector<16xf32>
    %add3A_909 = arith.addf %add3A_905, %get3A_908 : vector<16xf32>
    %get3A_910 = arith.constant 3392 : index
    %get3A_911 = tpu.vector_load %arg12[%get3A_910] {strides = array<i32>} : memref<6400xf32, #tpu.memory_space<vmem>>, vector<16xf32>,
    %get3A_912 = vector.shape_cast %get3A_911 : vector<16xf32> to vector<16xf32>
    %add3A_913 = arith.addf %add3A_909, %get3A_912 : vector<16xf32>
    %get3A_914 = arith.constant 3520 : index
    %get3A_915 = tpu.vector_load %arg12[%get3A_914] {strides = array<i32>} : memref<6400xf32, #tpu.memory_space<vmem>>, vector<16xf32>,
    %get3A_916 = vector.shape_cast %get3A_915 : vector<16xf32> to vector<16xf32>
    %add3A_917 = arith.addf %add3A_913, %get3A_916 : vector<16xf32>
    %get3A_918 = arith.constant 3648 : index
    %get3A_919 = tpu.vector_load %arg12[%get3A_918] {strides = array<i32>} : memref<6400xf32, #tpu.memory_space<vmem>>, vector<16xf32>,
    %get3A_920 = vector.shape_cast %get3A_919 : vector<16xf32> to vector<16xf32>
    %add3A_921 = arith.addf %add3A_917, %get3A_920 : vector<16xf32>
    %get3A_922 = arith.constant 3776 : index
    %get3A_923 = tpu.vector_load %arg12[%get3A_922] {strides = array<i32>} : memref<6400xf32, #tpu.memory_space<vmem>>, vector<16xf32>,
    %get3A_924 = vector.shape_cast %get3A_923 : vector<16xf32> to vector<16xf32>
    %add3A_925 = arith.addf %add3A_921, %get3A_924 : vector<16xf32>
    %get3A_926 = arith.constant 3904 : index
    %get3A_927 = tpu.vector_load %arg12[%get3A_926] {strides = array<i32>} : memref<6400xf32, #tpu.memory_space<vmem>>, vector<16xf32>,
    %get3A_928 = vector.shape_cast %get3A_927 : vector<16xf32> to vector<16xf32>
    %add3A_929 = arith.addf %add3A_925, %get3A_928 : vector<16xf32>
    %get3A_930 = arith.constant 4032 : index
    %get3A_931 = tpu.vector_load %arg12[%get3A_930] {strides = array<i32>} : memref<6400xf32, #tpu.memory_space<vmem>>, vector<16xf32>,
    %get3A_932 = vector.shape_cast %get3A_931 : vector<16xf32> to vector<16xf32>
    %add3A_933 = arith.addf %add3A_929, %get3A_932 : vector<16xf32>
    %get3A_934 = arith.constant 4160 : index
    %get3A_935 = tpu.vector_load %arg12[%get3A_934] {strides = array<i32>} : memref<6400xf32, #tpu.memory_space<vmem>>, vector<16xf32>,
    %get3A_936 = vector.shape_cast %get3A_935 : vector<16xf32> to vector<16xf32>
    %add3A_937 = arith.addf %add3A_933, %get3A_936 : vector<16xf32>
    %get3A_938 = arith.constant 4288 : index
    %get3A_939 = tpu.vector_load %arg12[%get3A_938] {strides = array<i32>} : memref<6400xf32, #tpu.memory_space<vmem>>, vector<16xf32>,
    %get3A_940 = vector.shape_cast %get3A_939 : vector<16xf32> to vector<16xf32>
    %add3A_941 = arith.addf %add3A_937, %get3A_940 : vector<16xf32>
    %get3A_942 = arith.constant 4416 : index
    %get3A_943 = tpu.vector_load %arg12[%get3A_942] {strides = array<i32>} : memref<6400xf32, #tpu.memory_space<vmem>>, vector<16xf32>,
    %get3A_944 = vector.shape_cast %get3A_943 : vector<16xf32> to vector<16xf32>
    %add3A_945 = arith.addf %add3A_941, %get3A_944 : vector<16xf32>
    %get3A_946 = arith.constant 4544 : index
    %get3A_947 = tpu.vector_load %arg12[%get3A_946] {strides = array<i32>} : memref<6400xf32, #tpu.memory_space<vmem>>, vector<16xf32>,
    %get3A_948 = vector.shape_cast %get3A_947 : vector<16xf32> to vector<16xf32>
    %add3A_949 = arith.addf %add3A_945, %get3A_948 : vector<16xf32>
    %get3A_950 = arith.constant 4672 : index
    %get3A_951 = tpu.vector_load %arg12[%get3A_950] {strides = array<i32>} : memref<6400xf32, #tpu.memory_space<vmem>>, vector<16xf32>,
    %get3A_952 = vector.shape_cast %get3A_951 : vector<16xf32> to vector<16xf32>
    %add3A_953 = arith.addf %add3A_949, %get3A_952 : vector<16xf32>
    %get3A_954 = arith.constant 4800 : index
    %get3A_955 = tpu.vector_load %arg12[%get3A_954] {strides = array<i32>} : memref<6400xf32, #tpu.memory_space<vmem>>, vector<16xf32>,
    %get3A_956 = vector.shape_cast %get3A_955 : vector<16xf32> to vector<16xf32>
    %add3A_957 = arith.addf %add3A_953, %get3A_956 : vector<16xf32>
    %get3A_958 = arith.constant 4928 : index
    %get3A_959 = tpu.vector_load %arg12[%get3A_958] {strides = array<i32>} : memref<6400xf32, #tpu.memory_space<vmem>>, vector<16xf32>,
    %get3A_960 = vector.shape_cast %get3A_959 : vector<16xf32> to vector<16xf32>
    %add3A_961 = arith.addf %add3A_957, %get3A_960 : vector<16xf32>
    %get3A_962 = arith.constant 5056 : index
    %get3A_963 = tpu.vector_load %arg12[%get3A_962] {strides = array<i32>} : memref<6400xf32, #tpu.memory_space<vmem>>, vector<16xf32>,
    %get3A_964 = vector.shape_cast %get3A_963 : vector<16xf32> to vector<16xf32>
    %add3A_965 = arith.addf %add3A_961, %get3A_964 : vector<16xf32>
    %get3A_966 = arith.constant 5184 : index
    %get3A_967 = tpu.vector_load %arg12[%get3A_966] {strides = array<i32>} : memref<6400xf32, #tpu.memory_space<vmem>>, vector<16xf32>,
    %get3A_968 = vector.shape_cast %get3A_967 : vector<16xf32> to vector<16xf32>
    %add3A_969 = arith.addf %add3A_965, %get3A_968 : vector<16xf32>
    %get3A_970 = arith.constant 5312 : index
    %get3A_971 = tpu.vector_load %arg12[%get3A_970] {strides = array<i32>} : memref<6400xf32, #tpu.memory_space<vmem>>, vector<16xf32>,
    %get3A_972 = vector.shape_cast %get3A_971 : vector<16xf32> to vector<16xf32>
    %add3A_973 = arith.addf %add3A_969, %get3A_972 : vector<16xf32>
    %get3A_974 = arith.constant 5440 : index
    %get3A_975 = tpu.vector_load %arg12[%get3A_974] {strides = array<i32>} : memref<6400xf32, #tpu.memory_space<vmem>>, vector<16xf32>,
    %get3A_976 = vector.shape_cast %get3A_975 : vector<16xf32> to vector<16xf32>
    %add3A_977 = arith.addf %add3A_973, %get3A_976 : vector<16xf32>
    %get3A_978 = arith.constant 5568 : index
    %get3A_979 = tpu.vector_load %arg12[%get3A_978] {strides = array<i32>} : memref<6400xf32, #tpu.memory_space<vmem>>, vector<16xf32>,
    %get3A_980 = vector.shape_cast %get3A_979 : vector<16xf32> to vector<16xf32>
    %add3A_981 = arith.addf %add3A_977, %get3A_980 : vector<16xf32>
    %get3A_982 = arith.constant 5696 : index
    %get3A_983 = tpu.vector_load %arg12[%get3A_982] {strides = array<i32>} : memref<6400xf32, #tpu.memory_space<vmem>>, vector<16xf32>,
    %get3A_984 = vector.shape_cast %get3A_983 : vector<16xf32> to vector<16xf32>
    %add3A_985 = arith.addf %add3A_981, %get3A_984 : vector<16xf32>
    %get3A_986 = arith.constant 5824 : index
    %get3A_987 = tpu.vector_load %arg12[%get3A_986] {strides = array<i32>} : memref<6400xf32, #tpu.memory_space<vmem>>, vector<16xf32>,
    %get3A_988 = vector.shape_cast %get3A_987 : vector<16xf32> to vector<16xf32>
    %add3A_989 = arith.addf %add3A_985, %get3A_988 : vector<16xf32>
    %get3A_990 = arith.constant 5952 : index
    %get3A_991 = tpu.vector_load %arg12[%get3A_990] {strides = array<i32>} : memref<6400xf32, #tpu.memory_space<vmem>>, vector<16xf32>,
    %get3A_992 = vector.shape_cast %get3A_991 : vector<16xf32> to vector<16xf32>
    %add3A_993 = arith.addf %add3A_989, %get3A_992 : vector<16xf32>
    %get3A_994 = arith.constant 6080 : index
    %get3A_995 = tpu.vector_load %arg12[%get3A_994] {strides = array<i32>} : memref<6400xf32, #tpu.memory_space<vmem>>, vector<16xf32>,
    %get3A_996 = vector.shape_cast %get3A_995 : vector<16xf32> to vector<16xf32>
    %add3A_997 = arith.addf %add3A_993, %get3A_996 : vector<16xf32>
    %get3A_998 = arith.constant 6208 : index
    %get3A_999 = tpu.vector_load %arg12[%get3A_998] {strides = array<i32>} : memref<6400xf32, #tpu.memory_space<vmem>>, vector<16xf32>,
    %get3A_1000 = vector.shape_cast %get3A_999 : vector<16xf32> to vector<16xf32>
    %add3A_1001 = arith.addf %add3A_997, %get3A_1000 : vector<16xf32>
    %get3A_1002 = arith.constant 6336 : index
    %get3A_1003 = tpu.vector_load %arg12[%get3A_1002] {strides = array<i32>} : memref<6400xf32, #tpu.memory_space<vmem>>, vector<16xf32>,
    %get3A_1004 = vector.shape_cast %get3A_1003 : vector<16xf32> to vector<16xf32>
    %add3A_1005 = arith.addf %add3A_1001, %get3A_1004 : vector<16xf32>
    %get3A_1006 = arith.constant 80 : index
    %get3A_1007 = tpu.vector_load %arg12[%get3A_1006] {strides = array<i32>} : memref<6400xf32, #tpu.memory_space<vmem>>, vector<16xf32>,
    %get3A_1008 = vector.shape_cast %get3A_1007 : vector<16xf32> to vector<16xf32>
    %get3A_1009 = arith.constant 208 : index
    %get3A_1010 = tpu.vector_load %arg12[%get3A_1009] {strides = array<i32>} : memref<6400xf32, #tpu.memory_space<vmem>>, vector<16xf32>,
    %get3A_1011 = vector.shape_cast %get3A_1010 : vector<16xf32> to vector<16xf32>
    %add3A_1012 = arith.addf %get3A_1008, %get3A_1011 : vector<16xf32>
    %get3A_1013 = arith.constant 336 : index
    %get3A_1014 = tpu.vector_load %arg12[%get3A_1013] {strides = array<i32>} : memref<6400xf32, #tpu.memory_space<vmem>>, vector<16xf32>,
    %get3A_1015 = vector.shape_cast %get3A_1014 : vector<16xf32> to vector<16xf32>
    %add3A_1016 = arith.addf %add3A_1012, %get3A_1015 : vector<16xf32>
    %get3A_1017 = arith.constant 464 : index
    %get3A_1018 = tpu.vector_load %arg12[%get3A_1017] {strides = array<i32>} : memref<6400xf32, #tpu.memory_space<vmem>>, vector<16xf32>,
    %get3A_1019 = vector.shape_cast %get3A_1018 : vector<16xf32> to vector<16xf32>
    %add3A_1020 = arith.addf %add3A_1016, %get3A_1019 : vector<16xf32>
    %get3A_1021 = arith.constant 592 : index
    %get3A_1022 = tpu.vector_load %arg12[%get3A_1021] {strides = array<i32>} : memref<6400xf32, #tpu.memory_space<vmem>>, vector<16xf32>,
    %get3A_1023 = vector.shape_cast %get3A_1022 : vector<16xf32> to vector<16xf32>
    %add3A_1024 = arith.addf %add3A_1020, %get3A_1023 : vector<16xf32>
    %get3A_1025 = arith.constant 720 : index
    %get3A_1026 = tpu.vector_load %arg12[%get3A_1025] {strides = array<i32>} : memref<6400xf32, #tpu.memory_space<vmem>>, vector<16xf32>,
    %get3A_1027 = vector.shape_cast %get3A_1026 : vector<16xf32> to vector<16xf32>
    %add3A_1028 = arith.addf %add3A_1024, %get3A_1027 : vector<16xf32>
    %get3A_1029 = arith.constant 848 : index
    %get3A_1030 = tpu.vector_load %arg12[%get3A_1029] {strides = array<i32>} : memref<6400xf32, #tpu.memory_space<vmem>>, vector<16xf32>,
    %get3A_1031 = vector.shape_cast %get3A_1030 : vector<16xf32> to vector<16xf32>
    %add3A_1032 = arith.addf %add3A_1028, %get3A_1031 : vector<16xf32>
    %get3A_1033 = arith.constant 976 : index
    %get3A_1034 = tpu.vector_load %arg12[%get3A_1033] {strides = array<i32>} : memref<6400xf32, #tpu.memory_space<vmem>>, vector<16xf32>,
    %get3A_1035 = vector.shape_cast %get3A_1034 : vector<16xf32> to vector<16xf32>
    %add3A_1036 = arith.addf %add3A_1032, %get3A_1035 : vector<16xf32>
    %get3A_1037 = arith.constant 1104 : index
    %get3A_1038 = tpu.vector_load %arg12[%get3A_1037] {strides = array<i32>} : memref<6400xf32, #tpu.memory_space<vmem>>, vector<16xf32>,
    %get3A_1039 = vector.shape_cast %get3A_1038 : vector<16xf32> to vector<16xf32>
    %add3A_1040 = arith.addf %add3A_1036, %get3A_1039 : vector<16xf32>
    %get3A_1041 = arith.constant 1232 : index
    %get3A_1042 = tpu.vector_load %arg12[%get3A_1041] {strides = array<i32>} : memref<6400xf32, #tpu.memory_space<vmem>>, vector<16xf32>,
    %get3A_1043 = vector.shape_cast %get3A_1042 : vector<16xf32> to vector<16xf32>
    %add3A_1044 = arith.addf %add3A_1040, %get3A_1043 : vector<16xf32>
    %get3A_1045 = arith.constant 1360 : index
    %get3A_1046 = tpu.vector_load %arg12[%get3A_1045] {strides = array<i32>} : memref<6400xf32, #tpu.memory_space<vmem>>, vector<16xf32>,
    %get3A_1047 = vector.shape_cast %get3A_1046 : vector<16xf32> to vector<16xf32>
    %add3A_1048 = arith.addf %add3A_1044, %get3A_1047 : vector<16xf32>
    %get3A_1049 = arith.constant 1488 : index
    %get3A_1050 = tpu.vector_load %arg12[%get3A_1049] {strides = array<i32>} : memref<6400xf32, #tpu.memory_space<vmem>>, vector<16xf32>,
    %get3A_1051 = vector.shape_cast %get3A_1050 : vector<16xf32> to vector<16xf32>
    %add3A_1052 = arith.addf %add3A_1048, %get3A_1051 : vector<16xf32>
    %get3A_1053 = arith.constant 1616 : index
    %get3A_1054 = tpu.vector_load %arg12[%get3A_1053] {strides = array<i32>} : memref<6400xf32, #tpu.memory_space<vmem>>, vector<16xf32>,
    %get3A_1055 = vector.shape_cast %get3A_1054 : vector<16xf32> to vector<16xf32>
    %add3A_1056 = arith.addf %add3A_1052, %get3A_1055 : vector<16xf32>
    %get3A_1057 = arith.constant 1744 : index
    %get3A_1058 = tpu.vector_load %arg12[%get3A_1057] {strides = array<i32>} : memref<6400xf32, #tpu.memory_space<vmem>>, vector<16xf32>,
    %get3A_1059 = vector.shape_cast %get3A_1058 : vector<16xf32> to vector<16xf32>
    %add3A_1060 = arith.addf %add3A_1056, %get3A_1059 : vector<16xf32>
    %get3A_1061 = arith.constant 1872 : index
    %get3A_1062 = tpu.vector_load %arg12[%get3A_1061] {strides = array<i32>} : memref<6400xf32, #tpu.memory_space<vmem>>, vector<16xf32>,
    %get3A_1063 = vector.shape_cast %get3A_1062 : vector<16xf32> to vector<16xf32>
    %add3A_1064 = arith.addf %add3A_1060, %get3A_1063 : vector<16xf32>
    %get3A_1065 = arith.constant 2000 : index
    %get3A_1066 = tpu.vector_load %arg12[%get3A_1065] {strides = array<i32>} : memref<6400xf32, #tpu.memory_space<vmem>>, vector<16xf32>,
    %get3A_1067 = vector.shape_cast %get3A_1066 : vector<16xf32> to vector<16xf32>
    %add3A_1068 = arith.addf %add3A_1064, %get3A_1067 : vector<16xf32>
    %get3A_1069 = arith.constant 2128 : index
    %get3A_1070 = tpu.vector_load %arg12[%get3A_1069] {strides = array<i32>} : memref<6400xf32, #tpu.memory_space<vmem>>, vector<16xf32>,
    %get3A_1071 = vector.shape_cast %get3A_1070 : vector<16xf32> to vector<16xf32>
    %add3A_1072 = arith.addf %add3A_1068, %get3A_1071 : vector<16xf32>
    %get3A_1073 = arith.constant 2256 : index
    %get3A_1074 = tpu.vector_load %arg12[%get3A_1073] {strides = array<i32>} : memref<6400xf32, #tpu.memory_space<vmem>>, vector<16xf32>,
    %get3A_1075 = vector.shape_cast %get3A_1074 : vector<16xf32> to vector<16xf32>
    %add3A_1076 = arith.addf %add3A_1072, %get3A_1075 : vector<16xf32>
    %get3A_1077 = arith.constant 2384 : index
    %get3A_1078 = tpu.vector_load %arg12[%get3A_1077] {strides = array<i32>} : memref<6400xf32, #tpu.memory_space<vmem>>, vector<16xf32>,
    %get3A_1079 = vector.shape_cast %get3A_1078 : vector<16xf32> to vector<16xf32>
    %add3A_1080 = arith.addf %add3A_1076, %get3A_1079 : vector<16xf32>
    %get3A_1081 = arith.constant 2512 : index
    %get3A_1082 = tpu.vector_load %arg12[%get3A_1081] {strides = array<i32>} : memref<6400xf32, #tpu.memory_space<vmem>>, vector<16xf32>,
    %get3A_1083 = vector.shape_cast %get3A_1082 : vector<16xf32> to vector<16xf32>
    %add3A_1084 = arith.addf %add3A_1080, %get3A_1083 : vector<16xf32>
    %get3A_1085 = arith.constant 2640 : index
    %get3A_1086 = tpu.vector_load %arg12[%get3A_1085] {strides = array<i32>} : memref<6400xf32, #tpu.memory_space<vmem>>, vector<16xf32>,
    %get3A_1087 = vector.shape_cast %get3A_1086 : vector<16xf32> to vector<16xf32>
    %add3A_1088 = arith.addf %add3A_1084, %get3A_1087 : vector<16xf32>
    %get3A_1089 = arith.constant 2768 : index
    %get3A_1090 = tpu.vector_load %arg12[%get3A_1089] {strides = array<i32>} : memref<6400xf32, #tpu.memory_space<vmem>>, vector<16xf32>,
    %get3A_1091 = vector.shape_cast %get3A_1090 : vector<16xf32> to vector<16xf32>
    %add3A_1092 = arith.addf %add3A_1088, %get3A_1091 : vector<16xf32>
    %get3A_1093 = arith.constant 2896 : index
    %get3A_1094 = tpu.vector_load %arg12[%get3A_1093] {strides = array<i32>} : memref<6400xf32, #tpu.memory_space<vmem>>, vector<16xf32>,
    %get3A_1095 = vector.shape_cast %get3A_1094 : vector<16xf32> to vector<16xf32>
    %add3A_1096 = arith.addf %add3A_1092, %get3A_1095 : vector<16xf32>
    %get3A_1097 = arith.constant 3024 : index
    %get3A_1098 = tpu.vector_load %arg12[%get3A_1097] {strides = array<i32>} : memref<6400xf32, #tpu.memory_space<vmem>>, vector<16xf32>,
    %get3A_1099 = vector.shape_cast %get3A_1098 : vector<16xf32> to vector<16xf32>
    %add3A_1100 = arith.addf %add3A_1096, %get3A_1099 : vector<16xf32>
    %get3A_1101 = arith.constant 3152 : index
    %get3A_1102 = tpu.vector_load %arg12[%get3A_1101] {strides = array<i32>} : memref<6400xf32, #tpu.memory_space<vmem>>, vector<16xf32>,
    %get3A_1103 = vector.shape_cast %get3A_1102 : vector<16xf32> to vector<16xf32>
    %add3A_1104 = arith.addf %add3A_1100, %get3A_1103 : vector<16xf32>
    %get3A_1105 = arith.constant 3280 : index
    %get3A_1106 = tpu.vector_load %arg12[%get3A_1105] {strides = array<i32>} : memref<6400xf32, #tpu.memory_space<vmem>>, vector<16xf32>,
    %get3A_1107 = vector.shape_cast %get3A_1106 : vector<16xf32> to vector<16xf32>
    %add3A_1108 = arith.addf %add3A_1104, %get3A_1107 : vector<16xf32>
    %get3A_1109 = arith.constant 3408 : index
    %get3A_1110 = tpu.vector_load %arg12[%get3A_1109] {strides = array<i32>} : memref<6400xf32, #tpu.memory_space<vmem>>, vector<16xf32>,
    %get3A_1111 = vector.shape_cast %get3A_1110 : vector<16xf32> to vector<16xf32>
    %add3A_1112 = arith.addf %add3A_1108, %get3A_1111 : vector<16xf32>
    %get3A_1113 = arith.constant 3536 : index
    %get3A_1114 = tpu.vector_load %arg12[%get3A_1113] {strides = array<i32>} : memref<6400xf32, #tpu.memory_space<vmem>>, vector<16xf32>,
    %get3A_1115 = vector.shape_cast %get3A_1114 : vector<16xf32> to vector<16xf32>
    %add3A_1116 = arith.addf %add3A_1112, %get3A_1115 : vector<16xf32>
    %get3A_1117 = arith.constant 3664 : index
    %get3A_1118 = tpu.vector_load %arg12[%get3A_1117] {strides = array<i32>} : memref<6400xf32, #tpu.memory_space<vmem>>, vector<16xf32>,
    %get3A_1119 = vector.shape_cast %get3A_1118 : vector<16xf32> to vector<16xf32>
    %add3A_1120 = arith.addf %add3A_1116, %get3A_1119 : vector<16xf32>
    %get3A_1121 = arith.constant 3792 : index
    %get3A_1122 = tpu.vector_load %arg12[%get3A_1121] {strides = array<i32>} : memref<6400xf32, #tpu.memory_space<vmem>>, vector<16xf32>,
    %get3A_1123 = vector.shape_cast %get3A_1122 : vector<16xf32> to vector<16xf32>
    %add3A_1124 = arith.addf %add3A_1120, %get3A_1123 : vector<16xf32>
    %get3A_1125 = arith.constant 3920 : index
    %get3A_1126 = tpu.vector_load %arg12[%get3A_1125] {strides = array<i32>} : memref<6400xf32, #tpu.memory_space<vmem>>, vector<16xf32>,
    %get3A_1127 = vector.shape_cast %get3A_1126 : vector<16xf32> to vector<16xf32>
    %add3A_1128 = arith.addf %add3A_1124, %get3A_1127 : vector<16xf32>
    %get3A_1129 = arith.constant 4048 : index
    %get3A_1130 = tpu.vector_load %arg12[%get3A_1129] {strides = array<i32>} : memref<6400xf32, #tpu.memory_space<vmem>>, vector<16xf32>,
    %get3A_1131 = vector.shape_cast %get3A_1130 : vector<16xf32> to vector<16xf32>
    %add3A_1132 = arith.addf %add3A_1128, %get3A_1131 : vector<16xf32>
    %get3A_1133 = arith.constant 4176 : index
    %get3A_1134 = tpu.vector_load %arg12[%get3A_1133] {strides = array<i32>} : memref<6400xf32, #tpu.memory_space<vmem>>, vector<16xf32>,
    %get3A_1135 = vector.shape_cast %get3A_1134 : vector<16xf32> to vector<16xf32>
    %add3A_1136 = arith.addf %add3A_1132, %get3A_1135 : vector<16xf32>
    %get3A_1137 = arith.constant 4304 : index
    %get3A_1138 = tpu.vector_load %arg12[%get3A_1137] {strides = array<i32>} : memref<6400xf32, #tpu.memory_space<vmem>>, vector<16xf32>,
    %get3A_1139 = vector.shape_cast %get3A_1138 : vector<16xf32> to vector<16xf32>
    %add3A_1140 = arith.addf %add3A_1136, %get3A_1139 : vector<16xf32>
    %get3A_1141 = arith.constant 4432 : index
    %get3A_1142 = tpu.vector_load %arg12[%get3A_1141] {strides = array<i32>} : memref<6400xf32, #tpu.memory_space<vmem>>, vector<16xf32>,
    %get3A_1143 = vector.shape_cast %get3A_1142 : vector<16xf32> to vector<16xf32>
    %add3A_1144 = arith.addf %add3A_1140, %get3A_1143 : vector<16xf32>
    %get3A_1145 = arith.constant 4560 : index
    %get3A_1146 = tpu.vector_load %arg12[%get3A_1145] {strides = array<i32>} : memref<6400xf32, #tpu.memory_space<vmem>>, vector<16xf32>,
    %get3A_1147 = vector.shape_cast %get3A_1146 : vector<16xf32> to vector<16xf32>
    %add3A_1148 = arith.addf %add3A_1144, %get3A_1147 : vector<16xf32>
    %get3A_1149 = arith.constant 4688 : index
    %get3A_1150 = tpu.vector_load %arg12[%get3A_1149] {strides = array<i32>} : memref<6400xf32, #tpu.memory_space<vmem>>, vector<16xf32>,
    %get3A_1151 = vector.shape_cast %get3A_1150 : vector<16xf32> to vector<16xf32>
    %add3A_1152 = arith.addf %add3A_1148, %get3A_1151 : vector<16xf32>
    %get3A_1153 = arith.constant 4816 : index
    %get3A_1154 = tpu.vector_load %arg12[%get3A_1153] {strides = array<i32>} : memref<6400xf32, #tpu.memory_space<vmem>>, vector<16xf32>,
    %get3A_1155 = vector.shape_cast %get3A_1154 : vector<16xf32> to vector<16xf32>
    %add3A_1156 = arith.addf %add3A_1152, %get3A_1155 : vector<16xf32>
    %get3A_1157 = arith.constant 4944 : index
    %get3A_1158 = tpu.vector_load %arg12[%get3A_1157] {strides = array<i32>} : memref<6400xf32, #tpu.memory_space<vmem>>, vector<16xf32>,
    %get3A_1159 = vector.shape_cast %get3A_1158 : vector<16xf32> to vector<16xf32>
    %add3A_1160 = arith.addf %add3A_1156, %get3A_1159 : vector<16xf32>
    %get3A_1161 = arith.constant 5072 : index
    %get3A_1162 = tpu.vector_load %arg12[%get3A_1161] {strides = array<i32>} : memref<6400xf32, #tpu.memory_space<vmem>>, vector<16xf32>,
    %get3A_1163 = vector.shape_cast %get3A_1162 : vector<16xf32> to vector<16xf32>
    %add3A_1164 = arith.addf %add3A_1160, %get3A_1163 : vector<16xf32>
    %get3A_1165 = arith.constant 5200 : index
    %get3A_1166 = tpu.vector_load %arg12[%get3A_1165] {strides = array<i32>} : memref<6400xf32, #tpu.memory_space<vmem>>, vector<16xf32>,
    %get3A_1167 = vector.shape_cast %get3A_1166 : vector<16xf32> to vector<16xf32>
    %add3A_1168 = arith.addf %add3A_1164, %get3A_1167 : vector<16xf32>
    %get3A_1169 = arith.constant 5328 : index
    %get3A_1170 = tpu.vector_load %arg12[%get3A_1169] {strides = array<i32>} : memref<6400xf32, #tpu.memory_space<vmem>>, vector<16xf32>,
    %get3A_1171 = vector.shape_cast %get3A_1170 : vector<16xf32> to vector<16xf32>
    %add3A_1172 = arith.addf %add3A_1168, %get3A_1171 : vector<16xf32>
    %get3A_1173 = arith.constant 5456 : index
    %get3A_1174 = tpu.vector_load %arg12[%get3A_1173] {strides = array<i32>} : memref<6400xf32, #tpu.memory_space<vmem>>, vector<16xf32>,
    %get3A_1175 = vector.shape_cast %get3A_1174 : vector<16xf32> to vector<16xf32>
    %add3A_1176 = arith.addf %add3A_1172, %get3A_1175 : vector<16xf32>
    %get3A_1177 = arith.constant 5584 : index
    %get3A_1178 = tpu.vector_load %arg12[%get3A_1177] {strides = array<i32>} : memref<6400xf32, #tpu.memory_space<vmem>>, vector<16xf32>,
    %get3A_1179 = vector.shape_cast %get3A_1178 : vector<16xf32> to vector<16xf32>
    %add3A_1180 = arith.addf %add3A_1176, %get3A_1179 : vector<16xf32>
    %get3A_1181 = arith.constant 5712 : index
    %get3A_1182 = tpu.vector_load %arg12[%get3A_1181] {strides = array<i32>} : memref<6400xf32, #tpu.memory_space<vmem>>, vector<16xf32>,
    %get3A_1183 = vector.shape_cast %get3A_1182 : vector<16xf32> to vector<16xf32>
    %add3A_1184 = arith.addf %add3A_1180, %get3A_1183 : vector<16xf32>
    %get3A_1185 = arith.constant 5840 : index
    %get3A_1186 = tpu.vector_load %arg12[%get3A_1185] {strides = array<i32>} : memref<6400xf32, #tpu.memory_space<vmem>>, vector<16xf32>,
    %get3A_1187 = vector.shape_cast %get3A_1186 : vector<16xf32> to vector<16xf32>
    %add3A_1188 = arith.addf %add3A_1184, %get3A_1187 : vector<16xf32>
    %get3A_1189 = arith.constant 5968 : index
    %get3A_1190 = tpu.vector_load %arg12[%get3A_1189] {strides = array<i32>} : memref<6400xf32, #tpu.memory_space<vmem>>, vector<16xf32>,
    %get3A_1191 = vector.shape_cast %get3A_1190 : vector<16xf32> to vector<16xf32>
    %add3A_1192 = arith.addf %add3A_1188, %get3A_1191 : vector<16xf32>
    %get3A_1193 = arith.constant 6096 : index
    %get3A_1194 = tpu.vector_load %arg12[%get3A_1193] {strides = array<i32>} : memref<6400xf32, #tpu.memory_space<vmem>>, vector<16xf32>,
    %get3A_1195 = vector.shape_cast %get3A_1194 : vector<16xf32> to vector<16xf32>
    %add3A_1196 = arith.addf %add3A_1192, %get3A_1195 : vector<16xf32>
    %get3A_1197 = arith.constant 6224 : index
    %get3A_1198 = tpu.vector_load %arg12[%get3A_1197] {strides = array<i32>} : memref<6400xf32, #tpu.memory_space<vmem>>, vector<16xf32>,
    %get3A_1199 = vector.shape_cast %get3A_1198 : vector<16xf32> to vector<16xf32>
    %add3A_1200 = arith.addf %add3A_1196, %get3A_1199 : vector<16xf32>
    %get3A_1201 = arith.constant 6352 : index
    %get3A_1202 = tpu.vector_load %arg12[%get3A_1201] {strides = array<i32>} : memref<6400xf32, #tpu.memory_space<vmem>>, vector<16xf32>,
    %get3A_1203 = vector.shape_cast %get3A_1202 : vector<16xf32> to vector<16xf32>
    %add3A_1204 = arith.addf %add3A_1200, %get3A_1203 : vector<16xf32>
    %get3A_1205 = arith.constant 96 : index
    %get3A_1206 = tpu.vector_load %arg12[%get3A_1205] {strides = array<i32>} : memref<6400xf32, #tpu.memory_space<vmem>>, vector<16xf32>,
    %get3A_1207 = vector.shape_cast %get3A_1206 : vector<16xf32> to vector<16xf32>
    %get3A_1208 = arith.constant 224 : index
    %get3A_1209 = tpu.vector_load %arg12[%get3A_1208] {strides = array<i32>} : memref<6400xf32, #tpu.memory_space<vmem>>, vector<16xf32>,
    %get3A_1210 = vector.shape_cast %get3A_1209 : vector<16xf32> to vector<16xf32>
    %add3A_1211 = arith.addf %get3A_1207, %get3A_1210 : vector<16xf32>
    %get3A_1212 = arith.constant 352 : index
    %get3A_1213 = tpu.vector_load %arg12[%get3A_1212] {strides = array<i32>} : memref<6400xf32, #tpu.memory_space<vmem>>, vector<16xf32>,
    %get3A_1214 = vector.shape_cast %get3A_1213 : vector<16xf32> to vector<16xf32>
    %add3A_1215 = arith.addf %add3A_1211, %get3A_1214 : vector<16xf32>
    %get3A_1216 = arith.constant 480 : index
    %get3A_1217 = tpu.vector_load %arg12[%get3A_1216] {strides = array<i32>} : memref<6400xf32, #tpu.memory_space<vmem>>, vector<16xf32>,
    %get3A_1218 = vector.shape_cast %get3A_1217 : vector<16xf32> to vector<16xf32>
    %add3A_1219 = arith.addf %add3A_1215, %get3A_1218 : vector<16xf32>
    %get3A_1220 = arith.constant 608 : index
    %get3A_1221 = tpu.vector_load %arg12[%get3A_1220] {strides = array<i32>} : memref<6400xf32, #tpu.memory_space<vmem>>, vector<16xf32>,
    %get3A_1222 = vector.shape_cast %get3A_1221 : vector<16xf32> to vector<16xf32>
    %add3A_1223 = arith.addf %add3A_1219, %get3A_1222 : vector<16xf32>
    %get3A_1224 = arith.constant 736 : index
    %get3A_1225 = tpu.vector_load %arg12[%get3A_1224] {strides = array<i32>} : memref<6400xf32, #tpu.memory_space<vmem>>, vector<16xf32>,
    %get3A_1226 = vector.shape_cast %get3A_1225 : vector<16xf32> to vector<16xf32>
    %add3A_1227 = arith.addf %add3A_1223, %get3A_1226 : vector<16xf32>
    %get3A_1228 = arith.constant 864 : index
    %get3A_1229 = tpu.vector_load %arg12[%get3A_1228] {strides = array<i32>} : memref<6400xf32, #tpu.memory_space<vmem>>, vector<16xf32>,
    %get3A_1230 = vector.shape_cast %get3A_1229 : vector<16xf32> to vector<16xf32>
    %add3A_1231 = arith.addf %add3A_1227, %get3A_1230 : vector<16xf32>
    %get3A_1232 = arith.constant 992 : index
    %get3A_1233 = tpu.vector_load %arg12[%get3A_1232] {strides = array<i32>} : memref<6400xf32, #tpu.memory_space<vmem>>, vector<16xf32>,
    %get3A_1234 = vector.shape_cast %get3A_1233 : vector<16xf32> to vector<16xf32>
    %add3A_1235 = arith.addf %add3A_1231, %get3A_1234 : vector<16xf32>
    %get3A_1236 = arith.constant 1120 : index
    %get3A_1237 = tpu.vector_load %arg12[%get3A_1236] {strides = array<i32>} : memref<6400xf32, #tpu.memory_space<vmem>>, vector<16xf32>,
    %get3A_1238 = vector.shape_cast %get3A_1237 : vector<16xf32> to vector<16xf32>
    %add3A_1239 = arith.addf %add3A_1235, %get3A_1238 : vector<16xf32>
    %get3A_1240 = arith.constant 1248 : index
    %get3A_1241 = tpu.vector_load %arg12[%get3A_1240] {strides = array<i32>} : memref<6400xf32, #tpu.memory_space<vmem>>, vector<16xf32>,
    %get3A_1242 = vector.shape_cast %get3A_1241 : vector<16xf32> to vector<16xf32>
    %add3A_1243 = arith.addf %add3A_1239, %get3A_1242 : vector<16xf32>
    %get3A_1244 = arith.constant 1376 : index
    %get3A_1245 = tpu.vector_load %arg12[%get3A_1244] {strides = array<i32>} : memref<6400xf32, #tpu.memory_space<vmem>>, vector<16xf32>,
    %get3A_1246 = vector.shape_cast %get3A_1245 : vector<16xf32> to vector<16xf32>
    %add3A_1247 = arith.addf %add3A_1243, %get3A_1246 : vector<16xf32>
    %get3A_1248 = arith.constant 1504 : index
    %get3A_1249 = tpu.vector_load %arg12[%get3A_1248] {strides = array<i32>} : memref<6400xf32, #tpu.memory_space<vmem>>, vector<16xf32>,
    %get3A_1250 = vector.shape_cast %get3A_1249 : vector<16xf32> to vector<16xf32>
    %add3A_1251 = arith.addf %add3A_1247, %get3A_1250 : vector<16xf32>
    %get3A_1252 = arith.constant 1632 : index
    %get3A_1253 = tpu.vector_load %arg12[%get3A_1252] {strides = array<i32>} : memref<6400xf32, #tpu.memory_space<vmem>>, vector<16xf32>,
    %get3A_1254 = vector.shape_cast %get3A_1253 : vector<16xf32> to vector<16xf32>
    %add3A_1255 = arith.addf %add3A_1251, %get3A_1254 : vector<16xf32>
    %get3A_1256 = arith.constant 1760 : index
    %get3A_1257 = tpu.vector_load %arg12[%get3A_1256] {strides = array<i32>} : memref<6400xf32, #tpu.memory_space<vmem>>, vector<16xf32>,
    %get3A_1258 = vector.shape_cast %get3A_1257 : vector<16xf32> to vector<16xf32>
    %add3A_1259 = arith.addf %add3A_1255, %get3A_1258 : vector<16xf32>
    %get3A_1260 = arith.constant 1888 : index
    %get3A_1261 = tpu.vector_load %arg12[%get3A_1260] {strides = array<i32>} : memref<6400xf32, #tpu.memory_space<vmem>>, vector<16xf32>,
    %get3A_1262 = vector.shape_cast %get3A_1261 : vector<16xf32> to vector<16xf32>
    %add3A_1263 = arith.addf %add3A_1259, %get3A_1262 : vector<16xf32>
    %get3A_1264 = arith.constant 2016 : index
    %get3A_1265 = tpu.vector_load %arg12[%get3A_1264] {strides = array<i32>} : memref<6400xf32, #tpu.memory_space<vmem>>, vector<16xf32>,
    %get3A_1266 = vector.shape_cast %get3A_1265 : vector<16xf32> to vector<16xf32>
    %add3A_1267 = arith.addf %add3A_1263, %get3A_1266 : vector<16xf32>
    %get3A_1268 = arith.constant 2144 : index
    %get3A_1269 = tpu.vector_load %arg12[%get3A_1268] {strides = array<i32>} : memref<6400xf32, #tpu.memory_space<vmem>>, vector<16xf32>,
    %get3A_1270 = vector.shape_cast %get3A_1269 : vector<16xf32> to vector<16xf32>
    %add3A_1271 = arith.addf %add3A_1267, %get3A_1270 : vector<16xf32>
    %get3A_1272 = arith.constant 2272 : index
    %get3A_1273 = tpu.vector_load %arg12[%get3A_1272] {strides = array<i32>} : memref<6400xf32, #tpu.memory_space<vmem>>, vector<16xf32>,
    %get3A_1274 = vector.shape_cast %get3A_1273 : vector<16xf32> to vector<16xf32>
    %add3A_1275 = arith.addf %add3A_1271, %get3A_1274 : vector<16xf32>
    %get3A_1276 = arith.constant 2400 : index
    %get3A_1277 = tpu.vector_load %arg12[%get3A_1276] {strides = array<i32>} : memref<6400xf32, #tpu.memory_space<vmem>>, vector<16xf32>,
    %get3A_1278 = vector.shape_cast %get3A_1277 : vector<16xf32> to vector<16xf32>
    %add3A_1279 = arith.addf %add3A_1275, %get3A_1278 : vector<16xf32>
    %get3A_1280 = arith.constant 2528 : index
    %get3A_1281 = tpu.vector_load %arg12[%get3A_1280] {strides = array<i32>} : memref<6400xf32, #tpu.memory_space<vmem>>, vector<16xf32>,
    %get3A_1282 = vector.shape_cast %get3A_1281 : vector<16xf32> to vector<16xf32>
    %add3A_1283 = arith.addf %add3A_1279, %get3A_1282 : vector<16xf32>
    %get3A_1284 = arith.constant 2656 : index
    %get3A_1285 = tpu.vector_load %arg12[%get3A_1284] {strides = array<i32>} : memref<6400xf32, #tpu.memory_space<vmem>>, vector<16xf32>,
    %get3A_1286 = vector.shape_cast %get3A_1285 : vector<16xf32> to vector<16xf32>
    %add3A_1287 = arith.addf %add3A_1283, %get3A_1286 : vector<16xf32>
    %get3A_1288 = arith.constant 2784 : index
    %get3A_1289 = tpu.vector_load %arg12[%get3A_1288] {strides = array<i32>} : memref<6400xf32, #tpu.memory_space<vmem>>, vector<16xf32>,
    %get3A_1290 = vector.shape_cast %get3A_1289 : vector<16xf32> to vector<16xf32>
    %add3A_1291 = arith.addf %add3A_1287, %get3A_1290 : vector<16xf32>
    %get3A_1292 = arith.constant 2912 : index
    %get3A_1293 = tpu.vector_load %arg12[%get3A_1292] {strides = array<i32>} : memref<6400xf32, #tpu.memory_space<vmem>>, vector<16xf32>,
    %get3A_1294 = vector.shape_cast %get3A_1293 : vector<16xf32> to vector<16xf32>
    %add3A_1295 = arith.addf %add3A_1291, %get3A_1294 : vector<16xf32>
    %get3A_1296 = arith.constant 3040 : index
    %get3A_1297 = tpu.vector_load %arg12[%get3A_1296] {strides = array<i32>} : memref<6400xf32, #tpu.memory_space<vmem>>, vector<16xf32>,
    %get3A_1298 = vector.shape_cast %get3A_1297 : vector<16xf32> to vector<16xf32>
    %add3A_1299 = arith.addf %add3A_1295, %get3A_1298 : vector<16xf32>
    %get3A_1300 = arith.constant 3168 : index
    %get3A_1301 = tpu.vector_load %arg12[%get3A_1300] {strides = array<i32>} : memref<6400xf32, #tpu.memory_space<vmem>>, vector<16xf32>,
    %get3A_1302 = vector.shape_cast %get3A_1301 : vector<16xf32> to vector<16xf32>
    %add3A_1303 = arith.addf %add3A_1299, %get3A_1302 : vector<16xf32>
    %get3A_1304 = arith.constant 3296 : index
    %get3A_1305 = tpu.vector_load %arg12[%get3A_1304] {strides = array<i32>} : memref<6400xf32, #tpu.memory_space<vmem>>, vector<16xf32>,
    %get3A_1306 = vector.shape_cast %get3A_1305 : vector<16xf32> to vector<16xf32>
    %add3A_1307 = arith.addf %add3A_1303, %get3A_1306 : vector<16xf32>
    %get3A_1308 = arith.constant 3424 : index
    %get3A_1309 = tpu.vector_load %arg12[%get3A_1308] {strides = array<i32>} : memref<6400xf32, #tpu.memory_space<vmem>>, vector<16xf32>,
    %get3A_1310 = vector.shape_cast %get3A_1309 : vector<16xf32> to vector<16xf32>
    %add3A_1311 = arith.addf %add3A_1307, %get3A_1310 : vector<16xf32>
    %get3A_1312 = arith.constant 3552 : index
    %get3A_1313 = tpu.vector_load %arg12[%get3A_1312] {strides = array<i32>} : memref<6400xf32, #tpu.memory_space<vmem>>, vector<16xf32>,
    %get3A_1314 = vector.shape_cast %get3A_1313 : vector<16xf32> to vector<16xf32>
    %add3A_1315 = arith.addf %add3A_1311, %get3A_1314 : vector<16xf32>
    %get3A_1316 = arith.constant 3680 : index
    %get3A_1317 = tpu.vector_load %arg12[%get3A_1316] {strides = array<i32>} : memref<6400xf32, #tpu.memory_space<vmem>>, vector<16xf32>,
    %get3A_1318 = vector.shape_cast %get3A_1317 : vector<16xf32> to vector<16xf32>
    %add3A_1319 = arith.addf %add3A_1315, %get3A_1318 : vector<16xf32>
    %get3A_1320 = arith.constant 3808 : index
    %get3A_1321 = tpu.vector_load %arg12[%get3A_1320] {strides = array<i32>} : memref<6400xf32, #tpu.memory_space<vmem>>, vector<16xf32>,
    %get3A_1322 = vector.shape_cast %get3A_1321 : vector<16xf32> to vector<16xf32>
    %add3A_1323 = arith.addf %add3A_1319, %get3A_1322 : vector<16xf32>
    %get3A_1324 = arith.constant 3936 : index
    %get3A_1325 = tpu.vector_load %arg12[%get3A_1324] {strides = array<i32>} : memref<6400xf32, #tpu.memory_space<vmem>>, vector<16xf32>,
    %get3A_1326 = vector.shape_cast %get3A_1325 : vector<16xf32> to vector<16xf32>
    %add3A_1327 = arith.addf %add3A_1323, %get3A_1326 : vector<16xf32>
    %get3A_1328 = arith.constant 4064 : index
    %get3A_1329 = tpu.vector_load %arg12[%get3A_1328] {strides = array<i32>} : memref<6400xf32, #tpu.memory_space<vmem>>, vector<16xf32>,
    %get3A_1330 = vector.shape_cast %get3A_1329 : vector<16xf32> to vector<16xf32>
    %add3A_1331 = arith.addf %add3A_1327, %get3A_1330 : vector<16xf32>
    %get3A_1332 = arith.constant 4192 : index
    %get3A_1333 = tpu.vector_load %arg12[%get3A_1332] {strides = array<i32>} : memref<6400xf32, #tpu.memory_space<vmem>>, vector<16xf32>,
    %get3A_1334 = vector.shape_cast %get3A_1333 : vector<16xf32> to vector<16xf32>
    %add3A_1335 = arith.addf %add3A_1331, %get3A_1334 : vector<16xf32>
    %get3A_1336 = arith.constant 4320 : index
    %get3A_1337 = tpu.vector_load %arg12[%get3A_1336] {strides = array<i32>} : memref<6400xf32, #tpu.memory_space<vmem>>, vector<16xf32>,
    %get3A_1338 = vector.shape_cast %get3A_1337 : vector<16xf32> to vector<16xf32>
    %add3A_1339 = arith.addf %add3A_1335, %get3A_1338 : vector<16xf32>
    %get3A_1340 = arith.constant 4448 : index
    %get3A_1341 = tpu.vector_load %arg12[%get3A_1340] {strides = array<i32>} : memref<6400xf32, #tpu.memory_space<vmem>>, vector<16xf32>,
    %get3A_1342 = vector.shape_cast %get3A_1341 : vector<16xf32> to vector<16xf32>
    %add3A_1343 = arith.addf %add3A_1339, %get3A_1342 : vector<16xf32>
    %get3A_1344 = arith.constant 4576 : index
    %get3A_1345 = tpu.vector_load %arg12[%get3A_1344] {strides = array<i32>} : memref<6400xf32, #tpu.memory_space<vmem>>, vector<16xf32>,
    %get3A_1346 = vector.shape_cast %get3A_1345 : vector<16xf32> to vector<16xf32>
    %add3A_1347 = arith.addf %add3A_1343, %get3A_1346 : vector<16xf32>
    %get3A_1348 = arith.constant 4704 : index
    %get3A_1349 = tpu.vector_load %arg12[%get3A_1348] {strides = array<i32>} : memref<6400xf32, #tpu.memory_space<vmem>>, vector<16xf32>,
    %get3A_1350 = vector.shape_cast %get3A_1349 : vector<16xf32> to vector<16xf32>
    %add3A_1351 = arith.addf %add3A_1347, %get3A_1350 : vector<16xf32>
    %get3A_1352 = arith.constant 4832 : index
    %get3A_1353 = tpu.vector_load %arg12[%get3A_1352] {strides = array<i32>} : memref<6400xf32, #tpu.memory_space<vmem>>, vector<16xf32>,
    %get3A_1354 = vector.shape_cast %get3A_1353 : vector<16xf32> to vector<16xf32>
    %add3A_1355 = arith.addf %add3A_1351, %get3A_1354 : vector<16xf32>
    %get3A_1356 = arith.constant 4960 : index
    %get3A_1357 = tpu.vector_load %arg12[%get3A_1356] {strides = array<i32>} : memref<6400xf32, #tpu.memory_space<vmem>>, vector<16xf32>,
    %get3A_1358 = vector.shape_cast %get3A_1357 : vector<16xf32> to vector<16xf32>
    %add3A_1359 = arith.addf %add3A_1355, %get3A_1358 : vector<16xf32>
    %get3A_1360 = arith.constant 5088 : index
    %get3A_1361 = tpu.vector_load %arg12[%get3A_1360] {strides = array<i32>} : memref<6400xf32, #tpu.memory_space<vmem>>, vector<16xf32>,
    %get3A_1362 = vector.shape_cast %get3A_1361 : vector<16xf32> to vector<16xf32>
    %add3A_1363 = arith.addf %add3A_1359, %get3A_1362 : vector<16xf32>
    %get3A_1364 = arith.constant 5216 : index
    %get3A_1365 = tpu.vector_load %arg12[%get3A_1364] {strides = array<i32>} : memref<6400xf32, #tpu.memory_space<vmem>>, vector<16xf32>,
    %get3A_1366 = vector.shape_cast %get3A_1365 : vector<16xf32> to vector<16xf32>
    %add3A_1367 = arith.addf %add3A_1363, %get3A_1366 : vector<16xf32>
    %get3A_1368 = arith.constant 5344 : index
    %get3A_1369 = tpu.vector_load %arg12[%get3A_1368] {strides = array<i32>} : memref<6400xf32, #tpu.memory_space<vmem>>, vector<16xf32>,
    %get3A_1370 = vector.shape_cast %get3A_1369 : vector<16xf32> to vector<16xf32>
    %add3A_1371 = arith.addf %add3A_1367, %get3A_1370 : vector<16xf32>
    %get3A_1372 = arith.constant 5472 : index
    %get3A_1373 = tpu.vector_load %arg12[%get3A_1372] {strides = array<i32>} : memref<6400xf32, #tpu.memory_space<vmem>>, vector<16xf32>,
    %get3A_1374 = vector.shape_cast %get3A_1373 : vector<16xf32> to vector<16xf32>
    %add3A_1375 = arith.addf %add3A_1371, %get3A_1374 : vector<16xf32>
    %get3A_1376 = arith.constant 5600 : index
    %get3A_1377 = tpu.vector_load %arg12[%get3A_1376] {strides = array<i32>} : memref<6400xf32, #tpu.memory_space<vmem>>, vector<16xf32>,
    %get3A_1378 = vector.shape_cast %get3A_1377 : vector<16xf32> to vector<16xf32>
    %add3A_1379 = arith.addf %add3A_1375, %get3A_1378 : vector<16xf32>
    %get3A_1380 = arith.constant 5728 : index
    %get3A_1381 = tpu.vector_load %arg12[%get3A_1380] {strides = array<i32>} : memref<6400xf32, #tpu.memory_space<vmem>>, vector<16xf32>,
    %get3A_1382 = vector.shape_cast %get3A_1381 : vector<16xf32> to vector<16xf32>
    %add3A_1383 = arith.addf %add3A_1379, %get3A_1382 : vector<16xf32>
    %get3A_1384 = arith.constant 5856 : index
    %get3A_1385 = tpu.vector_load %arg12[%get3A_1384] {strides = array<i32>} : memref<6400xf32, #tpu.memory_space<vmem>>, vector<16xf32>,
    %get3A_1386 = vector.shape_cast %get3A_1385 : vector<16xf32> to vector<16xf32>
    %add3A_1387 = arith.addf %add3A_1383, %get3A_1386 : vector<16xf32>
    %get3A_1388 = arith.constant 5984 : index
    %get3A_1389 = tpu.vector_load %arg12[%get3A_1388] {strides = array<i32>} : memref<6400xf32, #tpu.memory_space<vmem>>, vector<16xf32>,
    %get3A_1390 = vector.shape_cast %get3A_1389 : vector<16xf32> to vector<16xf32>
    %add3A_1391 = arith.addf %add3A_1387, %get3A_1390 : vector<16xf32>
    %get3A_1392 = arith.constant 6112 : index
    %get3A_1393 = tpu.vector_load %arg12[%get3A_1392] {strides = array<i32>} : memref<6400xf32, #tpu.memory_space<vmem>>, vector<16xf32>,
    %get3A_1394 = vector.shape_cast %get3A_1393 : vector<16xf32> to vector<16xf32>
    %add3A_1395 = arith.addf %add3A_1391, %get3A_1394 : vector<16xf32>
    %get3A_1396 = arith.constant 6240 : index
    %get3A_1397 = tpu.vector_load %arg12[%get3A_1396] {strides = array<i32>} : memref<6400xf32, #tpu.memory_space<vmem>>, vector<16xf32>,
    %get3A_1398 = vector.shape_cast %get3A_1397 : vector<16xf32> to vector<16xf32>
    %add3A_1399 = arith.addf %add3A_1395, %get3A_1398 : vector<16xf32>
    %get3A_1400 = arith.constant 6368 : index
    %get3A_1401 = tpu.vector_load %arg12[%get3A_1400] {strides = array<i32>} : memref<6400xf32, #tpu.memory_space<vmem>>, vector<16xf32>,
    %get3A_1402 = vector.shape_cast %get3A_1401 : vector<16xf32> to vector<16xf32>
    %add3A_1403 = arith.addf %add3A_1399, %get3A_1402 : vector<16xf32>
    %get3A_1404 = arith.constant 112 : index
    %get3A_1405 = tpu.vector_load %arg12[%get3A_1404] {strides = array<i32>} : memref<6400xf32, #tpu.memory_space<vmem>>, vector<16xf32>,
    %get3A_1406 = vector.shape_cast %get3A_1405 : vector<16xf32> to vector<16xf32>
    %get3A_1407 = arith.constant 240 : index
    %get3A_1408 = tpu.vector_load %arg12[%get3A_1407] {strides = array<i32>} : memref<6400xf32, #tpu.memory_space<vmem>>, vector<16xf32>,
    %get3A_1409 = vector.shape_cast %get3A_1408 : vector<16xf32> to vector<16xf32>
    %add3A_1410 = arith.addf %get3A_1406, %get3A_1409 : vector<16xf32>
    %get3A_1411 = arith.constant 368 : index
    %get3A_1412 = tpu.vector_load %arg12[%get3A_1411] {strides = array<i32>} : memref<6400xf32, #tpu.memory_space<vmem>>, vector<16xf32>,
    %get3A_1413 = vector.shape_cast %get3A_1412 : vector<16xf32> to vector<16xf32>
    %add3A_1414 = arith.addf %add3A_1410, %get3A_1413 : vector<16xf32>
    %get3A_1415 = arith.constant 496 : index
    %get3A_1416 = tpu.vector_load %arg12[%get3A_1415] {strides = array<i32>} : memref<6400xf32, #tpu.memory_space<vmem>>, vector<16xf32>,
    %get3A_1417 = vector.shape_cast %get3A_1416 : vector<16xf32> to vector<16xf32>
    %add3A_1418 = arith.addf %add3A_1414, %get3A_1417 : vector<16xf32>
    %get3A_1419 = arith.constant 624 : index
    %get3A_1420 = tpu.vector_load %arg12[%get3A_1419] {strides = array<i32>} : memref<6400xf32, #tpu.memory_space<vmem>>, vector<16xf32>,
    %get3A_1421 = vector.shape_cast %get3A_1420 : vector<16xf32> to vector<16xf32>
    %add3A_1422 = arith.addf %add3A_1418, %get3A_1421 : vector<16xf32>
    %get3A_1423 = arith.constant 752 : index
    %get3A_1424 = tpu.vector_load %arg12[%get3A_1423] {strides = array<i32>} : memref<6400xf32, #tpu.memory_space<vmem>>, vector<16xf32>,
    %get3A_1425 = vector.shape_cast %get3A_1424 : vector<16xf32> to vector<16xf32>
    %add3A_1426 = arith.addf %add3A_1422, %get3A_1425 : vector<16xf32>
    %get3A_1427 = arith.constant 880 : index
    %get3A_1428 = tpu.vector_load %arg12[%get3A_1427] {strides = array<i32>} : memref<6400xf32, #tpu.memory_space<vmem>>, vector<16xf32>,
    %get3A_1429 = vector.shape_cast %get3A_1428 : vector<16xf32> to vector<16xf32>
    %add3A_1430 = arith.addf %add3A_1426, %get3A_1429 : vector<16xf32>
    %get3A_1431 = arith.constant 1008 : index
    %get3A_1432 = tpu.vector_load %arg12[%get3A_1431] {strides = array<i32>} : memref<6400xf32, #tpu.memory_space<vmem>>, vector<16xf32>,
    %get3A_1433 = vector.shape_cast %get3A_1432 : vector<16xf32> to vector<16xf32>
    %add3A_1434 = arith.addf %add3A_1430, %get3A_1433 : vector<16xf32>
    %get3A_1435 = arith.constant 1136 : index
    %get3A_1436 = tpu.vector_load %arg12[%get3A_1435] {strides = array<i32>} : memref<6400xf32, #tpu.memory_space<vmem>>, vector<16xf32>,
    %get3A_1437 = vector.shape_cast %get3A_1436 : vector<16xf32> to vector<16xf32>
    %add3A_1438 = arith.addf %add3A_1434, %get3A_1437 : vector<16xf32>
    %get3A_1439 = arith.constant 1264 : index
    %get3A_1440 = tpu.vector_load %arg12[%get3A_1439] {strides = array<i32>} : memref<6400xf32, #tpu.memory_space<vmem>>, vector<16xf32>,
    %get3A_1441 = vector.shape_cast %get3A_1440 : vector<16xf32> to vector<16xf32>
    %add3A_1442 = arith.addf %add3A_1438, %get3A_1441 : vector<16xf32>
    %get3A_1443 = arith.constant 1392 : index
    %get3A_1444 = tpu.vector_load %arg12[%get3A_1443] {strides = array<i32>} : memref<6400xf32, #tpu.memory_space<vmem>>, vector<16xf32>,
    %get3A_1445 = vector.shape_cast %get3A_1444 : vector<16xf32> to vector<16xf32>
    %add3A_1446 = arith.addf %add3A_1442, %get3A_1445 : vector<16xf32>
    %get3A_1447 = arith.constant 1520 : index
    %get3A_1448 = tpu.vector_load %arg12[%get3A_1447] {strides = array<i32>} : memref<6400xf32, #tpu.memory_space<vmem>>, vector<16xf32>,
    %get3A_1449 = vector.shape_cast %get3A_1448 : vector<16xf32> to vector<16xf32>
    %add3A_1450 = arith.addf %add3A_1446, %get3A_1449 : vector<16xf32>
    %get3A_1451 = arith.constant 1648 : index
    %get3A_1452 = tpu.vector_load %arg12[%get3A_1451] {strides = array<i32>} : memref<6400xf32, #tpu.memory_space<vmem>>, vector<16xf32>,
    %get3A_1453 = vector.shape_cast %get3A_1452 : vector<16xf32> to vector<16xf32>
    %add3A_1454 = arith.addf %add3A_1450, %get3A_1453 : vector<16xf32>
    %get3A_1455 = arith.constant 1776 : index
    %get3A_1456 = tpu.vector_load %arg12[%get3A_1455] {strides = array<i32>} : memref<6400xf32, #tpu.memory_space<vmem>>, vector<16xf32>,
    %get3A_1457 = vector.shape_cast %get3A_1456 : vector<16xf32> to vector<16xf32>
    %add3A_1458 = arith.addf %add3A_1454, %get3A_1457 : vector<16xf32>
    %get3A_1459 = arith.constant 1904 : index
    %get3A_1460 = tpu.vector_load %arg12[%get3A_1459] {strides = array<i32>} : memref<6400xf32, #tpu.memory_space<vmem>>, vector<16xf32>,
    %get3A_1461 = vector.shape_cast %get3A_1460 : vector<16xf32> to vector<16xf32>
    %add3A_1462 = arith.addf %add3A_1458, %get3A_1461 : vector<16xf32>
    %get3A_1463 = arith.constant 2032 : index
    %get3A_1464 = tpu.vector_load %arg12[%get3A_1463] {strides = array<i32>} : memref<6400xf32, #tpu.memory_space<vmem>>, vector<16xf32>,
    %get3A_1465 = vector.shape_cast %get3A_1464 : vector<16xf32> to vector<16xf32>
    %add3A_1466 = arith.addf %add3A_1462, %get3A_1465 : vector<16xf32>
    %get3A_1467 = arith.constant 2160 : index
    %get3A_1468 = tpu.vector_load %arg12[%get3A_1467] {strides = array<i32>} : memref<6400xf32, #tpu.memory_space<vmem>>, vector<16xf32>,
    %get3A_1469 = vector.shape_cast %get3A_1468 : vector<16xf32> to vector<16xf32>
    %add3A_1470 = arith.addf %add3A_1466, %get3A_1469 : vector<16xf32>
    %get3A_1471 = arith.constant 2288 : index
    %get3A_1472 = tpu.vector_load %arg12[%get3A_1471] {strides = array<i32>} : memref<6400xf32, #tpu.memory_space<vmem>>, vector<16xf32>,
    %get3A_1473 = vector.shape_cast %get3A_1472 : vector<16xf32> to vector<16xf32>
    %add3A_1474 = arith.addf %add3A_1470, %get3A_1473 : vector<16xf32>
    %get3A_1475 = arith.constant 2416 : index
    %get3A_1476 = tpu.vector_load %arg12[%get3A_1475] {strides = array<i32>} : memref<6400xf32, #tpu.memory_space<vmem>>, vector<16xf32>,
    %get3A_1477 = vector.shape_cast %get3A_1476 : vector<16xf32> to vector<16xf32>
    %add3A_1478 = arith.addf %add3A_1474, %get3A_1477 : vector<16xf32>
    %get3A_1479 = arith.constant 2544 : index
    %get3A_1480 = tpu.vector_load %arg12[%get3A_1479] {strides = array<i32>} : memref<6400xf32, #tpu.memory_space<vmem>>, vector<16xf32>,
    %get3A_1481 = vector.shape_cast %get3A_1480 : vector<16xf32> to vector<16xf32>
    %add3A_1482 = arith.addf %add3A_1478, %get3A_1481 : vector<16xf32>
    %get3A_1483 = arith.constant 2672 : index
    %get3A_1484 = tpu.vector_load %arg12[%get3A_1483] {strides = array<i32>} : memref<6400xf32, #tpu.memory_space<vmem>>, vector<16xf32>,
    %get3A_1485 = vector.shape_cast %get3A_1484 : vector<16xf32> to vector<16xf32>
    %add3A_1486 = arith.addf %add3A_1482, %get3A_1485 : vector<16xf32>
    %get3A_1487 = arith.constant 2800 : index
    %get3A_1488 = tpu.vector_load %arg12[%get3A_1487] {strides = array<i32>} : memref<6400xf32, #tpu.memory_space<vmem>>, vector<16xf32>,
    %get3A_1489 = vector.shape_cast %get3A_1488 : vector<16xf32> to vector<16xf32>
    %add3A_1490 = arith.addf %add3A_1486, %get3A_1489 : vector<16xf32>
    %get3A_1491 = arith.constant 2928 : index
    %get3A_1492 = tpu.vector_load %arg12[%get3A_1491] {strides = array<i32>} : memref<6400xf32, #tpu.memory_space<vmem>>, vector<16xf32>,
    %get3A_1493 = vector.shape_cast %get3A_1492 : vector<16xf32> to vector<16xf32>
    %add3A_1494 = arith.addf %add3A_1490, %get3A_1493 : vector<16xf32>
    %get3A_1495 = arith.constant 3056 : index
    %get3A_1496 = tpu.vector_load %arg12[%get3A_1495] {strides = array<i32>} : memref<6400xf32, #tpu.memory_space<vmem>>, vector<16xf32>,
    %get3A_1497 = vector.shape_cast %get3A_1496 : vector<16xf32> to vector<16xf32>
    %add3A_1498 = arith.addf %add3A_1494, %get3A_1497 : vector<16xf32>
    %get3A_1499 = arith.constant 3184 : index
    %get3A_1500 = tpu.vector_load %arg12[%get3A_1499] {strides = array<i32>} : memref<6400xf32, #tpu.memory_space<vmem>>, vector<16xf32>,
    %get3A_1501 = vector.shape_cast %get3A_1500 : vector<16xf32> to vector<16xf32>
    %add3A_1502 = arith.addf %add3A_1498, %get3A_1501 : vector<16xf32>
    %get3A_1503 = arith.constant 3312 : index
    %get3A_1504 = tpu.vector_load %arg12[%get3A_1503] {strides = array<i32>} : memref<6400xf32, #tpu.memory_space<vmem>>, vector<16xf32>,
    %get3A_1505 = vector.shape_cast %get3A_1504 : vector<16xf32> to vector<16xf32>
    %add3A_1506 = arith.addf %add3A_1502, %get3A_1505 : vector<16xf32>
    %get3A_1507 = arith.constant 3440 : index
    %get3A_1508 = tpu.vector_load %arg12[%get3A_1507] {strides = array<i32>} : memref<6400xf32, #tpu.memory_space<vmem>>, vector<16xf32>,
    %get3A_1509 = vector.shape_cast %get3A_1508 : vector<16xf32> to vector<16xf32>
    %add3A_1510 = arith.addf %add3A_1506, %get3A_1509 : vector<16xf32>
    %get3A_1511 = arith.constant 3568 : index
    %get3A_1512 = tpu.vector_load %arg12[%get3A_1511] {strides = array<i32>} : memref<6400xf32, #tpu.memory_space<vmem>>, vector<16xf32>,
    %get3A_1513 = vector.shape_cast %get3A_1512 : vector<16xf32> to vector<16xf32>
    %add3A_1514 = arith.addf %add3A_1510, %get3A_1513 : vector<16xf32>
    %get3A_1515 = arith.constant 3696 : index
    %get3A_1516 = tpu.vector_load %arg12[%get3A_1515] {strides = array<i32>} : memref<6400xf32, #tpu.memory_space<vmem>>, vector<16xf32>,
    %get3A_1517 = vector.shape_cast %get3A_1516 : vector<16xf32> to vector<16xf32>
    %add3A_1518 = arith.addf %add3A_1514, %get3A_1517 : vector<16xf32>
    %get3A_1519 = arith.constant 3824 : index
    %get3A_1520 = tpu.vector_load %arg12[%get3A_1519] {strides = array<i32>} : memref<6400xf32, #tpu.memory_space<vmem>>, vector<16xf32>,
    %get3A_1521 = vector.shape_cast %get3A_1520 : vector<16xf32> to vector<16xf32>
    %add3A_1522 = arith.addf %add3A_1518, %get3A_1521 : vector<16xf32>
    %get3A_1523 = arith.constant 3952 : index
    %get3A_1524 = tpu.vector_load %arg12[%get3A_1523] {strides = array<i32>} : memref<6400xf32, #tpu.memory_space<vmem>>, vector<16xf32>,
    %get3A_1525 = vector.shape_cast %get3A_1524 : vector<16xf32> to vector<16xf32>
    %add3A_1526 = arith.addf %add3A_1522, %get3A_1525 : vector<16xf32>
    %get3A_1527 = arith.constant 4080 : index
    %get3A_1528 = tpu.vector_load %arg12[%get3A_1527] {strides = array<i32>} : memref<6400xf32, #tpu.memory_space<vmem>>, vector<16xf32>,
    %get3A_1529 = vector.shape_cast %get3A_1528 : vector<16xf32> to vector<16xf32>
    %add3A_1530 = arith.addf %add3A_1526, %get3A_1529 : vector<16xf32>
    %get3A_1531 = arith.constant 4208 : index
    %get3A_1532 = tpu.vector_load %arg12[%get3A_1531] {strides = array<i32>} : memref<6400xf32, #tpu.memory_space<vmem>>, vector<16xf32>,
    %get3A_1533 = vector.shape_cast %get3A_1532 : vector<16xf32> to vector<16xf32>
    %add3A_1534 = arith.addf %add3A_1530, %get3A_1533 : vector<16xf32>
    %get3A_1535 = arith.constant 4336 : index
    %get3A_1536 = tpu.vector_load %arg12[%get3A_1535] {strides = array<i32>} : memref<6400xf32, #tpu.memory_space<vmem>>, vector<16xf32>,
    %get3A_1537 = vector.shape_cast %get3A_1536 : vector<16xf32> to vector<16xf32>
    %add3A_1538 = arith.addf %add3A_1534, %get3A_1537 : vector<16xf32>
    %get3A_1539 = arith.constant 4464 : index
    %get3A_1540 = tpu.vector_load %arg12[%get3A_1539] {strides = array<i32>} : memref<6400xf32, #tpu.memory_space<vmem>>, vector<16xf32>,
    %get3A_1541 = vector.shape_cast %get3A_1540 : vector<16xf32> to vector<16xf32>
    %add3A_1542 = arith.addf %add3A_1538, %get3A_1541 : vector<16xf32>
    %get3A_1543 = arith.constant 4592 : index
    %get3A_1544 = tpu.vector_load %arg12[%get3A_1543] {strides = array<i32>} : memref<6400xf32, #tpu.memory_space<vmem>>, vector<16xf32>,
    %get3A_1545 = vector.shape_cast %get3A_1544 : vector<16xf32> to vector<16xf32>
    %add3A_1546 = arith.addf %add3A_1542, %get3A_1545 : vector<16xf32>
    %get3A_1547 = arith.constant 4720 : index
    %get3A_1548 = tpu.vector_load %arg12[%get3A_1547] {strides = array<i32>} : memref<6400xf32, #tpu.memory_space<vmem>>, vector<16xf32>,
    %get3A_1549 = vector.shape_cast %get3A_1548 : vector<16xf32> to vector<16xf32>
    %add3A_1550 = arith.addf %add3A_1546, %get3A_1549 : vector<16xf32>
    %get3A_1551 = arith.constant 4848 : index
    %get3A_1552 = tpu.vector_load %arg12[%get3A_1551] {strides = array<i32>} : memref<6400xf32, #tpu.memory_space<vmem>>, vector<16xf32>,
    %get3A_1553 = vector.shape_cast %get3A_1552 : vector<16xf32> to vector<16xf32>
    %add3A_1554 = arith.addf %add3A_1550, %get3A_1553 : vector<16xf32>
    %get3A_1555 = arith.constant 4976 : index
    %get3A_1556 = tpu.vector_load %arg12[%get3A_1555] {strides = array<i32>} : memref<6400xf32, #tpu.memory_space<vmem>>, vector<16xf32>,
    %get3A_1557 = vector.shape_cast %get3A_1556 : vector<16xf32> to vector<16xf32>
    %add3A_1558 = arith.addf %add3A_1554, %get3A_1557 : vector<16xf32>
    %get3A_1559 = arith.constant 5104 : index
    %get3A_1560 = tpu.vector_load %arg12[%get3A_1559] {strides = array<i32>} : memref<6400xf32, #tpu.memory_space<vmem>>, vector<16xf32>,
    %get3A_1561 = vector.shape_cast %get3A_1560 : vector<16xf32> to vector<16xf32>
    %add3A_1562 = arith.addf %add3A_1558, %get3A_1561 : vector<16xf32>
    %get3A_1563 = arith.constant 5232 : index
    %get3A_1564 = tpu.vector_load %arg12[%get3A_1563] {strides = array<i32>} : memref<6400xf32, #tpu.memory_space<vmem>>, vector<16xf32>,
    %get3A_1565 = vector.shape_cast %get3A_1564 : vector<16xf32> to vector<16xf32>
    %add3A_1566 = arith.addf %add3A_1562, %get3A_1565 : vector<16xf32>
    %get3A_1567 = arith.constant 5360 : index
    %get3A_1568 = tpu.vector_load %arg12[%get3A_1567] {strides = array<i32>} : memref<6400xf32, #tpu.memory_space<vmem>>, vector<16xf32>,
    %get3A_1569 = vector.shape_cast %get3A_1568 : vector<16xf32> to vector<16xf32>
    %add3A_1570 = arith.addf %add3A_1566, %get3A_1569 : vector<16xf32>
    %get3A_1571 = arith.constant 5488 : index
    %get3A_1572 = tpu.vector_load %arg12[%get3A_1571] {strides = array<i32>} : memref<6400xf32, #tpu.memory_space<vmem>>, vector<16xf32>,
    %get3A_1573 = vector.shape_cast %get3A_1572 : vector<16xf32> to vector<16xf32>
    %add3A_1574 = arith.addf %add3A_1570, %get3A_1573 : vector<16xf32>
    %get3A_1575 = arith.constant 5616 : index
    %get3A_1576 = tpu.vector_load %arg12[%get3A_1575] {strides = array<i32>} : memref<6400xf32, #tpu.memory_space<vmem>>, vector<16xf32>,
    %get3A_1577 = vector.shape_cast %get3A_1576 : vector<16xf32> to vector<16xf32>
    %add3A_1578 = arith.addf %add3A_1574, %get3A_1577 : vector<16xf32>
    %get3A_1579 = arith.constant 5744 : index
    %get3A_1580 = tpu.vector_load %arg12[%get3A_1579] {strides = array<i32>} : memref<6400xf32, #tpu.memory_space<vmem>>, vector<16xf32>,
    %get3A_1581 = vector.shape_cast %get3A_1580 : vector<16xf32> to vector<16xf32>
    %add3A_1582 = arith.addf %add3A_1578, %get3A_1581 : vector<16xf32>
    %get3A_1583 = arith.constant 5872 : index
    %get3A_1584 = tpu.vector_load %arg12[%get3A_1583] {strides = array<i32>} : memref<6400xf32, #tpu.memory_space<vmem>>, vector<16xf32>,
    %get3A_1585 = vector.shape_cast %get3A_1584 : vector<16xf32> to vector<16xf32>
    %add3A_1586 = arith.addf %add3A_1582, %get3A_1585 : vector<16xf32>
    %get3A_1587 = arith.constant 6000 : index
    %get3A_1588 = tpu.vector_load %arg12[%get3A_1587] {strides = array<i32>} : memref<6400xf32, #tpu.memory_space<vmem>>, vector<16xf32>,
    %get3A_1589 = vector.shape_cast %get3A_1588 : vector<16xf32> to vector<16xf32>
    %add3A_1590 = arith.addf %add3A_1586, %get3A_1589 : vector<16xf32>
    %get3A_1591 = arith.constant 6128 : index
    %get3A_1592 = tpu.vector_load %arg12[%get3A_1591] {strides = array<i32>} : memref<6400xf32, #tpu.memory_space<vmem>>, vector<16xf32>,
    %get3A_1593 = vector.shape_cast %get3A_1592 : vector<16xf32> to vector<16xf32>
    %add3A_1594 = arith.addf %add3A_1590, %get3A_1593 : vector<16xf32>
    %get3A_1595 = arith.constant 6256 : index
    %get3A_1596 = tpu.vector_load %arg12[%get3A_1595] {strides = array<i32>} : memref<6400xf32, #tpu.memory_space<vmem>>, vector<16xf32>,
    %get3A_1597 = vector.shape_cast %get3A_1596 : vector<16xf32> to vector<16xf32>
    %add3A_1598 = arith.addf %add3A_1594, %get3A_1597 : vector<16xf32>
    %get3A_1599 = arith.constant 6384 : index
    %get3A_1600 = tpu.vector_load %arg12[%get3A_1599] {strides = array<i32>} : memref<6400xf32, #tpu.memory_space<vmem>>, vector<16xf32>,
    %get3A_1601 = vector.shape_cast %get3A_1600 : vector<16xf32> to vector<16xf32>
    %add3A_1602 = arith.addf %add3A_1598, %get3A_1601 : vector<16xf32>
    %dma_wait3A_1603 = arith.constant 0 : i32
    %dma_wait3A_1604 = tpu.memref_slice %arg3[%dma_wait3A_1603] : memref<100000xf32, #tpu.memory_space<hbm>> -> memref<100000xf32, #tpu.memory_space<hbm>>
    tpu.wait_indirect_dma semaphore(%arg20 : memref<!tpu.dma_semaphore, #tpu.memory_space<semaphore_mem>>) src(%dma_wait3A_1604 : memref<100000xf32, #tpu.memory_space<hbm>>) dst(%arg13 : memref<6400xf32, #tpu.memory_space<vmem>>)
    %get3A_1605 = arith.constant 0 : index
    %get3A_1606 = tpu.vector_load %arg13[%get3A_1605] {strides = array<i32>} : memref<6400xf32, #tpu.memory_space<vmem>>, vector<16xf32>,
    %get3A_1607 = vector.shape_cast %get3A_1606 : vector<16xf32> to vector<16xf32>
    %get3A_1608 = arith.constant 128 : index
    %get3A_1609 = tpu.vector_load %arg13[%get3A_1608] {strides = array<i32>} : memref<6400xf32, #tpu.memory_space<vmem>>, vector<16xf32>,
    %get3A_1610 = vector.shape_cast %get3A_1609 : vector<16xf32> to vector<16xf32>
    %add3A_1611 = arith.addf %get3A_1607, %get3A_1610 : vector<16xf32>
    %get3A_1612 = arith.constant 256 : index
    %get3A_1613 = tpu.vector_load %arg13[%get3A_1612] {strides = array<i32>} : memref<6400xf32, #tpu.memory_space<vmem>>, vector<16xf32>,
    %get3A_1614 = vector.shape_cast %get3A_1613 : vector<16xf32> to vector<16xf32>
    %add3A_1615 = arith.addf %add3A_1611, %get3A_1614 : vector<16xf32>
    %get3A_1616 = arith.constant 384 : index
    %get3A_1617 = tpu.vector_load %arg13[%get3A_1616] {strides = array<i32>} : memref<6400xf32, #tpu.memory_space<vmem>>, vector<16xf32>,
    %get3A_1618 = vector.shape_cast %get3A_1617 : vector<16xf32> to vector<16xf32>
    %add3A_1619 = arith.addf %add3A_1615, %get3A_1618 : vector<16xf32>
    %get3A_1620 = arith.constant 512 : index
    %get3A_1621 = tpu.vector_load %arg13[%get3A_1620] {strides = array<i32>} : memref<6400xf32, #tpu.memory_space<vmem>>, vector<16xf32>,
    %get3A_1622 = vector.shape_cast %get3A_1621 : vector<16xf32> to vector<16xf32>
    %add3A_1623 = arith.addf %add3A_1619, %get3A_1622 : vector<16xf32>
    %get3A_1624 = arith.constant 640 : index
    %get3A_1625 = tpu.vector_load %arg13[%get3A_1624] {strides = array<i32>} : memref<6400xf32, #tpu.memory_space<vmem>>, vector<16xf32>,
    %get3A_1626 = vector.shape_cast %get3A_1625 : vector<16xf32> to vector<16xf32>
    %add3A_1627 = arith.addf %add3A_1623, %get3A_1626 : vector<16xf32>
    %get3A_1628 = arith.constant 768 : index
    %get3A_1629 = tpu.vector_load %arg13[%get3A_1628] {strides = array<i32>} : memref<6400xf32, #tpu.memory_space<vmem>>, vector<16xf32>,
    %get3A_1630 = vector.shape_cast %get3A_1629 : vector<16xf32> to vector<16xf32>
    %add3A_1631 = arith.addf %add3A_1627, %get3A_1630 : vector<16xf32>
    %get3A_1632 = arith.constant 896 : index
    %get3A_1633 = tpu.vector_load %arg13[%get3A_1632] {strides = array<i32>} : memref<6400xf32, #tpu.memory_space<vmem>>, vector<16xf32>,
    %get3A_1634 = vector.shape_cast %get3A_1633 : vector<16xf32> to vector<16xf32>
    %add3A_1635 = arith.addf %add3A_1631, %get3A_1634 : vector<16xf32>
    %get3A_1636 = arith.constant 1024 : index
    %get3A_1637 = tpu.vector_load %arg13[%get3A_1636] {strides = array<i32>} : memref<6400xf32, #tpu.memory_space<vmem>>, vector<16xf32>,
    %get3A_1638 = vector.shape_cast %get3A_1637 : vector<16xf32> to vector<16xf32>
    %add3A_1639 = arith.addf %add3A_1635, %get3A_1638 : vector<16xf32>
    %get3A_1640 = arith.constant 1152 : index
    %get3A_1641 = tpu.vector_load %arg13[%get3A_1640] {strides = array<i32>} : memref<6400xf32, #tpu.memory_space<vmem>>, vector<16xf32>,
    %get3A_1642 = vector.shape_cast %get3A_1641 : vector<16xf32> to vector<16xf32>
    %add3A_1643 = arith.addf %add3A_1639, %get3A_1642 : vector<16xf32>
    %get3A_1644 = arith.constant 1280 : index
    %get3A_1645 = tpu.vector_load %arg13[%get3A_1644] {strides = array<i32>} : memref<6400xf32, #tpu.memory_space<vmem>>, vector<16xf32>,
    %get3A_1646 = vector.shape_cast %get3A_1645 : vector<16xf32> to vector<16xf32>
    %add3A_1647 = arith.addf %add3A_1643, %get3A_1646 : vector<16xf32>
    %get3A_1648 = arith.constant 1408 : index
    %get3A_1649 = tpu.vector_load %arg13[%get3A_1648] {strides = array<i32>} : memref<6400xf32, #tpu.memory_space<vmem>>, vector<16xf32>,
    %get3A_1650 = vector.shape_cast %get3A_1649 : vector<16xf32> to vector<16xf32>
    %add3A_1651 = arith.addf %add3A_1647, %get3A_1650 : vector<16xf32>
    %get3A_1652 = arith.constant 1536 : index
    %get3A_1653 = tpu.vector_load %arg13[%get3A_1652] {strides = array<i32>} : memref<6400xf32, #tpu.memory_space<vmem>>, vector<16xf32>,
    %get3A_1654 = vector.shape_cast %get3A_1653 : vector<16xf32> to vector<16xf32>
    %add3A_1655 = arith.addf %add3A_1651, %get3A_1654 : vector<16xf32>
    %get3A_1656 = arith.constant 1664 : index
    %get3A_1657 = tpu.vector_load %arg13[%get3A_1656] {strides = array<i32>} : memref<6400xf32, #tpu.memory_space<vmem>>, vector<16xf32>,
    %get3A_1658 = vector.shape_cast %get3A_1657 : vector<16xf32> to vector<16xf32>
    %add3A_1659 = arith.addf %add3A_1655, %get3A_1658 : vector<16xf32>
    %get3A_1660 = arith.constant 1792 : index
    %get3A_1661 = tpu.vector_load %arg13[%get3A_1660] {strides = array<i32>} : memref<6400xf32, #tpu.memory_space<vmem>>, vector<16xf32>,
    %get3A_1662 = vector.shape_cast %get3A_1661 : vector<16xf32> to vector<16xf32>
    %add3A_1663 = arith.addf %add3A_1659, %get3A_1662 : vector<16xf32>
    %get3A_1664 = arith.constant 1920 : index
    %get3A_1665 = tpu.vector_load %arg13[%get3A_1664] {strides = array<i32>} : memref<6400xf32, #tpu.memory_space<vmem>>, vector<16xf32>,
    %get3A_1666 = vector.shape_cast %get3A_1665 : vector<16xf32> to vector<16xf32>
    %add3A_1667 = arith.addf %add3A_1663, %get3A_1666 : vector<16xf32>
    %get3A_1668 = arith.constant 2048 : index
    %get3A_1669 = tpu.vector_load %arg13[%get3A_1668] {strides = array<i32>} : memref<6400xf32, #tpu.memory_space<vmem>>, vector<16xf32>,
    %get3A_1670 = vector.shape_cast %get3A_1669 : vector<16xf32> to vector<16xf32>
    %add3A_1671 = arith.addf %add3A_1667, %get3A_1670 : vector<16xf32>
    %get3A_1672 = arith.constant 2176 : index
    %get3A_1673 = tpu.vector_load %arg13[%get3A_1672] {strides = array<i32>} : memref<6400xf32, #tpu.memory_space<vmem>>, vector<16xf32>,
    %get3A_1674 = vector.shape_cast %get3A_1673 : vector<16xf32> to vector<16xf32>
    %add3A_1675 = arith.addf %add3A_1671, %get3A_1674 : vector<16xf32>
    %get3A_1676 = arith.constant 2304 : index
    %get3A_1677 = tpu.vector_load %arg13[%get3A_1676] {strides = array<i32>} : memref<6400xf32, #tpu.memory_space<vmem>>, vector<16xf32>,
    %get3A_1678 = vector.shape_cast %get3A_1677 : vector<16xf32> to vector<16xf32>
    %add3A_1679 = arith.addf %add3A_1675, %get3A_1678 : vector<16xf32>
    %get3A_1680 = arith.constant 2432 : index
    %get3A_1681 = tpu.vector_load %arg13[%get3A_1680] {strides = array<i32>} : memref<6400xf32, #tpu.memory_space<vmem>>, vector<16xf32>,
    %get3A_1682 = vector.shape_cast %get3A_1681 : vector<16xf32> to vector<16xf32>
    %add3A_1683 = arith.addf %add3A_1679, %get3A_1682 : vector<16xf32>
    %get3A_1684 = arith.constant 2560 : index
    %get3A_1685 = tpu.vector_load %arg13[%get3A_1684] {strides = array<i32>} : memref<6400xf32, #tpu.memory_space<vmem>>, vector<16xf32>,
    %get3A_1686 = vector.shape_cast %get3A_1685 : vector<16xf32> to vector<16xf32>
    %add3A_1687 = arith.addf %add3A_1683, %get3A_1686 : vector<16xf32>
    %get3A_1688 = arith.constant 2688 : index
    %get3A_1689 = tpu.vector_load %arg13[%get3A_1688] {strides = array<i32>} : memref<6400xf32, #tpu.memory_space<vmem>>, vector<16xf32>,
    %get3A_1690 = vector.shape_cast %get3A_1689 : vector<16xf32> to vector<16xf32>
    %add3A_1691 = arith.addf %add3A_1687, %get3A_1690 : vector<16xf32>
    %get3A_1692 = arith.constant 2816 : index
    %get3A_1693 = tpu.vector_load %arg13[%get3A_1692] {strides = array<i32>} : memref<6400xf32, #tpu.memory_space<vmem>>, vector<16xf32>,
    %get3A_1694 = vector.shape_cast %get3A_1693 : vector<16xf32> to vector<16xf32>
    %add3A_1695 = arith.addf %add3A_1691, %get3A_1694 : vector<16xf32>
    %get3A_1696 = arith.constant 2944 : index
    %get3A_1697 = tpu.vector_load %arg13[%get3A_1696] {strides = array<i32>} : memref<6400xf32, #tpu.memory_space<vmem>>, vector<16xf32>,
    %get3A_1698 = vector.shape_cast %get3A_1697 : vector<16xf32> to vector<16xf32>
    %add3A_1699 = arith.addf %add3A_1695, %get3A_1698 : vector<16xf32>
    %get3A_1700 = arith.constant 3072 : index
    %get3A_1701 = tpu.vector_load %arg13[%get3A_1700] {strides = array<i32>} : memref<6400xf32, #tpu.memory_space<vmem>>, vector<16xf32>,
    %get3A_1702 = vector.shape_cast %get3A_1701 : vector<16xf32> to vector<16xf32>
    %add3A_1703 = arith.addf %add3A_1699, %get3A_1702 : vector<16xf32>
    %get3A_1704 = arith.constant 3200 : index
    %get3A_1705 = tpu.vector_load %arg13[%get3A_1704] {strides = array<i32>} : memref<6400xf32, #tpu.memory_space<vmem>>, vector<16xf32>,
    %get3A_1706 = vector.shape_cast %get3A_1705 : vector<16xf32> to vector<16xf32>
    %add3A_1707 = arith.addf %add3A_1703, %get3A_1706 : vector<16xf32>
    %get3A_1708 = arith.constant 3328 : index
    %get3A_1709 = tpu.vector_load %arg13[%get3A_1708] {strides = array<i32>} : memref<6400xf32, #tpu.memory_space<vmem>>, vector<16xf32>,
    %get3A_1710 = vector.shape_cast %get3A_1709 : vector<16xf32> to vector<16xf32>
    %add3A_1711 = arith.addf %add3A_1707, %get3A_1710 : vector<16xf32>
    %get3A_1712 = arith.constant 3456 : index
    %get3A_1713 = tpu.vector_load %arg13[%get3A_1712] {strides = array<i32>} : memref<6400xf32, #tpu.memory_space<vmem>>, vector<16xf32>,
    %get3A_1714 = vector.shape_cast %get3A_1713 : vector<16xf32> to vector<16xf32>
    %add3A_1715 = arith.addf %add3A_1711, %get3A_1714 : vector<16xf32>
    %get3A_1716 = arith.constant 3584 : index
    %get3A_1717 = tpu.vector_load %arg13[%get3A_1716] {strides = array<i32>} : memref<6400xf32, #tpu.memory_space<vmem>>, vector<16xf32>,
    %get3A_1718 = vector.shape_cast %get3A_1717 : vector<16xf32> to vector<16xf32>
    %add3A_1719 = arith.addf %add3A_1715, %get3A_1718 : vector<16xf32>
    %get3A_1720 = arith.constant 3712 : index
    %get3A_1721 = tpu.vector_load %arg13[%get3A_1720] {strides = array<i32>} : memref<6400xf32, #tpu.memory_space<vmem>>, vector<16xf32>,
    %get3A_1722 = vector.shape_cast %get3A_1721 : vector<16xf32> to vector<16xf32>
    %add3A_1723 = arith.addf %add3A_1719, %get3A_1722 : vector<16xf32>
    %get3A_1724 = arith.constant 3840 : index
    %get3A_1725 = tpu.vector_load %arg13[%get3A_1724] {strides = array<i32>} : memref<6400xf32, #tpu.memory_space<vmem>>, vector<16xf32>,
    %get3A_1726 = vector.shape_cast %get3A_1725 : vector<16xf32> to vector<16xf32>
    %add3A_1727 = arith.addf %add3A_1723, %get3A_1726 : vector<16xf32>
    %get3A_1728 = arith.constant 3968 : index
    %get3A_1729 = tpu.vector_load %arg13[%get3A_1728] {strides = array<i32>} : memref<6400xf32, #tpu.memory_space<vmem>>, vector<16xf32>,
    %get3A_1730 = vector.shape_cast %get3A_1729 : vector<16xf32> to vector<16xf32>
    %add3A_1731 = arith.addf %add3A_1727, %get3A_1730 : vector<16xf32>
    %get3A_1732 = arith.constant 4096 : index
    %get3A_1733 = tpu.vector_load %arg13[%get3A_1732] {strides = array<i32>} : memref<6400xf32, #tpu.memory_space<vmem>>, vector<16xf32>,
    %get3A_1734 = vector.shape_cast %get3A_1733 : vector<16xf32> to vector<16xf32>
    %add3A_1735 = arith.addf %add3A_1731, %get3A_1734 : vector<16xf32>
    %get3A_1736 = arith.constant 4224 : index
    %get3A_1737 = tpu.vector_load %arg13[%get3A_1736] {strides = array<i32>} : memref<6400xf32, #tpu.memory_space<vmem>>, vector<16xf32>,
    %get3A_1738 = vector.shape_cast %get3A_1737 : vector<16xf32> to vector<16xf32>
    %add3A_1739 = arith.addf %add3A_1735, %get3A_1738 : vector<16xf32>
    %get3A_1740 = arith.constant 4352 : index
    %get3A_1741 = tpu.vector_load %arg13[%get3A_1740] {strides = array<i32>} : memref<6400xf32, #tpu.memory_space<vmem>>, vector<16xf32>,
    %get3A_1742 = vector.shape_cast %get3A_1741 : vector<16xf32> to vector<16xf32>
    %add3A_1743 = arith.addf %add3A_1739, %get3A_1742 : vector<16xf32>
    %get3A_1744 = arith.constant 4480 : index
    %get3A_1745 = tpu.vector_load %arg13[%get3A_1744] {strides = array<i32>} : memref<6400xf32, #tpu.memory_space<vmem>>, vector<16xf32>,
    %get3A_1746 = vector.shape_cast %get3A_1745 : vector<16xf32> to vector<16xf32>
    %add3A_1747 = arith.addf %add3A_1743, %get3A_1746 : vector<16xf32>
    %get3A_1748 = arith.constant 4608 : index
    %get3A_1749 = tpu.vector_load %arg13[%get3A_1748] {strides = array<i32>} : memref<6400xf32, #tpu.memory_space<vmem>>, vector<16xf32>,
    %get3A_1750 = vector.shape_cast %get3A_1749 : vector<16xf32> to vector<16xf32>
    %add3A_1751 = arith.addf %add3A_1747, %get3A_1750 : vector<16xf32>
    %get3A_1752 = arith.constant 4736 : index
    %get3A_1753 = tpu.vector_load %arg13[%get3A_1752] {strides = array<i32>} : memref<6400xf32, #tpu.memory_space<vmem>>, vector<16xf32>,
    %get3A_1754 = vector.shape_cast %get3A_1753 : vector<16xf32> to vector<16xf32>
    %add3A_1755 = arith.addf %add3A_1751, %get3A_1754 : vector<16xf32>
    %get3A_1756 = arith.constant 4864 : index
    %get3A_1757 = tpu.vector_load %arg13[%get3A_1756] {strides = array<i32>} : memref<6400xf32, #tpu.memory_space<vmem>>, vector<16xf32>,
    %get3A_1758 = vector.shape_cast %get3A_1757 : vector<16xf32> to vector<16xf32>
    %add3A_1759 = arith.addf %add3A_1755, %get3A_1758 : vector<16xf32>
    %get3A_1760 = arith.constant 4992 : index
    %get3A_1761 = tpu.vector_load %arg13[%get3A_1760] {strides = array<i32>} : memref<6400xf32, #tpu.memory_space<vmem>>, vector<16xf32>,
    %get3A_1762 = vector.shape_cast %get3A_1761 : vector<16xf32> to vector<16xf32>
    %add3A_1763 = arith.addf %add3A_1759, %get3A_1762 : vector<16xf32>
    %get3A_1764 = arith.constant 5120 : index
    %get3A_1765 = tpu.vector_load %arg13[%get3A_1764] {strides = array<i32>} : memref<6400xf32, #tpu.memory_space<vmem>>, vector<16xf32>,
    %get3A_1766 = vector.shape_cast %get3A_1765 : vector<16xf32> to vector<16xf32>
    %add3A_1767 = arith.addf %add3A_1763, %get3A_1766 : vector<16xf32>
    %get3A_1768 = arith.constant 5248 : index
    %get3A_1769 = tpu.vector_load %arg13[%get3A_1768] {strides = array<i32>} : memref<6400xf32, #tpu.memory_space<vmem>>, vector<16xf32>,
    %get3A_1770 = vector.shape_cast %get3A_1769 : vector<16xf32> to vector<16xf32>
    %add3A_1771 = arith.addf %add3A_1767, %get3A_1770 : vector<16xf32>
    %get3A_1772 = arith.constant 5376 : index
    %get3A_1773 = tpu.vector_load %arg13[%get3A_1772] {strides = array<i32>} : memref<6400xf32, #tpu.memory_space<vmem>>, vector<16xf32>,
    %get3A_1774 = vector.shape_cast %get3A_1773 : vector<16xf32> to vector<16xf32>
    %add3A_1775 = arith.addf %add3A_1771, %get3A_1774 : vector<16xf32>
    %get3A_1776 = arith.constant 5504 : index
    %get3A_1777 = tpu.vector_load %arg13[%get3A_1776] {strides = array<i32>} : memref<6400xf32, #tpu.memory_space<vmem>>, vector<16xf32>,
    %get3A_1778 = vector.shape_cast %get3A_1777 : vector<16xf32> to vector<16xf32>
    %add3A_1779 = arith.addf %add3A_1775, %get3A_1778 : vector<16xf32>
    %get3A_1780 = arith.constant 5632 : index
    %get3A_1781 = tpu.vector_load %arg13[%get3A_1780] {strides = array<i32>} : memref<6400xf32, #tpu.memory_space<vmem>>, vector<16xf32>,
    %get3A_1782 = vector.shape_cast %get3A_1781 : vector<16xf32> to vector<16xf32>
    %add3A_1783 = arith.addf %add3A_1779, %get3A_1782 : vector<16xf32>
    %get3A_1784 = arith.constant 5760 : index
    %get3A_1785 = tpu.vector_load %arg13[%get3A_1784] {strides = array<i32>} : memref<6400xf32, #tpu.memory_space<vmem>>, vector<16xf32>,
    %get3A_1786 = vector.shape_cast %get3A_1785 : vector<16xf32> to vector<16xf32>
    %add3A_1787 = arith.addf %add3A_1783, %get3A_1786 : vector<16xf32>
    %get3A_1788 = arith.constant 5888 : index
    %get3A_1789 = tpu.vector_load %arg13[%get3A_1788] {strides = array<i32>} : memref<6400xf32, #tpu.memory_space<vmem>>, vector<16xf32>,
    %get3A_1790 = vector.shape_cast %get3A_1789 : vector<16xf32> to vector<16xf32>
    %add3A_1791 = arith.addf %add3A_1787, %get3A_1790 : vector<16xf32>
    %get3A_1792 = arith.constant 6016 : index
    %get3A_1793 = tpu.vector_load %arg13[%get3A_1792] {strides = array<i32>} : memref<6400xf32, #tpu.memory_space<vmem>>, vector<16xf32>,
    %get3A_1794 = vector.shape_cast %get3A_1793 : vector<16xf32> to vector<16xf32>
    %add3A_1795 = arith.addf %add3A_1791, %get3A_1794 : vector<16xf32>
    %get3A_1796 = arith.constant 6144 : index
    %get3A_1797 = tpu.vector_load %arg13[%get3A_1796] {strides = array<i32>} : memref<6400xf32, #tpu.memory_space<vmem>>, vector<16xf32>,
    %get3A_1798 = vector.shape_cast %get3A_1797 : vector<16xf32> to vector<16xf32>
    %add3A_1799 = arith.addf %add3A_1795, %get3A_1798 : vector<16xf32>
    %get3A_1800 = arith.constant 6272 : index
    %get3A_1801 = tpu.vector_load %arg13[%get3A_1800] {strides = array<i32>} : memref<6400xf32, #tpu.memory_space<vmem>>, vector<16xf32>,
    %get3A_1802 = vector.shape_cast %get3A_1801 : vector<16xf32> to vector<16xf32>
    %add3A_1803 = arith.addf %add3A_1799, %get3A_1802 : vector<16xf32>
    %get3A_1804 = arith.constant 0 : index
    %get3A_1805 = tpu.vector_load %arg14[%get3A_1804] {strides = array<i32>} : memref<128xi32, #tpu.memory_space<vmem>>, vector<16xi32>,
    %get3A_1806 = vector.shape_cast %get3A_1805 : vector<16xi32> to vector<16xi32>
    %convert_element_type3A = arith.sitofp %get3A_1806 : vector<16xi32> to vector<16xf32>
    %div3A = arith.constant 1.000000e+00 : f32
    %div3A_1807 = vector.broadcast %div3A : f32 to vector<16xf32>
    %div3A_1808 = arith.divf %div3A_1807, %convert_element_type3A : vector<16xf32>
    %get3A_1809 = arith.constant 0 : index
    %get3A_1810 = tpu.vector_load %arg15[%get3A_1809] {strides = array<i32>} : memref<128xi32, #tpu.memory_space<vmem>>, vector<16xi32>,
    %get3A_1811 = vector.shape_cast %get3A_1810 : vector<16xi32> to vector<16xi32>
    %convert_element_type3A_1812 = arith.sitofp %get3A_1811 : vector<16xi32> to vector<16xf32>
    %div3A_1813 = arith.constant 1.000000e+00 : f32
    %div3A_1814 = vector.broadcast %div3A_1813 : f32 to vector<16xf32>
    %div3A_1815 = arith.divf %div3A_1814, %convert_element_type3A_1812 : vector<16xf32>
    %mul3A_1816 = arith.mulf %add3A_209, %div3A_1808 : vector<16xf32>
    %mul3A_1817 = arith.mulf %add3A_1803, %div3A_1815 : vector<16xf32>
    %add3A_1818 = arith.addf %mul3A_1816, %mul3A_1817 : vector<16xf32>
    %add3A_1819 = arith.addf %add3A_1818, %get3A_9 : vector<16xf32>
    %neg3A = arith.constant 0.000000e+00 : f32
    %neg3A_1820 = vector.broadcast %neg3A : f32 to vector<16xf32>
    %neg3A_1821 = arith.subf %neg3A_1820, %add3A_1819 : vector<16xf32>
    %exp3A = math.exp %neg3A_1821 : vector<16xf32>
    %add3A_1822 = arith.constant 1.000000e+00 : f32
    %add3A_1823 = vector.broadcast %add3A_1822 : f32 to vector<16xf32>
    %add3A_1824 = arith.addf %add3A_1823, %exp3A : vector<16xf32>
    %div3A_1825 = arith.constant 1.000000e+00 : f32
    %div3A_1826 = vector.broadcast %div3A_1825 : f32 to vector<16xf32>
    %div3A_1827 = arith.divf %div3A_1826, %add3A_1824 : vector<16xf32>
    %sub3A = arith.constant 1.000000e+00 : f32
    %sub3A_1828 = vector.broadcast %sub3A : f32 to vector<16xf32>
    %sub3A_1829 = arith.subf %sub3A_1828, %div3A_1827 : vector<16xf32>
    %swap3A = arith.constant 0 : index
    %swap3A_1830 = tpu.vector_load %arg17[%swap3A] {strides = array<i32>} : memref<128xf32, #tpu.memory_space<vmem>>, vector<16xf32>,
    %swap3A_1831 = vector.shape_cast %swap3A_1830 : vector<16xf32> to vector<16xf32>
    %swap3A_1832 = vector.shape_cast %sub3A_1829 : vector<16xf32> to vector<16xf32>
    tpu.vector_store %arg17[%swap3A], %swap3A_1832 {strides = array<i32>} : memref<128xf32, #tpu.memory_space<vmem>>, vector<16xf32>,
    %swap3A_1833 = arith.constant 0 : index
    %swap3A_1834 = tpu.vector_load %arg18[%swap3A_1833] {strides = array<i32>} : memref<128xf32, #tpu.memory_space<vmem>>, vector<16xf32>,
    %swap3A_1835 = vector.shape_cast %swap3A_1834 : vector<16xf32> to vector<16xf32>
    %swap3A_1836 = vector.shape_cast %div3A_1827 : vector<16xf32> to vector<16xf32>
    tpu.vector_store %arg18[%swap3A_1833], %swap3A_1836 {strides = array<i32>} : memref<128xf32, #tpu.memory_space<vmem>>, vector<16xf32>,
    %get3A_1837 = arith.constant 16 : index
    %get3A_1838 = tpu.vector_load %arg13[%get3A_1837] {strides = array<i32>} : memref<6400xf32, #tpu.memory_space<vmem>>, vector<16xf32>,
    %get3A_1839 = vector.shape_cast %get3A_1838 : vector<16xf32> to vector<16xf32>
    %get3A_1840 = arith.constant 144 : index
    %get3A_1841 = tpu.vector_load %arg13[%get3A_1840] {strides = array<i32>} : memref<6400xf32, #tpu.memory_space<vmem>>, vector<16xf32>,
    %get3A_1842 = vector.shape_cast %get3A_1841 : vector<16xf32> to vector<16xf32>
    %add3A_1843 = arith.addf %get3A_1839, %get3A_1842 : vector<16xf32>
    %get3A_1844 = arith.constant 272 : index
    %get3A_1845 = tpu.vector_load %arg13[%get3A_1844] {strides = array<i32>} : memref<6400xf32, #tpu.memory_space<vmem>>, vector<16xf32>,
    %get3A_1846 = vector.shape_cast %get3A_1845 : vector<16xf32> to vector<16xf32>
    %add3A_1847 = arith.addf %add3A_1843, %get3A_1846 : vector<16xf32>
    %get3A_1848 = arith.constant 400 : index
    %get3A_1849 = tpu.vector_load %arg13[%get3A_1848] {strides = array<i32>} : memref<6400xf32, #tpu.memory_space<vmem>>, vector<16xf32>,
    %get3A_1850 = vector.shape_cast %get3A_1849 : vector<16xf32> to vector<16xf32>
    %add3A_1851 = arith.addf %add3A_1847, %get3A_1850 : vector<16xf32>
    %get3A_1852 = arith.constant 528 : index
    %get3A_1853 = tpu.vector_load %arg13[%get3A_1852] {strides = array<i32>} : memref<6400xf32, #tpu.memory_space<vmem>>, vector<16xf32>,
    %get3A_1854 = vector.shape_cast %get3A_1853 : vector<16xf32> to vector<16xf32>
    %add3A_1855 = arith.addf %add3A_1851, %get3A_1854 : vector<16xf32>
    %get3A_1856 = arith.constant 656 : index
    %get3A_1857 = tpu.vector_load %arg13[%get3A_1856] {strides = array<i32>} : memref<6400xf32, #tpu.memory_space<vmem>>, vector<16xf32>,
    %get3A_1858 = vector.shape_cast %get3A_1857 : vector<16xf32> to vector<16xf32>
    %add3A_1859 = arith.addf %add3A_1855, %get3A_1858 : vector<16xf32>
    %get3A_1860 = arith.constant 784 : index
    %get3A_1861 = tpu.vector_load %arg13[%get3A_1860] {strides = array<i32>} : memref<6400xf32, #tpu.memory_space<vmem>>, vector<16xf32>,
    %get3A_1862 = vector.shape_cast %get3A_1861 : vector<16xf32> to vector<16xf32>
    %add3A_1863 = arith.addf %add3A_1859, %get3A_1862 : vector<16xf32>
    %get3A_1864 = arith.constant 912 : index
    %get3A_1865 = tpu.vector_load %arg13[%get3A_1864] {strides = array<i32>} : memref<6400xf32, #tpu.memory_space<vmem>>, vector<16xf32>,
    %get3A_1866 = vector.shape_cast %get3A_1865 : vector<16xf32> to vector<16xf32>
    %add3A_1867 = arith.addf %add3A_1863, %get3A_1866 : vector<16xf32>
    %get3A_1868 = arith.constant 1040 : index
    %get3A_1869 = tpu.vector_load %arg13[%get3A_1868] {strides = array<i32>} : memref<6400xf32, #tpu.memory_space<vmem>>, vector<16xf32>,
    %get3A_1870 = vector.shape_cast %get3A_1869 : vector<16xf32> to vector<16xf32>
    %add3A_1871 = arith.addf %add3A_1867, %get3A_1870 : vector<16xf32>
    %get3A_1872 = arith.constant 1168 : index
    %get3A_1873 = tpu.vector_load %arg13[%get3A_1872] {strides = array<i32>} : memref<6400xf32, #tpu.memory_space<vmem>>, vector<16xf32>,
    %get3A_1874 = vector.shape_cast %get3A_1873 : vector<16xf32> to vector<16xf32>
    %add3A_1875 = arith.addf %add3A_1871, %get3A_1874 : vector<16xf32>
    %get3A_1876 = arith.constant 1296 : index
    %get3A_1877 = tpu.vector_load %arg13[%get3A_1876] {strides = array<i32>} : memref<6400xf32, #tpu.memory_space<vmem>>, vector<16xf32>,
    %get3A_1878 = vector.shape_cast %get3A_1877 : vector<16xf32> to vector<16xf32>
    %add3A_1879 = arith.addf %add3A_1875, %get3A_1878 : vector<16xf32>
    %get3A_1880 = arith.constant 1424 : index
    %get3A_1881 = tpu.vector_load %arg13[%get3A_1880] {strides = array<i32>} : memref<6400xf32, #tpu.memory_space<vmem>>, vector<16xf32>,
    %get3A_1882 = vector.shape_cast %get3A_1881 : vector<16xf32> to vector<16xf32>
    %add3A_1883 = arith.addf %add3A_1879, %get3A_1882 : vector<16xf32>
    %get3A_1884 = arith.constant 1552 : index
    %get3A_1885 = tpu.vector_load %arg13[%get3A_1884] {strides = array<i32>} : memref<6400xf32, #tpu.memory_space<vmem>>, vector<16xf32>,
    %get3A_1886 = vector.shape_cast %get3A_1885 : vector<16xf32> to vector<16xf32>
    %add3A_1887 = arith.addf %add3A_1883, %get3A_1886 : vector<16xf32>
    %get3A_1888 = arith.constant 1680 : index
    %get3A_1889 = tpu.vector_load %arg13[%get3A_1888] {strides = array<i32>} : memref<6400xf32, #tpu.memory_space<vmem>>, vector<16xf32>,
    %get3A_1890 = vector.shape_cast %get3A_1889 : vector<16xf32> to vector<16xf32>
    %add3A_1891 = arith.addf %add3A_1887, %get3A_1890 : vector<16xf32>
    %get3A_1892 = arith.constant 1808 : index
    %get3A_1893 = tpu.vector_load %arg13[%get3A_1892] {strides = array<i32>} : memref<6400xf32, #tpu.memory_space<vmem>>, vector<16xf32>,
    %get3A_1894 = vector.shape_cast %get3A_1893 : vector<16xf32> to vector<16xf32>
    %add3A_1895 = arith.addf %add3A_1891, %get3A_1894 : vector<16xf32>
    %get3A_1896 = arith.constant 1936 : index
    %get3A_1897 = tpu.vector_load %arg13[%get3A_1896] {strides = array<i32>} : memref<6400xf32, #tpu.memory_space<vmem>>, vector<16xf32>,
    %get3A_1898 = vector.shape_cast %get3A_1897 : vector<16xf32> to vector<16xf32>
    %add3A_1899 = arith.addf %add3A_1895, %get3A_1898 : vector<16xf32>
    %get3A_1900 = arith.constant 2064 : index
    %get3A_1901 = tpu.vector_load %arg13[%get3A_1900] {strides = array<i32>} : memref<6400xf32, #tpu.memory_space<vmem>>, vector<16xf32>,
    %get3A_1902 = vector.shape_cast %get3A_1901 : vector<16xf32> to vector<16xf32>
    %add3A_1903 = arith.addf %add3A_1899, %get3A_1902 : vector<16xf32>
    %get3A_1904 = arith.constant 2192 : index
    %get3A_1905 = tpu.vector_load %arg13[%get3A_1904] {strides = array<i32>} : memref<6400xf32, #tpu.memory_space<vmem>>, vector<16xf32>,
    %get3A_1906 = vector.shape_cast %get3A_1905 : vector<16xf32> to vector<16xf32>
    %add3A_1907 = arith.addf %add3A_1903, %get3A_1906 : vector<16xf32>
    %get3A_1908 = arith.constant 2320 : index
    %get3A_1909 = tpu.vector_load %arg13[%get3A_1908] {strides = array<i32>} : memref<6400xf32, #tpu.memory_space<vmem>>, vector<16xf32>,
    %get3A_1910 = vector.shape_cast %get3A_1909 : vector<16xf32> to vector<16xf32>
    %add3A_1911 = arith.addf %add3A_1907, %get3A_1910 : vector<16xf32>
    %get3A_1912 = arith.constant 2448 : index
    %get3A_1913 = tpu.vector_load %arg13[%get3A_1912] {strides = array<i32>} : memref<6400xf32, #tpu.memory_space<vmem>>, vector<16xf32>,
    %get3A_1914 = vector.shape_cast %get3A_1913 : vector<16xf32> to vector<16xf32>
    %add3A_1915 = arith.addf %add3A_1911, %get3A_1914 : vector<16xf32>
    %get3A_1916 = arith.constant 2576 : index
    %get3A_1917 = tpu.vector_load %arg13[%get3A_1916] {strides = array<i32>} : memref<6400xf32, #tpu.memory_space<vmem>>, vector<16xf32>,
    %get3A_1918 = vector.shape_cast %get3A_1917 : vector<16xf32> to vector<16xf32>
    %add3A_1919 = arith.addf %add3A_1915, %get3A_1918 : vector<16xf32>
    %get3A_1920 = arith.constant 2704 : index
    %get3A_1921 = tpu.vector_load %arg13[%get3A_1920] {strides = array<i32>} : memref<6400xf32, #tpu.memory_space<vmem>>, vector<16xf32>,
    %get3A_1922 = vector.shape_cast %get3A_1921 : vector<16xf32> to vector<16xf32>
    %add3A_1923 = arith.addf %add3A_1919, %get3A_1922 : vector<16xf32>
    %get3A_1924 = arith.constant 2832 : index
    %get3A_1925 = tpu.vector_load %arg13[%get3A_1924] {strides = array<i32>} : memref<6400xf32, #tpu.memory_space<vmem>>, vector<16xf32>,
    %get3A_1926 = vector.shape_cast %get3A_1925 : vector<16xf32> to vector<16xf32>
    %add3A_1927 = arith.addf %add3A_1923, %get3A_1926 : vector<16xf32>
    %get3A_1928 = arith.constant 2960 : index
    %get3A_1929 = tpu.vector_load %arg13[%get3A_1928] {strides = array<i32>} : memref<6400xf32, #tpu.memory_space<vmem>>, vector<16xf32>,
    %get3A_1930 = vector.shape_cast %get3A_1929 : vector<16xf32> to vector<16xf32>
    %add3A_1931 = arith.addf %add3A_1927, %get3A_1930 : vector<16xf32>
    %get3A_1932 = arith.constant 3088 : index
    %get3A_1933 = tpu.vector_load %arg13[%get3A_1932] {strides = array<i32>} : memref<6400xf32, #tpu.memory_space<vmem>>, vector<16xf32>,
    %get3A_1934 = vector.shape_cast %get3A_1933 : vector<16xf32> to vector<16xf32>
    %add3A_1935 = arith.addf %add3A_1931, %get3A_1934 : vector<16xf32>
    %get3A_1936 = arith.constant 3216 : index
    %get3A_1937 = tpu.vector_load %arg13[%get3A_1936] {strides = array<i32>} : memref<6400xf32, #tpu.memory_space<vmem>>, vector<16xf32>,
    %get3A_1938 = vector.shape_cast %get3A_1937 : vector<16xf32> to vector<16xf32>
    %add3A_1939 = arith.addf %add3A_1935, %get3A_1938 : vector<16xf32>
    %get3A_1940 = arith.constant 3344 : index
    %get3A_1941 = tpu.vector_load %arg13[%get3A_1940] {strides = array<i32>} : memref<6400xf32, #tpu.memory_space<vmem>>, vector<16xf32>,
    %get3A_1942 = vector.shape_cast %get3A_1941 : vector<16xf32> to vector<16xf32>
    %add3A_1943 = arith.addf %add3A_1939, %get3A_1942 : vector<16xf32>
    %get3A_1944 = arith.constant 3472 : index
    %get3A_1945 = tpu.vector_load %arg13[%get3A_1944] {strides = array<i32>} : memref<6400xf32, #tpu.memory_space<vmem>>, vector<16xf32>,
    %get3A_1946 = vector.shape_cast %get3A_1945 : vector<16xf32> to vector<16xf32>
    %add3A_1947 = arith.addf %add3A_1943, %get3A_1946 : vector<16xf32>
    %get3A_1948 = arith.constant 3600 : index
    %get3A_1949 = tpu.vector_load %arg13[%get3A_1948] {strides = array<i32>} : memref<6400xf32, #tpu.memory_space<vmem>>, vector<16xf32>,
    %get3A_1950 = vector.shape_cast %get3A_1949 : vector<16xf32> to vector<16xf32>
    %add3A_1951 = arith.addf %add3A_1947, %get3A_1950 : vector<16xf32>
    %get3A_1952 = arith.constant 3728 : index
    %get3A_1953 = tpu.vector_load %arg13[%get3A_1952] {strides = array<i32>} : memref<6400xf32, #tpu.memory_space<vmem>>, vector<16xf32>,
    %get3A_1954 = vector.shape_cast %get3A_1953 : vector<16xf32> to vector<16xf32>
    %add3A_1955 = arith.addf %add3A_1951, %get3A_1954 : vector<16xf32>
    %get3A_1956 = arith.constant 3856 : index
    %get3A_1957 = tpu.vector_load %arg13[%get3A_1956] {strides = array<i32>} : memref<6400xf32, #tpu.memory_space<vmem>>, vector<16xf32>,
    %get3A_1958 = vector.shape_cast %get3A_1957 : vector<16xf32> to vector<16xf32>
    %add3A_1959 = arith.addf %add3A_1955, %get3A_1958 : vector<16xf32>
    %get3A_1960 = arith.constant 3984 : index
    %get3A_1961 = tpu.vector_load %arg13[%get3A_1960] {strides = array<i32>} : memref<6400xf32, #tpu.memory_space<vmem>>, vector<16xf32>,
    %get3A_1962 = vector.shape_cast %get3A_1961 : vector<16xf32> to vector<16xf32>
    %add3A_1963 = arith.addf %add3A_1959, %get3A_1962 : vector<16xf32>
    %get3A_1964 = arith.constant 4112 : index
    %get3A_1965 = tpu.vector_load %arg13[%get3A_1964] {strides = array<i32>} : memref<6400xf32, #tpu.memory_space<vmem>>, vector<16xf32>,
    %get3A_1966 = vector.shape_cast %get3A_1965 : vector<16xf32> to vector<16xf32>
    %add3A_1967 = arith.addf %add3A_1963, %get3A_1966 : vector<16xf32>
    %get3A_1968 = arith.constant 4240 : index
    %get3A_1969 = tpu.vector_load %arg13[%get3A_1968] {strides = array<i32>} : memref<6400xf32, #tpu.memory_space<vmem>>, vector<16xf32>,
    %get3A_1970 = vector.shape_cast %get3A_1969 : vector<16xf32> to vector<16xf32>
    %add3A_1971 = arith.addf %add3A_1967, %get3A_1970 : vector<16xf32>
    %get3A_1972 = arith.constant 4368 : index
    %get3A_1973 = tpu.vector_load %arg13[%get3A_1972] {strides = array<i32>} : memref<6400xf32, #tpu.memory_space<vmem>>, vector<16xf32>,
    %get3A_1974 = vector.shape_cast %get3A_1973 : vector<16xf32> to vector<16xf32>
    %add3A_1975 = arith.addf %add3A_1971, %get3A_1974 : vector<16xf32>
    %get3A_1976 = arith.constant 4496 : index
    %get3A_1977 = tpu.vector_load %arg13[%get3A_1976] {strides = array<i32>} : memref<6400xf32, #tpu.memory_space<vmem>>, vector<16xf32>,
    %get3A_1978 = vector.shape_cast %get3A_1977 : vector<16xf32> to vector<16xf32>
    %add3A_1979 = arith.addf %add3A_1975, %get3A_1978 : vector<16xf32>
    %get3A_1980 = arith.constant 4624 : index
    %get3A_1981 = tpu.vector_load %arg13[%get3A_1980] {strides = array<i32>} : memref<6400xf32, #tpu.memory_space<vmem>>, vector<16xf32>,
    %get3A_1982 = vector.shape_cast %get3A_1981 : vector<16xf32> to vector<16xf32>
    %add3A_1983 = arith.addf %add3A_1979, %get3A_1982 : vector<16xf32>
    %get3A_1984 = arith.constant 4752 : index
    %get3A_1985 = tpu.vector_load %arg13[%get3A_1984] {strides = array<i32>} : memref<6400xf32, #tpu.memory_space<vmem>>, vector<16xf32>,
    %get3A_1986 = vector.shape_cast %get3A_1985 : vector<16xf32> to vector<16xf32>
    %add3A_1987 = arith.addf %add3A_1983, %get3A_1986 : vector<16xf32>
    %get3A_1988 = arith.constant 4880 : index
    %get3A_1989 = tpu.vector_load %arg13[%get3A_1988] {strides = array<i32>} : memref<6400xf32, #tpu.memory_space<vmem>>, vector<16xf32>,
    %get3A_1990 = vector.shape_cast %get3A_1989 : vector<16xf32> to vector<16xf32>
    %add3A_1991 = arith.addf %add3A_1987, %get3A_1990 : vector<16xf32>
    %get3A_1992 = arith.constant 5008 : index
    %get3A_1993 = tpu.vector_load %arg13[%get3A_1992] {strides = array<i32>} : memref<6400xf32, #tpu.memory_space<vmem>>, vector<16xf32>,
    %get3A_1994 = vector.shape_cast %get3A_1993 : vector<16xf32> to vector<16xf32>
    %add3A_1995 = arith.addf %add3A_1991, %get3A_1994 : vector<16xf32>
    %get3A_1996 = arith.constant 5136 : index
    %get3A_1997 = tpu.vector_load %arg13[%get3A_1996] {strides = array<i32>} : memref<6400xf32, #tpu.memory_space<vmem>>, vector<16xf32>,
    %get3A_1998 = vector.shape_cast %get3A_1997 : vector<16xf32> to vector<16xf32>
    %add3A_1999 = arith.addf %add3A_1995, %get3A_1998 : vector<16xf32>
    %get3A_2000 = arith.constant 5264 : index
    %get3A_2001 = tpu.vector_load %arg13[%get3A_2000] {strides = array<i32>} : memref<6400xf32, #tpu.memory_space<vmem>>, vector<16xf32>,
    %get3A_2002 = vector.shape_cast %get3A_2001 : vector<16xf32> to vector<16xf32>
    %add3A_2003 = arith.addf %add3A_1999, %get3A_2002 : vector<16xf32>
    %get3A_2004 = arith.constant 5392 : index
    %get3A_2005 = tpu.vector_load %arg13[%get3A_2004] {strides = array<i32>} : memref<6400xf32, #tpu.memory_space<vmem>>, vector<16xf32>,
    %get3A_2006 = vector.shape_cast %get3A_2005 : vector<16xf32> to vector<16xf32>
    %add3A_2007 = arith.addf %add3A_2003, %get3A_2006 : vector<16xf32>
    %get3A_2008 = arith.constant 5520 : index
    %get3A_2009 = tpu.vector_load %arg13[%get3A_2008] {strides = array<i32>} : memref<6400xf32, #tpu.memory_space<vmem>>, vector<16xf32>,
    %get3A_2010 = vector.shape_cast %get3A_2009 : vector<16xf32> to vector<16xf32>
    %add3A_2011 = arith.addf %add3A_2007, %get3A_2010 : vector<16xf32>
    %get3A_2012 = arith.constant 5648 : index
    %get3A_2013 = tpu.vector_load %arg13[%get3A_2012] {strides = array<i32>} : memref<6400xf32, #tpu.memory_space<vmem>>, vector<16xf32>,
    %get3A_2014 = vector.shape_cast %get3A_2013 : vector<16xf32> to vector<16xf32>
    %add3A_2015 = arith.addf %add3A_2011, %get3A_2014 : vector<16xf32>
    %get3A_2016 = arith.constant 5776 : index
    %get3A_2017 = tpu.vector_load %arg13[%get3A_2016] {strides = array<i32>} : memref<6400xf32, #tpu.memory_space<vmem>>, vector<16xf32>,
    %get3A_2018 = vector.shape_cast %get3A_2017 : vector<16xf32> to vector<16xf32>
    %add3A_2019 = arith.addf %add3A_2015, %get3A_2018 : vector<16xf32>
    %get3A_2020 = arith.constant 5904 : index
    %get3A_2021 = tpu.vector_load %arg13[%get3A_2020] {strides = array<i32>} : memref<6400xf32, #tpu.memory_space<vmem>>, vector<16xf32>,
    %get3A_2022 = vector.shape_cast %get3A_2021 : vector<16xf32> to vector<16xf32>
    %add3A_2023 = arith.addf %add3A_2019, %get3A_2022 : vector<16xf32>
    %get3A_2024 = arith.constant 6032 : index
    %get3A_2025 = tpu.vector_load %arg13[%get3A_2024] {strides = array<i32>} : memref<6400xf32, #tpu.memory_space<vmem>>, vector<16xf32>,
    %get3A_2026 = vector.shape_cast %get3A_2025 : vector<16xf32> to vector<16xf32>
    %add3A_2027 = arith.addf %add3A_2023, %get3A_2026 : vector<16xf32>
    %get3A_2028 = arith.constant 6160 : index
    %get3A_2029 = tpu.vector_load %arg13[%get3A_2028] {strides = array<i32>} : memref<6400xf32, #tpu.memory_space<vmem>>, vector<16xf32>,
    %get3A_2030 = vector.shape_cast %get3A_2029 : vector<16xf32> to vector<16xf32>
    %add3A_2031 = arith.addf %add3A_2027, %get3A_2030 : vector<16xf32>
    %get3A_2032 = arith.constant 6288 : index
    %get3A_2033 = tpu.vector_load %arg13[%get3A_2032] {strides = array<i32>} : memref<6400xf32, #tpu.memory_space<vmem>>, vector<16xf32>,
    %get3A_2034 = vector.shape_cast %get3A_2033 : vector<16xf32> to vector<16xf32>
    %add3A_2035 = arith.addf %add3A_2031, %get3A_2034 : vector<16xf32>
    %get3A_2036 = arith.constant 16 : index
    %get3A_2037 = tpu.vector_load %arg14[%get3A_2036] {strides = array<i32>} : memref<128xi32, #tpu.memory_space<vmem>>, vector<16xi32>,
    %get3A_2038 = vector.shape_cast %get3A_2037 : vector<16xi32> to vector<16xi32>
    %convert_element_type3A_2039 = arith.sitofp %get3A_2038 : vector<16xi32> to vector<16xf32>
    %div3A_2040 = arith.constant 1.000000e+00 : f32
    %div3A_2041 = vector.broadcast %div3A_2040 : f32 to vector<16xf32>
    %div3A_2042 = arith.divf %div3A_2041, %convert_element_type3A_2039 : vector<16xf32>
    %get3A_2043 = arith.constant 16 : index
    %get3A_2044 = tpu.vector_load %arg15[%get3A_2043] {strides = array<i32>} : memref<128xi32, #tpu.memory_space<vmem>>, vector<16xi32>,
    %get3A_2045 = vector.shape_cast %get3A_2044 : vector<16xi32> to vector<16xi32>
    %convert_element_type3A_2046 = arith.sitofp %get3A_2045 : vector<16xi32> to vector<16xf32>
    %div3A_2047 = arith.constant 1.000000e+00 : f32
    %div3A_2048 = vector.broadcast %div3A_2047 : f32 to vector<16xf32>
    %div3A_2049 = arith.divf %div3A_2048, %convert_element_type3A_2046 : vector<16xf32>
    %mul3A_2050 = arith.mulf %add3A_408, %div3A_2042 : vector<16xf32>
    %mul3A_2051 = arith.mulf %add3A_2035, %div3A_2049 : vector<16xf32>
    %add3A_2052 = arith.addf %mul3A_2050, %mul3A_2051 : vector<16xf32>
    %add3A_2053 = arith.addf %add3A_2052, %get3A_9 : vector<16xf32>
    %neg3A_2054 = arith.constant 0.000000e+00 : f32
    %neg3A_2055 = vector.broadcast %neg3A_2054 : f32 to vector<16xf32>
    %neg3A_2056 = arith.subf %neg3A_2055, %add3A_2053 : vector<16xf32>
    %exp3A_2057 = math.exp %neg3A_2056 : vector<16xf32>
    %add3A_2058 = arith.constant 1.000000e+00 : f32
    %add3A_2059 = vector.broadcast %add3A_2058 : f32 to vector<16xf32>
    %add3A_2060 = arith.addf %add3A_2059, %exp3A_2057 : vector<16xf32>
    %div3A_2061 = arith.constant 1.000000e+00 : f32
    %div3A_2062 = vector.broadcast %div3A_2061 : f32 to vector<16xf32>
    %div3A_2063 = arith.divf %div3A_2062, %add3A_2060 : vector<16xf32>
    %sub3A_2064 = arith.constant 1.000000e+00 : f32
    %sub3A_2065 = vector.broadcast %sub3A_2064 : f32 to vector<16xf32>
    %sub3A_2066 = arith.subf %sub3A_2065, %div3A_2063 : vector<16xf32>
    %swap3A_2067 = arith.constant 16 : index
    %swap3A_2068 = tpu.vector_load %arg17[%swap3A_2067] {strides = array<i32>} : memref<128xf32, #tpu.memory_space<vmem>>, vector<16xf32>,
    %swap3A_2069 = vector.shape_cast %swap3A_2068 : vector<16xf32> to vector<16xf32>
    %swap3A_2070 = vector.shape_cast %sub3A_2066 : vector<16xf32> to vector<16xf32>
    tpu.vector_store %arg17[%swap3A_2067], %swap3A_2070 {strides = array<i32>} : memref<128xf32, #tpu.memory_space<vmem>>, vector<16xf32>,
    %swap3A_2071 = arith.constant 16 : index
    %swap3A_2072 = tpu.vector_load %arg18[%swap3A_2071] {strides = array<i32>} : memref<128xf32, #tpu.memory_space<vmem>>, vector<16xf32>,
    %swap3A_2073 = vector.shape_cast %swap3A_2072 : vector<16xf32> to vector<16xf32>
    %swap3A_2074 = vector.shape_cast %div3A_2063 : vector<16xf32> to vector<16xf32>
    tpu.vector_store %arg18[%swap3A_2071], %swap3A_2074 {strides = array<i32>} : memref<128xf32, #tpu.memory_space<vmem>>, vector<16xf32>,
    %get3A_2075 = arith.constant 32 : index
    %get3A_2076 = tpu.vector_load %arg13[%get3A_2075] {strides = array<i32>} : memref<6400xf32, #tpu.memory_space<vmem>>, vector<16xf32>,
    %get3A_2077 = vector.shape_cast %get3A_2076 : vector<16xf32> to vector<16xf32>
    %get3A_2078 = arith.constant 160 : index
    %get3A_2079 = tpu.vector_load %arg13[%get3A_2078] {strides = array<i32>} : memref<6400xf32, #tpu.memory_space<vmem>>, vector<16xf32>,
    %get3A_2080 = vector.shape_cast %get3A_2079 : vector<16xf32> to vector<16xf32>
    %add3A_2081 = arith.addf %get3A_2077, %get3A_2080 : vector<16xf32>
    %get3A_2082 = arith.constant 288 : index
    %get3A_2083 = tpu.vector_load %arg13[%get3A_2082] {strides = array<i32>} : memref<6400xf32, #tpu.memory_space<vmem>>, vector<16xf32>,
    %get3A_2084 = vector.shape_cast %get3A_2083 : vector<16xf32> to vector<16xf32>
    %add3A_2085 = arith.addf %add3A_2081, %get3A_2084 : vector<16xf32>
    %get3A_2086 = arith.constant 416 : index
    %get3A_2087 = tpu.vector_load %arg13[%get3A_2086] {strides = array<i32>} : memref<6400xf32, #tpu.memory_space<vmem>>, vector<16xf32>,
    %get3A_2088 = vector.shape_cast %get3A_2087 : vector<16xf32> to vector<16xf32>
    %add3A_2089 = arith.addf %add3A_2085, %get3A_2088 : vector<16xf32>
    %get3A_2090 = arith.constant 544 : index
    %get3A_2091 = tpu.vector_load %arg13[%get3A_2090] {strides = array<i32>} : memref<6400xf32, #tpu.memory_space<vmem>>, vector<16xf32>,
    %get3A_2092 = vector.shape_cast %get3A_2091 : vector<16xf32> to vector<16xf32>
    %add3A_2093 = arith.addf %add3A_2089, %get3A_2092 : vector<16xf32>
    %get3A_2094 = arith.constant 672 : index
    %get3A_2095 = tpu.vector_load %arg13[%get3A_2094] {strides = array<i32>} : memref<6400xf32, #tpu.memory_space<vmem>>, vector<16xf32>,
    %get3A_2096 = vector.shape_cast %get3A_2095 : vector<16xf32> to vector<16xf32>
    %add3A_2097 = arith.addf %add3A_2093, %get3A_2096 : vector<16xf32>
    %get3A_2098 = arith.constant 800 : index
    %get3A_2099 = tpu.vector_load %arg13[%get3A_2098] {strides = array<i32>} : memref<6400xf32, #tpu.memory_space<vmem>>, vector<16xf32>,
    %get3A_2100 = vector.shape_cast %get3A_2099 : vector<16xf32> to vector<16xf32>
    %add3A_2101 = arith.addf %add3A_2097, %get3A_2100 : vector<16xf32>
    %get3A_2102 = arith.constant 928 : index
    %get3A_2103 = tpu.vector_load %arg13[%get3A_2102] {strides = array<i32>} : memref<6400xf32, #tpu.memory_space<vmem>>, vector<16xf32>,
    %get3A_2104 = vector.shape_cast %get3A_2103 : vector<16xf32> to vector<16xf32>
    %add3A_2105 = arith.addf %add3A_2101, %get3A_2104 : vector<16xf32>
    %get3A_2106 = arith.constant 1056 : index
    %get3A_2107 = tpu.vector_load %arg13[%get3A_2106] {strides = array<i32>} : memref<6400xf32, #tpu.memory_space<vmem>>, vector<16xf32>,
    %get3A_2108 = vector.shape_cast %get3A_2107 : vector<16xf32> to vector<16xf32>
    %add3A_2109 = arith.addf %add3A_2105, %get3A_2108 : vector<16xf32>
    %get3A_2110 = arith.constant 1184 : index
    %get3A_2111 = tpu.vector_load %arg13[%get3A_2110] {strides = array<i32>} : memref<6400xf32, #tpu.memory_space<vmem>>, vector<16xf32>,
    %get3A_2112 = vector.shape_cast %get3A_2111 : vector<16xf32> to vector<16xf32>
    %add3A_2113 = arith.addf %add3A_2109, %get3A_2112 : vector<16xf32>
    %get3A_2114 = arith.constant 1312 : index
    %get3A_2115 = tpu.vector_load %arg13[%get3A_2114] {strides = array<i32>} : memref<6400xf32, #tpu.memory_space<vmem>>, vector<16xf32>,
    %get3A_2116 = vector.shape_cast %get3A_2115 : vector<16xf32> to vector<16xf32>
    %add3A_2117 = arith.addf %add3A_2113, %get3A_2116 : vector<16xf32>
    %get3A_2118 = arith.constant 1440 : index
    %get3A_2119 = tpu.vector_load %arg13[%get3A_2118] {strides = array<i32>} : memref<6400xf32, #tpu.memory_space<vmem>>, vector<16xf32>,
    %get3A_2120 = vector.shape_cast %get3A_2119 : vector<16xf32> to vector<16xf32>
    %add3A_2121 = arith.addf %add3A_2117, %get3A_2120 : vector<16xf32>
    %get3A_2122 = arith.constant 1568 : index
    %get3A_2123 = tpu.vector_load %arg13[%get3A_2122] {strides = array<i32>} : memref<6400xf32, #tpu.memory_space<vmem>>, vector<16xf32>,
    %get3A_2124 = vector.shape_cast %get3A_2123 : vector<16xf32> to vector<16xf32>
    %add3A_2125 = arith.addf %add3A_2121, %get3A_2124 : vector<16xf32>
    %get3A_2126 = arith.constant 1696 : index
    %get3A_2127 = tpu.vector_load %arg13[%get3A_2126] {strides = array<i32>} : memref<6400xf32, #tpu.memory_space<vmem>>, vector<16xf32>,
    %get3A_2128 = vector.shape_cast %get3A_2127 : vector<16xf32> to vector<16xf32>
    %add3A_2129 = arith.addf %add3A_2125, %get3A_2128 : vector<16xf32>
    %get3A_2130 = arith.constant 1824 : index
    %get3A_2131 = tpu.vector_load %arg13[%get3A_2130] {strides = array<i32>} : memref<6400xf32, #tpu.memory_space<vmem>>, vector<16xf32>,
    %get3A_2132 = vector.shape_cast %get3A_2131 : vector<16xf32> to vector<16xf32>
    %add3A_2133 = arith.addf %add3A_2129, %get3A_2132 : vector<16xf32>
    %get3A_2134 = arith.constant 1952 : index
    %get3A_2135 = tpu.vector_load %arg13[%get3A_2134] {strides = array<i32>} : memref<6400xf32, #tpu.memory_space<vmem>>, vector<16xf32>,
    %get3A_2136 = vector.shape_cast %get3A_2135 : vector<16xf32> to vector<16xf32>
    %add3A_2137 = arith.addf %add3A_2133, %get3A_2136 : vector<16xf32>
    %get3A_2138 = arith.constant 2080 : index
    %get3A_2139 = tpu.vector_load %arg13[%get3A_2138] {strides = array<i32>} : memref<6400xf32, #tpu.memory_space<vmem>>, vector<16xf32>,
    %get3A_2140 = vector.shape_cast %get3A_2139 : vector<16xf32> to vector<16xf32>
    %add3A_2141 = arith.addf %add3A_2137, %get3A_2140 : vector<16xf32>
    %get3A_2142 = arith.constant 2208 : index
    %get3A_2143 = tpu.vector_load %arg13[%get3A_2142] {strides = array<i32>} : memref<6400xf32, #tpu.memory_space<vmem>>, vector<16xf32>,
    %get3A_2144 = vector.shape_cast %get3A_2143 : vector<16xf32> to vector<16xf32>
    %add3A_2145 = arith.addf %add3A_2141, %get3A_2144 : vector<16xf32>
    %get3A_2146 = arith.constant 2336 : index
    %get3A_2147 = tpu.vector_load %arg13[%get3A_2146] {strides = array<i32>} : memref<6400xf32, #tpu.memory_space<vmem>>, vector<16xf32>,
    %get3A_2148 = vector.shape_cast %get3A_2147 : vector<16xf32> to vector<16xf32>
    %add3A_2149 = arith.addf %add3A_2145, %get3A_2148 : vector<16xf32>
    %get3A_2150 = arith.constant 2464 : index
    %get3A_2151 = tpu.vector_load %arg13[%get3A_2150] {strides = array<i32>} : memref<6400xf32, #tpu.memory_space<vmem>>, vector<16xf32>,
    %get3A_2152 = vector.shape_cast %get3A_2151 : vector<16xf32> to vector<16xf32>
    %add3A_2153 = arith.addf %add3A_2149, %get3A_2152 : vector<16xf32>
    %get3A_2154 = arith.constant 2592 : index
    %get3A_2155 = tpu.vector_load %arg13[%get3A_2154] {strides = array<i32>} : memref<6400xf32, #tpu.memory_space<vmem>>, vector<16xf32>,
    %get3A_2156 = vector.shape_cast %get3A_2155 : vector<16xf32> to vector<16xf32>
    %add3A_2157 = arith.addf %add3A_2153, %get3A_2156 : vector<16xf32>
    %get3A_2158 = arith.constant 2720 : index
    %get3A_2159 = tpu.vector_load %arg13[%get3A_2158] {strides = array<i32>} : memref<6400xf32, #tpu.memory_space<vmem>>, vector<16xf32>,
    %get3A_2160 = vector.shape_cast %get3A_2159 : vector<16xf32> to vector<16xf32>
    %add3A_2161 = arith.addf %add3A_2157, %get3A_2160 : vector<16xf32>
    %get3A_2162 = arith.constant 2848 : index
    %get3A_2163 = tpu.vector_load %arg13[%get3A_2162] {strides = array<i32>} : memref<6400xf32, #tpu.memory_space<vmem>>, vector<16xf32>,
    %get3A_2164 = vector.shape_cast %get3A_2163 : vector<16xf32> to vector<16xf32>
    %add3A_2165 = arith.addf %add3A_2161, %get3A_2164 : vector<16xf32>
    %get3A_2166 = arith.constant 2976 : index
    %get3A_2167 = tpu.vector_load %arg13[%get3A_2166] {strides = array<i32>} : memref<6400xf32, #tpu.memory_space<vmem>>, vector<16xf32>,
    %get3A_2168 = vector.shape_cast %get3A_2167 : vector<16xf32> to vector<16xf32>
    %add3A_2169 = arith.addf %add3A_2165, %get3A_2168 : vector<16xf32>
    %get3A_2170 = arith.constant 3104 : index
    %get3A_2171 = tpu.vector_load %arg13[%get3A_2170] {strides = array<i32>} : memref<6400xf32, #tpu.memory_space<vmem>>, vector<16xf32>,
    %get3A_2172 = vector.shape_cast %get3A_2171 : vector<16xf32> to vector<16xf32>
    %add3A_2173 = arith.addf %add3A_2169, %get3A_2172 : vector<16xf32>
    %get3A_2174 = arith.constant 3232 : index
    %get3A_2175 = tpu.vector_load %arg13[%get3A_2174] {strides = array<i32>} : memref<6400xf32, #tpu.memory_space<vmem>>, vector<16xf32>,
    %get3A_2176 = vector.shape_cast %get3A_2175 : vector<16xf32> to vector<16xf32>
    %add3A_2177 = arith.addf %add3A_2173, %get3A_2176 : vector<16xf32>
    %get3A_2178 = arith.constant 3360 : index
    %get3A_2179 = tpu.vector_load %arg13[%get3A_2178] {strides = array<i32>} : memref<6400xf32, #tpu.memory_space<vmem>>, vector<16xf32>,
    %get3A_2180 = vector.shape_cast %get3A_2179 : vector<16xf32> to vector<16xf32>
    %add3A_2181 = arith.addf %add3A_2177, %get3A_2180 : vector<16xf32>
    %get3A_2182 = arith.constant 3488 : index
    %get3A_2183 = tpu.vector_load %arg13[%get3A_2182] {strides = array<i32>} : memref<6400xf32, #tpu.memory_space<vmem>>, vector<16xf32>,
    %get3A_2184 = vector.shape_cast %get3A_2183 : vector<16xf32> to vector<16xf32>
    %add3A_2185 = arith.addf %add3A_2181, %get3A_2184 : vector<16xf32>
    %get3A_2186 = arith.constant 3616 : index
    %get3A_2187 = tpu.vector_load %arg13[%get3A_2186] {strides = array<i32>} : memref<6400xf32, #tpu.memory_space<vmem>>, vector<16xf32>,
    %get3A_2188 = vector.shape_cast %get3A_2187 : vector<16xf32> to vector<16xf32>
    %add3A_2189 = arith.addf %add3A_2185, %get3A_2188 : vector<16xf32>
    %get3A_2190 = arith.constant 3744 : index
    %get3A_2191 = tpu.vector_load %arg13[%get3A_2190] {strides = array<i32>} : memref<6400xf32, #tpu.memory_space<vmem>>, vector<16xf32>,
    %get3A_2192 = vector.shape_cast %get3A_2191 : vector<16xf32> to vector<16xf32>
    %add3A_2193 = arith.addf %add3A_2189, %get3A_2192 : vector<16xf32>
    %get3A_2194 = arith.constant 3872 : index
    %get3A_2195 = tpu.vector_load %arg13[%get3A_2194] {strides = array<i32>} : memref<6400xf32, #tpu.memory_space<vmem>>, vector<16xf32>,
    %get3A_2196 = vector.shape_cast %get3A_2195 : vector<16xf32> to vector<16xf32>
    %add3A_2197 = arith.addf %add3A_2193, %get3A_2196 : vector<16xf32>
    %get3A_2198 = arith.constant 4000 : index
    %get3A_2199 = tpu.vector_load %arg13[%get3A_2198] {strides = array<i32>} : memref<6400xf32, #tpu.memory_space<vmem>>, vector<16xf32>,
    %get3A_2200 = vector.shape_cast %get3A_2199 : vector<16xf32> to vector<16xf32>
    %add3A_2201 = arith.addf %add3A_2197, %get3A_2200 : vector<16xf32>
    %get3A_2202 = arith.constant 4128 : index
    %get3A_2203 = tpu.vector_load %arg13[%get3A_2202] {strides = array<i32>} : memref<6400xf32, #tpu.memory_space<vmem>>, vector<16xf32>,
    %get3A_2204 = vector.shape_cast %get3A_2203 : vector<16xf32> to vector<16xf32>
    %add3A_2205 = arith.addf %add3A_2201, %get3A_2204 : vector<16xf32>
    %get3A_2206 = arith.constant 4256 : index
    %get3A_2207 = tpu.vector_load %arg13[%get3A_2206] {strides = array<i32>} : memref<6400xf32, #tpu.memory_space<vmem>>, vector<16xf32>,
    %get3A_2208 = vector.shape_cast %get3A_2207 : vector<16xf32> to vector<16xf32>
    %add3A_2209 = arith.addf %add3A_2205, %get3A_2208 : vector<16xf32>
    %get3A_2210 = arith.constant 4384 : index
    %get3A_2211 = tpu.vector_load %arg13[%get3A_2210] {strides = array<i32>} : memref<6400xf32, #tpu.memory_space<vmem>>, vector<16xf32>,
    %get3A_2212 = vector.shape_cast %get3A_2211 : vector<16xf32> to vector<16xf32>
    %add3A_2213 = arith.addf %add3A_2209, %get3A_2212 : vector<16xf32>
    %get3A_2214 = arith.constant 4512 : index
    %get3A_2215 = tpu.vector_load %arg13[%get3A_2214] {strides = array<i32>} : memref<6400xf32, #tpu.memory_space<vmem>>, vector<16xf32>,
    %get3A_2216 = vector.shape_cast %get3A_2215 : vector<16xf32> to vector<16xf32>
    %add3A_2217 = arith.addf %add3A_2213, %get3A_2216 : vector<16xf32>
    %get3A_2218 = arith.constant 4640 : index
    %get3A_2219 = tpu.vector_load %arg13[%get3A_2218] {strides = array<i32>} : memref<6400xf32, #tpu.memory_space<vmem>>, vector<16xf32>,
    %get3A_2220 = vector.shape_cast %get3A_2219 : vector<16xf32> to vector<16xf32>
    %add3A_2221 = arith.addf %add3A_2217, %get3A_2220 : vector<16xf32>
    %get3A_2222 = arith.constant 4768 : index
    %get3A_2223 = tpu.vector_load %arg13[%get3A_2222] {strides = array<i32>} : memref<6400xf32, #tpu.memory_space<vmem>>, vector<16xf32>,
    %get3A_2224 = vector.shape_cast %get3A_2223 : vector<16xf32> to vector<16xf32>
    %add3A_2225 = arith.addf %add3A_2221, %get3A_2224 : vector<16xf32>
    %get3A_2226 = arith.constant 4896 : index
    %get3A_2227 = tpu.vector_load %arg13[%get3A_2226] {strides = array<i32>} : memref<6400xf32, #tpu.memory_space<vmem>>, vector<16xf32>,
    %get3A_2228 = vector.shape_cast %get3A_2227 : vector<16xf32> to vector<16xf32>
    %add3A_2229 = arith.addf %add3A_2225, %get3A_2228 : vector<16xf32>
    %get3A_2230 = arith.constant 5024 : index
    %get3A_2231 = tpu.vector_load %arg13[%get3A_2230] {strides = array<i32>} : memref<6400xf32, #tpu.memory_space<vmem>>, vector<16xf32>,
    %get3A_2232 = vector.shape_cast %get3A_2231 : vector<16xf32> to vector<16xf32>
    %add3A_2233 = arith.addf %add3A_2229, %get3A_2232 : vector<16xf32>
    %get3A_2234 = arith.constant 5152 : index
    %get3A_2235 = tpu.vector_load %arg13[%get3A_2234] {strides = array<i32>} : memref<6400xf32, #tpu.memory_space<vmem>>, vector<16xf32>,
    %get3A_2236 = vector.shape_cast %get3A_2235 : vector<16xf32> to vector<16xf32>
    %add3A_2237 = arith.addf %add3A_2233, %get3A_2236 : vector<16xf32>
    %get3A_2238 = arith.constant 5280 : index
    %get3A_2239 = tpu.vector_load %arg13[%get3A_2238] {strides = array<i32>} : memref<6400xf32, #tpu.memory_space<vmem>>, vector<16xf32>,
    %get3A_2240 = vector.shape_cast %get3A_2239 : vector<16xf32> to vector<16xf32>
    %add3A_2241 = arith.addf %add3A_2237, %get3A_2240 : vector<16xf32>
    %get3A_2242 = arith.constant 5408 : index
    %get3A_2243 = tpu.vector_load %arg13[%get3A_2242] {strides = array<i32>} : memref<6400xf32, #tpu.memory_space<vmem>>, vector<16xf32>,
    %get3A_2244 = vector.shape_cast %get3A_2243 : vector<16xf32> to vector<16xf32>
    %add3A_2245 = arith.addf %add3A_2241, %get3A_2244 : vector<16xf32>
    %get3A_2246 = arith.constant 5536 : index
    %get3A_2247 = tpu.vector_load %arg13[%get3A_2246] {strides = array<i32>} : memref<6400xf32, #tpu.memory_space<vmem>>, vector<16xf32>,
    %get3A_2248 = vector.shape_cast %get3A_2247 : vector<16xf32> to vector<16xf32>
    %add3A_2249 = arith.addf %add3A_2245, %get3A_2248 : vector<16xf32>
    %get3A_2250 = arith.constant 5664 : index
    %get3A_2251 = tpu.vector_load %arg13[%get3A_2250] {strides = array<i32>} : memref<6400xf32, #tpu.memory_space<vmem>>, vector<16xf32>,
    %get3A_2252 = vector.shape_cast %get3A_2251 : vector<16xf32> to vector<16xf32>
    %add3A_2253 = arith.addf %add3A_2249, %get3A_2252 : vector<16xf32>
    %get3A_2254 = arith.constant 5792 : index
    %get3A_2255 = tpu.vector_load %arg13[%get3A_2254] {strides = array<i32>} : memref<6400xf32, #tpu.memory_space<vmem>>, vector<16xf32>,
    %get3A_2256 = vector.shape_cast %get3A_2255 : vector<16xf32> to vector<16xf32>
    %add3A_2257 = arith.addf %add3A_2253, %get3A_2256 : vector<16xf32>
    %get3A_2258 = arith.constant 5920 : index
    %get3A_2259 = tpu.vector_load %arg13[%get3A_2258] {strides = array<i32>} : memref<6400xf32, #tpu.memory_space<vmem>>, vector<16xf32>,
    %get3A_2260 = vector.shape_cast %get3A_2259 : vector<16xf32> to vector<16xf32>
    %add3A_2261 = arith.addf %add3A_2257, %get3A_2260 : vector<16xf32>
    %get3A_2262 = arith.constant 6048 : index
    %get3A_2263 = tpu.vector_load %arg13[%get3A_2262] {strides = array<i32>} : memref<6400xf32, #tpu.memory_space<vmem>>, vector<16xf32>,
    %get3A_2264 = vector.shape_cast %get3A_2263 : vector<16xf32> to vector<16xf32>
    %add3A_2265 = arith.addf %add3A_2261, %get3A_2264 : vector<16xf32>
    %get3A_2266 = arith.constant 6176 : index
    %get3A_2267 = tpu.vector_load %arg13[%get3A_2266] {strides = array<i32>} : memref<6400xf32, #tpu.memory_space<vmem>>, vector<16xf32>,
    %get3A_2268 = vector.shape_cast %get3A_2267 : vector<16xf32> to vector<16xf32>
    %add3A_2269 = arith.addf %add3A_2265, %get3A_2268 : vector<16xf32>
    %get3A_2270 = arith.constant 6304 : index
    %get3A_2271 = tpu.vector_load %arg13[%get3A_2270] {strides = array<i32>} : memref<6400xf32, #tpu.memory_space<vmem>>, vector<16xf32>,
    %get3A_2272 = vector.shape_cast %get3A_2271 : vector<16xf32> to vector<16xf32>
    %add3A_2273 = arith.addf %add3A_2269, %get3A_2272 : vector<16xf32>
    %get3A_2274 = arith.constant 32 : index
    %get3A_2275 = tpu.vector_load %arg14[%get3A_2274] {strides = array<i32>} : memref<128xi32, #tpu.memory_space<vmem>>, vector<16xi32>,
    %get3A_2276 = vector.shape_cast %get3A_2275 : vector<16xi32> to vector<16xi32>
    %convert_element_type3A_2277 = arith.sitofp %get3A_2276 : vector<16xi32> to vector<16xf32>
    %div3A_2278 = arith.constant 1.000000e+00 : f32
    %div3A_2279 = vector.broadcast %div3A_2278 : f32 to vector<16xf32>
    %div3A_2280 = arith.divf %div3A_2279, %convert_element_type3A_2277 : vector<16xf32>
    %get3A_2281 = arith.constant 32 : index
    %get3A_2282 = tpu.vector_load %arg15[%get3A_2281] {strides = array<i32>} : memref<128xi32, #tpu.memory_space<vmem>>, vector<16xi32>,
    %get3A_2283 = vector.shape_cast %get3A_2282 : vector<16xi32> to vector<16xi32>
    %convert_element_type3A_2284 = arith.sitofp %get3A_2283 : vector<16xi32> to vector<16xf32>
    %div3A_2285 = arith.constant 1.000000e+00 : f32
    %div3A_2286 = vector.broadcast %div3A_2285 : f32 to vector<16xf32>
    %div3A_2287 = arith.divf %div3A_2286, %convert_element_type3A_2284 : vector<16xf32>
    %mul3A_2288 = arith.mulf %add3A_607, %div3A_2280 : vector<16xf32>
    %mul3A_2289 = arith.mulf %add3A_2273, %div3A_2287 : vector<16xf32>
    %add3A_2290 = arith.addf %mul3A_2288, %mul3A_2289 : vector<16xf32>
    %add3A_2291 = arith.addf %add3A_2290, %get3A_9 : vector<16xf32>
    %neg3A_2292 = arith.constant 0.000000e+00 : f32
    %neg3A_2293 = vector.broadcast %neg3A_2292 : f32 to vector<16xf32>
    %neg3A_2294 = arith.subf %neg3A_2293, %add3A_2291 : vector<16xf32>
    %exp3A_2295 = math.exp %neg3A_2294 : vector<16xf32>
    %add3A_2296 = arith.constant 1.000000e+00 : f32
    %add3A_2297 = vector.broadcast %add3A_2296 : f32 to vector<16xf32>
    %add3A_2298 = arith.addf %add3A_2297, %exp3A_2295 : vector<16xf32>
    %div3A_2299 = arith.constant 1.000000e+00 : f32
    %div3A_2300 = vector.broadcast %div3A_2299 : f32 to vector<16xf32>
    %div3A_2301 = arith.divf %div3A_2300, %add3A_2298 : vector<16xf32>
    %sub3A_2302 = arith.constant 1.000000e+00 : f32
    %sub3A_2303 = vector.broadcast %sub3A_2302 : f32 to vector<16xf32>
    %sub3A_2304 = arith.subf %sub3A_2303, %div3A_2301 : vector<16xf32>
    %swap3A_2305 = arith.constant 32 : index
    %swap3A_2306 = tpu.vector_load %arg17[%swap3A_2305] {strides = array<i32>} : memref<128xf32, #tpu.memory_space<vmem>>, vector<16xf32>,
    %swap3A_2307 = vector.shape_cast %swap3A_2306 : vector<16xf32> to vector<16xf32>
    %swap3A_2308 = vector.shape_cast %sub3A_2304 : vector<16xf32> to vector<16xf32>
    tpu.vector_store %arg17[%swap3A_2305], %swap3A_2308 {strides = array<i32>} : memref<128xf32, #tpu.memory_space<vmem>>, vector<16xf32>,
    %swap3A_2309 = arith.constant 32 : index
    %swap3A_2310 = tpu.vector_load %arg18[%swap3A_2309] {strides = array<i32>} : memref<128xf32, #tpu.memory_space<vmem>>, vector<16xf32>,
    %swap3A_2311 = vector.shape_cast %swap3A_2310 : vector<16xf32> to vector<16xf32>
    %swap3A_2312 = vector.shape_cast %div3A_2301 : vector<16xf32> to vector<16xf32>
    tpu.vector_store %arg18[%swap3A_2309], %swap3A_2312 {strides = array<i32>} : memref<128xf32, #tpu.memory_space<vmem>>, vector<16xf32>,
    %get3A_2313 = arith.constant 48 : index
    %get3A_2314 = tpu.vector_load %arg13[%get3A_2313] {strides = array<i32>} : memref<6400xf32, #tpu.memory_space<vmem>>, vector<16xf32>,
    %get3A_2315 = vector.shape_cast %get3A_2314 : vector<16xf32> to vector<16xf32>
    %get3A_2316 = arith.constant 176 : index
    %get3A_2317 = tpu.vector_load %arg13[%get3A_2316] {strides = array<i32>} : memref<6400xf32, #tpu.memory_space<vmem>>, vector<16xf32>,
    %get3A_2318 = vector.shape_cast %get3A_2317 : vector<16xf32> to vector<16xf32>
    %add3A_2319 = arith.addf %get3A_2315, %get3A_2318 : vector<16xf32>
    %get3A_2320 = arith.constant 304 : index
    %get3A_2321 = tpu.vector_load %arg13[%get3A_2320] {strides = array<i32>} : memref<6400xf32, #tpu.memory_space<vmem>>, vector<16xf32>,
    %get3A_2322 = vector.shape_cast %get3A_2321 : vector<16xf32> to vector<16xf32>
    %add3A_2323 = arith.addf %add3A_2319, %get3A_2322 : vector<16xf32>
    %get3A_2324 = arith.constant 432 : index
    %get3A_2325 = tpu.vector_load %arg13[%get3A_2324] {strides = array<i32>} : memref<6400xf32, #tpu.memory_space<vmem>>, vector<16xf32>,
    %get3A_2326 = vector.shape_cast %get3A_2325 : vector<16xf32> to vector<16xf32>
    %add3A_2327 = arith.addf %add3A_2323, %get3A_2326 : vector<16xf32>
    %get3A_2328 = arith.constant 560 : index
    %get3A_2329 = tpu.vector_load %arg13[%get3A_2328] {strides = array<i32>} : memref<6400xf32, #tpu.memory_space<vmem>>, vector<16xf32>,
    %get3A_2330 = vector.shape_cast %get3A_2329 : vector<16xf32> to vector<16xf32>
    %add3A_2331 = arith.addf %add3A_2327, %get3A_2330 : vector<16xf32>
    %get3A_2332 = arith.constant 688 : index
    %get3A_2333 = tpu.vector_load %arg13[%get3A_2332] {strides = array<i32>} : memref<6400xf32, #tpu.memory_space<vmem>>, vector<16xf32>,
    %get3A_2334 = vector.shape_cast %get3A_2333 : vector<16xf32> to vector<16xf32>
    %add3A_2335 = arith.addf %add3A_2331, %get3A_2334 : vector<16xf32>
    %get3A_2336 = arith.constant 816 : index
    %get3A_2337 = tpu.vector_load %arg13[%get3A_2336] {strides = array<i32>} : memref<6400xf32, #tpu.memory_space<vmem>>, vector<16xf32>,
    %get3A_2338 = vector.shape_cast %get3A_2337 : vector<16xf32> to vector<16xf32>
    %add3A_2339 = arith.addf %add3A_2335, %get3A_2338 : vector<16xf32>
    %get3A_2340 = arith.constant 944 : index
    %get3A_2341 = tpu.vector_load %arg13[%get3A_2340] {strides = array<i32>} : memref<6400xf32, #tpu.memory_space<vmem>>, vector<16xf32>,
    %get3A_2342 = vector.shape_cast %get3A_2341 : vector<16xf32> to vector<16xf32>
    %add3A_2343 = arith.addf %add3A_2339, %get3A_2342 : vector<16xf32>
    %get3A_2344 = arith.constant 1072 : index
    %get3A_2345 = tpu.vector_load %arg13[%get3A_2344] {strides = array<i32>} : memref<6400xf32, #tpu.memory_space<vmem>>, vector<16xf32>,
    %get3A_2346 = vector.shape_cast %get3A_2345 : vector<16xf32> to vector<16xf32>
    %add3A_2347 = arith.addf %add3A_2343, %get3A_2346 : vector<16xf32>
    %get3A_2348 = arith.constant 1200 : index
    %get3A_2349 = tpu.vector_load %arg13[%get3A_2348] {strides = array<i32>} : memref<6400xf32, #tpu.memory_space<vmem>>, vector<16xf32>,
    %get3A_2350 = vector.shape_cast %get3A_2349 : vector<16xf32> to vector<16xf32>
    %add3A_2351 = arith.addf %add3A_2347, %get3A_2350 : vector<16xf32>
    %get3A_2352 = arith.constant 1328 : index
    %get3A_2353 = tpu.vector_load %arg13[%get3A_2352] {strides = array<i32>} : memref<6400xf32, #tpu.memory_space<vmem>>, vector<16xf32>,
    %get3A_2354 = vector.shape_cast %get3A_2353 : vector<16xf32> to vector<16xf32>
    %add3A_2355 = arith.addf %add3A_2351, %get3A_2354 : vector<16xf32>
    %get3A_2356 = arith.constant 1456 : index
    %get3A_2357 = tpu.vector_load %arg13[%get3A_2356] {strides = array<i32>} : memref<6400xf32, #tpu.memory_space<vmem>>, vector<16xf32>,
    %get3A_2358 = vector.shape_cast %get3A_2357 : vector<16xf32> to vector<16xf32>
    %add3A_2359 = arith.addf %add3A_2355, %get3A_2358 : vector<16xf32>
    %get3A_2360 = arith.constant 1584 : index
    %get3A_2361 = tpu.vector_load %arg13[%get3A_2360] {strides = array<i32>} : memref<6400xf32, #tpu.memory_space<vmem>>, vector<16xf32>,
    %get3A_2362 = vector.shape_cast %get3A_2361 : vector<16xf32> to vector<16xf32>
    %add3A_2363 = arith.addf %add3A_2359, %get3A_2362 : vector<16xf32>
    %get3A_2364 = arith.constant 1712 : index
    %get3A_2365 = tpu.vector_load %arg13[%get3A_2364] {strides = array<i32>} : memref<6400xf32, #tpu.memory_space<vmem>>, vector<16xf32>,
    %get3A_2366 = vector.shape_cast %get3A_2365 : vector<16xf32> to vector<16xf32>
    %add3A_2367 = arith.addf %add3A_2363, %get3A_2366 : vector<16xf32>
    %get3A_2368 = arith.constant 1840 : index
    %get3A_2369 = tpu.vector_load %arg13[%get3A_2368] {strides = array<i32>} : memref<6400xf32, #tpu.memory_space<vmem>>, vector<16xf32>,
    %get3A_2370 = vector.shape_cast %get3A_2369 : vector<16xf32> to vector<16xf32>
    %add3A_2371 = arith.addf %add3A_2367, %get3A_2370 : vector<16xf32>
    %get3A_2372 = arith.constant 1968 : index
    %get3A_2373 = tpu.vector_load %arg13[%get3A_2372] {strides = array<i32>} : memref<6400xf32, #tpu.memory_space<vmem>>, vector<16xf32>,
    %get3A_2374 = vector.shape_cast %get3A_2373 : vector<16xf32> to vector<16xf32>
    %add3A_2375 = arith.addf %add3A_2371, %get3A_2374 : vector<16xf32>
    %get3A_2376 = arith.constant 2096 : index
    %get3A_2377 = tpu.vector_load %arg13[%get3A_2376] {strides = array<i32>} : memref<6400xf32, #tpu.memory_space<vmem>>, vector<16xf32>,
    %get3A_2378 = vector.shape_cast %get3A_2377 : vector<16xf32> to vector<16xf32>
    %add3A_2379 = arith.addf %add3A_2375, %get3A_2378 : vector<16xf32>
    %get3A_2380 = arith.constant 2224 : index
    %get3A_2381 = tpu.vector_load %arg13[%get3A_2380] {strides = array<i32>} : memref<6400xf32, #tpu.memory_space<vmem>>, vector<16xf32>,
    %get3A_2382 = vector.shape_cast %get3A_2381 : vector<16xf32> to vector<16xf32>
    %add3A_2383 = arith.addf %add3A_2379, %get3A_2382 : vector<16xf32>
    %get3A_2384 = arith.constant 2352 : index
    %get3A_2385 = tpu.vector_load %arg13[%get3A_2384] {strides = array<i32>} : memref<6400xf32, #tpu.memory_space<vmem>>, vector<16xf32>,
    %get3A_2386 = vector.shape_cast %get3A_2385 : vector<16xf32> to vector<16xf32>
    %add3A_2387 = arith.addf %add3A_2383, %get3A_2386 : vector<16xf32>
    %get3A_2388 = arith.constant 2480 : index
    %get3A_2389 = tpu.vector_load %arg13[%get3A_2388] {strides = array<i32>} : memref<6400xf32, #tpu.memory_space<vmem>>, vector<16xf32>,
    %get3A_2390 = vector.shape_cast %get3A_2389 : vector<16xf32> to vector<16xf32>
    %add3A_2391 = arith.addf %add3A_2387, %get3A_2390 : vector<16xf32>
    %get3A_2392 = arith.constant 2608 : index
    %get3A_2393 = tpu.vector_load %arg13[%get3A_2392] {strides = array<i32>} : memref<6400xf32, #tpu.memory_space<vmem>>, vector<16xf32>,
    %get3A_2394 = vector.shape_cast %get3A_2393 : vector<16xf32> to vector<16xf32>
    %add3A_2395 = arith.addf %add3A_2391, %get3A_2394 : vector<16xf32>
    %get3A_2396 = arith.constant 2736 : index
    %get3A_2397 = tpu.vector_load %arg13[%get3A_2396] {strides = array<i32>} : memref<6400xf32, #tpu.memory_space<vmem>>, vector<16xf32>,
    %get3A_2398 = vector.shape_cast %get3A_2397 : vector<16xf32> to vector<16xf32>
    %add3A_2399 = arith.addf %add3A_2395, %get3A_2398 : vector<16xf32>
    %get3A_2400 = arith.constant 2864 : index
    %get3A_2401 = tpu.vector_load %arg13[%get3A_2400] {strides = array<i32>} : memref<6400xf32, #tpu.memory_space<vmem>>, vector<16xf32>,
    %get3A_2402 = vector.shape_cast %get3A_2401 : vector<16xf32> to vector<16xf32>
    %add3A_2403 = arith.addf %add3A_2399, %get3A_2402 : vector<16xf32>
    %get3A_2404 = arith.constant 2992 : index
    %get3A_2405 = tpu.vector_load %arg13[%get3A_2404] {strides = array<i32>} : memref<6400xf32, #tpu.memory_space<vmem>>, vector<16xf32>,
    %get3A_2406 = vector.shape_cast %get3A_2405 : vector<16xf32> to vector<16xf32>
    %add3A_2407 = arith.addf %add3A_2403, %get3A_2406 : vector<16xf32>
    %get3A_2408 = arith.constant 3120 : index
    %get3A_2409 = tpu.vector_load %arg13[%get3A_2408] {strides = array<i32>} : memref<6400xf32, #tpu.memory_space<vmem>>, vector<16xf32>,
    %get3A_2410 = vector.shape_cast %get3A_2409 : vector<16xf32> to vector<16xf32>
    %add3A_2411 = arith.addf %add3A_2407, %get3A_2410 : vector<16xf32>
    %get3A_2412 = arith.constant 3248 : index
    %get3A_2413 = tpu.vector_load %arg13[%get3A_2412] {strides = array<i32>} : memref<6400xf32, #tpu.memory_space<vmem>>, vector<16xf32>,
    %get3A_2414 = vector.shape_cast %get3A_2413 : vector<16xf32> to vector<16xf32>
    %add3A_2415 = arith.addf %add3A_2411, %get3A_2414 : vector<16xf32>
    %get3A_2416 = arith.constant 3376 : index
    %get3A_2417 = tpu.vector_load %arg13[%get3A_2416] {strides = array<i32>} : memref<6400xf32, #tpu.memory_space<vmem>>, vector<16xf32>,
    %get3A_2418 = vector.shape_cast %get3A_2417 : vector<16xf32> to vector<16xf32>
    %add3A_2419 = arith.addf %add3A_2415, %get3A_2418 : vector<16xf32>
    %get3A_2420 = arith.constant 3504 : index
    %get3A_2421 = tpu.vector_load %arg13[%get3A_2420] {strides = array<i32>} : memref<6400xf32, #tpu.memory_space<vmem>>, vector<16xf32>,
    %get3A_2422 = vector.shape_cast %get3A_2421 : vector<16xf32> to vector<16xf32>
    %add3A_2423 = arith.addf %add3A_2419, %get3A_2422 : vector<16xf32>
    %get3A_2424 = arith.constant 3632 : index
    %get3A_2425 = tpu.vector_load %arg13[%get3A_2424] {strides = array<i32>} : memref<6400xf32, #tpu.memory_space<vmem>>, vector<16xf32>,
    %get3A_2426 = vector.shape_cast %get3A_2425 : vector<16xf32> to vector<16xf32>
    %add3A_2427 = arith.addf %add3A_2423, %get3A_2426 : vector<16xf32>
    %get3A_2428 = arith.constant 3760 : index
    %get3A_2429 = tpu.vector_load %arg13[%get3A_2428] {strides = array<i32>} : memref<6400xf32, #tpu.memory_space<vmem>>, vector<16xf32>,
    %get3A_2430 = vector.shape_cast %get3A_2429 : vector<16xf32> to vector<16xf32>
    %add3A_2431 = arith.addf %add3A_2427, %get3A_2430 : vector<16xf32>
    %get3A_2432 = arith.constant 3888 : index
    %get3A_2433 = tpu.vector_load %arg13[%get3A_2432] {strides = array<i32>} : memref<6400xf32, #tpu.memory_space<vmem>>, vector<16xf32>,
    %get3A_2434 = vector.shape_cast %get3A_2433 : vector<16xf32> to vector<16xf32>
    %add3A_2435 = arith.addf %add3A_2431, %get3A_2434 : vector<16xf32>
    %get3A_2436 = arith.constant 4016 : index
    %get3A_2437 = tpu.vector_load %arg13[%get3A_2436] {strides = array<i32>} : memref<6400xf32, #tpu.memory_space<vmem>>, vector<16xf32>,
    %get3A_2438 = vector.shape_cast %get3A_2437 : vector<16xf32> to vector<16xf32>
    %add3A_2439 = arith.addf %add3A_2435, %get3A_2438 : vector<16xf32>
    %get3A_2440 = arith.constant 4144 : index
    %get3A_2441 = tpu.vector_load %arg13[%get3A_2440] {strides = array<i32>} : memref<6400xf32, #tpu.memory_space<vmem>>, vector<16xf32>,
    %get3A_2442 = vector.shape_cast %get3A_2441 : vector<16xf32> to vector<16xf32>
    %add3A_2443 = arith.addf %add3A_2439, %get3A_2442 : vector<16xf32>
    %get3A_2444 = arith.constant 4272 : index
    %get3A_2445 = tpu.vector_load %arg13[%get3A_2444] {strides = array<i32>} : memref<6400xf32, #tpu.memory_space<vmem>>, vector<16xf32>,
    %get3A_2446 = vector.shape_cast %get3A_2445 : vector<16xf32> to vector<16xf32>
    %add3A_2447 = arith.addf %add3A_2443, %get3A_2446 : vector<16xf32>
    %get3A_2448 = arith.constant 4400 : index
    %get3A_2449 = tpu.vector_load %arg13[%get3A_2448] {strides = array<i32>} : memref<6400xf32, #tpu.memory_space<vmem>>, vector<16xf32>,
    %get3A_2450 = vector.shape_cast %get3A_2449 : vector<16xf32> to vector<16xf32>
    %add3A_2451 = arith.addf %add3A_2447, %get3A_2450 : vector<16xf32>
    %get3A_2452 = arith.constant 4528 : index
    %get3A_2453 = tpu.vector_load %arg13[%get3A_2452] {strides = array<i32>} : memref<6400xf32, #tpu.memory_space<vmem>>, vector<16xf32>,
    %get3A_2454 = vector.shape_cast %get3A_2453 : vector<16xf32> to vector<16xf32>
    %add3A_2455 = arith.addf %add3A_2451, %get3A_2454 : vector<16xf32>
    %get3A_2456 = arith.constant 4656 : index
    %get3A_2457 = tpu.vector_load %arg13[%get3A_2456] {strides = array<i32>} : memref<6400xf32, #tpu.memory_space<vmem>>, vector<16xf32>,
    %get3A_2458 = vector.shape_cast %get3A_2457 : vector<16xf32> to vector<16xf32>
    %add3A_2459 = arith.addf %add3A_2455, %get3A_2458 : vector<16xf32>
    %get3A_2460 = arith.constant 4784 : index
    %get3A_2461 = tpu.vector_load %arg13[%get3A_2460] {strides = array<i32>} : memref<6400xf32, #tpu.memory_space<vmem>>, vector<16xf32>,
    %get3A_2462 = vector.shape_cast %get3A_2461 : vector<16xf32> to vector<16xf32>
    %add3A_2463 = arith.addf %add3A_2459, %get3A_2462 : vector<16xf32>
    %get3A_2464 = arith.constant 4912 : index
    %get3A_2465 = tpu.vector_load %arg13[%get3A_2464] {strides = array<i32>} : memref<6400xf32, #tpu.memory_space<vmem>>, vector<16xf32>,
    %get3A_2466 = vector.shape_cast %get3A_2465 : vector<16xf32> to vector<16xf32>
    %add3A_2467 = arith.addf %add3A_2463, %get3A_2466 : vector<16xf32>
    %get3A_2468 = arith.constant 5040 : index
    %get3A_2469 = tpu.vector_load %arg13[%get3A_2468] {strides = array<i32>} : memref<6400xf32, #tpu.memory_space<vmem>>, vector<16xf32>,
    %get3A_2470 = vector.shape_cast %get3A_2469 : vector<16xf32> to vector<16xf32>
    %add3A_2471 = arith.addf %add3A_2467, %get3A_2470 : vector<16xf32>
    %get3A_2472 = arith.constant 5168 : index
    %get3A_2473 = tpu.vector_load %arg13[%get3A_2472] {strides = array<i32>} : memref<6400xf32, #tpu.memory_space<vmem>>, vector<16xf32>,
    %get3A_2474 = vector.shape_cast %get3A_2473 : vector<16xf32> to vector<16xf32>
    %add3A_2475 = arith.addf %add3A_2471, %get3A_2474 : vector<16xf32>
    %get3A_2476 = arith.constant 5296 : index
    %get3A_2477 = tpu.vector_load %arg13[%get3A_2476] {strides = array<i32>} : memref<6400xf32, #tpu.memory_space<vmem>>, vector<16xf32>,
    %get3A_2478 = vector.shape_cast %get3A_2477 : vector<16xf32> to vector<16xf32>
    %add3A_2479 = arith.addf %add3A_2475, %get3A_2478 : vector<16xf32>
    %get3A_2480 = arith.constant 5424 : index
    %get3A_2481 = tpu.vector_load %arg13[%get3A_2480] {strides = array<i32>} : memref<6400xf32, #tpu.memory_space<vmem>>, vector<16xf32>,
    %get3A_2482 = vector.shape_cast %get3A_2481 : vector<16xf32> to vector<16xf32>
    %add3A_2483 = arith.addf %add3A_2479, %get3A_2482 : vector<16xf32>
    %get3A_2484 = arith.constant 5552 : index
    %get3A_2485 = tpu.vector_load %arg13[%get3A_2484] {strides = array<i32>} : memref<6400xf32, #tpu.memory_space<vmem>>, vector<16xf32>,
    %get3A_2486 = vector.shape_cast %get3A_2485 : vector<16xf32> to vector<16xf32>
    %add3A_2487 = arith.addf %add3A_2483, %get3A_2486 : vector<16xf32>
    %get3A_2488 = arith.constant 5680 : index
    %get3A_2489 = tpu.vector_load %arg13[%get3A_2488] {strides = array<i32>} : memref<6400xf32, #tpu.memory_space<vmem>>, vector<16xf32>,
    %get3A_2490 = vector.shape_cast %get3A_2489 : vector<16xf32> to vector<16xf32>
    %add3A_2491 = arith.addf %add3A_2487, %get3A_2490 : vector<16xf32>
    %get3A_2492 = arith.constant 5808 : index
    %get3A_2493 = tpu.vector_load %arg13[%get3A_2492] {strides = array<i32>} : memref<6400xf32, #tpu.memory_space<vmem>>, vector<16xf32>,
    %get3A_2494 = vector.shape_cast %get3A_2493 : vector<16xf32> to vector<16xf32>
    %add3A_2495 = arith.addf %add3A_2491, %get3A_2494 : vector<16xf32>
    %get3A_2496 = arith.constant 5936 : index
    %get3A_2497 = tpu.vector_load %arg13[%get3A_2496] {strides = array<i32>} : memref<6400xf32, #tpu.memory_space<vmem>>, vector<16xf32>,
    %get3A_2498 = vector.shape_cast %get3A_2497 : vector<16xf32> to vector<16xf32>
    %add3A_2499 = arith.addf %add3A_2495, %get3A_2498 : vector<16xf32>
    %get3A_2500 = arith.constant 6064 : index
    %get3A_2501 = tpu.vector_load %arg13[%get3A_2500] {strides = array<i32>} : memref<6400xf32, #tpu.memory_space<vmem>>, vector<16xf32>,
    %get3A_2502 = vector.shape_cast %get3A_2501 : vector<16xf32> to vector<16xf32>
    %add3A_2503 = arith.addf %add3A_2499, %get3A_2502 : vector<16xf32>
    %get3A_2504 = arith.constant 6192 : index
    %get3A_2505 = tpu.vector_load %arg13[%get3A_2504] {strides = array<i32>} : memref<6400xf32, #tpu.memory_space<vmem>>, vector<16xf32>,
    %get3A_2506 = vector.shape_cast %get3A_2505 : vector<16xf32> to vector<16xf32>
    %add3A_2507 = arith.addf %add3A_2503, %get3A_2506 : vector<16xf32>
    %get3A_2508 = arith.constant 6320 : index
    %get3A_2509 = tpu.vector_load %arg13[%get3A_2508] {strides = array<i32>} : memref<6400xf32, #tpu.memory_space<vmem>>, vector<16xf32>,
    %get3A_2510 = vector.shape_cast %get3A_2509 : vector<16xf32> to vector<16xf32>
    %add3A_2511 = arith.addf %add3A_2507, %get3A_2510 : vector<16xf32>
    %get3A_2512 = arith.constant 48 : index
    %get3A_2513 = tpu.vector_load %arg14[%get3A_2512] {strides = array<i32>} : memref<128xi32, #tpu.memory_space<vmem>>, vector<16xi32>,
    %get3A_2514 = vector.shape_cast %get3A_2513 : vector<16xi32> to vector<16xi32>
    %convert_element_type3A_2515 = arith.sitofp %get3A_2514 : vector<16xi32> to vector<16xf32>
    %div3A_2516 = arith.constant 1.000000e+00 : f32
    %div3A_2517 = vector.broadcast %div3A_2516 : f32 to vector<16xf32>
    %div3A_2518 = arith.divf %div3A_2517, %convert_element_type3A_2515 : vector<16xf32>
    %get3A_2519 = arith.constant 48 : index
    %get3A_2520 = tpu.vector_load %arg15[%get3A_2519] {strides = array<i32>} : memref<128xi32, #tpu.memory_space<vmem>>, vector<16xi32>,
    %get3A_2521 = vector.shape_cast %get3A_2520 : vector<16xi32> to vector<16xi32>
    %convert_element_type3A_2522 = arith.sitofp %get3A_2521 : vector<16xi32> to vector<16xf32>
    %div3A_2523 = arith.constant 1.000000e+00 : f32
    %div3A_2524 = vector.broadcast %div3A_2523 : f32 to vector<16xf32>
    %div3A_2525 = arith.divf %div3A_2524, %convert_element_type3A_2522 : vector<16xf32>
    %mul3A_2526 = arith.mulf %add3A_806, %div3A_2518 : vector<16xf32>
    %mul3A_2527 = arith.mulf %add3A_2511, %div3A_2525 : vector<16xf32>
    %add3A_2528 = arith.addf %mul3A_2526, %mul3A_2527 : vector<16xf32>
    %add3A_2529 = arith.addf %add3A_2528, %get3A_9 : vector<16xf32>
    %neg3A_2530 = arith.constant 0.000000e+00 : f32
    %neg3A_2531 = vector.broadcast %neg3A_2530 : f32 to vector<16xf32>
    %neg3A_2532 = arith.subf %neg3A_2531, %add3A_2529 : vector<16xf32>
    %exp3A_2533 = math.exp %neg3A_2532 : vector<16xf32>
    %add3A_2534 = arith.constant 1.000000e+00 : f32
    %add3A_2535 = vector.broadcast %add3A_2534 : f32 to vector<16xf32>
    %add3A_2536 = arith.addf %add3A_2535, %exp3A_2533 : vector<16xf32>
    %div3A_2537 = arith.constant 1.000000e+00 : f32
    %div3A_2538 = vector.broadcast %div3A_2537 : f32 to vector<16xf32>
    %div3A_2539 = arith.divf %div3A_2538, %add3A_2536 : vector<16xf32>
    %sub3A_2540 = arith.constant 1.000000e+00 : f32
    %sub3A_2541 = vector.broadcast %sub3A_2540 : f32 to vector<16xf32>
    %sub3A_2542 = arith.subf %sub3A_2541, %div3A_2539 : vector<16xf32>
    %swap3A_2543 = arith.constant 48 : index
    %swap3A_2544 = tpu.vector_load %arg17[%swap3A_2543] {strides = array<i32>} : memref<128xf32, #tpu.memory_space<vmem>>, vector<16xf32>,
    %swap3A_2545 = vector.shape_cast %swap3A_2544 : vector<16xf32> to vector<16xf32>
    %swap3A_2546 = vector.shape_cast %sub3A_2542 : vector<16xf32> to vector<16xf32>
    tpu.vector_store %arg17[%swap3A_2543], %swap3A_2546 {strides = array<i32>} : memref<128xf32, #tpu.memory_space<vmem>>, vector<16xf32>,
    %swap3A_2547 = arith.constant 48 : index
    %swap3A_2548 = tpu.vector_load %arg18[%swap3A_2547] {strides = array<i32>} : memref<128xf32, #tpu.memory_space<vmem>>, vector<16xf32>,
    %swap3A_2549 = vector.shape_cast %swap3A_2548 : vector<16xf32> to vector<16xf32>
    %swap3A_2550 = vector.shape_cast %div3A_2539 : vector<16xf32> to vector<16xf32>
    tpu.vector_store %arg18[%swap3A_2547], %swap3A_2550 {strides = array<i32>} : memref<128xf32, #tpu.memory_space<vmem>>, vector<16xf32>,
    %get3A_2551 = arith.constant 64 : index
    %get3A_2552 = tpu.vector_load %arg13[%get3A_2551] {strides = array<i32>} : memref<6400xf32, #tpu.memory_space<vmem>>, vector<16xf32>,
    %get3A_2553 = vector.shape_cast %get3A_2552 : vector<16xf32> to vector<16xf32>
    %get3A_2554 = arith.constant 192 : index
    %get3A_2555 = tpu.vector_load %arg13[%get3A_2554] {strides = array<i32>} : memref<6400xf32, #tpu.memory_space<vmem>>, vector<16xf32>,
    %get3A_2556 = vector.shape_cast %get3A_2555 : vector<16xf32> to vector<16xf32>
    %add3A_2557 = arith.addf %get3A_2553, %get3A_2556 : vector<16xf32>
    %get3A_2558 = arith.constant 320 : index
    %get3A_2559 = tpu.vector_load %arg13[%get3A_2558] {strides = array<i32>} : memref<6400xf32, #tpu.memory_space<vmem>>, vector<16xf32>,
    %get3A_2560 = vector.shape_cast %get3A_2559 : vector<16xf32> to vector<16xf32>
    %add3A_2561 = arith.addf %add3A_2557, %get3A_2560 : vector<16xf32>
    %get3A_2562 = arith.constant 448 : index
    %get3A_2563 = tpu.vector_load %arg13[%get3A_2562] {strides = array<i32>} : memref<6400xf32, #tpu.memory_space<vmem>>, vector<16xf32>,
    %get3A_2564 = vector.shape_cast %get3A_2563 : vector<16xf32> to vector<16xf32>
    %add3A_2565 = arith.addf %add3A_2561, %get3A_2564 : vector<16xf32>
    %get3A_2566 = arith.constant 576 : index
    %get3A_2567 = tpu.vector_load %arg13[%get3A_2566] {strides = array<i32>} : memref<6400xf32, #tpu.memory_space<vmem>>, vector<16xf32>,
    %get3A_2568 = vector.shape_cast %get3A_2567 : vector<16xf32> to vector<16xf32>
    %add3A_2569 = arith.addf %add3A_2565, %get3A_2568 : vector<16xf32>
    %get3A_2570 = arith.constant 704 : index
    %get3A_2571 = tpu.vector_load %arg13[%get3A_2570] {strides = array<i32>} : memref<6400xf32, #tpu.memory_space<vmem>>, vector<16xf32>,
    %get3A_2572 = vector.shape_cast %get3A_2571 : vector<16xf32> to vector<16xf32>
    %add3A_2573 = arith.addf %add3A_2569, %get3A_2572 : vector<16xf32>
    %get3A_2574 = arith.constant 832 : index
    %get3A_2575 = tpu.vector_load %arg13[%get3A_2574] {strides = array<i32>} : memref<6400xf32, #tpu.memory_space<vmem>>, vector<16xf32>,
    %get3A_2576 = vector.shape_cast %get3A_2575 : vector<16xf32> to vector<16xf32>
    %add3A_2577 = arith.addf %add3A_2573, %get3A_2576 : vector<16xf32>
    %get3A_2578 = arith.constant 960 : index
    %get3A_2579 = tpu.vector_load %arg13[%get3A_2578] {strides = array<i32>} : memref<6400xf32, #tpu.memory_space<vmem>>, vector<16xf32>,
    %get3A_2580 = vector.shape_cast %get3A_2579 : vector<16xf32> to vector<16xf32>
    %add3A_2581 = arith.addf %add3A_2577, %get3A_2580 : vector<16xf32>
    %get3A_2582 = arith.constant 1088 : index
    %get3A_2583 = tpu.vector_load %arg13[%get3A_2582] {strides = array<i32>} : memref<6400xf32, #tpu.memory_space<vmem>>, vector<16xf32>,
    %get3A_2584 = vector.shape_cast %get3A_2583 : vector<16xf32> to vector<16xf32>
    %add3A_2585 = arith.addf %add3A_2581, %get3A_2584 : vector<16xf32>
    %get3A_2586 = arith.constant 1216 : index
    %get3A_2587 = tpu.vector_load %arg13[%get3A_2586] {strides = array<i32>} : memref<6400xf32, #tpu.memory_space<vmem>>, vector<16xf32>,
    %get3A_2588 = vector.shape_cast %get3A_2587 : vector<16xf32> to vector<16xf32>
    %add3A_2589 = arith.addf %add3A_2585, %get3A_2588 : vector<16xf32>
    %get3A_2590 = arith.constant 1344 : index
    %get3A_2591 = tpu.vector_load %arg13[%get3A_2590] {strides = array<i32>} : memref<6400xf32, #tpu.memory_space<vmem>>, vector<16xf32>,
    %get3A_2592 = vector.shape_cast %get3A_2591 : vector<16xf32> to vector<16xf32>
    %add3A_2593 = arith.addf %add3A_2589, %get3A_2592 : vector<16xf32>
    %get3A_2594 = arith.constant 1472 : index
    %get3A_2595 = tpu.vector_load %arg13[%get3A_2594] {strides = array<i32>} : memref<6400xf32, #tpu.memory_space<vmem>>, vector<16xf32>,
    %get3A_2596 = vector.shape_cast %get3A_2595 : vector<16xf32> to vector<16xf32>
    %add3A_2597 = arith.addf %add3A_2593, %get3A_2596 : vector<16xf32>
    %get3A_2598 = arith.constant 1600 : index
    %get3A_2599 = tpu.vector_load %arg13[%get3A_2598] {strides = array<i32>} : memref<6400xf32, #tpu.memory_space<vmem>>, vector<16xf32>,
    %get3A_2600 = vector.shape_cast %get3A_2599 : vector<16xf32> to vector<16xf32>
    %add3A_2601 = arith.addf %add3A_2597, %get3A_2600 : vector<16xf32>
    %get3A_2602 = arith.constant 1728 : index
    %get3A_2603 = tpu.vector_load %arg13[%get3A_2602] {strides = array<i32>} : memref<6400xf32, #tpu.memory_space<vmem>>, vector<16xf32>,
    %get3A_2604 = vector.shape_cast %get3A_2603 : vector<16xf32> to vector<16xf32>
    %add3A_2605 = arith.addf %add3A_2601, %get3A_2604 : vector<16xf32>
    %get3A_2606 = arith.constant 1856 : index
    %get3A_2607 = tpu.vector_load %arg13[%get3A_2606] {strides = array<i32>} : memref<6400xf32, #tpu.memory_space<vmem>>, vector<16xf32>,
    %get3A_2608 = vector.shape_cast %get3A_2607 : vector<16xf32> to vector<16xf32>
    %add3A_2609 = arith.addf %add3A_2605, %get3A_2608 : vector<16xf32>
    %get3A_2610 = arith.constant 1984 : index
    %get3A_2611 = tpu.vector_load %arg13[%get3A_2610] {strides = array<i32>} : memref<6400xf32, #tpu.memory_space<vmem>>, vector<16xf32>,
    %get3A_2612 = vector.shape_cast %get3A_2611 : vector<16xf32> to vector<16xf32>
    %add3A_2613 = arith.addf %add3A_2609, %get3A_2612 : vector<16xf32>
    %get3A_2614 = arith.constant 2112 : index
    %get3A_2615 = tpu.vector_load %arg13[%get3A_2614] {strides = array<i32>} : memref<6400xf32, #tpu.memory_space<vmem>>, vector<16xf32>,
    %get3A_2616 = vector.shape_cast %get3A_2615 : vector<16xf32> to vector<16xf32>
    %add3A_2617 = arith.addf %add3A_2613, %get3A_2616 : vector<16xf32>
    %get3A_2618 = arith.constant 2240 : index
    %get3A_2619 = tpu.vector_load %arg13[%get3A_2618] {strides = array<i32>} : memref<6400xf32, #tpu.memory_space<vmem>>, vector<16xf32>,
    %get3A_2620 = vector.shape_cast %get3A_2619 : vector<16xf32> to vector<16xf32>
    %add3A_2621 = arith.addf %add3A_2617, %get3A_2620 : vector<16xf32>
    %get3A_2622 = arith.constant 2368 : index
    %get3A_2623 = tpu.vector_load %arg13[%get3A_2622] {strides = array<i32>} : memref<6400xf32, #tpu.memory_space<vmem>>, vector<16xf32>,
    %get3A_2624 = vector.shape_cast %get3A_2623 : vector<16xf32> to vector<16xf32>
    %add3A_2625 = arith.addf %add3A_2621, %get3A_2624 : vector<16xf32>
    %get3A_2626 = arith.constant 2496 : index
    %get3A_2627 = tpu.vector_load %arg13[%get3A_2626] {strides = array<i32>} : memref<6400xf32, #tpu.memory_space<vmem>>, vector<16xf32>,
    %get3A_2628 = vector.shape_cast %get3A_2627 : vector<16xf32> to vector<16xf32>
    %add3A_2629 = arith.addf %add3A_2625, %get3A_2628 : vector<16xf32>
    %get3A_2630 = arith.constant 2624 : index
    %get3A_2631 = tpu.vector_load %arg13[%get3A_2630] {strides = array<i32>} : memref<6400xf32, #tpu.memory_space<vmem>>, vector<16xf32>,
    %get3A_2632 = vector.shape_cast %get3A_2631 : vector<16xf32> to vector<16xf32>
    %add3A_2633 = arith.addf %add3A_2629, %get3A_2632 : vector<16xf32>
    %get3A_2634 = arith.constant 2752 : index
    %get3A_2635 = tpu.vector_load %arg13[%get3A_2634] {strides = array<i32>} : memref<6400xf32, #tpu.memory_space<vmem>>, vector<16xf32>,
    %get3A_2636 = vector.shape_cast %get3A_2635 : vector<16xf32> to vector<16xf32>
    %add3A_2637 = arith.addf %add3A_2633, %get3A_2636 : vector<16xf32>
    %get3A_2638 = arith.constant 2880 : index
    %get3A_2639 = tpu.vector_load %arg13[%get3A_2638] {strides = array<i32>} : memref<6400xf32, #tpu.memory_space<vmem>>, vector<16xf32>,
    %get3A_2640 = vector.shape_cast %get3A_2639 : vector<16xf32> to vector<16xf32>
    %add3A_2641 = arith.addf %add3A_2637, %get3A_2640 : vector<16xf32>
    %get3A_2642 = arith.constant 3008 : index
    %get3A_2643 = tpu.vector_load %arg13[%get3A_2642] {strides = array<i32>} : memref<6400xf32, #tpu.memory_space<vmem>>, vector<16xf32>,
    %get3A_2644 = vector.shape_cast %get3A_2643 : vector<16xf32> to vector<16xf32>
    %add3A_2645 = arith.addf %add3A_2641, %get3A_2644 : vector<16xf32>
    %get3A_2646 = arith.constant 3136 : index
    %get3A_2647 = tpu.vector_load %arg13[%get3A_2646] {strides = array<i32>} : memref<6400xf32, #tpu.memory_space<vmem>>, vector<16xf32>,
    %get3A_2648 = vector.shape_cast %get3A_2647 : vector<16xf32> to vector<16xf32>
    %add3A_2649 = arith.addf %add3A_2645, %get3A_2648 : vector<16xf32>
    %get3A_2650 = arith.constant 3264 : index
    %get3A_2651 = tpu.vector_load %arg13[%get3A_2650] {strides = array<i32>} : memref<6400xf32, #tpu.memory_space<vmem>>, vector<16xf32>,
    %get3A_2652 = vector.shape_cast %get3A_2651 : vector<16xf32> to vector<16xf32>
    %add3A_2653 = arith.addf %add3A_2649, %get3A_2652 : vector<16xf32>
    %get3A_2654 = arith.constant 3392 : index
    %get3A_2655 = tpu.vector_load %arg13[%get3A_2654] {strides = array<i32>} : memref<6400xf32, #tpu.memory_space<vmem>>, vector<16xf32>,
    %get3A_2656 = vector.shape_cast %get3A_2655 : vector<16xf32> to vector<16xf32>
    %add3A_2657 = arith.addf %add3A_2653, %get3A_2656 : vector<16xf32>
    %get3A_2658 = arith.constant 3520 : index
    %get3A_2659 = tpu.vector_load %arg13[%get3A_2658] {strides = array<i32>} : memref<6400xf32, #tpu.memory_space<vmem>>, vector<16xf32>,
    %get3A_2660 = vector.shape_cast %get3A_2659 : vector<16xf32> to vector<16xf32>
    %add3A_2661 = arith.addf %add3A_2657, %get3A_2660 : vector<16xf32>
    %get3A_2662 = arith.constant 3648 : index
    %get3A_2663 = tpu.vector_load %arg13[%get3A_2662] {strides = array<i32>} : memref<6400xf32, #tpu.memory_space<vmem>>, vector<16xf32>,
    %get3A_2664 = vector.shape_cast %get3A_2663 : vector<16xf32> to vector<16xf32>
    %add3A_2665 = arith.addf %add3A_2661, %get3A_2664 : vector<16xf32>
    %get3A_2666 = arith.constant 3776 : index
    %get3A_2667 = tpu.vector_load %arg13[%get3A_2666] {strides = array<i32>} : memref<6400xf32, #tpu.memory_space<vmem>>, vector<16xf32>,
    %get3A_2668 = vector.shape_cast %get3A_2667 : vector<16xf32> to vector<16xf32>
    %add3A_2669 = arith.addf %add3A_2665, %get3A_2668 : vector<16xf32>
    %get3A_2670 = arith.constant 3904 : index
    %get3A_2671 = tpu.vector_load %arg13[%get3A_2670] {strides = array<i32>} : memref<6400xf32, #tpu.memory_space<vmem>>, vector<16xf32>,
    %get3A_2672 = vector.shape_cast %get3A_2671 : vector<16xf32> to vector<16xf32>
    %add3A_2673 = arith.addf %add3A_2669, %get3A_2672 : vector<16xf32>
    %get3A_2674 = arith.constant 4032 : index
    %get3A_2675 = tpu.vector_load %arg13[%get3A_2674] {strides = array<i32>} : memref<6400xf32, #tpu.memory_space<vmem>>, vector<16xf32>,
    %get3A_2676 = vector.shape_cast %get3A_2675 : vector<16xf32> to vector<16xf32>
    %add3A_2677 = arith.addf %add3A_2673, %get3A_2676 : vector<16xf32>
    %get3A_2678 = arith.constant 4160 : index
    %get3A_2679 = tpu.vector_load %arg13[%get3A_2678] {strides = array<i32>} : memref<6400xf32, #tpu.memory_space<vmem>>, vector<16xf32>,
    %get3A_2680 = vector.shape_cast %get3A_2679 : vector<16xf32> to vector<16xf32>
    %add3A_2681 = arith.addf %add3A_2677, %get3A_2680 : vector<16xf32>
    %get3A_2682 = arith.constant 4288 : index
    %get3A_2683 = tpu.vector_load %arg13[%get3A_2682] {strides = array<i32>} : memref<6400xf32, #tpu.memory_space<vmem>>, vector<16xf32>,
    %get3A_2684 = vector.shape_cast %get3A_2683 : vector<16xf32> to vector<16xf32>
    %add3A_2685 = arith.addf %add3A_2681, %get3A_2684 : vector<16xf32>
    %get3A_2686 = arith.constant 4416 : index
    %get3A_2687 = tpu.vector_load %arg13[%get3A_2686] {strides = array<i32>} : memref<6400xf32, #tpu.memory_space<vmem>>, vector<16xf32>,
    %get3A_2688 = vector.shape_cast %get3A_2687 : vector<16xf32> to vector<16xf32>
    %add3A_2689 = arith.addf %add3A_2685, %get3A_2688 : vector<16xf32>
    %get3A_2690 = arith.constant 4544 : index
    %get3A_2691 = tpu.vector_load %arg13[%get3A_2690] {strides = array<i32>} : memref<6400xf32, #tpu.memory_space<vmem>>, vector<16xf32>,
    %get3A_2692 = vector.shape_cast %get3A_2691 : vector<16xf32> to vector<16xf32>
    %add3A_2693 = arith.addf %add3A_2689, %get3A_2692 : vector<16xf32>
    %get3A_2694 = arith.constant 4672 : index
    %get3A_2695 = tpu.vector_load %arg13[%get3A_2694] {strides = array<i32>} : memref<6400xf32, #tpu.memory_space<vmem>>, vector<16xf32>,
    %get3A_2696 = vector.shape_cast %get3A_2695 : vector<16xf32> to vector<16xf32>
    %add3A_2697 = arith.addf %add3A_2693, %get3A_2696 : vector<16xf32>
    %get3A_2698 = arith.constant 4800 : index
    %get3A_2699 = tpu.vector_load %arg13[%get3A_2698] {strides = array<i32>} : memref<6400xf32, #tpu.memory_space<vmem>>, vector<16xf32>,
    %get3A_2700 = vector.shape_cast %get3A_2699 : vector<16xf32> to vector<16xf32>
    %add3A_2701 = arith.addf %add3A_2697, %get3A_2700 : vector<16xf32>
    %get3A_2702 = arith.constant 4928 : index
    %get3A_2703 = tpu.vector_load %arg13[%get3A_2702] {strides = array<i32>} : memref<6400xf32, #tpu.memory_space<vmem>>, vector<16xf32>,
    %get3A_2704 = vector.shape_cast %get3A_2703 : vector<16xf32> to vector<16xf32>
    %add3A_2705 = arith.addf %add3A_2701, %get3A_2704 : vector<16xf32>
    %get3A_2706 = arith.constant 5056 : index
    %get3A_2707 = tpu.vector_load %arg13[%get3A_2706] {strides = array<i32>} : memref<6400xf32, #tpu.memory_space<vmem>>, vector<16xf32>,
    %get3A_2708 = vector.shape_cast %get3A_2707 : vector<16xf32> to vector<16xf32>
    %add3A_2709 = arith.addf %add3A_2705, %get3A_2708 : vector<16xf32>
    %get3A_2710 = arith.constant 5184 : index
    %get3A_2711 = tpu.vector_load %arg13[%get3A_2710] {strides = array<i32>} : memref<6400xf32, #tpu.memory_space<vmem>>, vector<16xf32>,
    %get3A_2712 = vector.shape_cast %get3A_2711 : vector<16xf32> to vector<16xf32>
    %add3A_2713 = arith.addf %add3A_2709, %get3A_2712 : vector<16xf32>
    %get3A_2714 = arith.constant 5312 : index
    %get3A_2715 = tpu.vector_load %arg13[%get3A_2714] {strides = array<i32>} : memref<6400xf32, #tpu.memory_space<vmem>>, vector<16xf32>,
    %get3A_2716 = vector.shape_cast %get3A_2715 : vector<16xf32> to vector<16xf32>
    %add3A_2717 = arith.addf %add3A_2713, %get3A_2716 : vector<16xf32>
    %get3A_2718 = arith.constant 5440 : index
    %get3A_2719 = tpu.vector_load %arg13[%get3A_2718] {strides = array<i32>} : memref<6400xf32, #tpu.memory_space<vmem>>, vector<16xf32>,
    %get3A_2720 = vector.shape_cast %get3A_2719 : vector<16xf32> to vector<16xf32>
    %add3A_2721 = arith.addf %add3A_2717, %get3A_2720 : vector<16xf32>
    %get3A_2722 = arith.constant 5568 : index
    %get3A_2723 = tpu.vector_load %arg13[%get3A_2722] {strides = array<i32>} : memref<6400xf32, #tpu.memory_space<vmem>>, vector<16xf32>,
    %get3A_2724 = vector.shape_cast %get3A_2723 : vector<16xf32> to vector<16xf32>
    %add3A_2725 = arith.addf %add3A_2721, %get3A_2724 : vector<16xf32>
    %get3A_2726 = arith.constant 5696 : index
    %get3A_2727 = tpu.vector_load %arg13[%get3A_2726] {strides = array<i32>} : memref<6400xf32, #tpu.memory_space<vmem>>, vector<16xf32>,
    %get3A_2728 = vector.shape_cast %get3A_2727 : vector<16xf32> to vector<16xf32>
    %add3A_2729 = arith.addf %add3A_2725, %get3A_2728 : vector<16xf32>
    %get3A_2730 = arith.constant 5824 : index
    %get3A_2731 = tpu.vector_load %arg13[%get3A_2730] {strides = array<i32>} : memref<6400xf32, #tpu.memory_space<vmem>>, vector<16xf32>,
    %get3A_2732 = vector.shape_cast %get3A_2731 : vector<16xf32> to vector<16xf32>
    %add3A_2733 = arith.addf %add3A_2729, %get3A_2732 : vector<16xf32>
    %get3A_2734 = arith.constant 5952 : index
    %get3A_2735 = tpu.vector_load %arg13[%get3A_2734] {strides = array<i32>} : memref<6400xf32, #tpu.memory_space<vmem>>, vector<16xf32>,
    %get3A_2736 = vector.shape_cast %get3A_2735 : vector<16xf32> to vector<16xf32>
    %add3A_2737 = arith.addf %add3A_2733, %get3A_2736 : vector<16xf32>
    %get3A_2738 = arith.constant 6080 : index
    %get3A_2739 = tpu.vector_load %arg13[%get3A_2738] {strides = array<i32>} : memref<6400xf32, #tpu.memory_space<vmem>>, vector<16xf32>,
    %get3A_2740 = vector.shape_cast %get3A_2739 : vector<16xf32> to vector<16xf32>
    %add3A_2741 = arith.addf %add3A_2737, %get3A_2740 : vector<16xf32>
    %get3A_2742 = arith.constant 6208 : index
    %get3A_2743 = tpu.vector_load %arg13[%get3A_2742] {strides = array<i32>} : memref<6400xf32, #tpu.memory_space<vmem>>, vector<16xf32>,
    %get3A_2744 = vector.shape_cast %get3A_2743 : vector<16xf32> to vector<16xf32>
    %add3A_2745 = arith.addf %add3A_2741, %get3A_2744 : vector<16xf32>
    %get3A_2746 = arith.constant 6336 : index
    %get3A_2747 = tpu.vector_load %arg13[%get3A_2746] {strides = array<i32>} : memref<6400xf32, #tpu.memory_space<vmem>>, vector<16xf32>,
    %get3A_2748 = vector.shape_cast %get3A_2747 : vector<16xf32> to vector<16xf32>
    %add3A_2749 = arith.addf %add3A_2745, %get3A_2748 : vector<16xf32>
    %get3A_2750 = arith.constant 64 : index
    %get3A_2751 = tpu.vector_load %arg14[%get3A_2750] {strides = array<i32>} : memref<128xi32, #tpu.memory_space<vmem>>, vector<16xi32>,
    %get3A_2752 = vector.shape_cast %get3A_2751 : vector<16xi32> to vector<16xi32>
    %convert_element_type3A_2753 = arith.sitofp %get3A_2752 : vector<16xi32> to vector<16xf32>
    %div3A_2754 = arith.constant 1.000000e+00 : f32
    %div3A_2755 = vector.broadcast %div3A_2754 : f32 to vector<16xf32>
    %div3A_2756 = arith.divf %div3A_2755, %convert_element_type3A_2753 : vector<16xf32>
    %get3A_2757 = arith.constant 64 : index
    %get3A_2758 = tpu.vector_load %arg15[%get3A_2757] {strides = array<i32>} : memref<128xi32, #tpu.memory_space<vmem>>, vector<16xi32>,
    %get3A_2759 = vector.shape_cast %get3A_2758 : vector<16xi32> to vector<16xi32>
    %convert_element_type3A_2760 = arith.sitofp %get3A_2759 : vector<16xi32> to vector<16xf32>
    %div3A_2761 = arith.constant 1.000000e+00 : f32
    %div3A_2762 = vector.broadcast %div3A_2761 : f32 to vector<16xf32>
    %div3A_2763 = arith.divf %div3A_2762, %convert_element_type3A_2760 : vector<16xf32>
    %mul3A_2764 = arith.mulf %add3A_1005, %div3A_2756 : vector<16xf32>
    %mul3A_2765 = arith.mulf %add3A_2749, %div3A_2763 : vector<16xf32>
    %add3A_2766 = arith.addf %mul3A_2764, %mul3A_2765 : vector<16xf32>
    %add3A_2767 = arith.addf %add3A_2766, %get3A_9 : vector<16xf32>
    %neg3A_2768 = arith.constant 0.000000e+00 : f32
    %neg3A_2769 = vector.broadcast %neg3A_2768 : f32 to vector<16xf32>
    %neg3A_2770 = arith.subf %neg3A_2769, %add3A_2767 : vector<16xf32>
    %exp3A_2771 = math.exp %neg3A_2770 : vector<16xf32>
    %add3A_2772 = arith.constant 1.000000e+00 : f32
    %add3A_2773 = vector.broadcast %add3A_2772 : f32 to vector<16xf32>
    %add3A_2774 = arith.addf %add3A_2773, %exp3A_2771 : vector<16xf32>
    %div3A_2775 = arith.constant 1.000000e+00 : f32
    %div3A_2776 = vector.broadcast %div3A_2775 : f32 to vector<16xf32>
    %div3A_2777 = arith.divf %div3A_2776, %add3A_2774 : vector<16xf32>
    %sub3A_2778 = arith.constant 1.000000e+00 : f32
    %sub3A_2779 = vector.broadcast %sub3A_2778 : f32 to vector<16xf32>
    %sub3A_2780 = arith.subf %sub3A_2779, %div3A_2777 : vector<16xf32>
    %swap3A_2781 = arith.constant 64 : index
    %swap3A_2782 = tpu.vector_load %arg17[%swap3A_2781] {strides = array<i32>} : memref<128xf32, #tpu.memory_space<vmem>>, vector<16xf32>,
    %swap3A_2783 = vector.shape_cast %swap3A_2782 : vector<16xf32> to vector<16xf32>
    %swap3A_2784 = vector.shape_cast %sub3A_2780 : vector<16xf32> to vector<16xf32>
    tpu.vector_store %arg17[%swap3A_2781], %swap3A_2784 {strides = array<i32>} : memref<128xf32, #tpu.memory_space<vmem>>, vector<16xf32>,
    %swap3A_2785 = arith.constant 64 : index
    %swap3A_2786 = tpu.vector_load %arg18[%swap3A_2785] {strides = array<i32>} : memref<128xf32, #tpu.memory_space<vmem>>, vector<16xf32>,
    %swap3A_2787 = vector.shape_cast %swap3A_2786 : vector<16xf32> to vector<16xf32>
    %swap3A_2788 = vector.shape_cast %div3A_2777 : vector<16xf32> to vector<16xf32>
    tpu.vector_store %arg18[%swap3A_2785], %swap3A_2788 {strides = array<i32>} : memref<128xf32, #tpu.memory_space<vmem>>, vector<16xf32>,
    %get3A_2789 = arith.constant 80 : index
    %get3A_2790 = tpu.vector_load %arg13[%get3A_2789] {strides = array<i32>} : memref<6400xf32, #tpu.memory_space<vmem>>, vector<16xf32>,
    %get3A_2791 = vector.shape_cast %get3A_2790 : vector<16xf32> to vector<16xf32>
    %get3A_2792 = arith.constant 208 : index
    %get3A_2793 = tpu.vector_load %arg13[%get3A_2792] {strides = array<i32>} : memref<6400xf32, #tpu.memory_space<vmem>>, vector<16xf32>,
    %get3A_2794 = vector.shape_cast %get3A_2793 : vector<16xf32> to vector<16xf32>
    %add3A_2795 = arith.addf %get3A_2791, %get3A_2794 : vector<16xf32>
    %get3A_2796 = arith.constant 336 : index
    %get3A_2797 = tpu.vector_load %arg13[%get3A_2796] {strides = array<i32>} : memref<6400xf32, #tpu.memory_space<vmem>>, vector<16xf32>,
    %get3A_2798 = vector.shape_cast %get3A_2797 : vector<16xf32> to vector<16xf32>
    %add3A_2799 = arith.addf %add3A_2795, %get3A_2798 : vector<16xf32>
    %get3A_2800 = arith.constant 464 : index
    %get3A_2801 = tpu.vector_load %arg13[%get3A_2800] {strides = array<i32>} : memref<6400xf32, #tpu.memory_space<vmem>>, vector<16xf32>,
    %get3A_2802 = vector.shape_cast %get3A_2801 : vector<16xf32> to vector<16xf32>
    %add3A_2803 = arith.addf %add3A_2799, %get3A_2802 : vector<16xf32>
    %get3A_2804 = arith.constant 592 : index
    %get3A_2805 = tpu.vector_load %arg13[%get3A_2804] {strides = array<i32>} : memref<6400xf32, #tpu.memory_space<vmem>>, vector<16xf32>,
    %get3A_2806 = vector.shape_cast %get3A_2805 : vector<16xf32> to vector<16xf32>
    %add3A_2807 = arith.addf %add3A_2803, %get3A_2806 : vector<16xf32>
    %get3A_2808 = arith.constant 720 : index
    %get3A_2809 = tpu.vector_load %arg13[%get3A_2808] {strides = array<i32>} : memref<6400xf32, #tpu.memory_space<vmem>>, vector<16xf32>,
    %get3A_2810 = vector.shape_cast %get3A_2809 : vector<16xf32> to vector<16xf32>
    %add3A_2811 = arith.addf %add3A_2807, %get3A_2810 : vector<16xf32>
    %get3A_2812 = arith.constant 848 : index
    %get3A_2813 = tpu.vector_load %arg13[%get3A_2812] {strides = array<i32>} : memref<6400xf32, #tpu.memory_space<vmem>>, vector<16xf32>,
    %get3A_2814 = vector.shape_cast %get3A_2813 : vector<16xf32> to vector<16xf32>
    %add3A_2815 = arith.addf %add3A_2811, %get3A_2814 : vector<16xf32>
    %get3A_2816 = arith.constant 976 : index
    %get3A_2817 = tpu.vector_load %arg13[%get3A_2816] {strides = array<i32>} : memref<6400xf32, #tpu.memory_space<vmem>>, vector<16xf32>,
    %get3A_2818 = vector.shape_cast %get3A_2817 : vector<16xf32> to vector<16xf32>
    %add3A_2819 = arith.addf %add3A_2815, %get3A_2818 : vector<16xf32>
    %get3A_2820 = arith.constant 1104 : index
    %get3A_2821 = tpu.vector_load %arg13[%get3A_2820] {strides = array<i32>} : memref<6400xf32, #tpu.memory_space<vmem>>, vector<16xf32>,
    %get3A_2822 = vector.shape_cast %get3A_2821 : vector<16xf32> to vector<16xf32>
    %add3A_2823 = arith.addf %add3A_2819, %get3A_2822 : vector<16xf32>
    %get3A_2824 = arith.constant 1232 : index
    %get3A_2825 = tpu.vector_load %arg13[%get3A_2824] {strides = array<i32>} : memref<6400xf32, #tpu.memory_space<vmem>>, vector<16xf32>,
    %get3A_2826 = vector.shape_cast %get3A_2825 : vector<16xf32> to vector<16xf32>
    %add3A_2827 = arith.addf %add3A_2823, %get3A_2826 : vector<16xf32>
    %get3A_2828 = arith.constant 1360 : index
    %get3A_2829 = tpu.vector_load %arg13[%get3A_2828] {strides = array<i32>} : memref<6400xf32, #tpu.memory_space<vmem>>, vector<16xf32>,
    %get3A_2830 = vector.shape_cast %get3A_2829 : vector<16xf32> to vector<16xf32>
    %add3A_2831 = arith.addf %add3A_2827, %get3A_2830 : vector<16xf32>
    %get3A_2832 = arith.constant 1488 : index
    %get3A_2833 = tpu.vector_load %arg13[%get3A_2832] {strides = array<i32>} : memref<6400xf32, #tpu.memory_space<vmem>>, vector<16xf32>,
    %get3A_2834 = vector.shape_cast %get3A_2833 : vector<16xf32> to vector<16xf32>
    %add3A_2835 = arith.addf %add3A_2831, %get3A_2834 : vector<16xf32>
    %get3A_2836 = arith.constant 1616 : index
    %get3A_2837 = tpu.vector_load %arg13[%get3A_2836] {strides = array<i32>} : memref<6400xf32, #tpu.memory_space<vmem>>, vector<16xf32>,
    %get3A_2838 = vector.shape_cast %get3A_2837 : vector<16xf32> to vector<16xf32>
    %add3A_2839 = arith.addf %add3A_2835, %get3A_2838 : vector<16xf32>
    %get3A_2840 = arith.constant 1744 : index
    %get3A_2841 = tpu.vector_load %arg13[%get3A_2840] {strides = array<i32>} : memref<6400xf32, #tpu.memory_space<vmem>>, vector<16xf32>,
    %get3A_2842 = vector.shape_cast %get3A_2841 : vector<16xf32> to vector<16xf32>
    %add3A_2843 = arith.addf %add3A_2839, %get3A_2842 : vector<16xf32>
    %get3A_2844 = arith.constant 1872 : index
    %get3A_2845 = tpu.vector_load %arg13[%get3A_2844] {strides = array<i32>} : memref<6400xf32, #tpu.memory_space<vmem>>, vector<16xf32>,
    %get3A_2846 = vector.shape_cast %get3A_2845 : vector<16xf32> to vector<16xf32>
    %add3A_2847 = arith.addf %add3A_2843, %get3A_2846 : vector<16xf32>
    %get3A_2848 = arith.constant 2000 : index
    %get3A_2849 = tpu.vector_load %arg13[%get3A_2848] {strides = array<i32>} : memref<6400xf32, #tpu.memory_space<vmem>>, vector<16xf32>,
    %get3A_2850 = vector.shape_cast %get3A_2849 : vector<16xf32> to vector<16xf32>
    %add3A_2851 = arith.addf %add3A_2847, %get3A_2850 : vector<16xf32>
    %get3A_2852 = arith.constant 2128 : index
    %get3A_2853 = tpu.vector_load %arg13[%get3A_2852] {strides = array<i32>} : memref<6400xf32, #tpu.memory_space<vmem>>, vector<16xf32>,
    %get3A_2854 = vector.shape_cast %get3A_2853 : vector<16xf32> to vector<16xf32>
    %add3A_2855 = arith.addf %add3A_2851, %get3A_2854 : vector<16xf32>
    %get3A_2856 = arith.constant 2256 : index
    %get3A_2857 = tpu.vector_load %arg13[%get3A_2856] {strides = array<i32>} : memref<6400xf32, #tpu.memory_space<vmem>>, vector<16xf32>,
    %get3A_2858 = vector.shape_cast %get3A_2857 : vector<16xf32> to vector<16xf32>
    %add3A_2859 = arith.addf %add3A_2855, %get3A_2858 : vector<16xf32>
    %get3A_2860 = arith.constant 2384 : index
    %get3A_2861 = tpu.vector_load %arg13[%get3A_2860] {strides = array<i32>} : memref<6400xf32, #tpu.memory_space<vmem>>, vector<16xf32>,
    %get3A_2862 = vector.shape_cast %get3A_2861 : vector<16xf32> to vector<16xf32>
    %add3A_2863 = arith.addf %add3A_2859, %get3A_2862 : vector<16xf32>
    %get3A_2864 = arith.constant 2512 : index
    %get3A_2865 = tpu.vector_load %arg13[%get3A_2864] {strides = array<i32>} : memref<6400xf32, #tpu.memory_space<vmem>>, vector<16xf32>,
    %get3A_2866 = vector.shape_cast %get3A_2865 : vector<16xf32> to vector<16xf32>
    %add3A_2867 = arith.addf %add3A_2863, %get3A_2866 : vector<16xf32>
    %get3A_2868 = arith.constant 2640 : index
    %get3A_2869 = tpu.vector_load %arg13[%get3A_2868] {strides = array<i32>} : memref<6400xf32, #tpu.memory_space<vmem>>, vector<16xf32>,
    %get3A_2870 = vector.shape_cast %get3A_2869 : vector<16xf32> to vector<16xf32>
    %add3A_2871 = arith.addf %add3A_2867, %get3A_2870 : vector<16xf32>
    %get3A_2872 = arith.constant 2768 : index
    %get3A_2873 = tpu.vector_load %arg13[%get3A_2872] {strides = array<i32>} : memref<6400xf32, #tpu.memory_space<vmem>>, vector<16xf32>,
    %get3A_2874 = vector.shape_cast %get3A_2873 : vector<16xf32> to vector<16xf32>
    %add3A_2875 = arith.addf %add3A_2871, %get3A_2874 : vector<16xf32>
    %get3A_2876 = arith.constant 2896 : index
    %get3A_2877 = tpu.vector_load %arg13[%get3A_2876] {strides = array<i32>} : memref<6400xf32, #tpu.memory_space<vmem>>, vector<16xf32>,
    %get3A_2878 = vector.shape_cast %get3A_2877 : vector<16xf32> to vector<16xf32>
    %add3A_2879 = arith.addf %add3A_2875, %get3A_2878 : vector<16xf32>
    %get3A_2880 = arith.constant 3024 : index
    %get3A_2881 = tpu.vector_load %arg13[%get3A_2880] {strides = array<i32>} : memref<6400xf32, #tpu.memory_space<vmem>>, vector<16xf32>,
    %get3A_2882 = vector.shape_cast %get3A_2881 : vector<16xf32> to vector<16xf32>
    %add3A_2883 = arith.addf %add3A_2879, %get3A_2882 : vector<16xf32>
    %get3A_2884 = arith.constant 3152 : index
    %get3A_2885 = tpu.vector_load %arg13[%get3A_2884] {strides = array<i32>} : memref<6400xf32, #tpu.memory_space<vmem>>, vector<16xf32>,
    %get3A_2886 = vector.shape_cast %get3A_2885 : vector<16xf32> to vector<16xf32>
    %add3A_2887 = arith.addf %add3A_2883, %get3A_2886 : vector<16xf32>
    %get3A_2888 = arith.constant 3280 : index
    %get3A_2889 = tpu.vector_load %arg13[%get3A_2888] {strides = array<i32>} : memref<6400xf32, #tpu.memory_space<vmem>>, vector<16xf32>,
    %get3A_2890 = vector.shape_cast %get3A_2889 : vector<16xf32> to vector<16xf32>
    %add3A_2891 = arith.addf %add3A_2887, %get3A_2890 : vector<16xf32>
    %get3A_2892 = arith.constant 3408 : index
    %get3A_2893 = tpu.vector_load %arg13[%get3A_2892] {strides = array<i32>} : memref<6400xf32, #tpu.memory_space<vmem>>, vector<16xf32>,
    %get3A_2894 = vector.shape_cast %get3A_2893 : vector<16xf32> to vector<16xf32>
    %add3A_2895 = arith.addf %add3A_2891, %get3A_2894 : vector<16xf32>
    %get3A_2896 = arith.constant 3536 : index
    %get3A_2897 = tpu.vector_load %arg13[%get3A_2896] {strides = array<i32>} : memref<6400xf32, #tpu.memory_space<vmem>>, vector<16xf32>,
    %get3A_2898 = vector.shape_cast %get3A_2897 : vector<16xf32> to vector<16xf32>
    %add3A_2899 = arith.addf %add3A_2895, %get3A_2898 : vector<16xf32>
    %get3A_2900 = arith.constant 3664 : index
    %get3A_2901 = tpu.vector_load %arg13[%get3A_2900] {strides = array<i32>} : memref<6400xf32, #tpu.memory_space<vmem>>, vector<16xf32>,
    %get3A_2902 = vector.shape_cast %get3A_2901 : vector<16xf32> to vector<16xf32>
    %add3A_2903 = arith.addf %add3A_2899, %get3A_2902 : vector<16xf32>
    %get3A_2904 = arith.constant 3792 : index
    %get3A_2905 = tpu.vector_load %arg13[%get3A_2904] {strides = array<i32>} : memref<6400xf32, #tpu.memory_space<vmem>>, vector<16xf32>,
    %get3A_2906 = vector.shape_cast %get3A_2905 : vector<16xf32> to vector<16xf32>
    %add3A_2907 = arith.addf %add3A_2903, %get3A_2906 : vector<16xf32>
    %get3A_2908 = arith.constant 3920 : index
    %get3A_2909 = tpu.vector_load %arg13[%get3A_2908] {strides = array<i32>} : memref<6400xf32, #tpu.memory_space<vmem>>, vector<16xf32>,
    %get3A_2910 = vector.shape_cast %get3A_2909 : vector<16xf32> to vector<16xf32>
    %add3A_2911 = arith.addf %add3A_2907, %get3A_2910 : vector<16xf32>
    %get3A_2912 = arith.constant 4048 : index
    %get3A_2913 = tpu.vector_load %arg13[%get3A_2912] {strides = array<i32>} : memref<6400xf32, #tpu.memory_space<vmem>>, vector<16xf32>,
    %get3A_2914 = vector.shape_cast %get3A_2913 : vector<16xf32> to vector<16xf32>
    %add3A_2915 = arith.addf %add3A_2911, %get3A_2914 : vector<16xf32>
    %get3A_2916 = arith.constant 4176 : index
    %get3A_2917 = tpu.vector_load %arg13[%get3A_2916] {strides = array<i32>} : memref<6400xf32, #tpu.memory_space<vmem>>, vector<16xf32>,
    %get3A_2918 = vector.shape_cast %get3A_2917 : vector<16xf32> to vector<16xf32>
    %add3A_2919 = arith.addf %add3A_2915, %get3A_2918 : vector<16xf32>
    %get3A_2920 = arith.constant 4304 : index
    %get3A_2921 = tpu.vector_load %arg13[%get3A_2920] {strides = array<i32>} : memref<6400xf32, #tpu.memory_space<vmem>>, vector<16xf32>,
    %get3A_2922 = vector.shape_cast %get3A_2921 : vector<16xf32> to vector<16xf32>
    %add3A_2923 = arith.addf %add3A_2919, %get3A_2922 : vector<16xf32>
    %get3A_2924 = arith.constant 4432 : index
    %get3A_2925 = tpu.vector_load %arg13[%get3A_2924] {strides = array<i32>} : memref<6400xf32, #tpu.memory_space<vmem>>, vector<16xf32>,
    %get3A_2926 = vector.shape_cast %get3A_2925 : vector<16xf32> to vector<16xf32>
    %add3A_2927 = arith.addf %add3A_2923, %get3A_2926 : vector<16xf32>
    %get3A_2928 = arith.constant 4560 : index
    %get3A_2929 = tpu.vector_load %arg13[%get3A_2928] {strides = array<i32>} : memref<6400xf32, #tpu.memory_space<vmem>>, vector<16xf32>,
    %get3A_2930 = vector.shape_cast %get3A_2929 : vector<16xf32> to vector<16xf32>
    %add3A_2931 = arith.addf %add3A_2927, %get3A_2930 : vector<16xf32>
    %get3A_2932 = arith.constant 4688 : index
    %get3A_2933 = tpu.vector_load %arg13[%get3A_2932] {strides = array<i32>} : memref<6400xf32, #tpu.memory_space<vmem>>, vector<16xf32>,
    %get3A_2934 = vector.shape_cast %get3A_2933 : vector<16xf32> to vector<16xf32>
    %add3A_2935 = arith.addf %add3A_2931, %get3A_2934 : vector<16xf32>
    %get3A_2936 = arith.constant 4816 : index
    %get3A_2937 = tpu.vector_load %arg13[%get3A_2936] {strides = array<i32>} : memref<6400xf32, #tpu.memory_space<vmem>>, vector<16xf32>,
    %get3A_2938 = vector.shape_cast %get3A_2937 : vector<16xf32> to vector<16xf32>
    %add3A_2939 = arith.addf %add3A_2935, %get3A_2938 : vector<16xf32>
    %get3A_2940 = arith.constant 4944 : index
    %get3A_2941 = tpu.vector_load %arg13[%get3A_2940] {strides = array<i32>} : memref<6400xf32, #tpu.memory_space<vmem>>, vector<16xf32>,
    %get3A_2942 = vector.shape_cast %get3A_2941 : vector<16xf32> to vector<16xf32>
    %add3A_2943 = arith.addf %add3A_2939, %get3A_2942 : vector<16xf32>
    %get3A_2944 = arith.constant 5072 : index
    %get3A_2945 = tpu.vector_load %arg13[%get3A_2944] {strides = array<i32>} : memref<6400xf32, #tpu.memory_space<vmem>>, vector<16xf32>,
    %get3A_2946 = vector.shape_cast %get3A_2945 : vector<16xf32> to vector<16xf32>
    %add3A_2947 = arith.addf %add3A_2943, %get3A_2946 : vector<16xf32>
    %get3A_2948 = arith.constant 5200 : index
    %get3A_2949 = tpu.vector_load %arg13[%get3A_2948] {strides = array<i32>} : memref<6400xf32, #tpu.memory_space<vmem>>, vector<16xf32>,
    %get3A_2950 = vector.shape_cast %get3A_2949 : vector<16xf32> to vector<16xf32>
    %add3A_2951 = arith.addf %add3A_2947, %get3A_2950 : vector<16xf32>
    %get3A_2952 = arith.constant 5328 : index
    %get3A_2953 = tpu.vector_load %arg13[%get3A_2952] {strides = array<i32>} : memref<6400xf32, #tpu.memory_space<vmem>>, vector<16xf32>,
    %get3A_2954 = vector.shape_cast %get3A_2953 : vector<16xf32> to vector<16xf32>
    %add3A_2955 = arith.addf %add3A_2951, %get3A_2954 : vector<16xf32>
    %get3A_2956 = arith.constant 5456 : index
    %get3A_2957 = tpu.vector_load %arg13[%get3A_2956] {strides = array<i32>} : memref<6400xf32, #tpu.memory_space<vmem>>, vector<16xf32>,
    %get3A_2958 = vector.shape_cast %get3A_2957 : vector<16xf32> to vector<16xf32>
    %add3A_2959 = arith.addf %add3A_2955, %get3A_2958 : vector<16xf32>
    %get3A_2960 = arith.constant 5584 : index
    %get3A_2961 = tpu.vector_load %arg13[%get3A_2960] {strides = array<i32>} : memref<6400xf32, #tpu.memory_space<vmem>>, vector<16xf32>,
    %get3A_2962 = vector.shape_cast %get3A_2961 : vector<16xf32> to vector<16xf32>
    %add3A_2963 = arith.addf %add3A_2959, %get3A_2962 : vector<16xf32>
    %get3A_2964 = arith.constant 5712 : index
    %get3A_2965 = tpu.vector_load %arg13[%get3A_2964] {strides = array<i32>} : memref<6400xf32, #tpu.memory_space<vmem>>, vector<16xf32>,
    %get3A_2966 = vector.shape_cast %get3A_2965 : vector<16xf32> to vector<16xf32>
    %add3A_2967 = arith.addf %add3A_2963, %get3A_2966 : vector<16xf32>
    %get3A_2968 = arith.constant 5840 : index
    %get3A_2969 = tpu.vector_load %arg13[%get3A_2968] {strides = array<i32>} : memref<6400xf32, #tpu.memory_space<vmem>>, vector<16xf32>,
    %get3A_2970 = vector.shape_cast %get3A_2969 : vector<16xf32> to vector<16xf32>
    %add3A_2971 = arith.addf %add3A_2967, %get3A_2970 : vector<16xf32>
    %get3A_2972 = arith.constant 5968 : index
    %get3A_2973 = tpu.vector_load %arg13[%get3A_2972] {strides = array<i32>} : memref<6400xf32, #tpu.memory_space<vmem>>, vector<16xf32>,
    %get3A_2974 = vector.shape_cast %get3A_2973 : vector<16xf32> to vector<16xf32>
    %add3A_2975 = arith.addf %add3A_2971, %get3A_2974 : vector<16xf32>
    %get3A_2976 = arith.constant 6096 : index
    %get3A_2977 = tpu.vector_load %arg13[%get3A_2976] {strides = array<i32>} : memref<6400xf32, #tpu.memory_space<vmem>>, vector<16xf32>,
    %get3A_2978 = vector.shape_cast %get3A_2977 : vector<16xf32> to vector<16xf32>
    %add3A_2979 = arith.addf %add3A_2975, %get3A_2978 : vector<16xf32>
    %get3A_2980 = arith.constant 6224 : index
    %get3A_2981 = tpu.vector_load %arg13[%get3A_2980] {strides = array<i32>} : memref<6400xf32, #tpu.memory_space<vmem>>, vector<16xf32>,
    %get3A_2982 = vector.shape_cast %get3A_2981 : vector<16xf32> to vector<16xf32>
    %add3A_2983 = arith.addf %add3A_2979, %get3A_2982 : vector<16xf32>
    %get3A_2984 = arith.constant 6352 : index
    %get3A_2985 = tpu.vector_load %arg13[%get3A_2984] {strides = array<i32>} : memref<6400xf32, #tpu.memory_space<vmem>>, vector<16xf32>,
    %get3A_2986 = vector.shape_cast %get3A_2985 : vector<16xf32> to vector<16xf32>
    %add3A_2987 = arith.addf %add3A_2983, %get3A_2986 : vector<16xf32>
    %get3A_2988 = arith.constant 80 : index
    %get3A_2989 = tpu.vector_load %arg14[%get3A_2988] {strides = array<i32>} : memref<128xi32, #tpu.memory_space<vmem>>, vector<16xi32>,
    %get3A_2990 = vector.shape_cast %get3A_2989 : vector<16xi32> to vector<16xi32>
    %convert_element_type3A_2991 = arith.sitofp %get3A_2990 : vector<16xi32> to vector<16xf32>
    %div3A_2992 = arith.constant 1.000000e+00 : f32
    %div3A_2993 = vector.broadcast %div3A_2992 : f32 to vector<16xf32>
    %div3A_2994 = arith.divf %div3A_2993, %convert_element_type3A_2991 : vector<16xf32>
    %get3A_2995 = arith.constant 80 : index
    %get3A_2996 = tpu.vector_load %arg15[%get3A_2995] {strides = array<i32>} : memref<128xi32, #tpu.memory_space<vmem>>, vector<16xi32>,
    %get3A_2997 = vector.shape_cast %get3A_2996 : vector<16xi32> to vector<16xi32>
    %convert_element_type3A_2998 = arith.sitofp %get3A_2997 : vector<16xi32> to vector<16xf32>
    %div3A_2999 = arith.constant 1.000000e+00 : f32
    %div3A_3000 = vector.broadcast %div3A_2999 : f32 to vector<16xf32>
    %div3A_3001 = arith.divf %div3A_3000, %convert_element_type3A_2998 : vector<16xf32>
    %mul3A_3002 = arith.mulf %add3A_1204, %div3A_2994 : vector<16xf32>
    %mul3A_3003 = arith.mulf %add3A_2987, %div3A_3001 : vector<16xf32>
    %add3A_3004 = arith.addf %mul3A_3002, %mul3A_3003 : vector<16xf32>
    %add3A_3005 = arith.addf %add3A_3004, %get3A_9 : vector<16xf32>
    %neg3A_3006 = arith.constant 0.000000e+00 : f32
    %neg3A_3007 = vector.broadcast %neg3A_3006 : f32 to vector<16xf32>
    %neg3A_3008 = arith.subf %neg3A_3007, %add3A_3005 : vector<16xf32>
    %exp3A_3009 = math.exp %neg3A_3008 : vector<16xf32>
    %add3A_3010 = arith.constant 1.000000e+00 : f32
    %add3A_3011 = vector.broadcast %add3A_3010 : f32 to vector<16xf32>
    %add3A_3012 = arith.addf %add3A_3011, %exp3A_3009 : vector<16xf32>
    %div3A_3013 = arith.constant 1.000000e+00 : f32
    %div3A_3014 = vector.broadcast %div3A_3013 : f32 to vector<16xf32>
    %div3A_3015 = arith.divf %div3A_3014, %add3A_3012 : vector<16xf32>
    %sub3A_3016 = arith.constant 1.000000e+00 : f32
    %sub3A_3017 = vector.broadcast %sub3A_3016 : f32 to vector<16xf32>
    %sub3A_3018 = arith.subf %sub3A_3017, %div3A_3015 : vector<16xf32>
    %swap3A_3019 = arith.constant 80 : index
    %swap3A_3020 = tpu.vector_load %arg17[%swap3A_3019] {strides = array<i32>} : memref<128xf32, #tpu.memory_space<vmem>>, vector<16xf32>,
    %swap3A_3021 = vector.shape_cast %swap3A_3020 : vector<16xf32> to vector<16xf32>
    %swap3A_3022 = vector.shape_cast %sub3A_3018 : vector<16xf32> to vector<16xf32>
    tpu.vector_store %arg17[%swap3A_3019], %swap3A_3022 {strides = array<i32>} : memref<128xf32, #tpu.memory_space<vmem>>, vector<16xf32>,
    %swap3A_3023 = arith.constant 80 : index
    %swap3A_3024 = tpu.vector_load %arg18[%swap3A_3023] {strides = array<i32>} : memref<128xf32, #tpu.memory_space<vmem>>, vector<16xf32>,
    %swap3A_3025 = vector.shape_cast %swap3A_3024 : vector<16xf32> to vector<16xf32>
    %swap3A_3026 = vector.shape_cast %div3A_3015 : vector<16xf32> to vector<16xf32>
    tpu.vector_store %arg18[%swap3A_3023], %swap3A_3026 {strides = array<i32>} : memref<128xf32, #tpu.memory_space<vmem>>, vector<16xf32>,
    %get3A_3027 = arith.constant 96 : index
    %get3A_3028 = tpu.vector_load %arg13[%get3A_3027] {strides = array<i32>} : memref<6400xf32, #tpu.memory_space<vmem>>, vector<16xf32>,
    %get3A_3029 = vector.shape_cast %get3A_3028 : vector<16xf32> to vector<16xf32>
    %get3A_3030 = arith.constant 224 : index
    %get3A_3031 = tpu.vector_load %arg13[%get3A_3030] {strides = array<i32>} : memref<6400xf32, #tpu.memory_space<vmem>>, vector<16xf32>,
    %get3A_3032 = vector.shape_cast %get3A_3031 : vector<16xf32> to vector<16xf32>
    %add3A_3033 = arith.addf %get3A_3029, %get3A_3032 : vector<16xf32>
    %get3A_3034 = arith.constant 352 : index
    %get3A_3035 = tpu.vector_load %arg13[%get3A_3034] {strides = array<i32>} : memref<6400xf32, #tpu.memory_space<vmem>>, vector<16xf32>,
    %get3A_3036 = vector.shape_cast %get3A_3035 : vector<16xf32> to vector<16xf32>
    %add3A_3037 = arith.addf %add3A_3033, %get3A_3036 : vector<16xf32>
    %get3A_3038 = arith.constant 480 : index
    %get3A_3039 = tpu.vector_load %arg13[%get3A_3038] {strides = array<i32>} : memref<6400xf32, #tpu.memory_space<vmem>>, vector<16xf32>,
    %get3A_3040 = vector.shape_cast %get3A_3039 : vector<16xf32> to vector<16xf32>
    %add3A_3041 = arith.addf %add3A_3037, %get3A_3040 : vector<16xf32>
    %get3A_3042 = arith.constant 608 : index
    %get3A_3043 = tpu.vector_load %arg13[%get3A_3042] {strides = array<i32>} : memref<6400xf32, #tpu.memory_space<vmem>>, vector<16xf32>,
    %get3A_3044 = vector.shape_cast %get3A_3043 : vector<16xf32> to vector<16xf32>
    %add3A_3045 = arith.addf %add3A_3041, %get3A_3044 : vector<16xf32>
    %get3A_3046 = arith.constant 736 : index
    %get3A_3047 = tpu.vector_load %arg13[%get3A_3046] {strides = array<i32>} : memref<6400xf32, #tpu.memory_space<vmem>>, vector<16xf32>,
    %get3A_3048 = vector.shape_cast %get3A_3047 : vector<16xf32> to vector<16xf32>
    %add3A_3049 = arith.addf %add3A_3045, %get3A_3048 : vector<16xf32>
    %get3A_3050 = arith.constant 864 : index
    %get3A_3051 = tpu.vector_load %arg13[%get3A_3050] {strides = array<i32>} : memref<6400xf32, #tpu.memory_space<vmem>>, vector<16xf32>,
    %get3A_3052 = vector.shape_cast %get3A_3051 : vector<16xf32> to vector<16xf32>
    %add3A_3053 = arith.addf %add3A_3049, %get3A_3052 : vector<16xf32>
    %get3A_3054 = arith.constant 992 : index
    %get3A_3055 = tpu.vector_load %arg13[%get3A_3054] {strides = array<i32>} : memref<6400xf32, #tpu.memory_space<vmem>>, vector<16xf32>,
    %get3A_3056 = vector.shape_cast %get3A_3055 : vector<16xf32> to vector<16xf32>
    %add3A_3057 = arith.addf %add3A_3053, %get3A_3056 : vector<16xf32>
    %get3A_3058 = arith.constant 1120 : index
    %get3A_3059 = tpu.vector_load %arg13[%get3A_3058] {strides = array<i32>} : memref<6400xf32, #tpu.memory_space<vmem>>, vector<16xf32>,
    %get3A_3060 = vector.shape_cast %get3A_3059 : vector<16xf32> to vector<16xf32>
    %add3A_3061 = arith.addf %add3A_3057, %get3A_3060 : vector<16xf32>
    %get3A_3062 = arith.constant 1248 : index
    %get3A_3063 = tpu.vector_load %arg13[%get3A_3062] {strides = array<i32>} : memref<6400xf32, #tpu.memory_space<vmem>>, vector<16xf32>,
    %get3A_3064 = vector.shape_cast %get3A_3063 : vector<16xf32> to vector<16xf32>
    %add3A_3065 = arith.addf %add3A_3061, %get3A_3064 : vector<16xf32>
    %get3A_3066 = arith.constant 1376 : index
    %get3A_3067 = tpu.vector_load %arg13[%get3A_3066] {strides = array<i32>} : memref<6400xf32, #tpu.memory_space<vmem>>, vector<16xf32>,
    %get3A_3068 = vector.shape_cast %get3A_3067 : vector<16xf32> to vector<16xf32>
    %add3A_3069 = arith.addf %add3A_3065, %get3A_3068 : vector<16xf32>
    %get3A_3070 = arith.constant 1504 : index
    %get3A_3071 = tpu.vector_load %arg13[%get3A_3070] {strides = array<i32>} : memref<6400xf32, #tpu.memory_space<vmem>>, vector<16xf32>,
    %get3A_3072 = vector.shape_cast %get3A_3071 : vector<16xf32> to vector<16xf32>
    %add3A_3073 = arith.addf %add3A_3069, %get3A_3072 : vector<16xf32>
    %get3A_3074 = arith.constant 1632 : index
    %get3A_3075 = tpu.vector_load %arg13[%get3A_3074] {strides = array<i32>} : memref<6400xf32, #tpu.memory_space<vmem>>, vector<16xf32>,
    %get3A_3076 = vector.shape_cast %get3A_3075 : vector<16xf32> to vector<16xf32>
    %add3A_3077 = arith.addf %add3A_3073, %get3A_3076 : vector<16xf32>
    %get3A_3078 = arith.constant 1760 : index
    %get3A_3079 = tpu.vector_load %arg13[%get3A_3078] {strides = array<i32>} : memref<6400xf32, #tpu.memory_space<vmem>>, vector<16xf32>,
    %get3A_3080 = vector.shape_cast %get3A_3079 : vector<16xf32> to vector<16xf32>
    %add3A_3081 = arith.addf %add3A_3077, %get3A_3080 : vector<16xf32>
    %get3A_3082 = arith.constant 1888 : index
    %get3A_3083 = tpu.vector_load %arg13[%get3A_3082] {strides = array<i32>} : memref<6400xf32, #tpu.memory_space<vmem>>, vector<16xf32>,
    %get3A_3084 = vector.shape_cast %get3A_3083 : vector<16xf32> to vector<16xf32>
    %add3A_3085 = arith.addf %add3A_3081, %get3A_3084 : vector<16xf32>
    %get3A_3086 = arith.constant 2016 : index
    %get3A_3087 = tpu.vector_load %arg13[%get3A_3086] {strides = array<i32>} : memref<6400xf32, #tpu.memory_space<vmem>>, vector<16xf32>,
    %get3A_3088 = vector.shape_cast %get3A_3087 : vector<16xf32> to vector<16xf32>
    %add3A_3089 = arith.addf %add3A_3085, %get3A_3088 : vector<16xf32>
    %get3A_3090 = arith.constant 2144 : index
    %get3A_3091 = tpu.vector_load %arg13[%get3A_3090] {strides = array<i32>} : memref<6400xf32, #tpu.memory_space<vmem>>, vector<16xf32>,
    %get3A_3092 = vector.shape_cast %get3A_3091 : vector<16xf32> to vector<16xf32>
    %add3A_3093 = arith.addf %add3A_3089, %get3A_3092 : vector<16xf32>
    %get3A_3094 = arith.constant 2272 : index
    %get3A_3095 = tpu.vector_load %arg13[%get3A_3094] {strides = array<i32>} : memref<6400xf32, #tpu.memory_space<vmem>>, vector<16xf32>,
    %get3A_3096 = vector.shape_cast %get3A_3095 : vector<16xf32> to vector<16xf32>
    %add3A_3097 = arith.addf %add3A_3093, %get3A_3096 : vector<16xf32>
    %get3A_3098 = arith.constant 2400 : index
    %get3A_3099 = tpu.vector_load %arg13[%get3A_3098] {strides = array<i32>} : memref<6400xf32, #tpu.memory_space<vmem>>, vector<16xf32>,
    %get3A_3100 = vector.shape_cast %get3A_3099 : vector<16xf32> to vector<16xf32>
    %add3A_3101 = arith.addf %add3A_3097, %get3A_3100 : vector<16xf32>
    %get3A_3102 = arith.constant 2528 : index
    %get3A_3103 = tpu.vector_load %arg13[%get3A_3102] {strides = array<i32>} : memref<6400xf32, #tpu.memory_space<vmem>>, vector<16xf32>,
    %get3A_3104 = vector.shape_cast %get3A_3103 : vector<16xf32> to vector<16xf32>
    %add3A_3105 = arith.addf %add3A_3101, %get3A_3104 : vector<16xf32>
    %get3A_3106 = arith.constant 2656 : index
    %get3A_3107 = tpu.vector_load %arg13[%get3A_3106] {strides = array<i32>} : memref<6400xf32, #tpu.memory_space<vmem>>, vector<16xf32>,
    %get3A_3108 = vector.shape_cast %get3A_3107 : vector<16xf32> to vector<16xf32>
    %add3A_3109 = arith.addf %add3A_3105, %get3A_3108 : vector<16xf32>
    %get3A_3110 = arith.constant 2784 : index
    %get3A_3111 = tpu.vector_load %arg13[%get3A_3110] {strides = array<i32>} : memref<6400xf32, #tpu.memory_space<vmem>>, vector<16xf32>,
    %get3A_3112 = vector.shape_cast %get3A_3111 : vector<16xf32> to vector<16xf32>
    %add3A_3113 = arith.addf %add3A_3109, %get3A_3112 : vector<16xf32>
    %get3A_3114 = arith.constant 2912 : index
    %get3A_3115 = tpu.vector_load %arg13[%get3A_3114] {strides = array<i32>} : memref<6400xf32, #tpu.memory_space<vmem>>, vector<16xf32>,
    %get3A_3116 = vector.shape_cast %get3A_3115 : vector<16xf32> to vector<16xf32>
    %add3A_3117 = arith.addf %add3A_3113, %get3A_3116 : vector<16xf32>
    %get3A_3118 = arith.constant 3040 : index
    %get3A_3119 = tpu.vector_load %arg13[%get3A_3118] {strides = array<i32>} : memref<6400xf32, #tpu.memory_space<vmem>>, vector<16xf32>,
    %get3A_3120 = vector.shape_cast %get3A_3119 : vector<16xf32> to vector<16xf32>
    %add3A_3121 = arith.addf %add3A_3117, %get3A_3120 : vector<16xf32>
    %get3A_3122 = arith.constant 3168 : index
    %get3A_3123 = tpu.vector_load %arg13[%get3A_3122] {strides = array<i32>} : memref<6400xf32, #tpu.memory_space<vmem>>, vector<16xf32>,
    %get3A_3124 = vector.shape_cast %get3A_3123 : vector<16xf32> to vector<16xf32>
    %add3A_3125 = arith.addf %add3A_3121, %get3A_3124 : vector<16xf32>
    %get3A_3126 = arith.constant 3296 : index
    %get3A_3127 = tpu.vector_load %arg13[%get3A_3126] {strides = array<i32>} : memref<6400xf32, #tpu.memory_space<vmem>>, vector<16xf32>,
    %get3A_3128 = vector.shape_cast %get3A_3127 : vector<16xf32> to vector<16xf32>
    %add3A_3129 = arith.addf %add3A_3125, %get3A_3128 : vector<16xf32>
    %get3A_3130 = arith.constant 3424 : index
    %get3A_3131 = tpu.vector_load %arg13[%get3A_3130] {strides = array<i32>} : memref<6400xf32, #tpu.memory_space<vmem>>, vector<16xf32>,
    %get3A_3132 = vector.shape_cast %get3A_3131 : vector<16xf32> to vector<16xf32>
    %add3A_3133 = arith.addf %add3A_3129, %get3A_3132 : vector<16xf32>
    %get3A_3134 = arith.constant 3552 : index
    %get3A_3135 = tpu.vector_load %arg13[%get3A_3134] {strides = array<i32>} : memref<6400xf32, #tpu.memory_space<vmem>>, vector<16xf32>,
    %get3A_3136 = vector.shape_cast %get3A_3135 : vector<16xf32> to vector<16xf32>
    %add3A_3137 = arith.addf %add3A_3133, %get3A_3136 : vector<16xf32>
    %get3A_3138 = arith.constant 3680 : index
    %get3A_3139 = tpu.vector_load %arg13[%get3A_3138] {strides = array<i32>} : memref<6400xf32, #tpu.memory_space<vmem>>, vector<16xf32>,
    %get3A_3140 = vector.shape_cast %get3A_3139 : vector<16xf32> to vector<16xf32>
    %add3A_3141 = arith.addf %add3A_3137, %get3A_3140 : vector<16xf32>
    %get3A_3142 = arith.constant 3808 : index
    %get3A_3143 = tpu.vector_load %arg13[%get3A_3142] {strides = array<i32>} : memref<6400xf32, #tpu.memory_space<vmem>>, vector<16xf32>,
    %get3A_3144 = vector.shape_cast %get3A_3143 : vector<16xf32> to vector<16xf32>
    %add3A_3145 = arith.addf %add3A_3141, %get3A_3144 : vector<16xf32>
    %get3A_3146 = arith.constant 3936 : index
    %get3A_3147 = tpu.vector_load %arg13[%get3A_3146] {strides = array<i32>} : memref<6400xf32, #tpu.memory_space<vmem>>, vector<16xf32>,
    %get3A_3148 = vector.shape_cast %get3A_3147 : vector<16xf32> to vector<16xf32>
    %add3A_3149 = arith.addf %add3A_3145, %get3A_3148 : vector<16xf32>
    %get3A_3150 = arith.constant 4064 : index
    %get3A_3151 = tpu.vector_load %arg13[%get3A_3150] {strides = array<i32>} : memref<6400xf32, #tpu.memory_space<vmem>>, vector<16xf32>,
    %get3A_3152 = vector.shape_cast %get3A_3151 : vector<16xf32> to vector<16xf32>
    %add3A_3153 = arith.addf %add3A_3149, %get3A_3152 : vector<16xf32>
    %get3A_3154 = arith.constant 4192 : index
    %get3A_3155 = tpu.vector_load %arg13[%get3A_3154] {strides = array<i32>} : memref<6400xf32, #tpu.memory_space<vmem>>, vector<16xf32>,
    %get3A_3156 = vector.shape_cast %get3A_3155 : vector<16xf32> to vector<16xf32>
    %add3A_3157 = arith.addf %add3A_3153, %get3A_3156 : vector<16xf32>
    %get3A_3158 = arith.constant 4320 : index
    %get3A_3159 = tpu.vector_load %arg13[%get3A_3158] {strides = array<i32>} : memref<6400xf32, #tpu.memory_space<vmem>>, vector<16xf32>,
    %get3A_3160 = vector.shape_cast %get3A_3159 : vector<16xf32> to vector<16xf32>
    %add3A_3161 = arith.addf %add3A_3157, %get3A_3160 : vector<16xf32>
    %get3A_3162 = arith.constant 4448 : index
    %get3A_3163 = tpu.vector_load %arg13[%get3A_3162] {strides = array<i32>} : memref<6400xf32, #tpu.memory_space<vmem>>, vector<16xf32>,
    %get3A_3164 = vector.shape_cast %get3A_3163 : vector<16xf32> to vector<16xf32>
    %add3A_3165 = arith.addf %add3A_3161, %get3A_3164 : vector<16xf32>
    %get3A_3166 = arith.constant 4576 : index
    %get3A_3167 = tpu.vector_load %arg13[%get3A_3166] {strides = array<i32>} : memref<6400xf32, #tpu.memory_space<vmem>>, vector<16xf32>,
    %get3A_3168 = vector.shape_cast %get3A_3167 : vector<16xf32> to vector<16xf32>
    %add3A_3169 = arith.addf %add3A_3165, %get3A_3168 : vector<16xf32>
    %get3A_3170 = arith.constant 4704 : index
    %get3A_3171 = tpu.vector_load %arg13[%get3A_3170] {strides = array<i32>} : memref<6400xf32, #tpu.memory_space<vmem>>, vector<16xf32>,
    %get3A_3172 = vector.shape_cast %get3A_3171 : vector<16xf32> to vector<16xf32>
    %add3A_3173 = arith.addf %add3A_3169, %get3A_3172 : vector<16xf32>
    %get3A_3174 = arith.constant 4832 : index
    %get3A_3175 = tpu.vector_load %arg13[%get3A_3174] {strides = array<i32>} : memref<6400xf32, #tpu.memory_space<vmem>>, vector<16xf32>,
    %get3A_3176 = vector.shape_cast %get3A_3175 : vector<16xf32> to vector<16xf32>
    %add3A_3177 = arith.addf %add3A_3173, %get3A_3176 : vector<16xf32>
    %get3A_3178 = arith.constant 4960 : index
    %get3A_3179 = tpu.vector_load %arg13[%get3A_3178] {strides = array<i32>} : memref<6400xf32, #tpu.memory_space<vmem>>, vector<16xf32>,
    %get3A_3180 = vector.shape_cast %get3A_3179 : vector<16xf32> to vector<16xf32>
    %add3A_3181 = arith.addf %add3A_3177, %get3A_3180 : vector<16xf32>
    %get3A_3182 = arith.constant 5088 : index
    %get3A_3183 = tpu.vector_load %arg13[%get3A_3182] {strides = array<i32>} : memref<6400xf32, #tpu.memory_space<vmem>>, vector<16xf32>,
    %get3A_3184 = vector.shape_cast %get3A_3183 : vector<16xf32> to vector<16xf32>
    %add3A_3185 = arith.addf %add3A_3181, %get3A_3184 : vector<16xf32>
    %get3A_3186 = arith.constant 5216 : index
    %get3A_3187 = tpu.vector_load %arg13[%get3A_3186] {strides = array<i32>} : memref<6400xf32, #tpu.memory_space<vmem>>, vector<16xf32>,
    %get3A_3188 = vector.shape_cast %get3A_3187 : vector<16xf32> to vector<16xf32>
    %add3A_3189 = arith.addf %add3A_3185, %get3A_3188 : vector<16xf32>
    %get3A_3190 = arith.constant 5344 : index
    %get3A_3191 = tpu.vector_load %arg13[%get3A_3190] {strides = array<i32>} : memref<6400xf32, #tpu.memory_space<vmem>>, vector<16xf32>,
    %get3A_3192 = vector.shape_cast %get3A_3191 : vector<16xf32> to vector<16xf32>
    %add3A_3193 = arith.addf %add3A_3189, %get3A_3192 : vector<16xf32>
    %get3A_3194 = arith.constant 5472 : index
    %get3A_3195 = tpu.vector_load %arg13[%get3A_3194] {strides = array<i32>} : memref<6400xf32, #tpu.memory_space<vmem>>, vector<16xf32>,
    %get3A_3196 = vector.shape_cast %get3A_3195 : vector<16xf32> to vector<16xf32>
    %add3A_3197 = arith.addf %add3A_3193, %get3A_3196 : vector<16xf32>
    %get3A_3198 = arith.constant 5600 : index
    %get3A_3199 = tpu.vector_load %arg13[%get3A_3198] {strides = array<i32>} : memref<6400xf32, #tpu.memory_space<vmem>>, vector<16xf32>,
    %get3A_3200 = vector.shape_cast %get3A_3199 : vector<16xf32> to vector<16xf32>
    %add3A_3201 = arith.addf %add3A_3197, %get3A_3200 : vector<16xf32>
    %get3A_3202 = arith.constant 5728 : index
    %get3A_3203 = tpu.vector_load %arg13[%get3A_3202] {strides = array<i32>} : memref<6400xf32, #tpu.memory_space<vmem>>, vector<16xf32>,
    %get3A_3204 = vector.shape_cast %get3A_3203 : vector<16xf32> to vector<16xf32>
    %add3A_3205 = arith.addf %add3A_3201, %get3A_3204 : vector<16xf32>
    %get3A_3206 = arith.constant 5856 : index
    %get3A_3207 = tpu.vector_load %arg13[%get3A_3206] {strides = array<i32>} : memref<6400xf32, #tpu.memory_space<vmem>>, vector<16xf32>,
    %get3A_3208 = vector.shape_cast %get3A_3207 : vector<16xf32> to vector<16xf32>
    %add3A_3209 = arith.addf %add3A_3205, %get3A_3208 : vector<16xf32>
    %get3A_3210 = arith.constant 5984 : index
    %get3A_3211 = tpu.vector_load %arg13[%get3A_3210] {strides = array<i32>} : memref<6400xf32, #tpu.memory_space<vmem>>, vector<16xf32>,
    %get3A_3212 = vector.shape_cast %get3A_3211 : vector<16xf32> to vector<16xf32>
    %add3A_3213 = arith.addf %add3A_3209, %get3A_3212 : vector<16xf32>
    %get3A_3214 = arith.constant 6112 : index
    %get3A_3215 = tpu.vector_load %arg13[%get3A_3214] {strides = array<i32>} : memref<6400xf32, #tpu.memory_space<vmem>>, vector<16xf32>,
    %get3A_3216 = vector.shape_cast %get3A_3215 : vector<16xf32> to vector<16xf32>
    %add3A_3217 = arith.addf %add3A_3213, %get3A_3216 : vector<16xf32>
    %get3A_3218 = arith.constant 6240 : index
    %get3A_3219 = tpu.vector_load %arg13[%get3A_3218] {strides = array<i32>} : memref<6400xf32, #tpu.memory_space<vmem>>, vector<16xf32>,
    %get3A_3220 = vector.shape_cast %get3A_3219 : vector<16xf32> to vector<16xf32>
    %add3A_3221 = arith.addf %add3A_3217, %get3A_3220 : vector<16xf32>
    %get3A_3222 = arith.constant 6368 : index
    %get3A_3223 = tpu.vector_load %arg13[%get3A_3222] {strides = array<i32>} : memref<6400xf32, #tpu.memory_space<vmem>>, vector<16xf32>,
    %get3A_3224 = vector.shape_cast %get3A_3223 : vector<16xf32> to vector<16xf32>
    %add3A_3225 = arith.addf %add3A_3221, %get3A_3224 : vector<16xf32>
    %get3A_3226 = arith.constant 96 : index
    %get3A_3227 = tpu.vector_load %arg14[%get3A_3226] {strides = array<i32>} : memref<128xi32, #tpu.memory_space<vmem>>, vector<16xi32>,
    %get3A_3228 = vector.shape_cast %get3A_3227 : vector<16xi32> to vector<16xi32>
    %convert_element_type3A_3229 = arith.sitofp %get3A_3228 : vector<16xi32> to vector<16xf32>
    %div3A_3230 = arith.constant 1.000000e+00 : f32
    %div3A_3231 = vector.broadcast %div3A_3230 : f32 to vector<16xf32>
    %div3A_3232 = arith.divf %div3A_3231, %convert_element_type3A_3229 : vector<16xf32>
    %get3A_3233 = arith.constant 96 : index
    %get3A_3234 = tpu.vector_load %arg15[%get3A_3233] {strides = array<i32>} : memref<128xi32, #tpu.memory_space<vmem>>, vector<16xi32>,
    %get3A_3235 = vector.shape_cast %get3A_3234 : vector<16xi32> to vector<16xi32>
    %convert_element_type3A_3236 = arith.sitofp %get3A_3235 : vector<16xi32> to vector<16xf32>
    %div3A_3237 = arith.constant 1.000000e+00 : f32
    %div3A_3238 = vector.broadcast %div3A_3237 : f32 to vector<16xf32>
    %div3A_3239 = arith.divf %div3A_3238, %convert_element_type3A_3236 : vector<16xf32>
    %mul3A_3240 = arith.mulf %add3A_1403, %div3A_3232 : vector<16xf32>
    %mul3A_3241 = arith.mulf %add3A_3225, %div3A_3239 : vector<16xf32>
    %add3A_3242 = arith.addf %mul3A_3240, %mul3A_3241 : vector<16xf32>
    %add3A_3243 = arith.addf %add3A_3242, %get3A_9 : vector<16xf32>
    %neg3A_3244 = arith.constant 0.000000e+00 : f32
    %neg3A_3245 = vector.broadcast %neg3A_3244 : f32 to vector<16xf32>
    %neg3A_3246 = arith.subf %neg3A_3245, %add3A_3243 : vector<16xf32>
    %exp3A_3247 = math.exp %neg3A_3246 : vector<16xf32>
    %add3A_3248 = arith.constant 1.000000e+00 : f32
    %add3A_3249 = vector.broadcast %add3A_3248 : f32 to vector<16xf32>
    %add3A_3250 = arith.addf %add3A_3249, %exp3A_3247 : vector<16xf32>
    %div3A_3251 = arith.constant 1.000000e+00 : f32
    %div3A_3252 = vector.broadcast %div3A_3251 : f32 to vector<16xf32>
    %div3A_3253 = arith.divf %div3A_3252, %add3A_3250 : vector<16xf32>
    %sub3A_3254 = arith.constant 1.000000e+00 : f32
    %sub3A_3255 = vector.broadcast %sub3A_3254 : f32 to vector<16xf32>
    %sub3A_3256 = arith.subf %sub3A_3255, %div3A_3253 : vector<16xf32>
    %swap3A_3257 = arith.constant 96 : index
    %swap3A_3258 = tpu.vector_load %arg17[%swap3A_3257] {strides = array<i32>} : memref<128xf32, #tpu.memory_space<vmem>>, vector<16xf32>,
    %swap3A_3259 = vector.shape_cast %swap3A_3258 : vector<16xf32> to vector<16xf32>
    %swap3A_3260 = vector.shape_cast %sub3A_3256 : vector<16xf32> to vector<16xf32>
    tpu.vector_store %arg17[%swap3A_3257], %swap3A_3260 {strides = array<i32>} : memref<128xf32, #tpu.memory_space<vmem>>, vector<16xf32>,
    %swap3A_3261 = arith.constant 96 : index
    %swap3A_3262 = tpu.vector_load %arg18[%swap3A_3261] {strides = array<i32>} : memref<128xf32, #tpu.memory_space<vmem>>, vector<16xf32>,
    %swap3A_3263 = vector.shape_cast %swap3A_3262 : vector<16xf32> to vector<16xf32>
    %swap3A_3264 = vector.shape_cast %div3A_3253 : vector<16xf32> to vector<16xf32>
    tpu.vector_store %arg18[%swap3A_3261], %swap3A_3264 {strides = array<i32>} : memref<128xf32, #tpu.memory_space<vmem>>, vector<16xf32>,
    %get3A_3265 = arith.constant 112 : index
    %get3A_3266 = tpu.vector_load %arg13[%get3A_3265] {strides = array<i32>} : memref<6400xf32, #tpu.memory_space<vmem>>, vector<16xf32>,
    %get3A_3267 = vector.shape_cast %get3A_3266 : vector<16xf32> to vector<16xf32>
    %get3A_3268 = arith.constant 240 : index
    %get3A_3269 = tpu.vector_load %arg13[%get3A_3268] {strides = array<i32>} : memref<6400xf32, #tpu.memory_space<vmem>>, vector<16xf32>,
    %get3A_3270 = vector.shape_cast %get3A_3269 : vector<16xf32> to vector<16xf32>
    %add3A_3271 = arith.addf %get3A_3267, %get3A_3270 : vector<16xf32>
    %get3A_3272 = arith.constant 368 : index
    %get3A_3273 = tpu.vector_load %arg13[%get3A_3272] {strides = array<i32>} : memref<6400xf32, #tpu.memory_space<vmem>>, vector<16xf32>,
    %get3A_3274 = vector.shape_cast %get3A_3273 : vector<16xf32> to vector<16xf32>
    %add3A_3275 = arith.addf %add3A_3271, %get3A_3274 : vector<16xf32>
    %get3A_3276 = arith.constant 496 : index
    %get3A_3277 = tpu.vector_load %arg13[%get3A_3276] {strides = array<i32>} : memref<6400xf32, #tpu.memory_space<vmem>>, vector<16xf32>,
    %get3A_3278 = vector.shape_cast %get3A_3277 : vector<16xf32> to vector<16xf32>
    %add3A_3279 = arith.addf %add3A_3275, %get3A_3278 : vector<16xf32>
    %get3A_3280 = arith.constant 624 : index
    %get3A_3281 = tpu.vector_load %arg13[%get3A_3280] {strides = array<i32>} : memref<6400xf32, #tpu.memory_space<vmem>>, vector<16xf32>,
    %get3A_3282 = vector.shape_cast %get3A_3281 : vector<16xf32> to vector<16xf32>
    %add3A_3283 = arith.addf %add3A_3279, %get3A_3282 : vector<16xf32>
    %get3A_3284 = arith.constant 752 : index
    %get3A_3285 = tpu.vector_load %arg13[%get3A_3284] {strides = array<i32>} : memref<6400xf32, #tpu.memory_space<vmem>>, vector<16xf32>,
    %get3A_3286 = vector.shape_cast %get3A_3285 : vector<16xf32> to vector<16xf32>
    %add3A_3287 = arith.addf %add3A_3283, %get3A_3286 : vector<16xf32>
    %get3A_3288 = arith.constant 880 : index
    %get3A_3289 = tpu.vector_load %arg13[%get3A_3288] {strides = array<i32>} : memref<6400xf32, #tpu.memory_space<vmem>>, vector<16xf32>,
    %get3A_3290 = vector.shape_cast %get3A_3289 : vector<16xf32> to vector<16xf32>
    %add3A_3291 = arith.addf %add3A_3287, %get3A_3290 : vector<16xf32>
    %get3A_3292 = arith.constant 1008 : index
    %get3A_3293 = tpu.vector_load %arg13[%get3A_3292] {strides = array<i32>} : memref<6400xf32, #tpu.memory_space<vmem>>, vector<16xf32>,
    %get3A_3294 = vector.shape_cast %get3A_3293 : vector<16xf32> to vector<16xf32>
    %add3A_3295 = arith.addf %add3A_3291, %get3A_3294 : vector<16xf32>
    %get3A_3296 = arith.constant 1136 : index
    %get3A_3297 = tpu.vector_load %arg13[%get3A_3296] {strides = array<i32>} : memref<6400xf32, #tpu.memory_space<vmem>>, vector<16xf32>,
    %get3A_3298 = vector.shape_cast %get3A_3297 : vector<16xf32> to vector<16xf32>
    %add3A_3299 = arith.addf %add3A_3295, %get3A_3298 : vector<16xf32>
    %get3A_3300 = arith.constant 1264 : index
    %get3A_3301 = tpu.vector_load %arg13[%get3A_3300] {strides = array<i32>} : memref<6400xf32, #tpu.memory_space<vmem>>, vector<16xf32>,
    %get3A_3302 = vector.shape_cast %get3A_3301 : vector<16xf32> to vector<16xf32>
    %add3A_3303 = arith.addf %add3A_3299, %get3A_3302 : vector<16xf32>
    %get3A_3304 = arith.constant 1392 : index
    %get3A_3305 = tpu.vector_load %arg13[%get3A_3304] {strides = array<i32>} : memref<6400xf32, #tpu.memory_space<vmem>>, vector<16xf32>,
    %get3A_3306 = vector.shape_cast %get3A_3305 : vector<16xf32> to vector<16xf32>
    %add3A_3307 = arith.addf %add3A_3303, %get3A_3306 : vector<16xf32>
    %get3A_3308 = arith.constant 1520 : index
    %get3A_3309 = tpu.vector_load %arg13[%get3A_3308] {strides = array<i32>} : memref<6400xf32, #tpu.memory_space<vmem>>, vector<16xf32>,
    %get3A_3310 = vector.shape_cast %get3A_3309 : vector<16xf32> to vector<16xf32>
    %add3A_3311 = arith.addf %add3A_3307, %get3A_3310 : vector<16xf32>
    %get3A_3312 = arith.constant 1648 : index
    %get3A_3313 = tpu.vector_load %arg13[%get3A_3312] {strides = array<i32>} : memref<6400xf32, #tpu.memory_space<vmem>>, vector<16xf32>,
    %get3A_3314 = vector.shape_cast %get3A_3313 : vector<16xf32> to vector<16xf32>
    %add3A_3315 = arith.addf %add3A_3311, %get3A_3314 : vector<16xf32>
    %get3A_3316 = arith.constant 1776 : index
    %get3A_3317 = tpu.vector_load %arg13[%get3A_3316] {strides = array<i32>} : memref<6400xf32, #tpu.memory_space<vmem>>, vector<16xf32>,
    %get3A_3318 = vector.shape_cast %get3A_3317 : vector<16xf32> to vector<16xf32>
    %add3A_3319 = arith.addf %add3A_3315, %get3A_3318 : vector<16xf32>
    %get3A_3320 = arith.constant 1904 : index
    %get3A_3321 = tpu.vector_load %arg13[%get3A_3320] {strides = array<i32>} : memref<6400xf32, #tpu.memory_space<vmem>>, vector<16xf32>,
    %get3A_3322 = vector.shape_cast %get3A_3321 : vector<16xf32> to vector<16xf32>
    %add3A_3323 = arith.addf %add3A_3319, %get3A_3322 : vector<16xf32>
    %get3A_3324 = arith.constant 2032 : index
    %get3A_3325 = tpu.vector_load %arg13[%get3A_3324] {strides = array<i32>} : memref<6400xf32, #tpu.memory_space<vmem>>, vector<16xf32>,
    %get3A_3326 = vector.shape_cast %get3A_3325 : vector<16xf32> to vector<16xf32>
    %add3A_3327 = arith.addf %add3A_3323, %get3A_3326 : vector<16xf32>
    %get3A_3328 = arith.constant 2160 : index
    %get3A_3329 = tpu.vector_load %arg13[%get3A_3328] {strides = array<i32>} : memref<6400xf32, #tpu.memory_space<vmem>>, vector<16xf32>,
    %get3A_3330 = vector.shape_cast %get3A_3329 : vector<16xf32> to vector<16xf32>
    %add3A_3331 = arith.addf %add3A_3327, %get3A_3330 : vector<16xf32>
    %get3A_3332 = arith.constant 2288 : index
    %get3A_3333 = tpu.vector_load %arg13[%get3A_3332] {strides = array<i32>} : memref<6400xf32, #tpu.memory_space<vmem>>, vector<16xf32>,
    %get3A_3334 = vector.shape_cast %get3A_3333 : vector<16xf32> to vector<16xf32>
    %add3A_3335 = arith.addf %add3A_3331, %get3A_3334 : vector<16xf32>
    %get3A_3336 = arith.constant 2416 : index
    %get3A_3337 = tpu.vector_load %arg13[%get3A_3336] {strides = array<i32>} : memref<6400xf32, #tpu.memory_space<vmem>>, vector<16xf32>,
    %get3A_3338 = vector.shape_cast %get3A_3337 : vector<16xf32> to vector<16xf32>
    %add3A_3339 = arith.addf %add3A_3335, %get3A_3338 : vector<16xf32>
    %get3A_3340 = arith.constant 2544 : index
    %get3A_3341 = tpu.vector_load %arg13[%get3A_3340] {strides = array<i32>} : memref<6400xf32, #tpu.memory_space<vmem>>, vector<16xf32>,
    %get3A_3342 = vector.shape_cast %get3A_3341 : vector<16xf32> to vector<16xf32>
    %add3A_3343 = arith.addf %add3A_3339, %get3A_3342 : vector<16xf32>
    %get3A_3344 = arith.constant 2672 : index
    %get3A_3345 = tpu.vector_load %arg13[%get3A_3344] {strides = array<i32>} : memref<6400xf32, #tpu.memory_space<vmem>>, vector<16xf32>,
    %get3A_3346 = vector.shape_cast %get3A_3345 : vector<16xf32> to vector<16xf32>
    %add3A_3347 = arith.addf %add3A_3343, %get3A_3346 : vector<16xf32>
    %get3A_3348 = arith.constant 2800 : index
    %get3A_3349 = tpu.vector_load %arg13[%get3A_3348] {strides = array<i32>} : memref<6400xf32, #tpu.memory_space<vmem>>, vector<16xf32>,
    %get3A_3350 = vector.shape_cast %get3A_3349 : vector<16xf32> to vector<16xf32>
    %add3A_3351 = arith.addf %add3A_3347, %get3A_3350 : vector<16xf32>
    %get3A_3352 = arith.constant 2928 : index
    %get3A_3353 = tpu.vector_load %arg13[%get3A_3352] {strides = array<i32>} : memref<6400xf32, #tpu.memory_space<vmem>>, vector<16xf32>,
    %get3A_3354 = vector.shape_cast %get3A_3353 : vector<16xf32> to vector<16xf32>
    %add3A_3355 = arith.addf %add3A_3351, %get3A_3354 : vector<16xf32>
    %get3A_3356 = arith.constant 3056 : index
    %get3A_3357 = tpu.vector_load %arg13[%get3A_3356] {strides = array<i32>} : memref<6400xf32, #tpu.memory_space<vmem>>, vector<16xf32>,
    %get3A_3358 = vector.shape_cast %get3A_3357 : vector<16xf32> to vector<16xf32>
    %add3A_3359 = arith.addf %add3A_3355, %get3A_3358 : vector<16xf32>
    %get3A_3360 = arith.constant 3184 : index
    %get3A_3361 = tpu.vector_load %arg13[%get3A_3360] {strides = array<i32>} : memref<6400xf32, #tpu.memory_space<vmem>>, vector<16xf32>,
    %get3A_3362 = vector.shape_cast %get3A_3361 : vector<16xf32> to vector<16xf32>
    %add3A_3363 = arith.addf %add3A_3359, %get3A_3362 : vector<16xf32>
    %get3A_3364 = arith.constant 3312 : index
    %get3A_3365 = tpu.vector_load %arg13[%get3A_3364] {strides = array<i32>} : memref<6400xf32, #tpu.memory_space<vmem>>, vector<16xf32>,
    %get3A_3366 = vector.shape_cast %get3A_3365 : vector<16xf32> to vector<16xf32>
    %add3A_3367 = arith.addf %add3A_3363, %get3A_3366 : vector<16xf32>
    %get3A_3368 = arith.constant 3440 : index
    %get3A_3369 = tpu.vector_load %arg13[%get3A_3368] {strides = array<i32>} : memref<6400xf32, #tpu.memory_space<vmem>>, vector<16xf32>,
    %get3A_3370 = vector.shape_cast %get3A_3369 : vector<16xf32> to vector<16xf32>
    %add3A_3371 = arith.addf %add3A_3367, %get3A_3370 : vector<16xf32>
    %get3A_3372 = arith.constant 3568 : index
    %get3A_3373 = tpu.vector_load %arg13[%get3A_3372] {strides = array<i32>} : memref<6400xf32, #tpu.memory_space<vmem>>, vector<16xf32>,
    %get3A_3374 = vector.shape_cast %get3A_3373 : vector<16xf32> to vector<16xf32>
    %add3A_3375 = arith.addf %add3A_3371, %get3A_3374 : vector<16xf32>
    %get3A_3376 = arith.constant 3696 : index
    %get3A_3377 = tpu.vector_load %arg13[%get3A_3376] {strides = array<i32>} : memref<6400xf32, #tpu.memory_space<vmem>>, vector<16xf32>,
    %get3A_3378 = vector.shape_cast %get3A_3377 : vector<16xf32> to vector<16xf32>
    %add3A_3379 = arith.addf %add3A_3375, %get3A_3378 : vector<16xf32>
    %get3A_3380 = arith.constant 3824 : index
    %get3A_3381 = tpu.vector_load %arg13[%get3A_3380] {strides = array<i32>} : memref<6400xf32, #tpu.memory_space<vmem>>, vector<16xf32>,
    %get3A_3382 = vector.shape_cast %get3A_3381 : vector<16xf32> to vector<16xf32>
    %add3A_3383 = arith.addf %add3A_3379, %get3A_3382 : vector<16xf32>
    %get3A_3384 = arith.constant 3952 : index
    %get3A_3385 = tpu.vector_load %arg13[%get3A_3384] {strides = array<i32>} : memref<6400xf32, #tpu.memory_space<vmem>>, vector<16xf32>,
    %get3A_3386 = vector.shape_cast %get3A_3385 : vector<16xf32> to vector<16xf32>
    %add3A_3387 = arith.addf %add3A_3383, %get3A_3386 : vector<16xf32>
    %get3A_3388 = arith.constant 4080 : index
    %get3A_3389 = tpu.vector_load %arg13[%get3A_3388] {strides = array<i32>} : memref<6400xf32, #tpu.memory_space<vmem>>, vector<16xf32>,
    %get3A_3390 = vector.shape_cast %get3A_3389 : vector<16xf32> to vector<16xf32>
    %add3A_3391 = arith.addf %add3A_3387, %get3A_3390 : vector<16xf32>
    %get3A_3392 = arith.constant 4208 : index
    %get3A_3393 = tpu.vector_load %arg13[%get3A_3392] {strides = array<i32>} : memref<6400xf32, #tpu.memory_space<vmem>>, vector<16xf32>,
    %get3A_3394 = vector.shape_cast %get3A_3393 : vector<16xf32> to vector<16xf32>
    %add3A_3395 = arith.addf %add3A_3391, %get3A_3394 : vector<16xf32>
    %get3A_3396 = arith.constant 4336 : index
    %get3A_3397 = tpu.vector_load %arg13[%get3A_3396] {strides = array<i32>} : memref<6400xf32, #tpu.memory_space<vmem>>, vector<16xf32>,
    %get3A_3398 = vector.shape_cast %get3A_3397 : vector<16xf32> to vector<16xf32>
    %add3A_3399 = arith.addf %add3A_3395, %get3A_3398 : vector<16xf32>
    %get3A_3400 = arith.constant 4464 : index
    %get3A_3401 = tpu.vector_load %arg13[%get3A_3400] {strides = array<i32>} : memref<6400xf32, #tpu.memory_space<vmem>>, vector<16xf32>,
    %get3A_3402 = vector.shape_cast %get3A_3401 : vector<16xf32> to vector<16xf32>
    %add3A_3403 = arith.addf %add3A_3399, %get3A_3402 : vector<16xf32>
    %get3A_3404 = arith.constant 4592 : index
    %get3A_3405 = tpu.vector_load %arg13[%get3A_3404] {strides = array<i32>} : memref<6400xf32, #tpu.memory_space<vmem>>, vector<16xf32>,
    %get3A_3406 = vector.shape_cast %get3A_3405 : vector<16xf32> to vector<16xf32>
    %add3A_3407 = arith.addf %add3A_3403, %get3A_3406 : vector<16xf32>
    %get3A_3408 = arith.constant 4720 : index
    %get3A_3409 = tpu.vector_load %arg13[%get3A_3408] {strides = array<i32>} : memref<6400xf32, #tpu.memory_space<vmem>>, vector<16xf32>,
    %get3A_3410 = vector.shape_cast %get3A_3409 : vector<16xf32> to vector<16xf32>
    %add3A_3411 = arith.addf %add3A_3407, %get3A_3410 : vector<16xf32>
    %get3A_3412 = arith.constant 4848 : index
    %get3A_3413 = tpu.vector_load %arg13[%get3A_3412] {strides = array<i32>} : memref<6400xf32, #tpu.memory_space<vmem>>, vector<16xf32>,
    %get3A_3414 = vector.shape_cast %get3A_3413 : vector<16xf32> to vector<16xf32>
    %add3A_3415 = arith.addf %add3A_3411, %get3A_3414 : vector<16xf32>
    %get3A_3416 = arith.constant 4976 : index
    %get3A_3417 = tpu.vector_load %arg13[%get3A_3416] {strides = array<i32>} : memref<6400xf32, #tpu.memory_space<vmem>>, vector<16xf32>,
    %get3A_3418 = vector.shape_cast %get3A_3417 : vector<16xf32> to vector<16xf32>
    %add3A_3419 = arith.addf %add3A_3415, %get3A_3418 : vector<16xf32>
    %get3A_3420 = arith.constant 5104 : index
    %get3A_3421 = tpu.vector_load %arg13[%get3A_3420] {strides = array<i32>} : memref<6400xf32, #tpu.memory_space<vmem>>, vector<16xf32>,
    %get3A_3422 = vector.shape_cast %get3A_3421 : vector<16xf32> to vector<16xf32>
    %add3A_3423 = arith.addf %add3A_3419, %get3A_3422 : vector<16xf32>
    %get3A_3424 = arith.constant 5232 : index
    %get3A_3425 = tpu.vector_load %arg13[%get3A_3424] {strides = array<i32>} : memref<6400xf32, #tpu.memory_space<vmem>>, vector<16xf32>,
    %get3A_3426 = vector.shape_cast %get3A_3425 : vector<16xf32> to vector<16xf32>
    %add3A_3427 = arith.addf %add3A_3423, %get3A_3426 : vector<16xf32>
    %get3A_3428 = arith.constant 5360 : index
    %get3A_3429 = tpu.vector_load %arg13[%get3A_3428] {strides = array<i32>} : memref<6400xf32, #tpu.memory_space<vmem>>, vector<16xf32>,
    %get3A_3430 = vector.shape_cast %get3A_3429 : vector<16xf32> to vector<16xf32>
    %add3A_3431 = arith.addf %add3A_3427, %get3A_3430 : vector<16xf32>
    %get3A_3432 = arith.constant 5488 : index
    %get3A_3433 = tpu.vector_load %arg13[%get3A_3432] {strides = array<i32>} : memref<6400xf32, #tpu.memory_space<vmem>>, vector<16xf32>,
    %get3A_3434 = vector.shape_cast %get3A_3433 : vector<16xf32> to vector<16xf32>
    %add3A_3435 = arith.addf %add3A_3431, %get3A_3434 : vector<16xf32>
    %get3A_3436 = arith.constant 5616 : index
    %get3A_3437 = tpu.vector_load %arg13[%get3A_3436] {strides = array<i32>} : memref<6400xf32, #tpu.memory_space<vmem>>, vector<16xf32>,
    %get3A_3438 = vector.shape_cast %get3A_3437 : vector<16xf32> to vector<16xf32>
    %add3A_3439 = arith.addf %add3A_3435, %get3A_3438 : vector<16xf32>
    %get3A_3440 = arith.constant 5744 : index
    %get3A_3441 = tpu.vector_load %arg13[%get3A_3440] {strides = array<i32>} : memref<6400xf32, #tpu.memory_space<vmem>>, vector<16xf32>,
    %get3A_3442 = vector.shape_cast %get3A_3441 : vector<16xf32> to vector<16xf32>
    %add3A_3443 = arith.addf %add3A_3439, %get3A_3442 : vector<16xf32>
    %get3A_3444 = arith.constant 5872 : index
    %get3A_3445 = tpu.vector_load %arg13[%get3A_3444] {strides = array<i32>} : memref<6400xf32, #tpu.memory_space<vmem>>, vector<16xf32>,
    %get3A_3446 = vector.shape_cast %get3A_3445 : vector<16xf32> to vector<16xf32>
    %add3A_3447 = arith.addf %add3A_3443, %get3A_3446 : vector<16xf32>
    %get3A_3448 = arith.constant 6000 : index
    %get3A_3449 = tpu.vector_load %arg13[%get3A_3448] {strides = array<i32>} : memref<6400xf32, #tpu.memory_space<vmem>>, vector<16xf32>,
    %get3A_3450 = vector.shape_cast %get3A_3449 : vector<16xf32> to vector<16xf32>
    %add3A_3451 = arith.addf %add3A_3447, %get3A_3450 : vector<16xf32>
    %get3A_3452 = arith.constant 6128 : index
    %get3A_3453 = tpu.vector_load %arg13[%get3A_3452] {strides = array<i32>} : memref<6400xf32, #tpu.memory_space<vmem>>, vector<16xf32>,
    %get3A_3454 = vector.shape_cast %get3A_3453 : vector<16xf32> to vector<16xf32>
    %add3A_3455 = arith.addf %add3A_3451, %get3A_3454 : vector<16xf32>
    %get3A_3456 = arith.constant 6256 : index
    %get3A_3457 = tpu.vector_load %arg13[%get3A_3456] {strides = array<i32>} : memref<6400xf32, #tpu.memory_space<vmem>>, vector<16xf32>,
    %get3A_3458 = vector.shape_cast %get3A_3457 : vector<16xf32> to vector<16xf32>
    %add3A_3459 = arith.addf %add3A_3455, %get3A_3458 : vector<16xf32>
    %get3A_3460 = arith.constant 6384 : index
    %get3A_3461 = tpu.vector_load %arg13[%get3A_3460] {strides = array<i32>} : memref<6400xf32, #tpu.memory_space<vmem>>, vector<16xf32>,
    %get3A_3462 = vector.shape_cast %get3A_3461 : vector<16xf32> to vector<16xf32>
    %add3A_3463 = arith.addf %add3A_3459, %get3A_3462 : vector<16xf32>
    %get3A_3464 = arith.constant 112 : index
    %get3A_3465 = tpu.vector_load %arg14[%get3A_3464] {strides = array<i32>} : memref<128xi32, #tpu.memory_space<vmem>>, vector<16xi32>,
    %get3A_3466 = vector.shape_cast %get3A_3465 : vector<16xi32> to vector<16xi32>
    %convert_element_type3A_3467 = arith.sitofp %get3A_3466 : vector<16xi32> to vector<16xf32>
    %div3A_3468 = arith.constant 1.000000e+00 : f32
    %div3A_3469 = vector.broadcast %div3A_3468 : f32 to vector<16xf32>
    %div3A_3470 = arith.divf %div3A_3469, %convert_element_type3A_3467 : vector<16xf32>
    %get3A_3471 = arith.constant 112 : index
    %get3A_3472 = tpu.vector_load %arg15[%get3A_3471] {strides = array<i32>} : memref<128xi32, #tpu.memory_space<vmem>>, vector<16xi32>,
    %get3A_3473 = vector.shape_cast %get3A_3472 : vector<16xi32> to vector<16xi32>
    %convert_element_type3A_3474 = arith.sitofp %get3A_3473 : vector<16xi32> to vector<16xf32>
    %div3A_3475 = arith.constant 1.000000e+00 : f32
    %div3A_3476 = vector.broadcast %div3A_3475 : f32 to vector<16xf32>
    %div3A_3477 = arith.divf %div3A_3476, %convert_element_type3A_3474 : vector<16xf32>
    %mul3A_3478 = arith.mulf %add3A_1602, %div3A_3470 : vector<16xf32>
    %mul3A_3479 = arith.mulf %add3A_3463, %div3A_3477 : vector<16xf32>
    %add3A_3480 = arith.addf %mul3A_3478, %mul3A_3479 : vector<16xf32>
    %add3A_3481 = arith.addf %add3A_3480, %get3A_9 : vector<16xf32>
    %neg3A_3482 = arith.constant 0.000000e+00 : f32
    %neg3A_3483 = vector.broadcast %neg3A_3482 : f32 to vector<16xf32>
    %neg3A_3484 = arith.subf %neg3A_3483, %add3A_3481 : vector<16xf32>
    %exp3A_3485 = math.exp %neg3A_3484 : vector<16xf32>
    %add3A_3486 = arith.constant 1.000000e+00 : f32
    %add3A_3487 = vector.broadcast %add3A_3486 : f32 to vector<16xf32>
    %add3A_3488 = arith.addf %add3A_3487, %exp3A_3485 : vector<16xf32>
    %div3A_3489 = arith.constant 1.000000e+00 : f32
    %div3A_3490 = vector.broadcast %div3A_3489 : f32 to vector<16xf32>
    %div3A_3491 = arith.divf %div3A_3490, %add3A_3488 : vector<16xf32>
    %sub3A_3492 = arith.constant 1.000000e+00 : f32
    %sub3A_3493 = vector.broadcast %sub3A_3492 : f32 to vector<16xf32>
    %sub3A_3494 = arith.subf %sub3A_3493, %div3A_3491 : vector<16xf32>
    %swap3A_3495 = arith.constant 112 : index
    %swap3A_3496 = tpu.vector_load %arg17[%swap3A_3495] {strides = array<i32>} : memref<128xf32, #tpu.memory_space<vmem>>, vector<16xf32>,
    %swap3A_3497 = vector.shape_cast %swap3A_3496 : vector<16xf32> to vector<16xf32>
    %swap3A_3498 = vector.shape_cast %sub3A_3494 : vector<16xf32> to vector<16xf32>
    tpu.vector_store %arg17[%swap3A_3495], %swap3A_3498 {strides = array<i32>} : memref<128xf32, #tpu.memory_space<vmem>>, vector<16xf32>,
    %swap3A_3499 = arith.constant 112 : index
    %swap3A_3500 = tpu.vector_load %arg18[%swap3A_3499] {strides = array<i32>} : memref<128xf32, #tpu.memory_space<vmem>>, vector<16xf32>,
    %swap3A_3501 = vector.shape_cast %swap3A_3500 : vector<16xf32> to vector<16xf32>
    %swap3A_3502 = vector.shape_cast %div3A_3491 : vector<16xf32> to vector<16xf32>
    tpu.vector_store %arg18[%swap3A_3499], %swap3A_3502 {strides = array<i32>} : memref<128xf32, #tpu.memory_space<vmem>>, vector<16xf32>,
    "tpu.region"() ({
      %run_scoped3A = tpu.sem_alloc : memref<!tpu.dma_semaphore, #tpu.memory_space<semaphore_mem>>
      %dma_start3A_3505 = tpu.memref_slice %arg9[%mul3A_2] : memref<8192xf32, #tpu.memory_space<hbm>> -> memref<128xf32, #tpu.memory_space<hbm>>
      %dma_start3A_3506 = tpu.memref_slice %arg9[%mul3A_2] : memref<8192xf32, #tpu.memory_space<hbm>> -> memref<128xf32, #tpu.memory_space<hbm>>
      tpu.enqueue_dma source(%arg17 : memref<128xf32, #tpu.memory_space<vmem>>) target(%dma_start3A_3506 : memref<128xf32, #tpu.memory_space<hbm>>) target_semaphore(%run_scoped3A : memref<!tpu.dma_semaphore, #tpu.memory_space<semaphore_mem>>)
      %dma_wait3A_3507 = tpu.memref_slice %arg9[%mul3A_2] : memref<8192xf32, #tpu.memory_space<hbm>> -> memref<128xf32, #tpu.memory_space<hbm>>
      %dma_wait3A_3508 = tpu.memref_slice %arg9[%mul3A_2] : memref<8192xf32, #tpu.memory_space<hbm>> -> memref<128xf32, #tpu.memory_space<hbm>>
      tpu.wait_dma2 semaphore(%run_scoped3A : memref<!tpu.dma_semaphore, #tpu.memory_space<semaphore_mem>>) src(%arg17 : memref<128xf32, #tpu.memory_space<vmem>>) dst(%dma_wait3A_3508 : memref<128xf32, #tpu.memory_space<hbm>>)
      tpu.yield
    }) : () -> ()
    %add3A_3503 = arith.constant 4096 : i32
    %add3A_3504 = arith.addi %add3A_3503, %mul3A_2 : i32
    "tpu.region"() ({
      %run_scoped3A = tpu.sem_alloc : memref<!tpu.dma_semaphore, #tpu.memory_space<semaphore_mem>>
      %dma_start3A_3505 = tpu.memref_slice %arg9[%add3A_3504] : memref<8192xf32, #tpu.memory_space<hbm>> -> memref<128xf32, #tpu.memory_space<hbm>>
      %dma_start3A_3506 = tpu.memref_slice %arg9[%add3A_3504] : memref<8192xf32, #tpu.memory_space<hbm>> -> memref<128xf32, #tpu.memory_space<hbm>>
      tpu.enqueue_dma source(%arg18 : memref<128xf32, #tpu.memory_space<vmem>>) target(%dma_start3A_3506 : memref<128xf32, #tpu.memory_space<hbm>>) target_semaphore(%run_scoped3A : memref<!tpu.dma_semaphore, #tpu.memory_space<semaphore_mem>>)
      %dma_wait3A_3507 = tpu.memref_slice %arg9[%add3A_3504] : memref<8192xf32, #tpu.memory_space<hbm>> -> memref<128xf32, #tpu.memory_space<hbm>>
      %dma_wait3A_3508 = tpu.memref_slice %arg9[%add3A_3504] : memref<8192xf32, #tpu.memory_space<hbm>> -> memref<128xf32, #tpu.memory_space<hbm>>
      tpu.wait_dma2 semaphore(%run_scoped3A : memref<!tpu.dma_semaphore, #tpu.memory_space<semaphore_mem>>) src(%arg18 : memref<128xf32, #tpu.memory_space<vmem>>) dst(%dma_wait3A_3508 : memref<128xf32, #tpu.memory_space<hbm>>)
      tpu.yield
    }) : () -> ()
    return
  }
}

module attributes {stable_mosaic.version = 14 : i64} {
  func.func @_proj_body(%arg0: i32, %arg1: memref<8192x128xf32, #tpu.memory_space<vmem>>, %arg2: memref<2x256xf32, #tpu.memory_space<vmem>>, %arg3: memref<8192xf32, #tpu.memory_space<vmem>>, %arg4: memref<8192xf32, #tpu.memory_space<vmem>>) attributes {dimension_semantics = [#tpu.dimension_semantics<arbitrary>], iteration_bounds = array<i64: 13>, scalar_prefetch = 0 : i64, scratch_operands = 0 : i64, tpu.core_type = #tpu.core_type<tc>, window_params = [{transform_indices = @transform_0, window_bounds = array<i64: 8192, 128>}, {pipeline_mode = #tpu.pipeline_mode<synchronous>, transform_indices = @transform_1, window_bounds = array<i64: 2, 256>}, {transform_indices = @transform_2, window_bounds = array<i64: 8192>}, {transform_indices = @transform_3, window_bounds = array<i64: 8192>}]} {
    %get3A = arith.constant 0 : index
    %get3A_0 = arith.constant 0 : index
    %get3A_1 = vector.load %arg2[%get3A, %get3A_0] : memref<2x256xf32, #tpu.memory_space<vmem>>, vector<2x256xf32>
    %slice3A = vector.extract_strided_slice %get3A_1 {offsets = [1, 0], sizes = [1, 256], strides = [1, 1]} : vector<2x256xf32> to vector<1x256xf32>
    %slice3A_2 = vector.extract_strided_slice %get3A_1 {offsets = [0, 0], sizes = [1, 256], strides = [1, 1]} : vector<2x256xf32> to vector<1x256xf32>
    %sub3A = arith.subf %slice3A, %slice3A_2 : vector<1x256xf32>
    %slice3A_3 = vector.extract_strided_slice %sub3A {offsets = [0, 0], sizes = [1, 128], strides = [1, 1]} : vector<1x256xf32> to vector<1x128xf32>
    %slice3A_4 = vector.extract_strided_slice %sub3A {offsets = [0, 128], sizes = [1, 128], strides = [1, 1]} : vector<1x256xf32> to vector<1x128xf32>
    %concatenate3A = tpu.concatenate %slice3A_3, %slice3A_4 in 0 : vector<1x128xf32>, vector<1x128xf32> -> vector<2x128xf32>
    %get3A_5 = arith.constant 0 : index
    %get3A_6 = arith.constant 0 : index
    %get3A_7 = vector.load %arg1[%get3A_5, %get3A_6] : memref<8192x128xf32, #tpu.memory_space<vmem>>, vector<8192x128xf32>
    %dot_general3A = arith.constant dense<0.000000e+00> : vector<2x8192xf32>
    %dot_general3A_8 = tpu.matmul %concatenate3A, %get3A_7, %dot_general3A {dimension_numbers = #tpu.dot_dimension_numbers<[1], [1], [0], [0], [0, 0, 1, 0], [], []>, transpose_lhs_hint = false} : vector<2x128xf32>, vector<8192x128xf32>, vector<2x8192xf32> -> vector<2x8192xf32>
    %slice3A_9 = vector.extract_strided_slice %dot_general3A_8 {offsets = [0, 0], sizes = [1, 8192], strides = [1, 1]} : vector<2x8192xf32> to vector<1x8192xf32>
    %squeeze3A = vector.shape_cast %slice3A_9 : vector<1x8192xf32> to vector<8192xf32>
    %swap3A = arith.constant 0 : index
    %swap3A_10 = vector.load %arg3[%swap3A] : memref<8192xf32, #tpu.memory_space<vmem>>, vector<8192xf32>
    tpu.vector_store %arg3[%swap3A], %squeeze3A {strides = array<i32>} : memref<8192xf32, #tpu.memory_space<vmem>>, vector<8192xf32>,
    %slice3A_11 = vector.extract_strided_slice %dot_general3A_8 {offsets = [1, 0], sizes = [1, 8192], strides = [1, 1]} : vector<2x8192xf32> to vector<1x8192xf32>
    %squeeze3A_12 = vector.shape_cast %slice3A_11 : vector<1x8192xf32> to vector<8192xf32>
    %swap3A_13 = arith.constant 0 : index
    %swap3A_14 = vector.load %arg4[%swap3A_13] : memref<8192xf32, #tpu.memory_space<vmem>>, vector<8192xf32>
    tpu.vector_store %arg4[%swap3A_13], %squeeze3A_12 {strides = array<i32>} : memref<8192xf32, #tpu.memory_space<vmem>>, vector<8192xf32>,
    return
  }
  func.func @transform_0(%arg0: i32) -> (i32, i32) {
    %c0_i32 = arith.constant 0 : i32
    %c0_i32_0 = arith.constant 0 : i32
    return %arg0, %c0_i32 : i32, i32
  }
  func.func @transform_1(%arg0: i32) -> (i32, i32) {
    %c0_i32 = arith.constant 0 : i32
    %c0_i32_0 = arith.constant 0 : i32
    %c0_i32_1 = arith.constant 0 : i32
    return %c0_i32, %c0_i32_0 : i32, i32
  }
  func.func @transform_2(%arg0: i32) -> i32 {
    %c0_i32 = arith.constant 0 : i32
    return %arg0 : i32
  }
  func.func @transform_3(%arg0: i32) -> i32 {
    %c0_i32 = arith.constant 0 : i32
    return %arg0 : i32
  }
}

</mosaic_0001>

<sc_bundles>
// kernel: kernel.4.cloned.1.call-start
scs
__scs_entry_jumppad:
0x0: {  	(pc) =	sbr.rel $0x88, $3  }
0x1: {  	(tag) =	ssettag $0x0;
	lr =	simm.s32 $0x1  }
0x2: {  	[smem:$0x3F9A] =	sst lr;
	_ =	strace $0xD0000000  }
0x3: {  	_ = 	snop  }
0x4: {  	_ = 	snop  }
0x5: {  	_ = 	snop  }
0x6: {  	_ = 	snop  }
0x7: {  	_ = 	snop  }
__scs_overlays_trampoline_lowered:
0x8: {  	[smem:$0x3FA9] =	sst s0  }
0x9: {  	[smem:$0x3FAA] =	sst s1  }
0xa: {  	[smem:$0x3FAB] =	sst s2  }
0xb: {  	[smem:$0x3FAC] =	sst s3  }
0xc: {  	[smem:$0x3FAD] =	sst s4  }
0xd: {  	[smem:$0x3FAE] =	sst s5  }
0xe: {  	[smem:$0x3FAF] =	sst s6  }
0xf: {  	[smem:$0x3FB0] =	sst s7  }
0x10: {  	[smem:$0x3FB1] =	sst s8  }
0x11: {  	[smem:$0x3FB2] =	sst s9;
	s0 =	simm.s32 @!p0 $0x0  }
0x12: {  	s1 =	sld [smem:$0x3F98];
	s0 =	simm.s32 @p0 $0x1  }
0x13: {  	[smem:$0x3FB3] =	sst s0;
	s0 =	simm.s32 @!p1 $0x0  }
0x14: {  	s2 =	sld [smem:$0x3F97];
	s0 =	simm.s32 @p1 $0x1  }
0x15: {  	[smem:$0x3FB4] =	sst s0;
	s0 =	simm.s32 @!p2 $0x0  }
0x16: {  	s3 =	sld [smem:$0x3FDB];
	s0 =	simm.s32 @p2 $0x1  }
0x17: {  	s4 =	simm.s32 $0x1BF5;
	[smem:$0x3FB6] =	sst s0  }
0x18: {  	s0 =	sld [smem:$0x3F99];
	_ =	swait.ge [sflag:s4], $0x0  }
0x19: {  	s7 =	sld [smem:$0x3F9A]  }
0x1a: {  	s8 =	sadd.s32 $0xFFFFE003, lr  }
0x1b: {  	s9 =	sadd.s32 $0xFFFFFEF7, lr;
	s5 =	simm.s32 $0xFFFFFFFF;
	p2 =	slt.u32 s8, $0xFFFFF086  }
0x1c: {  	p1 =	slt.u32 s9, $0xF7A;
	s5 =	simm.s32 @!p2 $0x0  }
0x1d: {  	s5 =	simm.s32 @p1 $0x1;
	p0 =	seq.s32 s7, s2  }
0x1e: {  	s7 =	smul.u32 @!p0 $0xF7A, s2;
	p2 =	seq.s32 @!p0 s5, $0x0  }
0x1f: {  	s9 =	smul.u32 $0xF7A, s1;
	s8 =	simm.s32 @!p0 $0x1BF5;
	p2 =	por !p2, p0  }
0x20: {  	[sflag:s8] =	ssyncset.s32 @!p0 $0xFFFFF086;
	s6 =	sadd.s32 @!p0 s3, s7;
	s7 =	simm.s32 @!p0 $0x108  }
0x21: {  	s3 =	sadd.s32 s3, s9;
	s6 =	sadd.s32 @!p0 $0x88, s6;
	s7 =	simm.s32 @p2 $0x1082  }
0x22: {  	[simem:s7], [sflag:s8] =	dma.local @!p0 [hbm:s6], $0xF7A  }
0x23: {  	s9 =	sor.u32 $0xD0000000, s2;
	s6 =	simm.s32 $0x108;
	_ =	swait.ge @!p0 [sflag:s8], $0x0  }
0x24: {  	s3 =	sadd.s32 $0x88, s3;
	s6 =	simm.s32 @!p1 $0x1082;
	[sflag:s4] =	ssyncset.s32 $0xFFFFF086  }
0x25: {  	[simem:s6], [sflag:s4] =	dma.local [hbm:s3], $0xF7A  }
0x26: {  	[smem:$0x3F9A] =	sst s1;
	(tag) =	ssettag s2;
	_ =	strace s9  }
0x27: {  	s1 =	sld [smem:$0x3FAA]  }
0x28: {  	s2 =	sld [smem:$0x3FAB]  }
0x29: {  	s4 =	sld [smem:$0x3FAD]  }
0x2a: {  	p0 =	seq.s32 s5, $0x0;
	s5 =	sld [smem:$0x3FAE]  }
0x2b: {  	s6 =	sld [smem:$0x3FAF]  }
0x2c: {  	s7 =	sld [smem:$0x3FB0]  }
0x2d: {  	s3 =	simm.s32 $0x108;
	s8 =	sld [smem:$0x3FB1]  }
0x2e: {  	s3 =	simm.s32 @!p0 $0x1082;
	s9 =	sld [smem:$0x3FB2]  }
0x2f: {  	lr =	sadd.s32 s0, s3;
	s0 =	sld [smem:$0x3FA9]  }
0x30: {  	s3 =	sld [smem:$0x3FAC]  }
0x31: {  	[smem:$0x3FB5] =	sst s10  }
0x32: {  	s10 =	sld [smem:$0x3FB3];
	_ =	sdelay $0x3  }
0x33: {  	p0 =	seq.s32 s10, $0x1;
	s10 =	sld [smem:$0x3FB5];
	_ =	sdelay $0x3  }
0x34: {  	[smem:$0x3FB5] =	sst s10  }
0x35: {  	s10 =	sld [smem:$0x3FB4];
	_ =	sdelay $0x3  }
0x36: {  	p1 =	seq.s32 s10, $0x1;
	s10 =	sld [smem:$0x3FB5];
	_ =	sdelay $0x3  }
0x37: {  	[smem:$0x3FB5] =	sst s10  }
0x38: {  	s10 =	sld [smem:$0x3FB6]  }
0x39: {  	_ = 	snop;
	(pc) =	sbr.ind lr, $3  }
0x3a: {  	_ = 	snop  }
0x3b: {  	_ = 	snop  }
0x3c: {  	p2 =	seq.s32 s10, $0x1;
	s10 =	sld [smem:$0x3FB5]  }
0x3d: {  	_ =	shalt  }
0x3e: {  	_ =	shalt  }
0x3f: {  	_ =	shalt  }
0x40: {  	_ =	shalt  }
0x41: {  	_ =	shalt  }
0x42: {  	_ =	shalt  }
0x43: {  	_ =	shalt  }
0x44: {  	_ =	shalt  }
0x45: {  	_ =	shalt  }
0x46: {  	_ =	shalt  }
0x47: {  	_ =	shalt  }
0x48: {  	_ =	shalt  }
0x49: {  	_ =	shalt  }
0x4a: {  	_ =	shalt  }
0x4b: {  	_ =	shalt  }
0x4c: {  	_ =	shalt  }
0x4d: {  	_ =	shalt  }
0x4e: {  	_ =	shalt  }
0x4f: {  	_ =	shalt  }
0x50: {  	_ =	shalt  }
0x51: {  	_ =	shalt  }
0x52: {  	_ =	shalt  }
0x53: {  	_ =	shalt  }
0x54: {  	_ =	shalt  }
0x55: {  	_ =	shalt  }
0x56: {  	_ =	shalt  }
0x57: {  	_ =	shalt  }
0x58: {  	_ =	shalt  }
0x59: {  	_ =	shalt  }
0x5a: {  	_ =	shalt  }
0x5b: {  	_ =	shalt  }
0x5c: {  	_ =	shalt  }
0x5d: {  	_ =	shalt  }
0x5e: {  	_ =	shalt  }
0x5f: {  	_ =	shalt  }
0x60: {  	_ =	shalt  }
0x61: {  	_ =	shalt  }
0x62: {  	_ =	shalt  }
0x63: {  	_ =	shalt  }
0x64: {  	_ =	shalt  }
0x65: {  	_ =	shalt  }
0x66: {  	_ =	shalt  }
0x67: {  	_ =	shalt  }
0x68: {  	_ =	shalt  }
0x69: {  	_ =	shalt  }
0x6a: {  	_ =	shalt  }
0x6b: {  	_ =	shalt  }
0x6c: {  	_ =	shalt  }
0x6d: {  	_ =	shalt  }
0x6e: {  	_ =	shalt  }
0x6f: {  	_ =	shalt  }
0x70: {  	_ =	shalt  }
0x71: {  	_ =	shalt  }
0x72: {  	_ =	shalt  }
0x73: {  	_ =	shalt  }
0x74: {  	_ =	shalt  }
0x75: {  	_ =	shalt  }
0x76: {  	_ =	shalt  }
0x77: {  	_ =	shalt  }
0x78: {  	_ =	shalt  }
0x79: {  	_ =	shalt  }
0x7a: {  	_ =	shalt  }
0x7b: {  	_ =	shalt  }
0x7c: {  	_ =	shalt  }
0x7d: {  	_ =	shalt  }
0x7e: {  	_ =	shalt  }
0x7f: {  	_ =	shalt  }
0x80: {  	_ =	shalt  }
0x81: {  	_ =	shalt  }
0x82: {  	_ =	shalt  }
0x83: {  	_ =	shalt  }
0x84: {  	_ =	shalt  }
0x85: {  	_ =	shalt  }
0x86: {  	_ =	shalt  }
0x87: {  	_ =	shalt  }
.Lfunc_end0:
.L_simem_size_0:
called_computation_lowered:
.L_overlay_start_0:
0x88: {  	s2 =	sld [smem:$0x3FD9]  }
0x89: {  	s3 =	sld [smem:$0x3FFE];
	_ =	sdelay $0x1  }
0x8a: {  	s1 =	srdreg.scid  }
0x8b: {  	s0 =	sand.u32 $0x1, s1  }
0x8c: {  	s17 =	sshll.u32 s0, $0xA;
	s2 =	sadd.s32 s3, s2  }
0x8d: {  	s2 =	sadd.s32 s2, s17  }
0x8e: {  	[smem:$0x3FC1] =	sst s2  }
0x8f: {  	_ = 	snop  }
0x90: {  	s2 =	sld [smem:$0x3FC7]  }
0x91: {  	s18 =	sld [smem:$0x3FC6];
	(tm) =	ssettm $0x1  }
0x92: {  	s4 =	sld [smem:$0x3FFB];
	_ =	sdelay $0x3  }
0x93: {  	_ =	strace s4  }
0x94: {  	s4 =	sld [smem:$0x3FFC];
	_ =	sdelay $0x3  }
0x95: {  	_ =	strace s4  }
0x96: {  	s4 =	sld [smem:$0x3FFD];
	_ =	sdelay $0x3  }
0x97: {  	_ =	strace s4  }
0x98: {  	_ =	strace $0x8FFFFFFF  }
0x99: {  	s19 =	sld [smem:$0x3FDB];
	_ =	sdelay $0x1  }
0x9a: {  	s5 =	simm.s32 $_scs_section_size  }
0x9b: {  	s6 =	simm.s32 $_size__tile_overlayer_lowered;
	s7 =	simm.s32 $_tile_overlayer_lowered  }
0x9c: {  	s22 =	simm.s32 $0x1BFF;
	s21 =	sshll.u32 s7, $0x1;
	s4 =	sadd.s32 s5, s19  }
0x9d: {  	s8 =	simm.s32 $0x0;
	s20 =	sshll.u32 s6, $0x1;
	s6 =	sadd.s32 s21, s4  }
0x9e: {  	[timem:s8], [sflag:s22] =	dma.local [hbm:s6], s20  }
0x9f: {  	_ =	swait.ge [sflag:s22], s20  }
0xa0: {  	s5 =	ssub.s32 $0x0, s20;
	[sflag:s22] =	ssyncset.done $0x0  }
0xa1: {  	[sflag:s22] =	ssyncadd.s32 s5;
	_ =	sdelay $0x1  }
0xa2: {  	s23 =	simm.s32 $0x1B8B  }
0xa3: {  	_ =	swait.ge [sflag:s23], $0x1  }
0xa4: {  	[sflag:s23] =	ssyncset.done $0x0  }
0xa5: {  	s25 =	simm.s32 $0x1B8E;
	s24 =	sld [smem:$0x3FFE];
	[sflag:s23] =	ssyncadd.s32 $0xFFFFFFFF  }
0xa6: {  	s26 =	simm.s32 $execute0_lowered;
	[smem:$0x3FD2] =	sst s25  }
0xa7: {  	s6 =	sshll.u32 s26, $0x1;
	_ =	strace $0x80000046;
	[dreg:$0x1] =	wrdreg $0xFFFFFFFF  }
0xa8: {  	s28 =	simm.s32 $_size_execute0_lowered;
	s4 =	sadd.s32 s4, s6;
	[dreg:$0x0] =	wrdreg $0x0  }
0xa9: {  	s6 =	sshll.u32 s28, $0x1;
	[dreg:$0x2] =	wrdreg s4  }
0xaa: {  	[dreg:$0x3] =	wrdreg s6  }
0xab: {  	[dreg:$0x4] =	wrdreg $0xC0  }
0xac: {  	_ =	task [dreg:s8], $0x5FFFF  }
0xad: {  	[dreg:$0x1] =	wrdreg $0xFFFFFFFF  }
0xae: {  	[dreg:$0x0] =	wrdreg $0x60  }
0xaf: {  	[dreg:$0x2] =	wrdreg s24  }
0xb0: {  	[dreg:$0x3] =	wrdreg s2  }
0xb1: {  	[dreg:$0x4] =	wrdreg s18  }
0xb2: {  	[dreg:$0x5] =	wrdreg $0x9  }
0xb3: {  	_ =	task.clear_ibuf [dreg:s8], $0x6FFFF;
	_ =	strace $0x90000046  }
0xb4: {  	s29 =	simm.s32 $0x9;
	_ =	strace $0x80000048  }
0xb5: {  	_ =	swait.ge [sflag:s29], $0x1  }
0xb6: {  	[sflag:s29] =	ssyncadd.s32 $0xFFFFFFFF  }
0xb7: {  	_ =	strace $0x90000048  }
0xb8: {  	_ =	sfence  }
0xb9: {  	s30 =	sld [smem:$0x0];
	_ =	sdelay $0x2  }
0xba: {  	s31 =	sshll.u32 s1, $0xD;
	s1 =	sshrl.u32 s1, $0x2  }
0xbb: {  	s3 =	sand.u32 $0x4000, s31;
	s1 =	sadd.s32 s1, s30  }
0xbc: {  	s0 =	sor.u32 s3, s0;
	s1 =	sshll.u32 s1, $0x11  }
0xbd: {  	s0 =	sor.u32 s1, s0  }
0xbe: {  	s0 =	sadd.s32 $0x8F2B, s0  }
0xbf: {  	[sflag:s0] =	ssyncadd.remote.s32 $0x1  }
0xc0: {  	_ =	sfence.sel $0xFFFF  }
0xc1: {  	[dreg:$0x0] =	wrdreg $0xFFFFFFFF;
	(pc) =	sbr.abs _section_cstart, $3  }
0xc2: {  	[dreg:$0x1] =	wrdreg $0xFFFFFFFF  }
0xc3: {  	_ =	task.clear_ibuf [dreg:s8], $0x2FFFF;
	_ =	strace $0x9FFFFFFF  }
0xc4: {  	(tm) =	ssettm $0x7FFFFFFF  }
0xc5: {  	_ =	shalt  }
tec
execute0_lowered:
.L_overlay_start_1:
0x0: {  	(tag) =	ssettag $0x1  }
0x1: {  	s6 =	rddreg [dreg:$0x0]  }
0x2: {  	s8 =	rddreg [dreg:$0x1]  }
0x3: {  	s9 =	rddreg [dreg:$0x2]  }
0x4: {  	s0 =	rddreg [dreg:$0x3]  }
0x5: {  	s3 =	srdreg.scid;
	s1 =	stileid.u32;
	s2 =	simm.s32 $0x0  }
0x6: {  	s15 =	simm.s32 $0x3200;
	s16 =	simm.s32 $0x4B00;
	s17 =	simm.s32 $0x6400  }
0x7: {  	s18 =	simm.s32 $0x6480;
	s19 =	simm.s32 $0x6500;
	s20 =	simm.s32 $0x1  }
0x8: {  	s21 =	simm.s32 $0x2;
	s22 =	simm.s32 $0x6580;
	s23 =	simm.s32 $0x6600  }
0x9: {  	s5 =	sand.u32 $0x1, s3;
	s30 =	sshll.u32 s1, $0x1;
	[smem:$0x7FF] =	sst s2  }
0xa: {  	s3 =	sadd.s32 $0xD800, s6;
	s4 =	sadd.s32 $0x10A00, s6;
	s7 =	sor.u32 s5, s30  }
0xb: {  	_ =	strace $0x80000047;
	s11 =	ssub.s32 $0x2, s5;
	s5 =	sadd.s32 $0xD600, s6  }
0xc: {  	s10 =	smul.u32 $0x320, s7;
	s12 =	sshll.u32 s7, $0x4;
	s31 =	sshrl.u32 s11, $0x1  }
0xd: {  	s13 =	sadd.s32 s12, s6;
	s14 =	ssub.s32 s11, s31;
	s8 =	sadd.s32 s8, s12  }
0xe: {  	s9 =	sadd.s32 s9, s12;
	s10 =	sadd.s32 s10, s6;
	s11 =	sadd.s32 $0x13E00, s13  }
0xf: {  	s12 =	smax.u32 s14, $0x1;
	s14 =	simm.s32 $0x1900;
	s6 =	sadd.s32 $0xE00, s10  }
0x10: {  	s7 =	sadd.s32 $0x7200, s10;
	s10 =	sadd.s32 $0x13C00, s13;
	s13 =	simm.s32 $0x3  }
.LBB2_1:
0x11: {  	[tilespmem:s2], [sflag:$0x3] =	stream.linear.gather [hbm4b:s6+s2], $0x1900, $0x38;
	[tilespmem:$0x6680] =	vst v63  }
0x12: {  	_ =	swait.ge [sflag:s13], $0x1900  }
0x13: {  	[sflag:s13] =	ssyncset.done $0x0  }
0x14: {  	[sflag:s13] =	ssyncadd.s32 $0xFFFFE700  }
0x15: {  	[tilespmem:s15], [sflag:$0x1] =	stream.indirect.gather [hbm4b:s3+s14], $0x1, s2, s14, $0xb8;
	[tilespmem:$0x6680] =	vst v63  }
0x16: {  	_ = 	snop  }
0x17: {  	[tilespmem:s14], [sflag:$0x3] =	stream.linear.gather [hbm4b:s7+s2], $0x1900, $0x38;
	[tilespmem:$0x6680] =	vst v63  }
0x18: {  	_ =	swait.ge [sflag:s13], $0x1900  }
0x19: {  	[sflag:s13] =	ssyncset.done $0x0  }
0x1a: {  	[sflag:s13] =	ssyncadd.s32 $0xFFFFE700  }
0x1b: {  	[tilespmem:s16], [sflag:$0x2] =	stream.indirect.gather [hbm4b:s4+s14], $0x1, s14, s14, $0xb8;
	[tilespmem:$0x6680] =	vst v63  }
0x1c: {  	_ = 	snop  }
0x1d: {  	[tilespmem:s17], [sflag:$0x3] =	stream.linear.gather [hbm4b:s8+s2], $0x80, $0x38;
	[tilespmem:$0x6680] =	vst v63  }
0x1e: {  	_ =	swait.ge [sflag:s13], $0x80  }
0x1f: {  	[sflag:s13] =	ssyncset.done $0x0  }
0x20: {  	[sflag:s13] =	ssyncadd.s32 $0xFFFFFF80  }
0x21: {  	[tilespmem:s18], [sflag:$0x3] =	stream.linear.gather [hbm4b:s9+s2], $0x80, $0x38;
	[tilespmem:$0x6680] =	vst v63  }
0x22: {  	_ =	swait.ge [sflag:s13], $0x80  }
0x23: {  	[sflag:s13] =	ssyncset.done $0x0  }
0x24: {  	[sflag:s13] =	ssyncadd.s32 $0xFFFFFF80  }
0x25: {  	[tilespmem:s19], [sflag:$0x3] =	stream.linear.gather [hbm4b:s5+s2], $0x80, $0x38;
	[tilespmem:$0x6680] =	vst v63  }
0x26: {  	_ =	swait.ge [sflag:s13], $0x80  }
0x27: {  	[sflag:s13] =	ssyncset.done $0x0  }
0x28: {  	[sflag:s13] =	ssyncadd.s32 $0xFFFFFF80  }
0x29: {  	v0 =	vld [tilespmem:$0x6500];
	_ =	sdelay $0x4  }
0x2a: {  	[tilespmem:$0x1F590] =	vst v0  }
0x2b: {  	_ =	swait.ge [sflag:s20], $0x1900  }
0x2c: {  	[sflag:s20] =	ssyncset.done $0x0  }
0x2d: {  	[sflag:s20] =	ssyncadd.s32 $0xFFFFE700  }
0x2e: {  	v15 =	vld [tilespmem:$0x3200]  }
0x2f: {  	v12 =	vld [tilespmem:$0x3280]  }
0x30: {  	v16 =	vld [tilespmem:$0x3300]  }
0x31: {  	v3 =	vld [tilespmem:$0x3380]  }
0x32: {  	v18 =	vld [tilespmem:$0x3400]  }
0x33: {  	v22 =	vld [tilespmem:$0x3480]  }
0x34: {  	v0 =	vld [tilespmem:$0x3500]  }
0x35: {  	v5 =	vld [tilespmem:$0x3580]  }
0x36: {  	v1 =	vld [tilespmem:$0x3600]  }
0x37: {  	v4 =	vld [tilespmem:$0x3680]  }
0x38: {  	v34 =	vld [tilespmem:$0x3700]  }
0x39: {  	v25 =	vld [tilespmem:$0x3780]  }
0x3a: {  	v41 =	vld [tilespmem:$0x3800]  }
0x3b: {  	v45 =	vld [tilespmem:$0x3880]  }
0x3c: {  	v2 =	vld [tilespmem:$0x3900]  }
0x3d: {  	v51 =	vld [tilespmem:$0x3980]  }
0x3e: {  	v28 =	vld [tilespmem:$0x3A00]  }
0x3f: {  	v30 =	vld [tilespmem:$0x3A80]  }
0x40: {  	v14 =	vld [tilespmem:$0x3B00]  }
0x41: {  	v37 =	vld [tilespmem:$0x3B80]  }
0x42: {  	v40 =	vld [tilespmem:$0x3C00]  }
0x43: {  	v61 =	vld [tilespmem:$0x3C80]  }
0x44: {  	v44 =	vld [tilespmem:$0x3D00]  }
0x45: {  	v54 =	vld [tilespmem:$0x3D80]  }
0x46: {  	v6 =	vld [tilespmem:$0x3E00]  }
0x47: {  	v11 =	vld [tilespmem:$0x3E80]  }
0x48: {  	v13 =	vld [tilespmem:$0x3F00]  }
0x49: {  	v17 =	vld [tilespmem:$0x3F80]  }
0x4a: {  	v19 =	vld [tilespmem:$0x4000]  }
0x4b: {  	v20 =	vld [tilespmem:$0x4080]  }
0x4c: {  	v21 =	vld [tilespmem:$0x4100]  }
0x4d: {  	v23 =	vld [tilespmem:$0x4180]  }
0x4e: {  	v24 =	vld [tilespmem:$0x4200]  }
0x4f: {  	v26 =	vld [tilespmem:$0x4280]  }
0x50: {  	v27 =	vld [tilespmem:$0x4300]  }
0x51: {  	v29 =	vld [tilespmem:$0x4380]  }
0x52: {  	v31 =	vld [tilespmem:$0x4400]  }
0x53: {  	v32 =	vld [tilespmem:$0x4480]  }
0x54: {  	v33 =	vld [tilespmem:$0x4500]  }
0x55: {  	v35 =	vld [tilespmem:$0x4580]  }
0x56: {  	v36 =	vld [tilespmem:$0x4600]  }
0x57: {  	v38 =	vld [tilespmem:$0x4680]  }
0x58: {  	v39 =	vld [tilespmem:$0x4700]  }
0x59: {  	v42 =	vld [tilespmem:$0x4780]  }
0x5a: {  	v43 =	vld [tilespmem:$0x4800]  }
0x5b: {  	v46 =	vld [tilespmem:$0x4880]  }
0x5c: {  	v47 =	vld [tilespmem:$0x4900]  }
0x5d: {  	v48 =	vld [tilespmem:$0x4980]  }
0x5e: {  	v49 =	vld [tilespmem:$0x4A00]  }
0x5f: {  	v50 =	vld [tilespmem:$0x4A80]  }
0x60: {  	v9 =	vld [tilespmem:$0x3210]  }
0x61: {  	v10 =	vld [tilespmem:$0x3410]  }
0x62: {  	v60 =	vld [tilespmem:$0x3690]  }
0x63: {  	v55 =	vld [tilespmem:$0x3790]  }
0x64: {  	v7 =	vld [tilespmem:$0x3910]  }
0x65: {  	v52 =	vld [tilespmem:$0x3990]  }
0x66: {  	v53 =	vld [tilespmem:$0x3A10]  }
0x67: {  	v56 =	vld [tilespmem:$0x3A90]  }
0x68: {  	v57 =	vld [tilespmem:$0x3B10];
	[tilespmem:$0x1E4B0] =	vst v6  }
0x69: {  	v58 =	vld [tilespmem:$0x3B90];
	[tilespmem:$0x1E4C0] =	vst v11  }
0x6a: {  	v59 =	vld [tilespmem:$0x3C10];
	[tilespmem:$0x1E4D0] =	vst v13  }
0x6b: {  	v62 =	vld [tilespmem:$0x3C90];
	[tilespmem:$0x1E4E0] =	vst v17  }
0x6c: {  	v63 =	vld [tilespmem:$0x3D10];
	[tilespmem:$0x1E4F0] =	vst v19  }
0x6d: {  	v8 =	vld [tilespmem:$0x34A0];
	[tilespmem:$0x1E510] =	vst v20  }
0x6e: {  	[tilespmem:$0x1E530] =	vst v21;
	v6 =	vld [tilespmem:$0x3290]  }
0x6f: {  	[tilespmem:$0x1E550] =	vst v23;
	v11 =	vld [tilespmem:$0x3310]  }
0x70: {  	[tilespmem:$0x1E570] =	vst v24;
	v21 =	vld [tilespmem:$0x3390]  }
0x71: {  	[tilespmem:$0x1E590] =	vst v26;
	v20 =	vld [tilespmem:$0x3490]  }
0x72: {  	[tilespmem:$0x1E5B0] =	vst v27;
	v19 =	vld [tilespmem:$0x3510]  }
0x73: {  	[tilespmem:$0x1E5D0] =	vst v29;
	v24 =	vld [tilespmem:$0x3590]  }
0x74: {  	[tilespmem:$0x1E5F0] =	vst v31;
	v27 =	vld [tilespmem:$0x3610]  }
0x75: {  	[tilespmem:$0x1E620] =	vst v32;
	v29 =	vld [tilespmem:$0x3710]  }
0x76: {  	[tilespmem:$0x1E650] =	vst v33;
	v17 =	vld [tilespmem:$0x3810]  }
0x77: {  	[tilespmem:$0x1E680] =	vst v35;
	v31 =	vld [tilespmem:$0x3890]  }
0x78: {  	[tilespmem:$0x1E6B0] =	vst v36;
	v13 =	vld [tilespmem:$0x3D90]  }
0x79: {  	[tilespmem:$0x1E6E0] =	vst v38;
	v23 =	vld [tilespmem:$0x3E10]  }
0x7a: {  	[tilespmem:$0x1E710] =	vst v39;
	v26 =	vld [tilespmem:$0x3E90]  }
0x7b: {  	[tilespmem:$0x1E740] =	vst v42;
	v32 =	vld [tilespmem:$0x3F10]  }
0x7c: {  	[tilespmem:$0x1E770] =	vst v43;
	v33 =	vld [tilespmem:$0x3F90]  }
0x7d: {  	[tilespmem:$0x1E7A0] =	vst v46;
	v35 =	vld [tilespmem:$0x4010]  }
0x7e: {  	[tilespmem:$0x1E7D0] =	vst v47;
	v36 =	vld [tilespmem:$0x4090]  }
0x7f: {  	[tilespmem:$0x1E810] =	vst v48;
	v38 =	vld [tilespmem:$0x4110]  }
0x80: {  	[tilespmem:$0x1E850] =	vst v49;
	v39 =	vld [tilespmem:$0x4190]  }
0x81: {  	[tilespmem:$0x1E890] =	vst v50;
	v42 =	vld [tilespmem:$0x4210]  }
0x82: {  	[tilespmem:$0x1E500] =	vst v7;
	v43 =	vld [tilespmem:$0x4290]  }
0x83: {  	[tilespmem:$0x1E520] =	vst v52;
	v46 =	vld [tilespmem:$0x4310]  }
0x84: {  	[tilespmem:$0x1E540] =	vst v53;
	v47 =	vld [tilespmem:$0x4390]  }
0x85: {  	[tilespmem:$0x1E560] =	vst v56;
	v48 =	vld [tilespmem:$0x4410]  }
0x86: {  	[tilespmem:$0x1E580] =	vst v57;
	v49 =	vld [tilespmem:$0x4490]  }
0x87: {  	[tilespmem:$0x1E5A0] =	vst v58;
	v50 =	vld [tilespmem:$0x4510]  }
0x88: {  	[tilespmem:$0x1E5C0] =	vst v59;
	v52 =	vld [tilespmem:$0x4590]  }
0x89: {  	[tilespmem:$0x1E5E0] =	vst v62;
	v53 =	vld [tilespmem:$0x4610]  }
0x8a: {  	[tilespmem:$0x1E610] =	vst v63;
	v56 =	vld [tilespmem:$0x4690]  }
0x8b: {  	v57 =	vld [tilespmem:$0x4710];
	[tilespmem:$0x1E600] =	vst v8  }
0x8c: {  	v58 =	vld [tilespmem:$0x4790];
	[tilespmem:$0x1E640] =	vst v13  }
0x8d: {  	v59 =	vld [tilespmem:$0x4810];
	[tilespmem:$0x1E670] =	vst v23  }
0x8e: {  	v62 =	vld [tilespmem:$0x4890];
	[tilespmem:$0x1E6A0] =	vst v26  }
0x8f: {  	v63 =	vld [tilespmem:$0x4910];
	[tilespmem:$0x1E6D0] =	vst v32  }
0x90: {  	v7 =	vld [tilespmem:$0x3320];
	[tilespmem:$0x1E700] =	vst v33  }
0x91: {  	v8 =	vld [tilespmem:$0x3930];
	[tilespmem:$0x1E730] =	vst v35  }
0x92: {  	[tilespmem:$0x1E760] =	vst v36;
	v13 =	vld [tilespmem:$0x4990]  }
0x93: {  	[tilespmem:$0x1E790] =	vst v38;
	v23 =	vld [tilespmem:$0x4A10]  }
0x94: {  	[tilespmem:$0x1E7C0] =	vst v39;
	v26 =	vld [tilespmem:$0x4A90]  }
0x95: {  	[tilespmem:$0x1E7F0] =	vst v42;
	v33 =	vld [tilespmem:$0x3220]  }
0x96: {  	[tilespmem:$0x1E8E0] =	vst v48;
	v48 =	vld [tilespmem:$0x32A0]  }
0x97: {  	[tilespmem:$0x1E870] =	vst v46;
	v46 =	vld [tilespmem:$0x33A0]  }
0x98: {  	[tilespmem:$0x1E910] =	vst v49;
	v49 =	vld [tilespmem:$0x3420]  }
0x99: {  	[tilespmem:$0x1E830] =	vst v43;
	v32 =	vld [tilespmem:$0x3520]  }
0x9a: {  	[tilespmem:$0x1E8B0] =	vst v47;
	v35 =	vld [tilespmem:$0x35A0]  }
0x9b: {  	[tilespmem:$0x1E950] =	vst v50;
	v36 =	vld [tilespmem:$0x3620]  }
0x9c: {  	[tilespmem:$0x1E990] =	vst v52;
	v38 =	vld [tilespmem:$0x36A0]  }
0x9d: {  	[tilespmem:$0x1E9D0] =	vst v53;
	v39 =	vld [tilespmem:$0x3720]  }
0x9e: {  	[tilespmem:$0x1EA10] =	vst v56;
	v42 =	vld [tilespmem:$0x37A0]  }
0x9f: {  	[tilespmem:$0x1EA50] =	vst v57;
	v43 =	vld [tilespmem:$0x3820]  }
0xa0: {  	[tilespmem:$0x1EA90] =	vst v58;
	v47 =	vld [tilespmem:$0x38A0]  }
0xa1: {  	[tilespmem:$0x1EAD0] =	vst v59;
	v50 =	vld [tilespmem:$0x3920]  }
0xa2: {  	[tilespmem:$0x1EB10] =	vst v62;
	v52 =	vld [tilespmem:$0x39A0]  }
0xa3: {  	[tilespmem:$0x1EB50] =	vst v63;
	v53 =	vld [tilespmem:$0x3A20]  }
0xa4: {  	v56 =	vld [tilespmem:$0x3AA0];
	[tilespmem:$0x1EB90] =	vst v13  }
0xa5: {  	v57 =	vld [tilespmem:$0x3B20];
	[tilespmem:$0x1EBD0] =	vst v23  }
0xa6: {  	v58 =	vld [tilespmem:$0x3BA0];
	[tilespmem:$0x1EC10] =	vst v26  }
0xa7: {  	v59 =	vld [tilespmem:$0x3C20];
	[tilespmem:$0x1E630] =	vst v32  }
0xa8: {  	v62 =	vld [tilespmem:$0x3CA0];
	[tilespmem:$0x1E660] =	vst v35  }
0xa9: {  	v63 =	vld [tilespmem:$0x3D20];
	[tilespmem:$0x1E690] =	vst v36  }
0xaa: {  	[tilespmem:$0x1E6C0] =	vst v38;
	v13 =	vld [tilespmem:$0x3DA0]  }
0xab: {  	[tilespmem:$0x1E6F0] =	vst v39;
	v23 =	vld [tilespmem:$0x3E20]  }
0xac: {  	[tilespmem:$0x1E720] =	vst v42;
	v26 =	vld [tilespmem:$0x3EA0]  }
0xad: {  	[tilespmem:$0x1E750] =	vst v43;
	v32 =	vld [tilespmem:$0x3F20]  }
0xae: {  	[tilespmem:$0x1E780] =	vst v47;
	v35 =	vld [tilespmem:$0x3FA0]  }
0xaf: {  	[tilespmem:$0x1E7B0] =	vst v50;
	v36 =	vld [tilespmem:$0x4020]  }
0xb0: {  	[tilespmem:$0x1E7E0] =	vst v52;
	v38 =	vld [tilespmem:$0x40A0]  }
0xb1: {  	[tilespmem:$0x1E820] =	vst v53;
	v39 =	vld [tilespmem:$0x4120]  }
0xb2: {  	[tilespmem:$0x1E860] =	vst v56;
	v42 =	vld [tilespmem:$0x41A0]  }
0xb3: {  	[tilespmem:$0x1E8A0] =	vst v57;
	v43 =	vld [tilespmem:$0x4220]  }
0xb4: {  	[tilespmem:$0x1E8D0] =	vst v58;
	v47 =	vld [tilespmem:$0x42A0]  }
0xb5: {  	[tilespmem:$0x1E900] =	vst v59;
	v50 =	vld [tilespmem:$0x4320]  }
0xb6: {  	[tilespmem:$0x1E930] =	vst v62;
	v52 =	vld [tilespmem:$0x43A0]  }
0xb7: {  	[tilespmem:$0x1E970] =	vst v63;
	v53 =	vld [tilespmem:$0x4420]  }
0xb8: {  	v56 =	vld [tilespmem:$0x44A0];
	[tilespmem:$0x1E9B0] =	vst v13  }
0xb9: {  	v57 =	vld [tilespmem:$0x4520];
	[tilespmem:$0x1E9F0] =	vst v23  }
0xba: {  	v58 =	vld [tilespmem:$0x45A0];
	[tilespmem:$0x1EA30] =	vst v26  }
0xbb: {  	v59 =	vld [tilespmem:$0x4620];
	[tilespmem:$0x1EA70] =	vst v32  }
0xbc: {  	v62 =	vld [tilespmem:$0x46A0];
	[tilespmem:$0x1EAB0] =	vst v35  }
0xbd: {  	v63 =	vld [tilespmem:$0x4720];
	[tilespmem:$0x1EAF0] =	vst v36  }
0xbe: {  	[tilespmem:$0x1EB30] =	vst v38;
	v13 =	vld [tilespmem:$0x47A0]  }
0xbf: {  	[tilespmem:$0x1EB70] =	vst v39;
	v23 =	vld [tilespmem:$0x4820]  }
0xc0: {  	[tilespmem:$0x1EBB0] =	vst v42;
	v26 =	vld [tilespmem:$0x48A0]  }
0xc1: {  	[tilespmem:$0x1EBF0] =	vst v43;
	v32 =	vld [tilespmem:$0x4920]  }
0xc2: {  	[tilespmem:$0x1EC30] =	vst v47;
	v35 =	vld [tilespmem:$0x49A0]  }
0xc3: {  	[tilespmem:$0x1EC60] =	vst v50;
	v36 =	vld [tilespmem:$0x4A20]  }
0xc4: {  	[tilespmem:$0x1EC90] =	vst v52;
	v38 =	vld [tilespmem:$0x4AA0]  }
0xc5: {  	[tilespmem:$0x1ED20] =	vst v57;
	v57 =	vld [tilespmem:$0x3230]  }
0xc6: {  	[tilespmem:$0x1ED50] =	vst v58;
	v58 =	vld [tilespmem:$0x32B0]  }
0xc7: {  	[tilespmem:$0x1ECF0] =	vst v56;
	v56 =	vld [tilespmem:$0x34B0]  }
0xc8: {  	[tilespmem:$0x1ECC0] =	vst v53;
	v52 =	vld [tilespmem:$0x35B0]  }
0xc9: {  	[tilespmem:$0x1ED80] =	vst v59;
	v47 =	vld [tilespmem:$0x3630]  }
0xca: {  	[tilespmem:$0x1EDB0] =	vst v62;
	v50 =	vld [tilespmem:$0x36B0]  }
0xcb: {  	[tilespmem:$0x1EDE0] =	vst v63;
	v42 =	vld [tilespmem:$0x3730]  }
0xcc: {  	v62 =	vld [tilespmem:$0x3830];
	[tilespmem:$0x1EE10] =	vst v13  }
0xcd: {  	v53 =	vld [tilespmem:$0x38B0];
	[tilespmem:$0x1EE40] =	vst v23  }
0xce: {  	v39 =	vld [tilespmem:$0x3A30];
	[tilespmem:$0x1EE70] =	vst v26  }
0xcf: {  	[tilespmem:$0x1EEA0] =	vst v32;
	v32 =	vld [tilespmem:$0x39B0]  }
0xd0: {  	v43 =	vld [tilespmem:$0x3AB0];
	[tilespmem:$0x1EED0] =	vst v35  }
0xd1: {  	[tilespmem:$0x1EF00] =	vst v36;
	v23 =	vld [tilespmem:$0x3330]  }
0xd2: {  	[tilespmem:$0x1EF30] =	vst v38;
	v26 =	vld [tilespmem:$0x33B0]  }
0xd3: {  	v13 =	vld [tilespmem:$0x3430];
	[tilespmem:$0x1E840] =	vst v39  }
0xd4: {  	v36 =	vld [tilespmem:$0x3530];
	[tilespmem:$0x1E800] =	vst v32  }
0xd5: {  	v38 =	vld [tilespmem:$0x37B0];
	[tilespmem:$0x1E880] =	vst v43  }
0xd6: {  	v43 =	vld [tilespmem:$0x3D30];
	_ =	sdelay $0x4  }
0xd7: {  	[tilespmem:$0x1E9A0] =	vst v43;
	v43 =	vld [tilespmem:$0x3F30];
	_ =	sdelay $0x4  }
0xd8: {  	[tilespmem:$0x1EAA0] =	vst v43;
	v43 =	vld [tilespmem:$0x4130];
	_ =	sdelay $0x4  }
0xd9: {  	[tilespmem:$0x1EBA0] =	vst v43;
	v43 =	vld [tilespmem:$0x4330];
	_ =	sdelay $0x4  }
0xda: {  	[tilespmem:$0x1EC80] =	vst v43;
	v43 =	vld [tilespmem:$0x4530];
	_ =	sdelay $0x4  }
0xdb: {  	[tilespmem:$0x1ED40] =	vst v43;
	v43 =	vld [tilespmem:$0x4730];
	_ =	sdelay $0x4  }
0xdc: {  	[tilespmem:$0x1EE00] =	vst v43;
	v43 =	vld [tilespmem:$0x4930];
	_ =	sdelay $0x4  }
0xdd: {  	[tilespmem:$0x1EEC0] =	vst v43;
	v43 =	vld [tilespmem:$0x33C0];
	_ =	sdelay $0x4  }
0xde: {  	[tilespmem:$0x1E940] =	vst v43;
	v43 =	vld [tilespmem:$0x3440];
	_ =	sdelay $0x4  }
0xdf: {  	[tilespmem:$0x1E980] =	vst v43;
	v43 =	vld [tilespmem:$0x34C0];
	_ =	sdelay $0x4  }
0xe0: {  	[tilespmem:$0x1E9C0] =	vst v43;
	v43 =	vld [tilespmem:$0x3540];
	_ =	sdelay $0x4  }
0xe1: {  	[tilespmem:$0x1EA00] =	vst v43;
	v43 =	vld [tilespmem:$0x35C0];
	_ =	sdelay $0x4  }
0xe2: {  	[tilespmem:$0x1EA40] =	vst v43;
	v43 =	vld [tilespmem:$0x3640];
	_ =	sdelay $0x4  }
0xe3: {  	[tilespmem:$0x1EA80] =	vst v43;
	v43 =	vld [tilespmem:$0x36C0];
	_ =	sdelay $0x4  }
0xe4: {  	[tilespmem:$0x1EAC0] =	vst v43;
	v43 =	vld [tilespmem:$0x3740];
	_ =	sdelay $0x4  }
0xe5: {  	[tilespmem:$0x1EB00] =	vst v43;
	v43 =	vld [tilespmem:$0x37C0];
	_ =	sdelay $0x4  }
0xe6: {  	[tilespmem:$0x1EB40] =	vst v43;
	v43 =	vld [tilespmem:$0x3840];
	_ =	sdelay $0x4  }
0xe7: {  	[tilespmem:$0x1EB80] =	vst v43;
	v43 =	vld [tilespmem:$0x38C0];
	_ =	sdelay $0x4  }
0xe8: {  	[tilespmem:$0x1EBC0] =	vst v43;
	v43 =	vld [tilespmem:$0x3940];
	_ =	sdelay $0x4  }
0xe9: {  	[tilespmem:$0x1EC00] =	vst v43;
	v43 =	vld [tilespmem:$0x39C0];
	_ =	sdelay $0x4  }
0xea: {  	[tilespmem:$0x1EC40] =	vst v43;
	v43 =	vld [tilespmem:$0x3A40];
	_ =	sdelay $0x4  }
0xeb: {  	[tilespmem:$0x1EC70] =	vst v43;
	v43 =	vld [tilespmem:$0x3AC0];
	_ =	sdelay $0x4  }
0xec: {  	[tilespmem:$0x1ECA0] =	vst v43;
	v43 =	vld [tilespmem:$0x3B40];
	_ =	sdelay $0x4  }
0xed: {  	[tilespmem:$0x1ECD0] =	vst v43;
	v43 =	vld [tilespmem:$0x3BC0];
	_ =	sdelay $0x4  }
0xee: {  	[tilespmem:$0x1ED00] =	vst v43;
	v43 =	vld [tilespmem:$0x3C40];
	_ =	sdelay $0x4  }
0xef: {  	[tilespmem:$0x1ED30] =	vst v43;
	v43 =	vld [tilespmem:$0x3CC0];
	_ =	sdelay $0x4  }
0xf0: {  	[tilespmem:$0x1ED60] =	vst v43;
	v43 =	vld [tilespmem:$0x3D40];
	_ =	sdelay $0x4  }
0xf1: {  	[tilespmem:$0x1ED90] =	vst v43;
	v43 =	vld [tilespmem:$0x3DC0];
	_ =	sdelay $0x4  }
0xf2: {  	[tilespmem:$0x1EDC0] =	vst v43;
	v43 =	vld [tilespmem:$0x3E40];
	_ =	sdelay $0x4  }
0xf3: {  	[tilespmem:$0x1EDF0] =	vst v43;
	v43 =	vld [tilespmem:$0x3EC0];
	_ =	sdelay $0x4  }
0xf4: {  	[tilespmem:$0x1EE20] =	vst v43;
	v43 =	vld [tilespmem:$0x3F40];
	_ =	sdelay $0x4  }
0xf5: {  	[tilespmem:$0x1EE50] =	vst v43;
	v43 =	vld [tilespmem:$0x3FC0];
	_ =	sdelay $0x4  }
0xf6: {  	[tilespmem:$0x1EE80] =	vst v43;
	v43 =	vld [tilespmem:$0x4040];
	_ =	sdelay $0x4  }
0xf7: {  	[tilespmem:$0x1EEB0] =	vst v43;
	v43 =	vld [tilespmem:$0x40C0];
	_ =	sdelay $0x4  }
0xf8: {  	[tilespmem:$0x1EEE0] =	vst v43;
	v43 =	vld [tilespmem:$0x4140];
	_ =	sdelay $0x4  }
0xf9: {  	[tilespmem:$0x1EF10] =	vst v43;
	v43 =	vld [tilespmem:$0x41C0];
	_ =	sdelay $0x4  }
0xfa: {  	[tilespmem:$0x1EF40] =	vst v43;
	v43 =	vld [tilespmem:$0x4240];
	_ =	sdelay $0x4  }
0xfb: {  	[tilespmem:$0x1EF70] =	vst v43;
	v43 =	vld [tilespmem:$0x42C0];
	_ =	sdelay $0x4  }
0xfc: {  	[tilespmem:$0x1EFA0] =	vst v43;
	v43 =	vld [tilespmem:$0x4340];
	_ =	sdelay $0x4  }
0xfd: {  	[tilespmem:$0x1EFD0] =	vst v43;
	v43 =	vld [tilespmem:$0x43C0];
	_ =	sdelay $0x4  }
0xfe: {  	[tilespmem:$0x1F000] =	vst v43;
	v43 =	vld [tilespmem:$0x4440];
	_ =	sdelay $0x4  }
0xff: {  	[tilespmem:$0x1F030] =	vst v43;
	v43 =	vld [tilespmem:$0x44C0];
	_ =	sdelay $0x4  }
0x100: {  	[tilespmem:$0x1F060] =	vst v43;
	v43 =	vld [tilespmem:$0x4540];
	_ =	sdelay $0x4  }
0x101: {  	[tilespmem:$0x1F090] =	vst v43;
	v43 =	vld [tilespmem:$0x45C0];
	_ =	sdelay $0x4  }
0x102: {  	[tilespmem:$0x1F0C0] =	vst v43;
	v43 =	vld [tilespmem:$0x4640];
	_ =	sdelay $0x4  }
0x103: {  	[tilespmem:$0x1F0F0] =	vst v43;
	v43 =	vld [tilespmem:$0x46C0];
	_ =	sdelay $0x4  }
0x104: {  	[tilespmem:$0x1F120] =	vst v43;
	v43 =	vld [tilespmem:$0x4740];
	_ =	sdelay $0x4  }
0x105: {  	[tilespmem:$0x1F150] =	vst v43;
	v43 =	vld [tilespmem:$0x47C0];
	_ =	sdelay $0x4  }
0x106: {  	[tilespmem:$0x1F180] =	vst v43;
	v43 =	vld [tilespmem:$0x4840];
	_ =	sdelay $0x4  }
0x107: {  	[tilespmem:$0x1F1B0] =	vst v43;
	v43 =	vld [tilespmem:$0x48C0];
	_ =	sdelay $0x4  }
0x108: {  	[tilespmem:$0x1F1E0] =	vst v43;
	v43 =	vld [tilespmem:$0x4940];
	_ =	sdelay $0x4  }
0x109: {  	[tilespmem:$0x1F210] =	vst v43;
	v43 =	vld [tilespmem:$0x49C0];
	_ =	sdelay $0x4  }
0x10a: {  	[tilespmem:$0x1F240] =	vst v43;
	v43 =	vld [tilespmem:$0x4A40];
	_ =	sdelay $0x4  }
0x10b: {  	[tilespmem:$0x1F270] =	vst v43;
	v43 =	vld [tilespmem:$0x4AC0];
	_ =	sdelay $0x4  }
0x10c: {  	[tilespmem:$0x1F2A0] =	vst v43;
	v43 =	vld [tilespmem:$0x3250];
	_ =	sdelay $0x4  }
0x10d: {  	[tilespmem:$0x1EF80] =	vst v43;
	v43 =	vld [tilespmem:$0x32D0];
	_ =	sdelay $0x4  }
0x10e: {  	[tilespmem:$0x1EF90] =	vst v43;
	v43 =	vld [tilespmem:$0x3350];
	_ =	sdelay $0x4  }
0x10f: {  	[tilespmem:$0x1EFB0] =	vst v43;
	v43 =	vld [tilespmem:$0x33D0];
	_ =	sdelay $0x4  }
0x110: {  	[tilespmem:$0x1EFE0] =	vst v43;
	v43 =	vld [tilespmem:$0x3450];
	_ =	sdelay $0x4  }
0x111: {  	[tilespmem:$0x1F010] =	vst v43;
	v43 =	vld [tilespmem:$0x34D0];
	_ =	sdelay $0x4  }
0x112: {  	[tilespmem:$0x1F040] =	vst v43;
	v43 =	vld [tilespmem:$0x3550];
	_ =	sdelay $0x4  }
0x113: {  	[tilespmem:$0x1F070] =	vst v43;
	v43 =	vld [tilespmem:$0x4250];
	_ =	sdelay $0x4  }
0x114: {  	[tilespmem:$0x1F4F0] =	vst v43;
	v43 =	vld [tilespmem:$0x35D0];
	_ =	sdelay $0x4  }
0x115: {  	[tilespmem:$0x1F0A0] =	vst v43;
	v43 =	vld [tilespmem:$0x3B50];
	_ =	sdelay $0x4  }
0x116: {  	[tilespmem:$0x1F2B0] =	vst v43;
	v43 =	vld [tilespmem:$0x47F0];
	_ =	sdelay $0x4  }
0x117: {  	[tilespmem:$0x1FF80] =	vst v43;
	v43 =	vld [tilespmem:$0x4770];
	_ =	sdelay $0x4  }
0x118: {  	[tilespmem:$0x1FF70] =	vst v43;
	v43 =	vld [tilespmem:$0x46F0];
	_ =	sdelay $0x4  }
0x119: {  	[tilespmem:$0x1FF60] =	vst v43;
	v43 =	vld [tilespmem:$0x4670];
	_ =	sdelay $0x4  }
0x11a: {  	[tilespmem:$0x1FF50] =	vst v43;
	v43 =	vld [tilespmem:$0x45F0];
	_ =	sdelay $0x4  }
0x11b: {  	[tilespmem:$0x1FF40] =	vst v43;
	v43 =	vld [tilespmem:$0x4570];
	_ =	sdelay $0x4  }
0x11c: {  	[tilespmem:$0x1FF30] =	vst v43;
	v43 =	vld [tilespmem:$0x44F0];
	_ =	sdelay $0x4  }
0x11d: {  	[tilespmem:$0x1FF20] =	vst v43;
	v43 =	vld [tilespmem:$0x4470];
	_ =	sdelay $0x4  }
0x11e: {  	[tilespmem:$0x1FF10] =	vst v43;
	v43 =	vld [tilespmem:$0x43F0];
	_ =	sdelay $0x4  }
0x11f: {  	[tilespmem:$0x1FF00] =	vst v43;
	v43 =	vld [tilespmem:$0x4370];
	_ =	sdelay $0x4  }
0x120: {  	[tilespmem:$0x1FEF0] =	vst v43;
	v43 =	vld [tilespmem:$0x42F0];
	_ =	sdelay $0x4  }
0x121: {  	[tilespmem:$0x1FEE0] =	vst v43;
	v43 =	vld [tilespmem:$0x4270];
	_ =	sdelay $0x4  }
0x122: {  	[tilespmem:$0x1FED0] =	vst v43;
	v43 =	vld [tilespmem:$0x41F0];
	_ =	sdelay $0x4  }
0x123: {  	[tilespmem:$0x1FEB0] =	vst v43;
	v43 =	vld [tilespmem:$0x4170];
	_ =	sdelay $0x4  }
0x124: {  	[tilespmem:$0x1FE90] =	vst v43;
	v43 =	vld [tilespmem:$0x40F0];
	_ =	sdelay $0x4  }
0x125: {  	[tilespmem:$0x1FE70] =	vst v43;
	v43 =	vld [tilespmem:$0x4070];
	_ =	sdelay $0x4  }
0x126: {  	[tilespmem:$0x1FE50] =	vst v43;
	v43 =	vld [tilespmem:$0x3FF0];
	_ =	sdelay $0x4  }
0x127: {  	[tilespmem:$0x1FE30] =	vst v43;
	v43 =	vld [tilespmem:$0x3F70];
	_ =	sdelay $0x4  }
0x128: {  	[tilespmem:$0x1FE20] =	vst v43;
	v43 =	vld [tilespmem:$0x3EF0];
	_ =	sdelay $0x4  }
0x129: {  	[tilespmem:$0x1FE10] =	vst v43;
	v43 =	vld [tilespmem:$0x3E70];
	_ =	sdelay $0x4  }
0x12a: {  	[tilespmem:$0x1FDF0] =	vst v43;
	v43 =	vld [tilespmem:$0x3DF0];
	_ =	sdelay $0x4  }
0x12b: {  	[tilespmem:$0x1FDD0] =	vst v43;
	v43 =	vld [tilespmem:$0x3D70];
	_ =	sdelay $0x4  }
0x12c: {  	[tilespmem:$0x1FDB0] =	vst v43;
	v43 =	vld [tilespmem:$0x3CF0];
	_ =	sdelay $0x4  }
0x12d: {  	[tilespmem:$0x1FD90] =	vst v43;
	v43 =	vld [tilespmem:$0x3C70];
	_ =	sdelay $0x4  }
0x12e: {  	[tilespmem:$0x1FD70] =	vst v43;
	v43 =	vld [tilespmem:$0x3BF0];
	_ =	sdelay $0x4  }
0x12f: {  	[tilespmem:$0x1FD50] =	vst v43;
	v43 =	vld [tilespmem:$0x3B70];
	_ =	sdelay $0x4  }
0x130: {  	[tilespmem:$0x1FD40] =	vst v43;
	v43 =	vld [tilespmem:$0x3AF0];
	_ =	sdelay $0x4  }
0x131: {  	[tilespmem:$0x1FD30] =	vst v43;
	v43 =	vld [tilespmem:$0x3A70];
	_ =	sdelay $0x4  }
0x132: {  	[tilespmem:$0x1FD10] =	vst v43;
	v43 =	vld [tilespmem:$0x39F0];
	_ =	sdelay $0x4  }
0x133: {  	[tilespmem:$0x1FD00] =	vst v43;
	v43 =	vld [tilespmem:$0x3970];
	_ =	sdelay $0x4  }
0x134: {  	[tilespmem:$0x1FCF0] =	vst v43;
	v43 =	vld [tilespmem:$0x38F0];
	_ =	sdelay $0x4  }
0x135: {  	[tilespmem:$0x1FCE0] =	vst v43;
	v43 =	vld [tilespmem:$0x3870];
	_ =	sdelay $0x4  }
0x136: {  	[tilespmem:$0x1FCD0] =	vst v43;
	v43 =	vld [tilespmem:$0x37F0];
	_ =	sdelay $0x4  }
0x137: {  	[tilespmem:$0x1FCC0] =	vst v43;
	v43 =	vld [tilespmem:$0x3770];
	_ =	sdelay $0x4  }
0x138: {  	[tilespmem:$0x1FCB0] =	vst v43;
	v43 =	vld [tilespmem:$0x36F0];
	_ =	sdelay $0x4  }
0x139: {  	[tilespmem:$0x1FCA0] =	vst v43;
	v43 =	vld [tilespmem:$0x3670];
	_ =	sdelay $0x4  }
0x13a: {  	[tilespmem:$0x1FC90] =	vst v43;
	v43 =	vld [tilespmem:$0x35F0];
	_ =	sdelay $0x4  }
0x13b: {  	[tilespmem:$0x1FC80] =	vst v43;
	v43 =	vld [tilespmem:$0x3570];
	_ =	sdelay $0x4  }
0x13c: {  	[tilespmem:$0x1FC70] =	vst v43;
	v43 =	vld [tilespmem:$0x34F0];
	_ =	sdelay $0x4  }
0x13d: {  	[tilespmem:$0x1FC60] =	vst v43;
	v43 =	vld [tilespmem:$0x3470];
	_ =	sdelay $0x4  }
0x13e: {  	[tilespmem:$0x1FC50] =	vst v43;
	v43 =	vld [tilespmem:$0x33F0];
	_ =	sdelay $0x4  }
0x13f: {  	[tilespmem:$0x1FC40] =	vst v43;
	v43 =	vld [tilespmem:$0x3370];
	_ =	sdelay $0x4  }
0x140: {  	[tilespmem:$0x1FC20] =	vst v43;
	v43 =	vld [tilespmem:$0x32F0];
	_ =	sdelay $0x4  }
0x141: {  	[tilespmem:$0x1FC00] =	vst v43;
	v43 =	vld [tilespmem:$0x3270];
	_ =	sdelay $0x4  }
0x142: {  	[tilespmem:$0x1FC10] =	vst v43;
	v43 =	vld [tilespmem:$0x4AE0];
	_ =	sdelay $0x4  }
0x143: {  	[tilespmem:$0x1FEC0] =	vst v43;
	v43 =	vld [tilespmem:$0x4A60];
	_ =	sdelay $0x4  }
0x144: {  	[tilespmem:$0x1FEA0] =	vst v43;
	v43 =	vld [tilespmem:$0x49E0];
	_ =	sdelay $0x4  }
0x145: {  	[tilespmem:$0x1FE80] =	vst v43;
	v43 =	vld [tilespmem:$0x4960];
	_ =	sdelay $0x4  }
0x146: {  	[tilespmem:$0x1FE60] =	vst v43;
	v43 =	vld [tilespmem:$0x48E0];
	_ =	sdelay $0x4  }
0x147: {  	[tilespmem:$0x1FE40] =	vst v43;
	v43 =	vld [tilespmem:$0x4860];
	_ =	sdelay $0x4  }
0x148: {  	[tilespmem:$0x1FE00] =	vst v43;
	v43 =	vld [tilespmem:$0x47E0];
	_ =	sdelay $0x4  }
0x149: {  	[tilespmem:$0x1FDE0] =	vst v43;
	v43 =	vld [tilespmem:$0x4760];
	_ =	sdelay $0x4  }
0x14a: {  	[tilespmem:$0x1FDC0] =	vst v43;
	v43 =	vld [tilespmem:$0x46E0];
	_ =	sdelay $0x4  }
0x14b: {  	[tilespmem:$0x1FDA0] =	vst v43;
	v43 =	vld [tilespmem:$0x4660];
	_ =	sdelay $0x4  }
0x14c: {  	[tilespmem:$0x1FD80] =	vst v43;
	v43 =	vld [tilespmem:$0x45E0];
	_ =	sdelay $0x4  }
0x14d: {  	[tilespmem:$0x1FD60] =	vst v43;
	v43 =	vld [tilespmem:$0x4560];
	_ =	sdelay $0x4  }
0x14e: {  	[tilespmem:$0x1FBF0] =	vst v43;
	v43 =	vld [tilespmem:$0x44E0];
	_ =	sdelay $0x4  }
0x14f: {  	[tilespmem:$0x1FBE0] =	vst v43;
	v43 =	vld [tilespmem:$0x4460];
	_ =	sdelay $0x4  }
0x150: {  	[tilespmem:$0x1FBD0] =	vst v43;
	v43 =	vld [tilespmem:$0x43E0];
	_ =	sdelay $0x4  }
0x151: {  	[tilespmem:$0x1FBC0] =	vst v43;
	v43 =	vld [tilespmem:$0x4360];
	_ =	sdelay $0x4  }
0x152: {  	[tilespmem:$0x1FBB0] =	vst v43;
	v43 =	vld [tilespmem:$0x42E0];
	_ =	sdelay $0x4  }
0x153: {  	[tilespmem:$0x1FBA0] =	vst v43;
	v43 =	vld [tilespmem:$0x4260];
	_ =	sdelay $0x4  }
0x154: {  	[tilespmem:$0x1FB90] =	vst v43;
	v43 =	vld [tilespmem:$0x41E0];
	_ =	sdelay $0x4  }
0x155: {  	[tilespmem:$0x1FB80] =	vst v43;
	v43 =	vld [tilespmem:$0x4160];
	_ =	sdelay $0x4  }
0x156: {  	[tilespmem:$0x1FB70] =	vst v43;
	v43 =	vld [tilespmem:$0x40E0];
	_ =	sdelay $0x4  }
0x157: {  	[tilespmem:$0x1FB60] =	vst v43;
	v43 =	vld [tilespmem:$0x4060];
	_ =	sdelay $0x4  }
0x158: {  	[tilespmem:$0x1FB50] =	vst v43;
	v43 =	vld [tilespmem:$0x3FE0];
	_ =	sdelay $0x4  }
0x159: {  	[tilespmem:$0x1FB40] =	vst v43;
	v43 =	vld [tilespmem:$0x3F60];
	_ =	sdelay $0x4  }
0x15a: {  	[tilespmem:$0x1FB20] =	vst v43;
	v43 =	vld [tilespmem:$0x3EE0];
	_ =	sdelay $0x4  }
0x15b: {  	[tilespmem:$0x1FB00] =	vst v43;
	v43 =	vld [tilespmem:$0x3E60];
	_ =	sdelay $0x4  }
0x15c: {  	[tilespmem:$0x1FAF0] =	vst v43;
	v43 =	vld [tilespmem:$0x3DE0];
	_ =	sdelay $0x4  }
0x15d: {  	[tilespmem:$0x1FAD0] =	vst v43;
	v43 =	vld [tilespmem:$0x3D60];
	_ =	sdelay $0x4  }
0x15e: {  	[tilespmem:$0x1FAB0] =	vst v43;
	v43 =	vld [tilespmem:$0x3CE0];
	_ =	sdelay $0x4  }
0x15f: {  	[tilespmem:$0x1FAA0] =	vst v43;
	v43 =	vld [tilespmem:$0x3C60];
	_ =	sdelay $0x4  }
0x160: {  	[tilespmem:$0x1FA90] =	vst v43;
	v43 =	vld [tilespmem:$0x3BE0];
	_ =	sdelay $0x4  }
0x161: {  	[tilespmem:$0x1FA70] =	vst v43;
	v43 =	vld [tilespmem:$0x3B60];
	_ =	sdelay $0x4  }
0x162: {  	[tilespmem:$0x1FA60] =	vst v43;
	v43 =	vld [tilespmem:$0x3AE0];
	_ =	sdelay $0x4  }
0x163: {  	[tilespmem:$0x1FA50] =	vst v43;
	v43 =	vld [tilespmem:$0x3A60];
	_ =	sdelay $0x4  }
0x164: {  	[tilespmem:$0x1FA40] =	vst v43;
	v43 =	vld [tilespmem:$0x39E0];
	_ =	sdelay $0x4  }
0x165: {  	[tilespmem:$0x1FA20] =	vst v43;
	v43 =	vld [tilespmem:$0x3960];
	_ =	sdelay $0x4  }
0x166: {  	[tilespmem:$0x1FA00] =	vst v43;
	v43 =	vld [tilespmem:$0x38E0];
	_ =	sdelay $0x4  }
0x167: {  	[tilespmem:$0x1F9F0] =	vst v43;
	v43 =	vld [tilespmem:$0x3860];
	_ =	sdelay $0x4  }
0x168: {  	[tilespmem:$0x1F9D0] =	vst v43;
	v43 =	vld [tilespmem:$0x37E0];
	_ =	sdelay $0x4  }
0x169: {  	[tilespmem:$0x1F9B0] =	vst v43;
	v43 =	vld [tilespmem:$0x3760];
	_ =	sdelay $0x4  }
0x16a: {  	[tilespmem:$0x1F990] =	vst v43;
	v43 =	vld [tilespmem:$0x36E0];
	_ =	sdelay $0x4  }
0x16b: {  	[tilespmem:$0x1F970] =	vst v43;
	v43 =	vld [tilespmem:$0x3660];
	_ =	sdelay $0x4  }
0x16c: {  	[tilespmem:$0x1F950] =	vst v43;
	v43 =	vld [tilespmem:$0x35E0];
	_ =	sdelay $0x4  }
0x16d: {  	[tilespmem:$0x1F930] =	vst v43;
	v43 =	vld [tilespmem:$0x3560];
	_ =	sdelay $0x4  }
0x16e: {  	[tilespmem:$0x1F8D0] =	vst v43;
	v43 =	vld [tilespmem:$0x34E0];
	_ =	sdelay $0x4  }
0x16f: {  	[tilespmem:$0x1F8B0] =	vst v43;
	v43 =	vld [tilespmem:$0x3460];
	_ =	sdelay $0x4  }
0x170: {  	[tilespmem:$0x1F890] =	vst v43;
	v43 =	vld [tilespmem:$0x33E0];
	_ =	sdelay $0x4  }
0x171: {  	[tilespmem:$0x1F870] =	vst v43;
	v43 =	vld [tilespmem:$0x3360];
	_ =	sdelay $0x4  }
0x172: {  	[tilespmem:$0x1F850] =	vst v43;
	v43 =	vld [tilespmem:$0x32E0];
	_ =	sdelay $0x4  }
0x173: {  	[tilespmem:$0x1F820] =	vst v43;
	v43 =	vld [tilespmem:$0x3260];
	_ =	sdelay $0x4  }
0x174: {  	[tilespmem:$0x1F830] =	vst v43;
	v43 =	vld [tilespmem:$0x4AD0];
	_ =	sdelay $0x4  }
0x175: {  	[tilespmem:$0x1F7F0] =	vst v43;
	v43 =	vld [tilespmem:$0x4A50];
	_ =	sdelay $0x4  }
0x176: {  	[tilespmem:$0x1F7D0] =	vst v43;
	v43 =	vld [tilespmem:$0x49D0];
	_ =	sdelay $0x4  }
0x177: {  	[tilespmem:$0x1F7A0] =	vst v43;
	v43 =	vld [tilespmem:$0x4950];
	_ =	sdelay $0x4  }
0x178: {  	[tilespmem:$0x1F770] =	vst v43;
	v43 =	vld [tilespmem:$0x48D0];
	_ =	sdelay $0x4  }
0x179: {  	[tilespmem:$0x1F740] =	vst v43;
	v43 =	vld [tilespmem:$0x4850];
	_ =	sdelay $0x4  }
0x17a: {  	[tilespmem:$0x1F710] =	vst v43;
	v43 =	vld [tilespmem:$0x47D0];
	_ =	sdelay $0x4  }
0x17b: {  	[tilespmem:$0x1F6F0] =	vst v43;
	v43 =	vld [tilespmem:$0x4750];
	_ =	sdelay $0x4  }
0x17c: {  	[tilespmem:$0x1F6D0] =	vst v43;
	v43 =	vld [tilespmem:$0x46D0];
	_ =	sdelay $0x4  }
0x17d: {  	[tilespmem:$0x1F650] =	vst v43;
	v43 =	vld [tilespmem:$0x4650];
	_ =	sdelay $0x4  }
0x17e: {  	[tilespmem:$0x1F630] =	vst v43;
	v43 =	vld [tilespmem:$0x45D0];
	_ =	sdelay $0x4  }
0x17f: {  	[tilespmem:$0x1F610] =	vst v43;
	v43 =	vld [tilespmem:$0x4550];
	_ =	sdelay $0x2  }
0x180: {  	v12 =	vadd.f32 v12, v15;
	_ =	sdelay $0x1  }
0x181: {  	v12 =	vadd.f32 v16, v12;
	[tilespmem:$0x1F5F0] =	vst v43;
	v43 =	vld [tilespmem:$0x44D0];
	_ =	sdelay $0x1  }
0x182: {  	v3 =	vadd.f32 v3, v12  }
0x183: {  	v32 =	vld [tilespmem:$0x3B30]  }
0x184: {  	v3 =	vadd.f32 v18, v3;
	v59 =	vld [tilespmem:$0x3BB0]  }
0x185: {  	[tilespmem:$0x1F5D0] =	vst v43;
	v43 =	vld [tilespmem:$0x4450]  }
0x186: {  	v3 =	vadd.f32 v22, v3;
	v63 =	vld [tilespmem:$0x3C30]  }
0x187: {  	v39 =	vld [tilespmem:$0x3CB0]  }
0x188: {  	v0 =	vadd.f32 v0, v3;
	v35 =	vld [tilespmem:$0x37D0];
	[tilespmem:$0x1E8C0] =	vst v32  }
0x189: {  	v16 =	vld [tilespmem:$0x3850];
	[tilespmem:$0x1E8F0] =	vst v59  }
0x18a: {  	v0 =	vadd.f32 v5, v0;
	[tilespmem:$0x1F5B0] =	vst v43;
	v43 =	vld [tilespmem:$0x43D0]  }
0x18b: {  	v18 =	vld [tilespmem:$0x3F50];
	[tilespmem:$0x1E920] =	vst v63  }
0x18c: {  	v0 =	vadd.f32 v1, v0;
	v22 =	vld [tilespmem:$0x39D0];
	[tilespmem:$0x1E960] =	vst v39  }
0x18d: {  	v12 =	vld [tilespmem:$0x3AD0];
	[tilespmem:$0x1F160] =	vst v35  }
0x18e: {  	v0 =	vadd.f32 v4, v0;
	v15 =	vld [tilespmem:$0x3DD0];
	[tilespmem:$0x1F190] =	vst v16  }
0x18f: {  	[tilespmem:$0x1F570] =	vst v43;
	v43 =	vld [tilespmem:$0x4350]  }
0x190: {  	v0 =	vadd.f32 v34, v0;
	v34 =	vld [tilespmem:$0x4870];
	[tilespmem:$0x1F3B0] =	vst v18  }
0x191: {  	v4 =	vld [tilespmem:$0x49F0];
	[tilespmem:$0x1F220] =	vst v22  }
0x192: {  	v5 =	vld [tilespmem:$0x4A70];
	[tilespmem:$0x1F280] =	vst v12  }
0x193: {  	v59 =	vld [tilespmem:$0x3DB0];
	[tilespmem:$0x1F350] =	vst v15  }
0x194: {  	[tilespmem:$0x1F550] =	vst v43;
	v43 =	vld [tilespmem:$0x42D0]  }
0x195: {  	v63 =	vld [tilespmem:$0x3E30];
	[tilespmem:$0x1FF90] =	vst v34  }
0x196: {  	v39 =	vld [tilespmem:$0x3EB0];
	[tilespmem:$0x1FFC0] =	vst v4  }
0x197: {  	v32 =	vld [tilespmem:$0x4150];
	[tilespmem:$0x1FFD0] =	vst v5  }
0x198: {  	v35 =	vld [tilespmem:$0x38D0];
	[tilespmem:$0x1E9E0] =	vst v59  }
0x199: {  	[tilespmem:$0x1F520] =	vst v43;
	v43 =	vld [tilespmem:$0x3650]  }
0x19a: {  	v16 =	vld [tilespmem:$0x3950];
	[tilespmem:$0x1EA20] =	vst v63  }
0x19b: {  	v18 =	vld [tilespmem:$0x3D50];
	[tilespmem:$0x1EA60] =	vst v39  }
0x19c: {  	v22 =	vld [tilespmem:$0x3BD0];
	[tilespmem:$0x1F490] =	vst v32  }
0x19d: {  	v12 =	vld [tilespmem:$0x4AF0];
	[tilespmem:$0x1F1C0] =	vst v35  }
0x19e: {  	[tilespmem:$0x1F0D0] =	vst v43;
	v43 =	vld [tilespmem:$0x36D0]  }
0x19f: {  	v59 =	vld [tilespmem:$0x3FB0];
	[tilespmem:$0x1F1F0] =	vst v16  }
0x1a0: {  	v63 =	vld [tilespmem:$0x4030];
	[tilespmem:$0x1F330] =	vst v18  }
0x1a1: {  	v39 =	vld [tilespmem:$0x40B0];
	[tilespmem:$0x1F2D0] =	vst v22  }
0x1a2: {  	v32 =	vld [tilespmem:$0x4050];
	[tilespmem:$0x1FFE0] =	vst v12  }
0x1a3: {  	[tilespmem:$0x1F100] =	vst v43;
	v43 =	vld [tilespmem:$0x41D0]  }
0x1a4: {  	v35 =	vld [tilespmem:$0x3A50];
	[tilespmem:$0x1EAE0] =	vst v59  }
0x1a5: {  	[tilespmem:$0x1EB20] =	vst v63;
	v59 =	vld [tilespmem:$0x41B0]  }
0x1a6: {  	[tilespmem:$0x1EB60] =	vst v39;
	v63 =	vld [tilespmem:$0x4230]  }
0x1a7: {  	v39 =	vld [tilespmem:$0x42B0];
	[tilespmem:$0x1F430] =	vst v32  }
0x1a8: {  	[tilespmem:$0x1F4C0] =	vst v43;
	v43 =	vld [tilespmem:$0x3750]  }
0x1a9: {  	v16 =	vld [tilespmem:$0x3C50];
	[tilespmem:$0x1F250] =	vst v35  }
0x1aa: {  	[tilespmem:$0x1EBE0] =	vst v59;
	v59 =	vld [tilespmem:$0x43B0]  }
0x1ab: {  	[tilespmem:$0x1EC20] =	vst v63;
	v63 =	vld [tilespmem:$0x4430]  }
0x1ac: {  	[tilespmem:$0x1EC50] =	vst v39;
	v39 =	vld [tilespmem:$0x44B0]  }
0x1ad: {  	[tilespmem:$0x1F130] =	vst v43;
	v43 =	vld [tilespmem:$0x40D0]  }
0x1ae: {  	v32 =	vld [tilespmem:$0x3ED0];
	[tilespmem:$0x1F2F0] =	vst v16  }
0x1af: {  	[tilespmem:$0x1ECB0] =	vst v59;
	v59 =	vld [tilespmem:$0x45B0]  }
0x1b0: {  	[tilespmem:$0x1ECE0] =	vst v63;
	v63 =	vld [tilespmem:$0x4630]  }
0x1b1: {  	[tilespmem:$0x1ED10] =	vst v39;
	v39 =	vld [tilespmem:$0x46B0]  }
0x1b2: {  	[tilespmem:$0x1F460] =	vst v43;
	v43 =	vld [tilespmem:$0x3FD0]  }
0x1b3: {  	v35 =	vld [tilespmem:$0x48F0];
	[tilespmem:$0x1F390] =	vst v32  }
0x1b4: {  	[tilespmem:$0x1ED70] =	vst v59;
	v59 =	vld [tilespmem:$0x47B0]  }
0x1b5: {  	[tilespmem:$0x1EDA0] =	vst v63;
	v63 =	vld [tilespmem:$0x4830]  }
0x1b6: {  	[tilespmem:$0x1EDD0] =	vst v39;
	v39 =	vld [tilespmem:$0x48B0]  }
0x1b7: {  	[tilespmem:$0x1F3E0] =	vst v43;
	v43 =	vld [tilespmem:$0x3E50]  }
0x1b8: {  	v32 =	vld [tilespmem:$0x3CD0];
	[tilespmem:$0x1FFA0] =	vst v35  }
0x1b9: {  	[tilespmem:$0x1EE30] =	vst v59;
	v59 =	vld [tilespmem:$0x49B0]  }
0x1ba: {  	v0 =	vadd.f32 v25, v0;
	[tilespmem:$0x1EE60] =	vst v63;
	v63 =	vld [tilespmem:$0x4A30]  }
0x1bb: {  	[tilespmem:$0x1EE90] =	vst v39;
	v39 =	vld [tilespmem:$0x4AB0]  }
0x1bc: {  	v0 =	vadd.f32 v41, v0;
	[tilespmem:$0x1F370] =	vst v43;
	v43 =	vld [tilespmem:$0x4970]  }
0x1bd: {  	[tilespmem:$0x1F310] =	vst v32  }
0x1be: {  	v0 =	vadd.f32 v45, v0;
	[tilespmem:$0x1EEF0] =	vst v59  }
0x1bf: {  	[tilespmem:$0x1EF20] =	vst v63  }
0x1c0: {  	v0 =	vadd.f32 v2, v0;
	[tilespmem:$0x1EF50] =	vst v39;
	v63 =	vld [tilespmem:$0x3240]  }
0x1c1: {  	v39 =	vld [tilespmem:$0x32C0];
	[tilespmem:$0x1FFB0] =	vst v43  }
0x1c2: {  	v0 =	vadd.f32 v51, v0;
	v59 =	vld [tilespmem:$0x3340];
	_ =	swait.ge [sflag:s21], $0x1900  }
0x1c3: {  	v15 =	vadd.f32 v6, v9;
	v25 =	vld [tilespmem:$0x1E4B0]  }
0x1c4: {  	v16 =	vadd.f32 v28, v0;
	v28 =	vld [tilespmem:$0x1E4C0]  }
0x1c5: {  	v18 =	vadd.f32 v11, v15;
	[sflag:s21] =	ssyncset.done $0x0;
	v41 =	vld [tilespmem:$0x1E4D0]  }
0x1c6: {  	v11 =	vld [tilespmem:$0x1E4E0];
	[sflag:s21] =	ssyncadd.s32 $0xFFFFE700  }
0x1c7: {  	v3 =	vadd.f32 v21, v18;
	v43 =	vld [tilespmem:$0x4B00]  }
0x1c8: {  	v0 =	vld [tilespmem:$0x4B80]  }
0x1c9: {  	v3 =	vadd.f32 v10, v3;
	v1 =	vld [tilespmem:$0x4C00]  }
0x1ca: {  	v22 =	vadd.f32 v30, v16;
	v2 =	vld [tilespmem:$0x4C80]  }
0x1cb: {  	v3 =	vadd.f32 v20, v3;
	v6 =	vld [tilespmem:$0x4D00]  }
0x1cc: {  	v4 =	vadd.f32 v14, v22;
	v35 =	vld [tilespmem:$0x4D80]  }
0x1cd: {  	v3 =	vadd.f32 v19, v3;
	v9 =	vld [tilespmem:$0x4E00]  }
0x1ce: {  	v4 =	vadd.f32 v37, v4;
	v37 =	vld [tilespmem:$0x4E80]  }
0x1cf: {  	v3 =	vadd.f32 v24, v3;
	v10 =	vld [tilespmem:$0x4F00]  }
0x1d0: {  	v45 =	vld [tilespmem:$0x4F80]  }
0x1d1: {  	v3 =	vadd.f32 v27, v3;
	v4 =	vadd.f32 v40, v4;
	v40 =	vld [tilespmem:$0x5000]  }
0x1d2: {  	v21 =	vld [tilespmem:$0x5080]  }
0x1d3: {  	v3 =	vadd.f32 v60, v3;
	v4 =	vadd.f32 v61, v4;
	v61 =	vld [tilespmem:$0x5100]  }
0x1d4: {  	v27 =	vld [tilespmem:$0x5380]  }
0x1d5: {  	v3 =	vadd.f32 v29, v3;
	v29 =	vld [tilespmem:$0x5480]  }
0x1d6: {  	v34 =	vld [tilespmem:$0x5500]  }
0x1d7: {  	v51 =	vld [tilespmem:$0x5580]  }
0x1d8: {  	v3 =	vadd.f32 v55, v3;
	v55 =	vld [tilespmem:$0x5600]  }
0x1d9: {  	v12 =	vld [tilespmem:$0x5680];
	[tilespmem:$0x1EF60] =	vst v27  }
0x1da: {  	v14 =	vld [tilespmem:$0x5700];
	[tilespmem:$0x1EFC0] =	vst v29  }
0x1db: {  	v4 =	vadd.f32 v44, v4;
	v30 =	vld [tilespmem:$0x5180];
	[tilespmem:$0x1EFF0] =	vst v34  }
0x1dc: {  	v44 =	vld [tilespmem:$0x5200];
	[tilespmem:$0x1F020] =	vst v51  }
0x1dd: {  	v4 =	vadd.f32 v54, v4;
	v54 =	vld [tilespmem:$0x5280];
	[tilespmem:$0x1F050] =	vst v55  }
0x1de: {  	v32 =	vld [tilespmem:$0x5300];
	[tilespmem:$0x1F080] =	vst v12  }
0x1df: {  	v60 =	vld [tilespmem:$0x5400];
	[tilespmem:$0x1F0B0] =	vst v14  }
0x1e0: {  	v5 =	vld [tilespmem:$0x1E4F0]  }
0x1e1: {  	v15 =	vld [tilespmem:$0x5780]  }
0x1e2: {  	v16 =	vld [tilespmem:$0x1E500]  }
0x1e3: {  	v3 =	vadd.f32 v17, v3;
	v17 =	vld [tilespmem:$0x5800]  }
0x1e4: {  	v18 =	vld [tilespmem:$0x1E510]  }
0x1e5: {  	v19 =	vld [tilespmem:$0x5880]  }
0x1e6: {  	v20 =	vld [tilespmem:$0x1E520]  }
0x1e7: {  	v22 =	vld [tilespmem:$0x5900]  }
0x1e8: {  	v24 =	vld [tilespmem:$0x1E530]  }
0x1e9: {  	v4 =	vadd.f32 v25, v4;
	v25 =	vld [tilespmem:$0x5980]  }
0x1ea: {  	v27 =	vld [tilespmem:$0x1E540]  }
0x1eb: {  	v4 =	vadd.f32 v28, v4;
	v28 =	vld [tilespmem:$0x5A00]  }
0x1ec: {  	v29 =	vld [tilespmem:$0x1E550]  }
0x1ed: {  	v3 =	vadd.f32 v31, v3;
	v31 =	vld [tilespmem:$0x5A80]  }
0x1ee: {  	v34 =	vld [tilespmem:$0x1E560]  }
0x1ef: {  	v51 =	vld [tilespmem:$0x1E570]  }
0x1f0: {  	v55 =	vadd.f32 v48, v33;
	v33 =	vld [tilespmem:$0x1E5D0]  }
0x1f1: {  	v48 =	vld [tilespmem:$0x1E5F0]  }
0x1f2: {  	v12 =	vld [tilespmem:$0x6080]  }
0x1f3: {  	v14 =	vld [tilespmem:$0x6100]  }
0x1f4: {  	v0 =	vadd.f32 v0, v43;
	v43 =	vld [tilespmem:$0x1ECC0]  }
0x1f5: {  	v4 =	vadd.f32 v41, v4;
	v41 =	vld [tilespmem:$0x5B00]  }
0x1f6: {  	[tilespmem:$0x1F0E0] =	vst v15;
	v15 =	vld [tilespmem:$0x5B80]  }
0x1f7: {  	v3 =	vadd.f32 v16, v3;
	v16 =	vld [tilespmem:$0x1E580]  }
0x1f8: {  	[tilespmem:$0x1F140] =	vst v19;
	v19 =	vld [tilespmem:$0x1E590]  }
0x1f9: {  	[tilespmem:$0x1F170] =	vst v22;
	v22 =	vld [tilespmem:$0x1E5A0]  }
0x1fa: {  	[tilespmem:$0x1F1A0] =	vst v25;
	v25 =	vld [tilespmem:$0x5D00]  }
0x1fb: {  	v4 =	vadd.f32 v11, v4;
	[tilespmem:$0x1F1D0] =	vst v28;
	v28 =	vld [tilespmem:$0x5D80]  }
0x1fc: {  	[tilespmem:$0x1F200] =	vst v31;
	v31 =	vld [tilespmem:$0x5E00]  }
0x1fd: {  	v4 =	vadd.f32 v5, v4;
	v5 =	vadd.f32 v7, v55;
	v55 =	vld [tilespmem:$0x1E610]  }
0x1fe: {  	[tilespmem:$0x1F110] =	vst v17;
	v17 =	vadd.f32 v58, v57;
	v57 =	vld [tilespmem:$0x1E620]  }
0x1ff: {  	v0 =	vadd.f32 v1, v0;
	v58 =	vld [tilespmem:$0x1E630]  }
0x200: {  	[tilespmem:$0x1F400] =	vst v14;
	v14 =	vld [tilespmem:$0x1E7B0]  }
0x201: {  	v0 =	vadd.f32 v2, v0;
	[tilespmem:$0x1F230] =	vst v41;
	v41 =	vld [tilespmem:$0x1E5E0]  }
0x202: {  	v4 =	vadd.f32 v18, v4;
	v18 =	vld [tilespmem:$0x5C00]  }
0x203: {  	v0 =	vadd.f32 v6, v0;
	v3 =	vadd.f32 v20, v3;
	v20 =	vld [tilespmem:$0x5C80]  }
0x204: {  	v5 =	vadd.f32 v46, v5;
	v46 =	vld [tilespmem:$0x5F00]  }
0x205: {  	v0 =	vadd.f32 v35, v0;
	v35 =	vld [tilespmem:$0x1ED70]  }
0x206: {  	v3 =	vadd.f32 v27, v3;
	v27 =	vld [tilespmem:$0x1E5B0]  }
0x207: {  	v5 =	vadd.f32 v49, v5;
	v49 =	vld [tilespmem:$0x1E600]  }
0x208: {  	v4 =	vadd.f32 v24, v4;
	v24 =	vadd.f32 v23, v17;
	v17 =	vld [tilespmem:$0x6180]  }
0x209: {  	v23 =	vld [tilespmem:$0x6280]  }
0x20a: {  	v0 =	vadd.f32 v9, v0;
	v9 =	vld [tilespmem:$0x1EF70]  }
0x20b: {  	[tilespmem:$0x1F260] =	vst v15;
	v15 =	vld [tilespmem:$0x1E650]  }
0x20c: {  	[tilespmem:$0x1F2E0] =	vst v25;
	v25 =	vld [tilespmem:$0x6300]  }
0x20d: {  	[tilespmem:$0x1F300] =	vst v28;
	v28 =	vld [tilespmem:$0x6380]  }
0x20e: {  	[tilespmem:$0x1F320] =	vst v31;
	v31 =	vld [tilespmem:$0x6400]  }
0x20f: {  	v4 =	vadd.f32 v29, v4;
	v29 =	vld [tilespmem:$0x1E5C0]  }
0x210: {  	v3 =	vadd.f32 v34, v3;
	v34 =	vld [tilespmem:$0x5E80]  }
0x211: {  	v7 =	vadd.f32 v26, v24;
	v24 =	vld [tilespmem:$0x1E6A0]  }
0x212: {  	v26 =	vld [tilespmem:$0x1E6B0]  }
0x213: {  	v0 =	vadd.f32 v37, v0;
	v37 =	vld [tilespmem:$0x1ED80]  }
0x214: {  	[tilespmem:$0x1F290] =	vst v18;
	v18 =	vld [tilespmem:$0x1E670]  }
0x215: {  	[tilespmem:$0x1F2C0] =	vst v20;
	v20 =	vld [tilespmem:$0x1E680]  }
0x216: {  	[tilespmem:$0x1F360] =	vst v46;
	v46 =	vld [tilespmem:$0x1E720]  }
0x217: {  	v4 =	vadd.f32 v51, v4;
	v51 =	vld [tilespmem:$0x5F80]  }
0x218: {  	v7 =	vadd.f32 v13, v7;
	v13 =	vld [tilespmem:$0x1E640]  }
0x219: {  	v3 =	vadd.f32 v16, v3;
	v16 =	vld [tilespmem:$0x1E660]  }
0x21a: {  	v0 =	vadd.f32 v10, v0;
	v10 =	vld [tilespmem:$0x1EF80]  }
0x21b: {  	v5 =	vadd.f32 v49, v5;
	v49 =	vld [tilespmem:$0x1E750]  }
0x21c: {  	[tilespmem:$0x1F440] =	vst v17;
	v17 =	vld [tilespmem:$0x1E7E0]  }
0x21d: {  	[tilespmem:$0x1F4A0] =	vst v23;
	v23 =	vld [tilespmem:$0x1E820]  }
0x21e: {  	v7 =	vadd.f32 v56, v7;
	v56 =	vld [tilespmem:$0x6000]  }
0x21f: {  	v4 =	vadd.f32 v19, v4;
	v19 =	vld [tilespmem:$0x6200]  }
0x220: {  	v3 =	vadd.f32 v22, v3;
	v22 =	vld [tilespmem:$0x1E690]  }
0x221: {  	[tilespmem:$0x1F4D0] =	vst v25;
	v25 =	vld [tilespmem:$0x1E840]  }
0x222: {  	[tilespmem:$0x1F500] =	vst v28;
	v28 =	vld [tilespmem:$0x1E870]  }
0x223: {  	[tilespmem:$0x1F3F0] =	vst v31;
	v31 =	vld [tilespmem:$0x1E890]  }
0x224: {  	v0 =	vadd.f32 v45, v0;
	v45 =	vld [tilespmem:$0x5020]  }
0x225: {  	[tilespmem:$0x1F340] =	vst v34;
	v34 =	vld [tilespmem:$0x1E6F0]  }
0x226: {  	v5 =	vadd.f32 v58, v5;
	v58 =	vld [tilespmem:$0x1E790]  }
0x227: {  	v4 =	vadd.f32 v27, v4;
	v27 =	vld [tilespmem:$0x1E6C0]  }
0x228: {  	v3 =	vadd.f32 v29, v3;
	v29 =	vld [tilespmem:$0x1E6D0]  }
0x229: {  	v7 =	vadd.f32 v36, v7;
	v36 =	vld [tilespmem:$0x6480]  }
0x22a: {  	v0 =	vadd.f32 v40, v0;
	v40 =	vld [tilespmem:$0x51A0]  }
0x22b: {  	[tilespmem:$0x1F380] =	vst v51;
	v51 =	vld [tilespmem:$0x1E760]  }
0x22c: {  	v5 =	vadd.f32 v16, v5;
	v16 =	vld [tilespmem:$0x1E7D0]  }
0x22d: {  	v4 =	vadd.f32 v33, v4;
	v33 =	vld [tilespmem:$0x1E6E0]  }
0x22e: {  	v3 =	vadd.f32 v41, v3;
	v41 =	vld [tilespmem:$0x1E700]  }
0x22f: {  	v7 =	vadd.f32 v52, v7;
	v52 =	vld [tilespmem:$0x4C90]  }
0x230: {  	v0 =	vadd.f32 v21, v0;
	v21 =	vld [tilespmem:$0x5320]  }
0x231: {  	[tilespmem:$0x1F470] =	vst v19;
	v19 =	vld [tilespmem:$0x4C10]  }
0x232: {  	[tilespmem:$0x1F3A0] =	vst v56;
	v56 =	vld [tilespmem:$0x1E780]  }
0x233: {  	v5 =	vadd.f32 v22, v5;
	v22 =	vld [tilespmem:$0x1E810]  }
0x234: {  	v7 =	vadd.f32 v47, v7;
	v47 =	vld [tilespmem:$0x1E730]  }
0x235: {  	v4 =	vadd.f32 v48, v4;
	v48 =	vld [tilespmem:$0x1E740]  }
0x236: {  	v3 =	vadd.f32 v55, v3;
	v55 =	vld [tilespmem:$0x1E770]  }
0x237: {  	v0 =	vadd.f32 v61, v0;
	v61 =	vld [tilespmem:$0x1EE70]  }
0x238: {  	v5 =	vadd.f32 v27, v5;
	v27 =	vld [tilespmem:$0x1E860]  }
0x239: {  	[tilespmem:$0x1F420] =	vst v36;
	v36 =	vld [tilespmem:$0x1E8C0]  }
0x23a: {  	v7 =	vadd.f32 v50, v7;
	v50 =	vld [tilespmem:$0x4B10]  }
0x23b: {  	v4 =	vadd.f32 v57, v4;
	v57 =	vld [tilespmem:$0x4B90]  }
0x23c: {  	v3 =	vadd.f32 v13, v3;
	v13 =	vld [tilespmem:$0x5010]  }
0x23d: {  	v0 =	vadd.f32 v30, v0;
	v30 =	vld [tilespmem:$0x5420]  }
0x23e: {  	v5 =	vadd.f32 v34, v5;
	v34 =	vld [tilespmem:$0x1E8B0]  }
0x23f: {  	v7 =	vadd.f32 v42, v7;
	v42 =	vld [tilespmem:$0x1E710]  }
0x240: {  	v4 =	vadd.f32 v15, v4;
	v15 =	vld [tilespmem:$0x1E7C0]  }
0x241: {  	v3 =	vadd.f32 v18, v3;
	v18 =	vld [tilespmem:$0x1E7F0]  }
0x242: {  	v0 =	vadd.f32 v44, v0;
	v44 =	vld [tilespmem:$0x1EEE0]  }
0x243: {  	v4 =	vadd.f32 v20, v4;
	v20 =	vld [tilespmem:$0x1E800]  }
0x244: {  	v3 =	vadd.f32 v24, v3;
	v24 =	vld [tilespmem:$0x1E830]  }
0x245: {  	v5 =	vadd.f32 v46, v5;
	v7 =	vadd.f32 v38, v7;
	v38 =	vld [tilespmem:$0x1E8D0]  }
0x246: {  	v0 =	vadd.f32 v54, v0;
	v54 =	vld [tilespmem:$0x1EF00]  }
0x247: {  	v5 =	vadd.f32 v49, v5;
	v49 =	vld [tilespmem:$0x1E900]  }
0x248: {  	v7 =	vadd.f32 v62, v7;
	v62 =	vld [tilespmem:$0x1E7A0]  }
0x249: {  	v4 =	vadd.f32 v26, v4;
	v26 =	vld [tilespmem:$0x1E850]  }
0x24a: {  	v3 =	vadd.f32 v29, v3;
	v29 =	vld [tilespmem:$0x1E880]  }
0x24b: {  	v0 =	vadd.f32 v32, v0;
	v32 =	vld [tilespmem:$0x1EF50]  }
0x24c: {  	v5 =	vadd.f32 v56, v5;
	v56 =	vld [tilespmem:$0x4D90]  }
0x24d: {  	v4 =	vadd.f32 v33, v4;
	v33 =	vld [tilespmem:$0x1E8A0]  }
0x24e: {  	v3 =	vadd.f32 v41, v3;
	v41 =	vld [tilespmem:$0x1E8E0]  }
0x24f: {  	v7 =	vadd.f32 v53, v7;
	v53 =	vld [tilespmem:$0x1E920]  }
0x250: {  	v5 =	vadd.f32 v14, v5;
	v14 =	vld [tilespmem:$0x4F90]  }
0x251: {  	v3 =	vadd.f32 v47, v3;
	v47 =	vld [tilespmem:$0x4E90]  }
0x252: {  	v4 =	vadd.f32 v42, v4;
	v42 =	vld [tilespmem:$0x1E8F0]  }
0x253: {  	v5 =	vadd.f32 v17, v5;
	v17 =	vld [tilespmem:$0x5510]  }
0x254: {  	v7 =	vadd.f32 v8, v7;
	v11 =	vadd.f32 v51, v3;
	v3 =	vld [tilespmem:$0x4D10]  }
0x255: {  	v4 =	vadd.f32 v48, v4;
	v48 =	vld [tilespmem:$0x4E10]  }
0x256: {  	v7 =	vadd.f32 v20, v7;
	v20 =	vld [tilespmem:$0x5110]  }
0x257: {  	v51 =	vld [tilespmem:$0x1E910]  }
0x258: {  	v4 =	vadd.f32 v55, v4;
	v7 =	vadd.f32 v25, v7;
	v25 =	vld [tilespmem:$0x5310]  }
0x259: {  	v39 =	vadd.f32 v39, v63;
	v11 =	vadd.f32 v58, v11;
	v58 =	vld [tilespmem:$0x1E930]  }
0x25a: {  	[tilespmem:$0x1F3C0] =	vst v12;
	v12 =	vadd.f32 v62, v4;
	v4 =	vld [tilespmem:$0x4F10]  }
0x25b: {  	v11 =	vadd.f32 v15, v11;
	v15 =	vadd.f32 v59, v39;
	v59 =	vld [tilespmem:$0x1E940]  }
0x25c: {  	v62 =	vld [tilespmem:$0x1E950]  }
0x25d: {  	v39 =	vld [tilespmem:$0x1E9B0]  }
0x25e: {  	v7 =	vadd.f32 v29, v7;
	v29 =	vld [tilespmem:$0x1EA10]  }
0x25f: {  	v8 =	vadd.f32 v16, v12;
	v12 =	vadd.f32 v23, v5;
	v5 =	vld [tilespmem:$0x5090]  }
0x260: {  	v23 =	vld [tilespmem:$0x5210]  }
0x261: {  	v11 =	vadd.f32 v18, v11;
	v18 =	vld [tilespmem:$0x1ED20]  }
0x262: {  	v8 =	vadd.f32 v22, v8;
	v22 =	vld [tilespmem:$0x5190]  }
0x263: {  	v11 =	vadd.f32 v24, v11;
	v24 =	vld [tilespmem:$0x5290]  }
0x264: {  	v15 =	vadd.f32 v59, v15;
	v59 =	vld [tilespmem:$0x5710];
	v8 =	vadd.f32 v26, v8  }
0x265: {  	v11 =	vadd.f32 v28, v11;
	v28 =	vld [tilespmem:$0x5890]  }
0x266: {  	v12 =	vadd.f32 v27, v12;
	v8 =	vadd.f32 v31, v8;
	v31 =	vld [tilespmem:$0x1E960]  }
0x267: {  	v11 =	vadd.f32 v34, v11;
	v34 =	vld [tilespmem:$0x1E980]  }
0x268: {  	[tilespmem:$0x1F530] =	vst v8;
	v8 =	vadd.f32 v33, v12;
	v12 =	vadd.f32 v36, v7;
	v7 =	vld [tilespmem:$0x5390]  }
0x269: {  	v16 =	vadd.f32 v41, v11;
	v11 =	vld [tilespmem:$0x5410]  }
0x26a: {  	v33 =	vld [tilespmem:$0x1E970]  }
0x26b: {  	v36 =	vld [tilespmem:$0x1E990]  }
0x26c: {  	v41 =	vld [tilespmem:$0x1E9C0]  }
0x26d: {  	[tilespmem:$0x1F410] =	vst v28;
	v28 =	vld [tilespmem:$0x1EAA0]  }
0x26e: {  	v46 =	vadd.f32 v42, v12;
	v12 =	vld [tilespmem:$0x5490]  }
0x26f: {  	v8 =	vadd.f32 v38, v8;
	v38 =	vld [tilespmem:$0x1E9A0]  }
0x270: {  	v42 =	vld [tilespmem:$0x1E9D0]  }
0x271: {  	v16 =	vadd.f32 v51, v16;
	v51 =	vld [tilespmem:$0x1E9E0]  }
0x272: {  	v15 =	vadd.f32 v34, v15;
	v34 =	vld [tilespmem:$0x1EA30]  }
0x273: {  	v55 =	vadd.f32 v53, v46;
	v46 =	vld [tilespmem:$0x5590]  }
0x274: {  	v8 =	vadd.f32 v49, v8;
	v49 =	vld [tilespmem:$0x5610]  }
0x275: {  	v53 =	vld [tilespmem:$0x5810]  }
0x276: {  	v63 =	vadd.f32 v62, v16;
	v62 =	vld [tilespmem:$0x1EA00]  }
0x277: {  	v15 =	vadd.f32 v41, v15;
	v41 =	vld [tilespmem:$0x1EA60]  }
0x278: {  	v8 =	vadd.f32 v58, v8;
	v58 =	vld [tilespmem:$0x5690]  }
0x279: {  	v27 =	vadd.f32 v36, v63;
	v63 =	vld [tilespmem:$0x5790]  }
0x27a: {  	v26 =	vadd.f32 v31, v55;
	v55 =	vld [tilespmem:$0x1E9F0]  }
0x27b: {  	v31 =	vld [tilespmem:$0x1EA20]  }
0x27c: {  	v36 =	vld [tilespmem:$0x1EA40]  }
0x27d: {  	v8 =	vadd.f32 v33, v8;
	v33 =	vld [tilespmem:$0x5910]  }
0x27e: {  	v26 =	vadd.f32 v38, v26;
	v38 =	vld [tilespmem:$0x5990]  }
0x27f: {  	v27 =	vadd.f32 v42, v27;
	v42 =	vld [tilespmem:$0x5A10]  }
0x280: {  	[tilespmem:$0x1F3D0] =	vst v53;
	v53 =	vld [tilespmem:$0x1EA80]  }
0x281: {  	v15 =	vadd.f32 v62, v15;
	v62 =	vld [tilespmem:$0x1EA90]  }
0x282: {  	v8 =	vadd.f32 v39, v8;
	v39 =	vld [tilespmem:$0x1EA50]  }
0x283: {  	v26 =	vadd.f32 v51, v26;
	v51 =	vld [tilespmem:$0x1EA70]  }
0x284: {  	v27 =	vadd.f32 v29, v27;
	v29 =	vld [tilespmem:$0x5B10]  }
0x285: {  	v15 =	vadd.f32 v36, v15;
	v36 =	vld [tilespmem:$0x1EAD0]  }
0x286: {  	v8 =	vadd.f32 v55, v8;
	v55 =	vld [tilespmem:$0x5A90]  }
0x287: {  	v26 =	vadd.f32 v31, v26;
	v31 =	vld [tilespmem:$0x1EAB0]  }
0x288: {  	[tilespmem:$0x1F450] =	vst v33;
	v33 =	vld [tilespmem:$0x1EAC0]  }
0x289: {  	[tilespmem:$0x1F480] =	vst v38;
	v38 =	vld [tilespmem:$0x1EAE0]  }
0x28a: {  	[tilespmem:$0x1F4B0] =	vst v42;
	v42 =	vld [tilespmem:$0x1EB00]  }
0x28b: {  	v8 =	vadd.f32 v34, v8;
	v34 =	vld [tilespmem:$0x5B90]  }
0x28c: {  	v26 =	vadd.f32 v41, v26;
	v41 =	vld [tilespmem:$0x1EAF0]  }
0x28d: {  	v15 =	vadd.f32 v53, v15;
	v53 =	vld [tilespmem:$0x1EB10]  }
0x28e: {  	v27 =	vadd.f32 v39, v27;
	v39 =	vld [tilespmem:$0x5C10]  }
0x28f: {  	[tilespmem:$0x1F510] =	vst v29;
	v29 =	vld [tilespmem:$0x1EB40]  }
0x290: {  	v8 =	vadd.f32 v51, v8;
	v51 =	vld [tilespmem:$0x5C90]  }
0x291: {  	v26 =	vadd.f32 v28, v26;
	v28 =	vld [tilespmem:$0x1EB30]  }
0x292: {  	[tilespmem:$0x1F4E0] =	vst v55;
	v55 =	vld [tilespmem:$0x1EB20]  }
0x293: {  	v27 =	vadd.f32 v62, v27;
	v62 =	vld [tilespmem:$0x5D10]  }
0x294: {  	v8 =	vadd.f32 v31, v8;
	v31 =	vld [tilespmem:$0x5D90]  }
0x295: {  	v15 =	vadd.f32 v33, v15;
	v33 =	vld [tilespmem:$0x1EB50]  }
0x296: {  	v26 =	vadd.f32 v38, v26;
	v38 =	vld [tilespmem:$0x1EB70]  }
0x297: {  	[tilespmem:$0x1F540] =	vst v34;
	v34 =	vld [tilespmem:$0x1EB60]  }
0x298: {  	v27 =	vadd.f32 v36, v27;
	v36 =	vld [tilespmem:$0x5E10]  }
0x299: {  	[tilespmem:$0x1F560] =	vst v39;
	v39 =	vld [tilespmem:$0x1EB80]  }
0x29a: {  	v8 =	vadd.f32 v41, v8;
	v41 =	vld [tilespmem:$0x5E90]  }
0x29b: {  	v15 =	vadd.f32 v42, v15;
	v42 =	vld [tilespmem:$0x1EB90]  }
0x29c: {  	[tilespmem:$0x1F580] =	vst v51;
	v51 =	vld [tilespmem:$0x1EBA0]  }
0x29d: {  	v27 =	vadd.f32 v53, v27;
	v53 =	vld [tilespmem:$0x5F10]  }
0x29e: {  	v26 =	vadd.f32 v55, v26;
	v55 =	vld [tilespmem:$0x1EBB0]  }
0x29f: {  	[tilespmem:$0x1F5A0] =	vst v62;
	v62 =	vld [tilespmem:$0x1EBC0]  }
0x2a0: {  	v8 =	vadd.f32 v28, v8;
	v28 =	vld [tilespmem:$0x5F90]  }
0x2a1: {  	v15 =	vadd.f32 v29, v15;
	v29 =	vld [tilespmem:$0x1EBD0]  }
0x2a2: {  	[tilespmem:$0x1F5C0] =	vst v31;
	v31 =	vld [tilespmem:$0x1EBE0]  }
0x2a3: {  	v27 =	vadd.f32 v33, v27;
	v33 =	vld [tilespmem:$0x6010]  }
0x2a4: {  	v26 =	vadd.f32 v34, v26;
	v34 =	vld [tilespmem:$0x1EBF0]  }
0x2a5: {  	[tilespmem:$0x1F5E0] =	vst v36;
	v36 =	vld [tilespmem:$0x1EC00]  }
0x2a6: {  	v8 =	vadd.f32 v38, v8;
	v38 =	vld [tilespmem:$0x6090]  }
0x2a7: {  	v15 =	vadd.f32 v39, v15;
	v39 =	vld [tilespmem:$0x1EC10]  }
0x2a8: {  	[tilespmem:$0x1F600] =	vst v41;
	v41 =	vld [tilespmem:$0x1EC20]  }
0x2a9: {  	v27 =	vadd.f32 v42, v27;
	v42 =	vld [tilespmem:$0x6110]  }
0x2aa: {  	v26 =	vadd.f32 v51, v26;
	v51 =	vld [tilespmem:$0x1EC30]  }
0x2ab: {  	[tilespmem:$0x1F620] =	vst v53;
	v53 =	vld [tilespmem:$0x1EC40]  }
0x2ac: {  	v8 =	vadd.f32 v55, v8;
	v55 =	vld [tilespmem:$0x6190]  }
0x2ad: {  	v15 =	vadd.f32 v62, v15;
	v62 =	vld [tilespmem:$0x1EC50]  }
0x2ae: {  	[tilespmem:$0x1F640] =	vst v28;
	v28 =	vld [tilespmem:$0x1EC60]  }
0x2af: {  	v27 =	vadd.f32 v29, v27;
	v29 =	vld [tilespmem:$0x1EC70]  }
0x2b0: {  	v26 =	vadd.f32 v31, v26;
	v31 =	vld [tilespmem:$0x6290]  }
0x2b1: {  	[tilespmem:$0x1F660] =	vst v33;
	v33 =	vld [tilespmem:$0x1EC80]  }
0x2b2: {  	v8 =	vadd.f32 v34, v8;
	v34 =	vld [tilespmem:$0x6310]  }
0x2b3: {  	v15 =	vadd.f32 v36, v15;
	v36 =	vld [tilespmem:$0x1EC90]  }
0x2b4: {  	[tilespmem:$0x1F670] =	vst v38;
	v38 =	vld [tilespmem:$0x1ECA0]  }
0x2b5: {  	v16 =	vadd.f32 v39, v27;
	v27 =	vld [tilespmem:$0x6210]  }
0x2b6: {  	v39 =	vld [tilespmem:$0x6390]  }
0x2b7: {  	v26 =	vadd.f32 v41, v26;
	v41 =	vld [tilespmem:$0x1ECB0]  }
0x2b8: {  	[tilespmem:$0x1F6A0] =	vst v42;
	v42 =	vld [tilespmem:$0x6410]  }
0x2b9: {  	v8 =	vadd.f32 v51, v8;
	v51 =	vld [tilespmem:$0x1ECD0]  }
0x2ba: {  	v15 =	vadd.f32 v53, v15;
	v53 =	vld [tilespmem:$0x6490]  }
0x2bb: {  	[tilespmem:$0x1F6E0] =	vst v55;
	v55 =	vld [tilespmem:$0x1ECE0]  }
0x2bc: {  	v26 =	vadd.f32 v62, v26;
	v62 =	vld [tilespmem:$0x1ECF0]  }
0x2bd: {  	[tilespmem:$0x1F7B0] =	vst v16;
	v16 =	vld [tilespmem:$0x1ED10]  }
0x2be: {  	v8 =	vadd.f32 v28, v8;
	v28 =	vld [tilespmem:$0x4BA0]  }
0x2bf: {  	v15 =	vadd.f32 v29, v15;
	v29 =	vld [tilespmem:$0x1ED40]  }
0x2c0: {  	[tilespmem:$0x1F720] =	vst v31;
	v31 =	vld [tilespmem:$0x1ED50]  }
0x2c1: {  	[tilespmem:$0x1F750] =	vst v34;
	v34 =	vld [tilespmem:$0x4C20]  }
0x2c2: {  	v26 =	vadd.f32 v33, v26;
	v33 =	vld [tilespmem:$0x1ED60]  }
0x2c3: {  	[tilespmem:$0x1F700] =	vst v27;
	v27 =	vld [tilespmem:$0x4B20]  }
0x2c4: {  	[tilespmem:$0x1F780] =	vst v39;
	v39 =	vld [tilespmem:$0x4CA0]  }
0x2c5: {  	v1 =	vadd.f32 v36, v8;
	v36 =	vld [tilespmem:$0x4D20]  }
0x2c6: {  	v8 =	vadd.f32 v38, v15;
	v38 =	vld [tilespmem:$0x1ED90]  }
0x2c7: {  	[tilespmem:$0x1F690] =	vst v42;
	v42 =	vld [tilespmem:$0x1EDA0]  }
0x2c8: {  	v15 =	vadd.f32 v41, v26;
	v26 =	vld [tilespmem:$0x1ED30]  }
0x2c9: {  	v41 =	vld [tilespmem:$0x4E20]  }
0x2ca: {  	[tilespmem:$0x1F6B0] =	vst v53;
	v53 =	vld [tilespmem:$0x4EA0]  }
0x2cb: {  	v1 =	vadd.f32 v43, v1;
	v43 =	vld [tilespmem:$0x4DA0]  }
0x2cc: {  	v2 =	vadd.f32 v51, v8;
	v51 =	vld [tilespmem:$0x1EDB0]  }
0x2cd: {  	v8 =	vadd.f32 v55, v15;
	v15 =	vld [tilespmem:$0x1ED00]  }
0x2ce: {  	v55 =	vld [tilespmem:$0x1EDC0]  }
0x2cf: {  	v1 =	vadd.f32 v62, v1;
	v62 =	vld [tilespmem:$0x1EDD0]  }
0x2d0: {  	v6 =	vadd.f32 v16, v8;
	v16 =	vld [tilespmem:$0x1EDF0]  }
0x2d1: {  	v8 =	vld [tilespmem:$0x5820]  }
0x2d2: {  	v1 =	vadd.f32 v18, v1;
	v18 =	vld [tilespmem:$0x4FA0]  }
0x2d3: {  	v6 =	vadd.f32 v29, v6;
	v29 =	vld [tilespmem:$0x1EE10]  }
0x2d4: {  	v1 =	vadd.f32 v31, v1;
	v31 =	vld [tilespmem:$0x4F20]  }
0x2d5: {  	v2 =	vadd.f32 v15, v2;
	v15 =	vld [tilespmem:$0x1EDE0]  }
0x2d6: {  	v6 =	vadd.f32 v35, v6;
	v35 =	vld [tilespmem:$0x1EE20]  }
0x2d7: {  	v2 =	vadd.f32 v26, v2;
	v26 =	vld [tilespmem:$0x1EE00]  }
0x2d8: {  	v1 =	vadd.f32 v37, v1;
	v37 =	vld [tilespmem:$0x1EE30]  }
0x2d9: {  	[tilespmem:$0x1F680] =	vst v8;
	v8 =	vld [tilespmem:$0x6120]  }
0x2da: {  	v6 =	vadd.f32 v42, v6;
	v42 =	vld [tilespmem:$0x1EE50]  }
0x2db: {  	v2 =	vadd.f32 v33, v2;
	v33 =	vld [tilespmem:$0x50A0]  }
0x2dc: {  	v1 =	vadd.f32 v51, v1;
	v51 =	vld [tilespmem:$0x1EE60]  }
0x2dd: {  	v6 =	vadd.f32 v62, v6;
	v62 =	vld [tilespmem:$0x5120]  }
0x2de: {  	v2 =	vadd.f32 v38, v2;
	v38 =	vld [tilespmem:$0x1EE40]  }
0x2df: {  	v1 =	vadd.f32 v15, v1;
	v15 =	vld [tilespmem:$0x1EE80]  }
0x2e0: {  	v6 =	vadd.f32 v26, v6;
	v26 =	vld [tilespmem:$0x1EEA0]  }
0x2e1: {  	[tilespmem:$0x1F910] =	vst v8;
	v8 =	vld [tilespmem:$0x1F1A0]  }
0x2e2: {  	v2 =	vadd.f32 v55, v2;
	v55 =	vld [tilespmem:$0x52A0]  }
0x2e3: {  	v1 =	vadd.f32 v29, v1;
	v29 =	vld [tilespmem:$0x53A0]  }
0x2e4: {  	v6 =	vadd.f32 v37, v6;
	v37 =	vld [tilespmem:$0x5220]  }
0x2e5: {  	v2 =	vadd.f32 v16, v2;
	v16 =	vld [tilespmem:$0x1EE90]  }
0x2e6: {  	v1 =	vadd.f32 v38, v1;
	v38 =	vld [tilespmem:$0x1EEC0]  }
0x2e7: {  	v6 =	vadd.f32 v51, v6;
	v51 =	vld [tilespmem:$0x1EEF0]  }
0x2e8: {  	v2 =	vadd.f32 v35, v2;
	v35 =	vld [tilespmem:$0x1EEB0]  }
0x2e9: {  	v1 =	vadd.f32 v61, v1;
	v61 =	vld [tilespmem:$0x1EF10]  }
0x2ea: {  	v2 =	vadd.f32 v42, v2;
	v42 =	vld [tilespmem:$0x1EED0]  }
0x2eb: {  	v6 =	vadd.f32 v16, v6;
	v16 =	vld [tilespmem:$0x1EF30]  }
0x2ec: {  	v1 =	vadd.f32 v26, v1;
	v26 =	vld [tilespmem:$0x1EF40]  }
0x2ed: {  	v2 =	vadd.f32 v15, v2;
	v15 =	vld [tilespmem:$0x1EF20]  }
0x2ee: {  	v6 =	vadd.f32 v38, v6;
	v38 =	vld [tilespmem:$0x5520]  }
0x2ef: {  	v2 =	vadd.f32 v35, v2;
	v35 =	vld [tilespmem:$0x54A0]  }
0x2f0: {  	v1 =	vadd.f32 v42, v1;
	v42 =	vld [tilespmem:$0x55A0]  }
0x2f1: {  	v6 =	vadd.f32 v51, v6;
	v51 =	vld [tilespmem:$0x56A0]  }
0x2f2: {  	v2 =	vadd.f32 v44, v2;
	v44 =	vld [tilespmem:$0x5620]  }
0x2f3: {  	v1 =	vadd.f32 v54, v1;
	v54 =	vld [tilespmem:$0x5720]  }
0x2f4: {  	v6 =	vadd.f32 v15, v6;
	v15 =	vld [tilespmem:$0x1EF90]  }
0x2f5: {  	v2 =	vadd.f32 v61, v2;
	v61 =	vld [tilespmem:$0x57A0];
	v1 =	vadd.f32 v16, v1  }
0x2f6: {  	v16 =	vld [tilespmem:$0x58A0]  }
0x2f7: {  	[tilespmem:$0x1F9E0] =	vst v1;
	v1 =	vadd.f32 v26, v2;
	v2 =	vadd.f32 v32, v6;
	v6 =	vld [tilespmem:$0x1EF60]  }
0x2f8: {  	v26 =	vadd.f32 v57, v50;
	v50 =	vld [tilespmem:$0x5920]  }
0x2f9: {  	v32 =	vld [tilespmem:$0x1EFA0]  }
0x2fa: {  	v57 =	vld [tilespmem:$0x1EFB0]  }
0x2fb: {  	[tilespmem:$0x1FB30] =	vst v2;
	v2 =	vadd.f32 v15, v10;
	v15 =	vld [tilespmem:$0x5A20]  }
0x2fc: {  	v1 =	vadd.f32 v9, v1;
	v9 =	vld [tilespmem:$0x5CA0]  }
0x2fd: {  	v10 =	vld [tilespmem:$0x1F050]  }
0x2fe: {  	[tilespmem:$0x1F6C0] =	vst v16;
	v16 =	vld [tilespmem:$0x1EFD0]  }
0x2ff: {  	v2 =	vadd.f32 v57, v2;
	v57 =	vld [tilespmem:$0x59A0]  }
0x300: {  	v0 =	vadd.f32 v6, v0;
	v6 =	vadd.f32 v19, v26;
	v19 =	vld [tilespmem:$0x1EFE0]  }
0x301: {  	v26 =	vld [tilespmem:$0x5AA0]  }
0x302: {  	v1 =	vadd.f32 v32, v1;
	v32 =	vld [tilespmem:$0x1EFF0]  }
0x303: {  	v0 =	vadd.f32 v60, v0;
	v60 =	vld [tilespmem:$0x1EFC0]  }
0x304: {  	[tilespmem:$0x1F730] =	vst v15;
	v15 =	vld [tilespmem:$0x1F000]  }
0x305: {  	v6 =	vadd.f32 v52, v6;
	v52 =	vld [tilespmem:$0x1F030]  }
0x306: {  	[tilespmem:$0x1F800] =	vst v9;
	v9 =	vld [tilespmem:$0x5EA0]  }
0x307: {  	v1 =	vadd.f32 v16, v1;
	v16 =	vld [tilespmem:$0x1F010]  }
0x308: {  	v3 =	vadd.f32 v3, v6;
	v2 =	vadd.f32 v19, v2;
	v19 =	vld [tilespmem:$0x5BA0]  }
0x309: {  	[tilespmem:$0x1F760] =	vst v26;
	v26 =	vld [tilespmem:$0x1F020]  }
0x30a: {  	v3 =	vadd.f32 v56, v3;
	v56 =	vld [tilespmem:$0x1F090]  }
0x30b: {  	v0 =	vadd.f32 v60, v0;
	v60 =	vld [tilespmem:$0x5B20]  }
0x30c: {  	v1 =	vadd.f32 v15, v1;
	v15 =	vld [tilespmem:$0x5D20]  }
0x30d: {  	[tilespmem:$0x1F880] =	vst v9;
	v9 =	vld [tilespmem:$0x1F120]  }
0x30e: {  	v2 =	vadd.f32 v16, v2;
	v16 =	vld [tilespmem:$0x1F060]  }
0x30f: {  	v3 =	vadd.f32 v48, v3;
	v48 =	vld [tilespmem:$0x1F0F0]  }
0x310: {  	v0 =	vadd.f32 v32, v0;
	v32 =	vld [tilespmem:$0x5C20]  }
0x311: {  	v1 =	vadd.f32 v52, v1;
	v52 =	vld [tilespmem:$0x5E20]  }
0x312: {  	[tilespmem:$0x1F7C0] =	vst v19;
	v19 =	vld [tilespmem:$0x1F070]  }
0x313: {  	v3 =	vadd.f32 v47, v3;
	v47 =	vld [tilespmem:$0x6020]  }
0x314: {  	v0 =	vadd.f32 v26, v0;
	v26 =	vld [tilespmem:$0x5DA0]  }
0x315: {  	[tilespmem:$0x1F790] =	vst v60;
	v60 =	vld [tilespmem:$0x1F040]  }
0x316: {  	[tilespmem:$0x1F810] =	vst v15;
	v15 =	vld [tilespmem:$0x5F20]  }
0x317: {  	v0 =	vadd.f32 v10, v0;
	v10 =	vld [tilespmem:$0x1F0B0]  }
0x318: {  	v1 =	vadd.f32 v16, v1;
	v16 =	vld [tilespmem:$0x1F0C0]  }
0x319: {  	v3 =	vadd.f32 v4, v3;
	[tilespmem:$0x1F7E0] =	vst v32;
	v32 =	vld [tilespmem:$0x1F080]  }
0x31a: {  	[tilespmem:$0x1F860] =	vst v52;
	v52 =	vld [tilespmem:$0x1F100]  }
0x31b: {  	v3 =	vadd.f32 v14, v3;
	v14 =	vld [tilespmem:$0x61A0]  }
0x31c: {  	v1 =	vadd.f32 v56, v1;
	v56 =	vld [tilespmem:$0x60A0]  }
0x31d: {  	[tilespmem:$0x1F8E0] =	vst v47;
	v47 =	vld [tilespmem:$0x1F170]  }
0x31e: {  	[tilespmem:$0x1F840] =	vst v26;
	v26 =	vld [tilespmem:$0x5FA0]  }
0x31f: {  	v3 =	vadd.f32 v13, v3;
	v13 =	vld [tilespmem:$0x1F1C0]  }
0x320: {  	v2 =	vadd.f32 v60, v2;
	v60 =	vld [tilespmem:$0x1F0A0]  }
0x321: {  	[tilespmem:$0x1F8A0] =	vst v15;
	v15 =	vld [tilespmem:$0x1F140]  }
0x322: {  	v1 =	vadd.f32 v16, v1;
	v16 =	vld [tilespmem:$0x6220]  }
0x323: {  	v2 =	vadd.f32 v19, v2;
	v19 =	vld [tilespmem:$0x1F0D0]  }
0x324: {  	v0 =	vadd.f32 v32, v0;
	v32 =	vld [tilespmem:$0x1F0E0]  }
0x325: {  	[tilespmem:$0x1F940] =	vst v14;
	v14 =	vld [tilespmem:$0x64A0]  }
0x326: {  	v3 =	vadd.f32 v5, v3;
	v1 =	vadd.f32 v48, v1;
	v48 =	vld [tilespmem:$0x6320]  }
0x327: {  	[tilespmem:$0x1F8F0] =	vst v56;
	v56 =	vld [tilespmem:$0x1F190]  }
0x328: {  	v3 =	vadd.f32 v20, v3;
	v20 =	vld [tilespmem:$0x1F1F0]  }
0x329: {  	v0 =	vadd.f32 v10, v0;
	v10 =	vld [tilespmem:$0x1F130]  }
0x32a: {  	[tilespmem:$0x1F8C0] =	vst v26;
	v26 =	vld [tilespmem:$0x1F160]  }
0x32b: {  	v2 =	vadd.f32 v60, v2;
	v60 =	vld [tilespmem:$0x1F110]  }
0x32c: {  	v1 =	vadd.f32 v9, v1;
	v9 =	vld [tilespmem:$0x6420]  }
0x32d: {  	v3 =	vadd.f32 v22, v3;
	v22 =	vld [tilespmem:$0x1F200]  }
0x32e: {  	[tilespmem:$0x1F960] =	vst v16;
	v16 =	vld [tilespmem:$0x1F1E0]  }
0x32f: {  	v2 =	vadd.f32 v19, v2;
	v19 =	vld [tilespmem:$0x1F150]  }
0x330: {  	v0 =	vadd.f32 v32, v0;
	v32 =	vld [tilespmem:$0x62A0]  }
0x331: {  	v3 =	vadd.f32 v23, v3;
	v23 =	vld [tilespmem:$0x1F290]  }
0x332: {  	[tilespmem:$0x1F920] =	vst v14;
	v14 =	vld [tilespmem:$0x5030]  }
0x333: {  	v2 =	vadd.f32 v52, v2;
	v52 =	vld [tilespmem:$0x1F180]  }
0x334: {  	[tilespmem:$0x1F9A0] =	vst v48;
	v48 =	vadd.f32 v24, v3;
	v3 =	vld [tilespmem:$0x4D30]  }
0x335: {  	v24 =	vld [tilespmem:$0x1F2A0]  }
0x336: {  	v0 =	vadd.f32 v60, v0;
	v60 =	vld [tilespmem:$0x63A0]  }
0x337: {  	v2 =	vadd.f32 v10, v2;
	v10 =	vld [tilespmem:$0x1F1B0]  }
0x338: {  	[tilespmem:$0x1F900] =	vst v9;
	v9 =	vadd.f32 v25, v48;
	v25 =	vld [tilespmem:$0x1F2B0]  }
0x339: {  	v48 =	vld [tilespmem:$0x1F2E0]  }
0x33a: {  	v0 =	vadd.f32 v15, v0;
	v15 =	vld [tilespmem:$0x1F1D0]  }
0x33b: {  	[tilespmem:$0x1F980] =	vst v32;
	v32 =	vld [tilespmem:$0x1F220]  }
0x33c: {  	v2 =	vadd.f32 v26, v2;
	v26 =	vld [tilespmem:$0x1F210]  }
0x33d: {  	v1 =	vadd.f32 v19, v1;
	v9 =	vadd.f32 v7, v9;
	v7 =	vld [tilespmem:$0x4F30]  }
0x33e: {  	v0 =	vadd.f32 v47, v0;
	v47 =	vld [tilespmem:$0x1F230]  }
0x33f: {  	v1 =	vadd.f32 v52, v1;
	v52 =	vld [tilespmem:$0x1F240];
	v11 =	vadd.f32 v11, v9  }
0x340: {  	v2 =	vadd.f32 v56, v2;
	v56 =	vld [tilespmem:$0x4B30];
	v0 =	vadd.f32 v8, v0  }
0x341: {  	v1 =	vadd.f32 v10, v1;
	v11 =	vadd.f32 v12, v11;
	v12 =	vld [tilespmem:$0x52B0]  }
0x342: {  	v4 =	vadd.f32 v15, v0;
	v0 =	vld [tilespmem:$0x4BB0]  }
0x343: {  	v19 =	vadd.f32 v16, v1;
	v1 =	vld [tilespmem:$0x4C30]  }
0x344: {  	v2 =	vadd.f32 v13, v2;
	v16 =	vld [tilespmem:$0x1F250]  }
0x345: {  	v15 =	vld [tilespmem:$0x50B0]  }
0x346: {  	v2 =	vadd.f32 v20, v2;
	v20 =	vld [tilespmem:$0x1F270]  }
0x347: {  	v5 =	vadd.f32 v26, v19;
	v19 =	vld [tilespmem:$0x1F260]  }
0x348: {  	v4 =	vadd.f32 v22, v4;
	v22 =	vld [tilespmem:$0x1F280]  }
0x349: {  	v26 =	vld [tilespmem:$0x1F2C0]  }
0x34a: {  	v17 =	vadd.f32 v17, v11;
	v6 =	vadd.f32 v32, v2;
	v2 =	vld [tilespmem:$0x4CB0]  }
0x34b: {  	v32 =	vld [tilespmem:$0x1F2D0]  }
0x34c: {  	v17 =	vadd.f32 v46, v17;
	v46 =	vld [tilespmem:$0x1F390]  }
0x34d: {  	v8 =	vadd.f32 v47, v4;
	v4 =	vld [tilespmem:$0x4DB0]  }
0x34e: {  	[tilespmem:$0x1F9C0] =	vst v60;
	v60 =	vadd.f32 v52, v5;
	v5 =	vld [tilespmem:$0x4E30]  }
0x34f: {  	v52 =	vld [tilespmem:$0x1F2F0]  }
0x350: {  	v47 =	vadd.f32 v28, v27;
	v28 =	vld [tilespmem:$0x1F300]  }
0x351: {  	v27 =	vld [tilespmem:$0x5430]  }
0x352: {  	v6 =	vadd.f32 v16, v6;
	v16 =	vld [tilespmem:$0x5130]  }
0x353: {  	v17 =	vadd.f32 v49, v17;
	v49 =	vld [tilespmem:$0x1F3A0];
	v10 =	vadd.f32 v20, v60  }
0x354: {  	v8 =	vadd.f32 v19, v8;
	v13 =	vadd.f32 v22, v6;
	v6 =	vld [tilespmem:$0x4EB0]  }
0x355: {  	v19 =	vadd.f32 v34, v47;
	v10 =	vadd.f32 v24, v10;
	v24 =	vld [tilespmem:$0x4FB0]  }
0x356: {  	v8 =	vadd.f32 v23, v8;
	v23 =	vld [tilespmem:$0x51B0]  }
0x357: {  	v19 =	vadd.f32 v39, v19;
	v39 =	vld [tilespmem:$0x1F320]  }
0x358: {  	[tilespmem:$0x1FC30] =	vst v10;
	v10 =	vadd.f32 v25, v13;
	v25 =	vld [tilespmem:$0x1F360]  }
0x359: {  	v13 =	vadd.f32 v26, v8;
	v26 =	vld [tilespmem:$0x5230]  }
0x35a: {  	v19 =	vadd.f32 v36, v19;
	v36 =	vld [tilespmem:$0x53B0]  }
0x35b: {  	v10 =	vadd.f32 v32, v10;
	v32 =	vld [tilespmem:$0x1F310]  }
0x35c: {  	v13 =	vadd.f32 v48, v13;
	v48 =	vld [tilespmem:$0x1F330]  }
0x35d: {  	v19 =	vadd.f32 v43, v19;
	v43 =	vld [tilespmem:$0x1F380]  }
0x35e: {  	v60 =	vadd.f32 v52, v10;
	v52 =	vld [tilespmem:$0x1F340]  }
0x35f: {  	v13 =	vadd.f32 v28, v13;
	v28 =	vadd.f32 v58, v17;
	v17 =	vld [tilespmem:$0x5530]  }
0x360: {  	v58 =	vld [tilespmem:$0x1F3C0]  }
0x361: {  	v47 =	vadd.f32 v39, v13;
	v13 =	vld [tilespmem:$0x5330]  }
0x362: {  	v34 =	vadd.f32 v32, v60;
	v60 =	vld [tilespmem:$0x1F350]  }
0x363: {  	v32 =	vld [tilespmem:$0x54B0]  }
0x364: {  	v19 =	vadd.f32 v41, v19;
	v39 =	vld [tilespmem:$0x1F370]  }
0x365: {  	v20 =	vadd.f32 v48, v34;
	v22 =	vadd.f32 v52, v47;
	v34 =	vld [tilespmem:$0x55B0]  }
0x366: {  	v47 =	vadd.f32 v53, v19;
	v19 =	vld [tilespmem:$0x56B0]  }
0x367: {  	v52 =	vld [tilespmem:$0x1F3B0];
	v22 =	vadd.f32 v25, v22  }
0x368: {  	v25 =	vadd.f32 v59, v28;
	v28 =	vadd.f32 v31, v47;
	v47 =	vld [tilespmem:$0x1F3F0]  }
0x369: {  	v20 =	vadd.f32 v60, v20;
	v60 =	vld [tilespmem:$0x1F3D0]  }
0x36a: {  	v22 =	vadd.f32 v43, v22;
	v43 =	vld [tilespmem:$0x5630]  }
0x36b: {  	v28 =	vadd.f32 v18, v28;
	v18 =	vld [tilespmem:$0x1F430]  }
0x36c: {  	v22 =	vadd.f32 v49, v22;
	v49 =	vld [tilespmem:$0x5730]  }
0x36d: {  	v20 =	vadd.f32 v39, v20;
	v45 =	vadd.f32 v45, v28;
	v28 =	vld [tilespmem:$0x59B0]  }
0x36e: {  	v59 =	vadd.f32 v58, v22;
	v58 =	vld [tilespmem:$0x1F400]  }
0x36f: {  	v25 =	vadd.f32 v63, v25;
	v20 =	vadd.f32 v46, v20;
	v46 =	vld [tilespmem:$0x1F3E0]  }
0x370: {  	v22 =	vld [tilespmem:$0x5830]  }
0x371: {  	v63 =	vadd.f32 v60, v25;
	v25 =	vld [tilespmem:$0x58B0]  }
0x372: {  	v60 =	vld [tilespmem:$0x1F420]  }
0x373: {  	v48 =	vcvt.s32.f32 v47;
	v31 =	vadd.f32 v58, v59;
	v59 =	vld [tilespmem:$0x1F410]  }
0x374: {  	v53 =	vadd.f32 v52, v20;
	v20 =	vld [tilespmem:$0x57B0]  }
0x375: {  	(erf) = vrcp.f32 v48;
	v48 =	vld [tilespmem:$0x1F440]  }
0x376: {  	v39 =	vadd.f32 v46, v53;
	v53 =	vld [tilespmem:$0x5930]  }
0x377: {  	v46 =	vld [tilespmem:$0x5BB0]  }
0x378: {  	v58 =	vld [tilespmem:$0x1F490];
	v41 =	vadd.f32 v59, v63;
	v63 =	vcvt.s32.f32 v60  }
0x379: {  	v39 =	vadd.f32 v18, v39;
	v18 =	vld [tilespmem:$0x1F470]  }
0x37a: {  	(erf) = vrcp.f32 v63;
	v63 =	vld [tilespmem:$0x1F460]  }
0x37b: {  	v52 =	vadd.f32 v48, v31;
	v31 =	vld [tilespmem:$0x5A30]  }
0x37c: {  	v45 =	vadd.f32 v33, v45;
	v60 =	vld [tilespmem:$0x1F450]  }
0x37d: {  	v59 =	vld [tilespmem:$0x5AB0]  }
0x37e: {  	v45 =	vadd.f32 v62, v45;
	v33 =	vadd.f32 v18, v52;
	v52 =	vld [tilespmem:$0x1F480]  }
0x37f: {  	v39 =	vadd.f32 v63, v39;
	v63 =	vld [tilespmem:$0x5B30]  }
0x380: {  	v40 =	vadd.f32 v40, v45;
	v62 =	vld [tilespmem:$0x1F4A0]  }
0x381: {  	v18 =	vld [tilespmem:$0x1F4B0]  }
0x382: {  	v0 =	vadd.f32 v0, v56;
	v37 =	vadd.f32 v37, v40;
	v45 =	vld [tilespmem:$0x1F4D0]  }
0x383: {  	v41 =	vadd.f32 v60, v41;
	v40 =	vld [tilespmem:$0x5DB0]  }
0x384: {  	v0 =	vadd.f32 v1, v0;
	v37 =	vadd.f32 v55, v37;
	v55 =	vld [tilespmem:$0x6130]  }
0x385: {  	v41 =	vadd.f32 v52, v41;
	v47 =	vadd.f32 v62, v33;
	v33 =	vld [tilespmem:$0x1F4C0]  }
0x386: {  	v56 =	vld [tilespmem:$0x61B0]  }
0x387: {  	v0 =	vadd.f32 v2, v0;
	v41 =	vadd.f32 v18, v41;
	v18 =	vld [tilespmem:$0x1F4F0]  }
0x388: {  	v8 =	vld [tilespmem:$0x1F600];
	v60 =	vadd.f32 v58, v39  }
0x389: {  	v0 =	vadd.f32 v3, v0;
	v3 =	vld [tilespmem:$0x4B40]  }
0x38a: {  	v58 =	vld [tilespmem:$0x1F4E0];
	v48 =	vadd.f32 v33, v60  }
0x38b: {  	v62 =	vld [tilespmem:$0x5D30]  }
0x38c: {  	v0 =	vadd.f32 v4, v0;
	v33 =	vadd.f32 v18, v48;
	v48 =	vld [tilespmem:$0x1F500]  }
0x38d: {  	v9 =	vld [tilespmem:$0x1F610]  }
0x38e: {  	v0 =	vadd.f32 v5, v0;
	v10 =	vld [tilespmem:$0x1F620]  }
0x38f: {  	v5 =	vld [tilespmem:$0x4D40];
	v52 =	vadd.f32 v45, v47  }
0x390: {  	v0 =	vadd.f32 v6, v0;
	[tilespmem:$0x1FA10] =	vst v62;
	v62 =	vld [tilespmem:$0x1F520]  }
0x391: {  	[tilespmem:$0x1FA30] =	vst v40;
	v41 =	vadd.f32 v58, v41;
	v58 =	vpop (erf);
	v40 =	vadd.f32 v48, v52;
	v52 =	vld [tilespmem:$0x1F510]  }
0x392: {  	v0 =	vadd.f32 v7, v0;
	v7 =	vld [tilespmem:$0x4EC0];
	v18 =	vpop (erf)  }
0x393: {  	v40 =	vmul.f32 v18, v40;
	v18 =	vld [tilespmem:$0x1F550]  }
0x394: {  	v0 =	vadd.f32 v24, v0;
	v24 =	vld [tilespmem:$0x1F6C0]  }
0x395: {  	v39 =	vld [tilespmem:$0x5C30]  }
0x396: {  	v45 =	vadd.f32 v52, v41;
	v52 =	vadd.f32 v62, v33;
	v33 =	vld [tilespmem:$0x1F530]  }
0x397: {  	v47 =	vld [tilespmem:$0x5EB0]  }
0x398: {  	v60 =	vld [tilespmem:$0x5CB0];
	v52 =	vadd.f32 v18, v52;
	v18 =	vadd.f32 v21, v37  }
0x399: {  	v21 =	vld [tilespmem:$0x5FB0]  }
0x39a: {  	v41 =	vld [tilespmem:$0x5E30];
	v18 =	vadd.f32 v29, v18  }
0x39b: {  	v48 =	vmul.f32 v58, v33;
	v58 =	vld [tilespmem:$0x1F540]  }
0x39c: {  	v18 =	vadd.f32 v30, v18;
	v30 =	vld [tilespmem:$0x62B0]  }
0x39d: {  	v33 =	vadd.f32 v40, v48;
	v48 =	vld [tilespmem:$0x1F560]  }
0x39e: {  	[tilespmem:$0x1FA80] =	vst v21;
	v21 =	vld [tilespmem:$0x1F580]  }
0x39f: {  	v40 =	vld [tilespmem:$0x6230]  }
0x3a0: {  	v18 =	vadd.f32 v35, v18;
	v35 =	vld [tilespmem:$0x1F5C0]  }
0x3a1: {  	v62 =	vadd.f32 v58, v45;
	v45 =	vld [tilespmem:$0x5F30]  }
0x3a2: {  	v18 =	vadd.f32 v38, v18;
	v38 =	vld [tilespmem:$0x1F5D0]  }
0x3a3: {  	[tilespmem:$0x1FAE0] =	vst v30;
	v30 =	vld [tilespmem:$0x1F630]  }
0x3a4: {  	v58 =	vadd.f32 v48, v62;
	v48 =	vld [tilespmem:$0x6030]  }
0x3a5: {  	v62 =	vld [tilespmem:$0x1F570]  }
0x3a6: {  	[tilespmem:$0x1FAC0] =	vst v40;
	v40 =	vld [tilespmem:$0x1F5E0];
	v18 =	vadd.f32 v42, v18  }
0x3a7: {  	v29 =	vadd.f32 v21, v58;
	v58 =	vld [tilespmem:$0x1F590]  }
0x3a8: {  	v42 =	vld [tilespmem:$0x1F5F0];
	v18 =	vadd.f32 v44, v18  }
0x3a9: {  	v44 =	vld [tilespmem:$0x1F670]  }
0x3aa: {  	v11 =	vadd.f32 v51, v18;
	v18 =	vld [tilespmem:$0x4CC0]  }
0x3ab: {  	v51 =	vld [tilespmem:$0x1F680]  }
0x3ac: {  	v4 =	vadd.f32 v54, v11;
	v37 =	vadd.f32 v33, v58;
	v33 =	vld [tilespmem:$0x1F5A0]  }
0x3ad: {  	v62 =	vadd.f32 v62, v52;
	v52 =	vld [tilespmem:$0x60B0]  }
0x3ae: {  	v54 =	vld [tilespmem:$0x1F690];
	v4 =	vadd.f32 v61, v4  }
0x3af: {  	v11 =	vld [tilespmem:$0x1F6B0];
	v37 =	vsub.f32 $0.0e+00, v37  }
0x3b0: {  	v4 =	vadd.f32 v51, v4;
	v51 =	vld [tilespmem:$0x1F700]  }
0x3b1: {  	v21 =	vadd.f32 v33, v29;
	v33 =	vld [tilespmem:$0x1F5B0];
	v29 =	vmul.f32 $1.442695020e+00, v37  }
0x3b2: {  	v37 =	vld [tilespmem:$0x63B0]  }
0x3b3: {  	v4 =	vadd.f32 v24, v4;
	(erf) = vpow2.f32 v29;
	v29 =	vld [tilespmem:$0x4C40]  }
0x3b4: {  	v21 =	vadd.f32 v35, v21;
	v35 =	vld [tilespmem:$0x1F650]  }
0x3b5: {  	v4 =	vadd.f32 v50, v4;
	v50 =	vld [tilespmem:$0x1F6F0]  }
0x3b6: {  	v2 =	vadd.f32 v40, v21;
	v40 =	vld [tilespmem:$0x64B0]  }
0x3b7: {  	v21 =	vld [tilespmem:$0x4BC0]  }
0x3b8: {  	v57 =	vadd.f32 v57, v4;
	v4 =	vld [tilespmem:$0x5340]  }
0x3b9: {  	v1 =	vadd.f32 v33, v62;
	v62 =	vld [tilespmem:$0x6330]  }
0x3ba: {  	v33 =	vld [tilespmem:$0x1F640]  }
0x3bb: {  	[tilespmem:$0x1FB10] =	vst v37;
	v37 =	vld [tilespmem:$0x6430];
	v2 =	vadd.f32 v8, v2  }
0x3bc: {  	v1 =	vadd.f32 v38, v1;
	v38 =	vld [tilespmem:$0x1F660]  }
0x3bd: {  	v8 =	vld [tilespmem:$0x4F40];
	v2 =	vadd.f32 v10, v2  }
0x3be: {  	v10 =	vld [tilespmem:$0x1F6A0];
	v1 =	vadd.f32 v42, v1  }
0x3bf: {  	v2 =	vadd.f32 v33, v2;
	v33 =	vld [tilespmem:$0x4DC0]  }
0x3c0: {  	v0 =	vadd.f32 v14, v0;
	v1 =	vadd.f32 v9, v1;
	v9 =	vld [tilespmem:$0x4FC0]  }
0x3c1: {  	v42 =	vpop (erf);
	v2 =	vadd.f32 v38, v2;
	v38 =	vld [tilespmem:$0x1F6E0]  }
0x3c2: {  	v6 =	vadd.f32 $1.000000000e+00, v42;
	v42 =	vadd.f32 v15, v0;
	v0 =	vld [tilespmem:$0x51C0]  }
0x3c3: {  	v1 =	vadd.f32 v30, v1;
	v30 =	vld [tilespmem:$0x1F6D0]  }
0x3c4: {  	(erf) = vrcp.f32 v6;
	v6 =	vcvt.s32.f32 v11;
	v11 =	vld [tilespmem:$0x50C0]  }
0x3c5: {  	v61 =	vcvt.s32.f32 v54;
	v2 =	vadd.f32 v44, v2;
	v44 =	vld [tilespmem:$0x5140]  }
0x3c6: {  	v1 =	vadd.f32 v35, v1;
	v35 =	vld [tilespmem:$0x4E40]  }
0x3c7: {  	(erf) = vrcp.f32 v61;
	v61 =	vld [tilespmem:$0x1F710]  }
0x3c8: {  	v2 =	vadd.f32 v10, v2;
	v10 =	vld [tilespmem:$0x5040]  }
0x3c9: {  	(erf) = vrcp.f32 v6;
	v6 =	vadd.f32 v16, v42;
	v16 =	vld [tilespmem:$0x1F720]  }
0x3ca: {  	v42 =	vld [tilespmem:$0x1F750]  }
0x3cb: {  	v1 =	vadd.f32 v30, v1;
	v30 =	vld [tilespmem:$0x1F730]  }
0x3cc: {  	v2 =	vadd.f32 v38, v2;
	v38 =	vld [tilespmem:$0x1F740]  }
0x3cd: {  	v14 =	vadd.f32 v50, v1;
	v1 =	vld [tilespmem:$0x5240]  }
0x3ce: {  	v54 =	vadd.f32 v51, v2;
	v2 =	vld [tilespmem:$0x52C0]  }
0x3cf: {  	v50 =	vld [tilespmem:$0x1F760]  }
0x3d0: {  	v15 =	vadd.f32 v16, v54;
	v16 =	vld [tilespmem:$0x53C0]  }
0x3d1: {  	v54 =	vld [tilespmem:$0x1F770]  }
0x3d2: {  	v6 =	vadd.f32 v23, v6;
	v14 =	vadd.f32 v61, v14;
	v61 =	vld [tilespmem:$0x1F790]  }
0x3d3: {  	v24 =	vadd.f32 v30, v57;
	v57 =	vld [tilespmem:$0x1F780]  }
0x3d4: {  	v6 =	vadd.f32 v26, v6;
	v30 =	vld [tilespmem:$0x1F7D0]  }
0x3d5: {  	v15 =	vadd.f32 v42, v15;
	v42 =	vld [tilespmem:$0x5440]  }
0x3d6: {  	v6 =	vadd.f32 v12, v6;
	v51 =	vpop (erf);
	v23 =	vadd.f32 v38, v14;
	v14 =	vld [tilespmem:$0x54C0]  }
0x3d7: {  	[tilespmem:$0x1FFF0] =	vst v51;
	v51 =	vld [tilespmem:$0x1F7B0]  }
0x3d8: {  	v13 =	vadd.f32 v13, v6;
	v6 =	vld [tilespmem:$0x5740]  }
0x3d9: {  	v24 =	vadd.f32 v50, v24;
	v50 =	vld [tilespmem:$0x1F7A0]  }
0x3da: {  	v13 =	vadd.f32 v36, v13;
	v36 =	vld [tilespmem:$0x1F820]  }
0x3db: {  	v23 =	vadd.f32 v54, v23;
	v54 =	vld [tilespmem:$0x55C0]  }
0x3dc: {  	v24 =	vadd.f32 v61, v24;
	v61 =	vld [tilespmem:$0x1F7C0]  }
0x3dd: {  	v15 =	vadd.f32 v57, v15;
	v57 =	vld [tilespmem:$0x5540]  }
0x3de: {  	v26 =	vpop (erf);
	v13 =	vadd.f32 v27, v13;
	v27 =	vld [tilespmem:$0x1F810]  }
0x3df: {  	v26 =	vmul.f32 v26, v51;
	v51 =	vld [tilespmem:$0x5640]  }
0x3e0: {  	v38 =	vpop (erf);
	v23 =	vadd.f32 v50, v23;
	v50 =	vld [tilespmem:$0x56C0]  }
0x3e1: {  	v12 =	vmul.f32 v38, v15;
	v38 =	vld [tilespmem:$0x1F7E0]  }
0x3e2: {  	v3 =	vadd.f32 v21, v3;
	v21 =	vadd.f32 v32, v13;
	v13 =	vld [tilespmem:$0x59C0]  }
0x3e3: {  	v32 =	vld [tilespmem:$0x1F840]  }
0x3e4: {  	v15 =	vadd.f32 v61, v24;
	v24 =	vld [tilespmem:$0x57C0]  }
0x3e5: {  	v12 =	vadd.f32 v12, v26;
	v26 =	vld [tilespmem:$0x1F800]  }
0x3e6: {  	v61 =	vld [tilespmem:$0x1F7F0];
	v17 =	vadd.f32 v17, v21  }
0x3e7: {  	v23 =	vadd.f32 v30, v23;
	v30 =	vld [tilespmem:$0x58C0]  }
0x3e8: {  	v17 =	vadd.f32 v34, v17;
	v34 =	vld [tilespmem:$0x1F880];
	v15 =	vadd.f32 v38, v15  }
0x3e9: {  	v12 =	vadd.f32 v12, v58;
	v38 =	vld [tilespmem:$0x5840]  }
0x3ea: {  	v15 =	vadd.f32 v26, v15;
	v26 =	vld [tilespmem:$0x5940]  }
0x3eb: {  	v12 =	vsub.f32 $0.0e+00, v12;
	v23 =	vadd.f32 v61, v23;
	v61 =	vld [tilespmem:$0x1F830]  }
0x3ec: {  	v15 =	vadd.f32 v27, v15;
	v27 =	vadd.f32 v29, v3;
	v3 =	vld [tilespmem:$0x5AC0]  }
0x3ed: {  	v12 =	vmul.f32 $1.442695020e+00, v12;
	v29 =	vld [tilespmem:$0x1F870]  }
0x3ee: {  	v15 =	vadd.f32 v32, v15;
	v32 =	vld [tilespmem:$0x5B40]  }
0x3ef: {  	(erf) = vpow2.f32 v12;
	v12 =	vadd.f32 v18, v27;
	v27 =	vld [tilespmem:$0x1F860]  }
0x3f0: {  	[tilespmem:$0x1FD20] =	vst v23;
	v23 =	vadd.f32 v36, v61;
	v61 =	vld [tilespmem:$0x1F850]  }
0x3f1: {  	v18 =	vld [tilespmem:$0x5C40];
	v5 =	vadd.f32 v5, v12  }
0x3f2: {  	v36 =	vld [tilespmem:$0x5A40]  }
0x3f3: {  	v5 =	vadd.f32 v33, v5;
	v33 =	vld [tilespmem:$0x1F8B0]  }
0x3f4: {  	v15 =	vadd.f32 v27, v15;
	v27 =	vld [tilespmem:$0x1F8A0]  }
0x3f5: {  	v21 =	vadd.f32 v61, v23;
	v61 =	vld [tilespmem:$0x5BC0]  }
0x3f6: {  	v43 =	vadd.f32 v43, v17;
	v23 =	vld [tilespmem:$0x1F890]  }
0x3f7: {  	v5 =	vadd.f32 v35, v5;
	v35 =	vld [tilespmem:$0x1F8D0]  }
0x3f8: {  	v12 =	vadd.f32 v34, v15;
	v15 =	vadd.f32 v19, v43;
	v43 =	vld [tilespmem:$0x1F8C0]  }
0x3f9: {  	v34 =	vld [tilespmem:$0x5CC0]  }
0x3fa: {  	v21 =	vadd.f32 v29, v21;
	v29 =	vld [tilespmem:$0x5D40];
	v5 =	vadd.f32 v7, v5  }
0x3fb: {  	v49 =	vadd.f32 v49, v15;
	v15 =	vld [tilespmem:$0x5F40];
	v12 =	vadd.f32 v27, v12  }
0x3fc: {  	v5 =	vadd.f32 v8, v5;
	v17 =	vadd.f32 v23, v21;
	v23 =	vld [tilespmem:$0x5DC0]  }
0x3fd: {  	v21 =	vld [tilespmem:$0x5E40];
	v12 =	vadd.f32 v43, v12  }
0x3fe: {  	v43 =	vld [tilespmem:$0x1F8E0];
	v5 =	vadd.f32 v9, v5;
	v19 =	vadd.f32 v33, v17  }
0x3ff: {  	v17 =	vld [tilespmem:$0x5EC0]  }
0x400: {  	v5 =	vadd.f32 v10, v5;
	v33 =	vadd.f32 v35, v19;
	v35 =	vld [tilespmem:$0x6040]  }
0x401: {  	v19 =	vld [tilespmem:$0x60C0]  }
0x402: {  	v5 =	vadd.f32 v11, v5;
	v11 =	vld [tilespmem:$0x64C0]  }
0x403: {  	v7 =	vadd.f32 v43, v12;
	v43 =	vld [tilespmem:$0x5FC0]  }
0x404: {  	v12 =	vadd.f32 v20, v49;
	v49 =	vpop (erf);
	v20 =	vld [tilespmem:$0x1F900]  }
0x405: {  	v27 =	vadd.f32 $1.000000000e+00, v49;
	v49 =	vld [tilespmem:$0x1F8F0]  }
0x406: {  	v5 =	vadd.f32 v44, v5;
	v44 =	vld [tilespmem:$0x6440]  }
0x407: {  	v12 =	vadd.f32 v22, v12;
	v22 =	vld [tilespmem:$0x1F910]  }
0x408: {  	(erf) = vrcp.f32 v27;
	v27 =	vld [tilespmem:$0x1F930]  }
0x409: {  	v0 =	vadd.f32 v0, v5;
	v5 =	vld [tilespmem:$0x4B50]  }
0x40a: {  	v9 =	vadd.f32 v25, v12;
	v25 =	vld [tilespmem:$0x1F920]  }
0x40b: {  	v12 =	vld [tilespmem:$0x61C0]  }
0x40c: {  	v8 =	vcvt.s32.f32 v20;
	v0 =	vadd.f32 v1, v0;
	v1 =	vld [tilespmem:$0x4C50]  }
0x40d: {  	v7 =	vadd.f32 v49, v7;
	v49 =	vld [tilespmem:$0x6140]  }
0x40e: {  	(erf) = vrcp.f32 v8;
	v8 =	vadd.f32 v53, v9;
	v9 =	vld [tilespmem:$0x6340]  }
0x40f: {  	v7 =	vadd.f32 v22, v7;
	v22 =	vadd.f32 v27, v33;
	v27 =	vld [tilespmem:$0x6240]  }
0x410: {  	v33 =	vld [tilespmem:$0x1F940]  }
0x411: {  	v0 =	vadd.f32 v2, v0;
	v20 =	vcvt.s32.f32 v25;
	v25 =	vld [tilespmem:$0x1F950]  }
0x412: {  	v8 =	vadd.f32 v28, v8;
	v28 =	vld [tilespmem:$0x63C0]  }
0x413: {  	v0 =	vadd.f32 v4, v0;
	v4 =	vld [tilespmem:$0x4E50]  }
0x414: {  	(erf) = vrcp.f32 v20;
	v20 =	vld [tilespmem:$0x1F960]  }
0x415: {  	v8 =	vadd.f32 v31, v8;
	v31 =	vld [tilespmem:$0x1F9B0]  }
0x416: {  	v0 =	vadd.f32 v16, v0;
	v16 =	vld [tilespmem:$0x4F50]  }
0x417: {  	v7 =	vadd.f32 v33, v7;
	v33 =	vld [tilespmem:$0x62C0]  }
0x418: {  	v8 =	vadd.f32 v59, v8;
	v59 =	vld [tilespmem:$0x1F9D0]  }
0x419: {  	v0 =	vadd.f32 v42, v0;
	v42 =	vld [tilespmem:$0x50D0]  }
0x41a: {  	v53 =	vadd.f32 v25, v22;
	v22 =	vld [tilespmem:$0x1F970]  }
0x41b: {  	v25 =	vld [tilespmem:$0x1F980]  }
0x41c: {  	v8 =	vadd.f32 v63, v8;
	v63 =	vld [tilespmem:$0x1F9E0]  }
0x41d: {  	v0 =	vadd.f32 v14, v0;
	v14 =	vld [tilespmem:$0x51D0]  }
0x41e: {  	v7 =	vadd.f32 v20, v7;
	v20 =	vld [tilespmem:$0x4BD0]  }
0x41f: {  	v0 =	vadd.f32 v57, v0;
	v57 =	vld [tilespmem:$0x1FA70]  }
0x420: {  	v10 =	vadd.f32 v22, v53;
	v53 =	vld [tilespmem:$0x1F990]  }
0x421: {  	v7 =	vadd.f32 v25, v7;
	v25 =	vld [tilespmem:$0x1F9A0];
	v0 =	vadd.f32 v54, v0  }
0x422: {  	v54 =	vld [tilespmem:$0x1FA60]  }
0x423: {  	v5 =	vadd.f32 v20, v5;
	v20 =	vld [tilespmem:$0x5050];
	v0 =	vadd.f32 v51, v0  }
0x424: {  	v51 =	vld [tilespmem:$0x5650]  }
0x425: {  	v1 =	vadd.f32 v1, v5;
	v5 =	vld [tilespmem:$0x5150];
	v0 =	vadd.f32 v50, v0  }
0x426: {  	v50 =	vld [tilespmem:$0x55D0];
	v10 =	vadd.f32 v53, v10  }
0x427: {  	v53 =	vld [tilespmem:$0x1F9C0];
	v0 =	vadd.f32 v6, v0  }
0x428: {  	v7 =	vadd.f32 v25, v7;
	v25 =	vld [tilespmem:$0x4CD0];
	v10 =	vadd.f32 v31, v10  }
0x429: {  	v31 =	vpop (erf);
	v0 =	vadd.f32 v24, v0;
	v24 =	vcvt.s32.f32 v40;
	v40 =	vld [tilespmem:$0x1FAA0]  }
0x42a: {  	v22 =	vpop (erf);
	v10 =	vadd.f32 v59, v10;
	v59 =	vadd.f32 v46, v8;
	v8 =	vld [tilespmem:$0x4DD0]  }
0x42b: {  	v22 =	vmul.f32 v22, v63;
	v63 =	vld [tilespmem:$0x1F9F0]  }
0x42c: {  	v46 =	vld [tilespmem:$0x1FA20]  }
0x42d: {  	v7 =	vadd.f32 v53, v7;
	v53 =	vld [tilespmem:$0x4D50]  }
0x42e: {  	v1 =	vadd.f32 v25, v1;
	v25 =	vld [tilespmem:$0x5250]  }
0x42f: {  	v2 =	vpop (erf);
	v0 =	vadd.f32 v38, v0;
	v38 =	vld [tilespmem:$0x58D0]  }
0x430: {  	v2 =	vmul.f32 v2, v7;
	v7 =	vadd.f32 v39, v59;
	v59 =	vld [tilespmem:$0x1FA00]  }
0x431: {  	v39 =	vld [tilespmem:$0x4FD0]  }
0x432: {  	v0 =	vadd.f32 v30, v0;
	v30 =	vld [tilespmem:$0x5BD0]  }
0x433: {  	v2 =	vadd.f32 v2, v22;
	v22 =	vld [tilespmem:$0x4ED0]  }
0x434: {  	v10 =	vadd.f32 v63, v10;
	v63 =	vld [tilespmem:$0x1FA10]  }
0x435: {  	v7 =	vadd.f32 v60, v7;
	v60 =	vld [tilespmem:$0x1FA40]  }
0x436: {  	v0 =	vadd.f32 v26, v0;
	v26 =	vld [tilespmem:$0x5D50];
	v1 =	vadd.f32 v53, v1  }
0x437: {  	v53 =	vld [tilespmem:$0x1FA50];
	v10 =	vadd.f32 v59, v10  }
0x438: {  	v59 =	vld [tilespmem:$0x1FA30];
	v1 =	vadd.f32 v8, v1  }
0x439: {  	v8 =	vld [tilespmem:$0x5450];
	v10 =	vadd.f32 v46, v10  }
0x43a: {  	v46 =	vld [tilespmem:$0x5350];
	v1 =	vadd.f32 v4, v1  }
0x43b: {  	v7 =	vadd.f32 v63, v7;
	v10 =	vadd.f32 v60, v10;
	v60 =	vld [tilespmem:$0x1FA90]  }
0x43c: {  	v1 =	vadd.f32 v22, v1;
	v22 =	vcvt.s32.f32 v37;
	v37 =	vld [tilespmem:$0x5850]  }
0x43d: {  	v2 =	vadd.f32 v2, v58;
	v7 =	vadd.f32 v59, v7;
	v59 =	vld [tilespmem:$0x1FA80]  }
0x43e: {  	v1 =	vadd.f32 v16, v1;
	v16 =	vld [tilespmem:$0x5750]  }
0x43f: {  	v2 =	vsub.f32 $0.0e+00, v2;
	v63 =	vadd.f32 v41, v7;
	v41 =	vld [tilespmem:$0x52D0]  }
0x440: {  	v7 =	vadd.f32 v53, v10;
	v10 =	vld [tilespmem:$0x53D0]  }
0x441: {  	v2 =	vmul.f32 $1.442695020e+00, v2;
	v53 =	vld [tilespmem:$0x1FAB0]  }
0x442: {  	v1 =	vadd.f32 v39, v1;
	v39 =	vld [tilespmem:$0x5950]  }
0x443: {  	(erf) = vpow2.f32 v2;
	v2 =	vadd.f32 v47, v63;
	v47 =	vld [tilespmem:$0x5550]  }
0x444: {  	v7 =	vadd.f32 v54, v7;
	v54 =	vld [tilespmem:$0x1FAC0]  }
0x445: {  	v1 =	vadd.f32 v20, v1;
	v20 =	vld [tilespmem:$0x5DD0]  }
0x446: {  	v2 =	vadd.f32 v45, v2;
	v45 =	vld [tilespmem:$0x54D0]  }
0x447: {  	v4 =	vadd.f32 v57, v7;
	v57 =	vld [tilespmem:$0x1FAE0]  }
0x448: {  	v7 =	vld [tilespmem:$0x5CD0]  }
0x449: {  	v1 =	vadd.f32 v42, v1;
	v42 =	vld [tilespmem:$0x5A50]  }
0x44a: {  	v2 =	vadd.f32 v59, v2;
	v59 =	vld [tilespmem:$0x1FAF0]  }
0x44b: {  	v4 =	vadd.f32 v60, v4;
	v60 =	vld [tilespmem:$0x1FB00]  }
0x44c: {  	v63 =	vpop (erf);
	v1 =	vadd.f32 v5, v1;
	v2 =	vadd.f32 v48, v2;
	v48 =	vld [tilespmem:$0x56D0]  }
0x44d: {  	v6 =	vadd.f32 $1.000000000e+00, v63;
	v4 =	vadd.f32 v40, v4;
	v40 =	vld [tilespmem:$0x59D0]  }
0x44e: {  	v2 =	vadd.f32 v52, v2;
	v52 =	vld [tilespmem:$0x57D0]  }
0x44f: {  	v1 =	vadd.f32 v14, v1;
	(erf) = vrcp.f32 v6;
	v4 =	vadd.f32 v53, v4;
	v53 =	vld [tilespmem:$0x5AD0]  }
0x450: {  	(erf) = vrcp.f32 v22;
	v22 =	vld [tilespmem:$0x5ED0]  }
0x451: {  	v1 =	vadd.f32 v25, v1;
	v25 =	vld [tilespmem:$0x6050]  }
0x452: {  	v2 =	vadd.f32 v55, v2;
	v55 =	vadd.f32 v13, v0;
	v0 =	vld [tilespmem:$0x5B50]  }
0x453: {  	(erf) = vrcp.f32 v24;
	v24 =	vld [tilespmem:$0x5FD0]  }
0x454: {  	v1 =	vadd.f32 v41, v1;
	v41 =	vld [tilespmem:$0x1FB20]  }
0x455: {  	v2 =	vadd.f32 v56, v2;
	v56 =	vld [tilespmem:$0x1FAD0]  }
0x456: {  	v6 =	vadd.f32 v36, v55;
	v55 =	vld [tilespmem:$0x4B60]  }
0x457: {  	v1 =	vadd.f32 v46, v1;
	v46 =	vld [tilespmem:$0x1FB80];
	v2 =	vadd.f32 v54, v2  }
0x458: {  	v3 =	vadd.f32 v3, v6;
	v54 =	vld [tilespmem:$0x1FB30]  }
0x459: {  	v2 =	vadd.f32 v57, v2;
	v57 =	vld [tilespmem:$0x1FB40]  }
0x45a: {  	v3 =	vadd.f32 v32, v3;
	v32 =	vld [tilespmem:$0x1FB60]  }
0x45b: {  	v1 =	vadd.f32 v10, v1;
	v5 =	vadd.f32 v56, v4;
	v4 =	vld [tilespmem:$0x5C50]  }
0x45c: {  	v56 =	vld [tilespmem:$0x4BE0]  }
0x45d: {  	v1 =	vadd.f32 v8, v1;
	v8 =	vld [tilespmem:$0x6250]  }
0x45e: {  	v2 =	vadd.f32 v62, v2;
	v62 =	vld [tilespmem:$0x1FB10]  }
0x45f: {  	v6 =	vpop (erf);
	v3 =	vadd.f32 v61, v3;
	v61 =	vld [tilespmem:$0x4CE0]  }
0x460: {  	v63 =	vpop (erf);
	v5 =	vadd.f32 v59, v5;
	v59 =	vld [tilespmem:$0x4C60]  }
0x461: {  	v14 =	vmul.f32 v63, v54;
	v63 =	vld [tilespmem:$0x4D60]  }
0x462: {  	v1 =	vadd.f32 v45, v1;
	v45 =	vld [tilespmem:$0x4E60]  }
0x463: {  	v54 =	vld [tilespmem:$0x1FBA0]  }
0x464: {  	v3 =	vadd.f32 v18, v3;
	v18 =	vld [tilespmem:$0x5F50]  }
0x465: {  	v13 =	vadd.f32 v60, v5;
	v5 =	vld [tilespmem:$0x5E50]  }
0x466: {  	v60 =	vld [tilespmem:$0x1FB50]  }
0x467: {  	v1 =	vadd.f32 v47, v1;
	v47 =	vld [tilespmem:$0x4EE0]  }
0x468: {  	v3 =	vadd.f32 v34, v3;
	v34 =	vld [tilespmem:$0x4DE0]  }
0x469: {  	v1 =	vadd.f32 v50, v1;
	v50 =	vld [tilespmem:$0x1FB90]  }
0x46a: {  	v2 =	vadd.f32 v62, v2;
	v62 =	vadd.f32 v56, v55;
	v55 =	vld [tilespmem:$0x4FE0]  }
0x46b: {  	v36 =	vpop (erf);
	v56 =	vld [tilespmem:$0x1FBB0]  }
0x46c: {  	v13 =	vadd.f32 v41, v13;
	v2 =	vmul.f32 v36, v2;
	v36 =	vld [tilespmem:$0x1FB70]  }
0x46d: {  	v3 =	vadd.f32 v29, v3;
	v1 =	vadd.f32 v51, v1;
	v51 =	vld [tilespmem:$0x4F60]  }
0x46e: {  	v10 =	vadd.f32 v59, v62;
	v62 =	vld [tilespmem:$0x50E0]  }
0x46f: {  	v13 =	vadd.f32 v57, v13;
	v3 =	vadd.f32 v23, v3;
	v23 =	vld [tilespmem:$0x60D0]  }
0x470: {  	v2 =	vadd.f32 v2, v14;
	v14 =	vld [tilespmem:$0x62D0]  }
0x471: {  	v13 =	vadd.f32 v60, v13;
	v60 =	vld [tilespmem:$0x5060]  }
0x472: {  	v1 =	vadd.f32 v48, v1;
	v48 =	vld [tilespmem:$0x5460]  }
0x473: {  	v3 =	vadd.f32 v21, v3;
	v21 =	vld [tilespmem:$0x6150]  }
0x474: {  	v1 =	vadd.f32 v16, v1;
	v16 =	vld [tilespmem:$0x6450]  }
0x475: {  	v13 =	vadd.f32 v32, v13;
	v32 =	vld [tilespmem:$0x52F0]  }
0x476: {  	v3 =	vadd.f32 v17, v3;
	v17 =	vld [tilespmem:$0x61D0]  }
0x477: {  	v2 =	vadd.f32 v2, v58;
	v13 =	vadd.f32 v36, v13;
	v36 =	vld [tilespmem:$0x5160]  }
0x478: {  	v1 =	vadd.f32 v52, v1;
	v3 =	vadd.f32 v15, v3;
	v15 =	vld [tilespmem:$0x64D0]  }
0x479: {  	v41 =	vadd.f32 v61, v10;
	v10 =	vadd.f32 v46, v13;
	v13 =	vld [tilespmem:$0x63D0]  }
0x47a: {  	v2 =	vsub.f32 $0.0e+00, v2;
	v1 =	vadd.f32 v37, v1;
	v37 =	vld [tilespmem:$0x1FBC0]  }
0x47b: {  	v46 =	vld [tilespmem:$0x53E0]  }
0x47c: {  	v2 =	vmul.f32 $1.442695020e+00, v2;
	v3 =	vadd.f32 v43, v3;
	v43 =	vld [tilespmem:$0x52E0]  }
0x47d: {  	v1 =	vadd.f32 v38, v1;
	v38 =	vld [tilespmem:$0x51E0]  }
0x47e: {  	(erf) = vpow2.f32 v2;
	v2 =	vadd.f32 v63, v41;
	v41 =	vld [tilespmem:$0x1FBE0]  }
0x47f: {  	v63 =	vcvt.s32.f32 v44;
	v44 =	vld [tilespmem:$0x5360]  }
0x480: {  	v10 =	vadd.f32 v50, v10;
	v50 =	vld [tilespmem:$0x1FC10]  }
0x481: {  	v3 =	vadd.f32 v35, v3;
	v35 =	vld [tilespmem:$0x4CF0]  }
0x482: {  	v1 =	vadd.f32 v39, v1;
	v39 =	vld [tilespmem:$0x1FBD0]  }
0x483: {  	v10 =	vadd.f32 v54, v10;
	v54 =	vld [tilespmem:$0x1FC20]  }
0x484: {  	v2 =	vadd.f32 v34, v2;
	v34 =	vld [tilespmem:$0x1FCF0]  }
0x485: {  	v57 =	vadd.f32 v56, v10;
	v10 =	vld [tilespmem:$0x6350]  }
0x486: {  	v1 =	vadd.f32 v40, v1;
	v40 =	vld [tilespmem:$0x5260]  }
0x487: {  	v3 =	vadd.f32 v19, v3;
	v2 =	vadd.f32 v45, v2;
	v45 =	vld [tilespmem:$0x1FBF0]  }
0x488: {  	v56 =	vld [tilespmem:$0x4B70]  }
0x489: {  	v3 =	vadd.f32 v49, v3;
	v49 =	vld [tilespmem:$0x1FC00]  }
0x48a: {  	v29 =	vadd.f32 v37, v57;
	v57 =	vld [tilespmem:$0x1FC30]  }
0x48b: {  	v2 =	vadd.f32 v47, v2;
	v37 =	vld [tilespmem:$0x56E0]  }
0x48c: {  	v1 =	vadd.f32 v42, v1;
	v42 =	vld [tilespmem:$0x57E0]  }
0x48d: {  	v2 =	vadd.f32 v51, v2;
	v51 =	vld [tilespmem:$0x54E0]  }
0x48e: {  	v47 =	vadd.f32 v53, v1;
	v53 =	vld [tilespmem:$0x5560]  }
0x48f: {  	v3 =	vadd.f32 v12, v3;
	v12 =	vadd.f32 v39, v29;
	v39 =	vld [tilespmem:$0x5760]  }
0x490: {  	v29 =	vld [tilespmem:$0x5C60]  }
0x491: {  	v59 =	vpop (erf);
	v3 =	vadd.f32 v27, v3;
	v27 =	vld [tilespmem:$0x1FCD0]  }
0x492: {  	v61 =	vadd.f32 $1.000000000e+00, v59;
	v59 =	vld [tilespmem:$0x4BF0]  }
0x493: {  	v12 =	vadd.f32 v41, v12;
	v41 =	vld [tilespmem:$0x4DF0]  }
0x494: {  	v2 =	vadd.f32 v55, v2;
	v0 =	vadd.f32 v0, v47;
	v47 =	vld [tilespmem:$0x1FC80]  }
0x495: {  	v3 =	vadd.f32 v33, v3;
	v33 =	vadd.f32 v49, v50;
	v49 =	vld [tilespmem:$0x58E0]  }
0x496: {  	v50 =	vld [tilespmem:$0x1FC90]  }
0x497: {  	v2 =	vadd.f32 v60, v2;
	v60 =	vld [tilespmem:$0x1FC40]  }
0x498: {  	(erf) = vrcp.f32 v61;
	v61 =	vld [tilespmem:$0x55E0]  }
0x499: {  	v0 =	vadd.f32 v30, v0;
	(erf) = vrcp.f32 v63;
	v63 =	vld [tilespmem:$0x1FC50]  }
0x49a: {  	v3 =	vadd.f32 v9, v3;
	v33 =	vadd.f32 v54, v33;
	v54 =	vld [tilespmem:$0x4FF0]  }
0x49b: {  	v2 =	vadd.f32 v62, v2;
	v62 =	vld [tilespmem:$0x4C70]  }
0x49c: {  	v0 =	vadd.f32 v4, v0;
	v3 =	vadd.f32 v28, v3;
	v28 =	vld [tilespmem:$0x5270]  }
0x49d: {  	v19 =	vadd.f32 v36, v2;
	v36 =	vadd.f32 v59, v56;
	v56 =	vld [tilespmem:$0x1FCB0]  }
0x49e: {  	v11 =	vcvt.s32.f32 v11;
	v30 =	vadd.f32 v60, v33;
	v33 =	vld [tilespmem:$0x5660]  }
0x49f: {  	v0 =	vadd.f32 v7, v0;
	v60 =	vld [tilespmem:$0x5A60]  }
0x4a0: {  	(erf) = vrcp.f32 v11;
	v11 =	vadd.f32 v38, v19;
	v38 =	vld [tilespmem:$0x4D70]  }
0x4a1: {  	v0 =	vadd.f32 v26, v0;
	v26 =	vld [tilespmem:$0x5BE0]  }
0x4a2: {  	v19 =	vld [tilespmem:$0x1FDB0]  }
0x4a3: {  	v4 =	vadd.f32 v62, v36;
	v36 =	vld [tilespmem:$0x5D60]  }
0x4a4: {  	v62 =	vcvt.s32.f32 v16;
	v16 =	vld [tilespmem:$0x5DF0]  }
0x4a5: {  	v11 =	vadd.f32 v40, v11;
	v40 =	vld [tilespmem:$0x1FC60]  }
0x4a6: {  	v0 =	vadd.f32 v20, v0;
	v20 =	vcvt.s32.f32 v15;
	v15 =	vld [tilespmem:$0x1FF00]  }
0x4a7: {  	v1 =	vpop (erf);
	v4 =	vadd.f32 v35, v4;
	v35 =	vld [tilespmem:$0x5370]  }
0x4a8: {  	v52 =	vpop (erf);
	v11 =	vadd.f32 v43, v11;
	v43 =	vld [tilespmem:$0x1FC70]  }
0x4a9: {  	v9 =	vmul.f32 v52, v57;
	v52 =	vld [tilespmem:$0x5960]  }
0x4aa: {  	v57 =	vld [tilespmem:$0x5070]  }
0x4ab: {  	v0 =	vadd.f32 v5, v0;
	v55 =	vpop (erf);
	v11 =	vadd.f32 v44, v11;
	v44 =	vld [tilespmem:$0x4E70]  }
0x4ac: {  	v4 =	vadd.f32 v38, v4;
	v3 =	vmul.f32 v55, v3;
	v55 =	vld [tilespmem:$0x59E0]  }
0x4ad: {  	v0 =	vadd.f32 v22, v0;
	v22 =	vld [tilespmem:$0x5B60]  }
0x4ae: {  	v4 =	vadd.f32 v41, v4;
	v41 =	vld [tilespmem:$0x5DE0]  }
0x4af: {  	v11 =	vadd.f32 v46, v11;
	v46 =	vld [tilespmem:$0x5860]  }
0x4b0: {  	v3 =	vadd.f32 v3, v9;
	v9 =	vadd.f32 v63, v30;
	v63 =	vld [tilespmem:$0x5AE0]  }
0x4b1: {  	v30 =	vld [tilespmem:$0x1FCE0]  }
0x4b2: {  	v0 =	vadd.f32 v18, v0;
	v18 =	vld [tilespmem:$0x1FDA0]  }
0x4b3: {  	v11 =	vadd.f32 v48, v11;
	v48 =	vld [tilespmem:$0x4EF0]  }
0x4b4: {  	v0 =	vadd.f32 v24, v0;
	v24 =	vld [tilespmem:$0x1FCC0]  }
0x4b5: {  	v9 =	vadd.f32 v40, v9;
	v11 =	vadd.f32 v51, v11;
	v51 =	vld [tilespmem:$0x4F70]  }
0x4b6: {  	v0 =	vadd.f32 v25, v0;
	v25 =	vld [tilespmem:$0x51F0]  }
0x4b7: {  	v3 =	vadd.f32 v3, v58;
	v9 =	vadd.f32 v43, v9;
	v43 =	vld [tilespmem:$0x1FD20]  }
0x4b8: {  	v11 =	vadd.f32 v53, v11;
	v53 =	vld [tilespmem:$0x1FCA0]  }
0x4b9: {  	v3 =	vsub.f32 $0.0e+00, v3;
	v9 =	vadd.f32 v47, v9;
	v47 =	vld [tilespmem:$0x54F0]  }
0x4ba: {  	v0 =	vadd.f32 v23, v0;
	v23 =	vld [tilespmem:$0x1FDD0]  }
0x4bb: {  	v2 =	vadd.f32 v45, v12;
	v3 =	vmul.f32 $1.442695020e+00, v3;
	v45 =	vadd.f32 v61, v11;
	v61 =	vld [tilespmem:$0x50F0]  }
0x4bc: {  	v0 =	vadd.f32 v21, v0;
	v21 =	vld [tilespmem:$0x5170]  }
0x4bd: {  	(erf) = vpow2.f32 v3;
	v3 =	vadd.f32 v44, v4;
	v44 =	vld [tilespmem:$0x5470]  }
0x4be: {  	v9 =	vadd.f32 v50, v9;
	v50 =	vld [tilespmem:$0x5570]  }
0x4bf: {  	v5 =	vadd.f32 v33, v45;
	v33 =	vld [tilespmem:$0x5CE0]  }
0x4c0: {  	v45 =	vld [tilespmem:$0x5E60]  }
0x4c1: {  	v3 =	vadd.f32 v48, v3;
	v48 =	vld [tilespmem:$0x5EE0]  }
0x4c2: {  	v9 =	vadd.f32 v53, v9;
	v53 =	vld [tilespmem:$0x55F0]  }
0x4c3: {  	v5 =	vadd.f32 v37, v5;
	v37 =	vld [tilespmem:$0x1FD00]  }
0x4c4: {  	v3 =	vadd.f32 v51, v3;
	v51 =	vld [tilespmem:$0x5F60]  }
0x4c5: {  	v9 =	vadd.f32 v56, v9;
	v56 =	vld [tilespmem:$0x1FD70]  }
0x4c6: {  	v5 =	vadd.f32 v39, v5;
	v39 =	vld [tilespmem:$0x53F0]  }
0x4c7: {  	v3 =	vadd.f32 v54, v3;
	v54 =	vld [tilespmem:$0x5FE0]  }
0x4c8: {  	v9 =	vadd.f32 v24, v9;
	v24 =	vld [tilespmem:$0x57F0]  }
0x4c9: {  	v5 =	vadd.f32 v42, v5;
	v42 =	vld [tilespmem:$0x1FD10]  }
0x4ca: {  	v3 =	vadd.f32 v57, v3;
	v57 =	vld [tilespmem:$0x5670];
	v59 =	vpop (erf);
	v9 =	vadd.f32 v27, v9  }
0x4cb: {  	v27 =	vld [tilespmem:$0x1FDF0];
	v7 =	vadd.f32 $1.000000000e+00, v59;
	v5 =	vadd.f32 v46, v5  }
0x4cc: {  	v46 =	vld [tilespmem:$0x1FD30]  }
0x4cd: {  	v59 =	vld [tilespmem:$0x6060];
	(erf) = vrcp.f32 v7;
	v5 =	vadd.f32 v49, v5  }
0x4ce: {  	v0 =	vadd.f32 v17, v0;
	v3 =	vadd.f32 v61, v3;
	v61 =	vld [tilespmem:$0x1FD90];
	(erf) = vrcp.f32 v62  }
0x4cf: {  	v9 =	vadd.f32 v30, v9;
	v30 =	vld [tilespmem:$0x1FE00];
	(erf) = vrcp.f32 v20;
	v4 =	vadd.f32 v52, v5  }
0x4d0: {  	v0 =	vadd.f32 v8, v0;
	v3 =	vadd.f32 v21, v3;
	v49 =	vld [tilespmem:$0x1FD40]  }
0x4d1: {  	v21 =	vld [tilespmem:$0x6160];
	v4 =	vadd.f32 v55, v4  }
0x4d2: {  	v0 =	vadd.f32 v14, v0;
	v62 =	vld [tilespmem:$0x56F0];
	v3 =	vadd.f32 v25, v3  }
0x4d3: {  	v52 =	vld [tilespmem:$0x1FD50];
	v4 =	vadd.f32 v60, v4  }
0x4d4: {  	v9 =	vadd.f32 v34, v9;
	v20 =	vld [tilespmem:$0x5770];
	v3 =	vadd.f32 v28, v3  }
0x4d5: {  	v10 =	vadd.f32 v10, v0;
	v25 =	vld [tilespmem:$0x6460];
	v4 =	vadd.f32 v63, v4  }
0x4d6: {  	v9 =	vadd.f32 v37, v9;
	v37 =	vld [tilespmem:$0x5970];
	v3 =	vadd.f32 v32, v3;
	v0 =	vpop (erf)  }
0x4d7: {  	v10 =	vadd.f32 v13, v10;
	v55 =	vld [tilespmem:$0x1FD60];
	v38 =	vpop (erf);
	v4 =	vadd.f32 v22, v4  }
0x4d8: {  	v28 =	vld [tilespmem:$0x5870];
	v9 =	vadd.f32 v42, v9;
	v3 =	vadd.f32 v35, v3;
	v40 =	vpop (erf)  }
0x4d9: {  	v42 =	vld [tilespmem:$0x1FE40];
	v13 =	vmul.f32 v38, v43;
	v10 =	vmul.f32 v40, v10;
	v4 =	vadd.f32 v26, v4  }
0x4da: {  	v60 =	vld [tilespmem:$0x1FD80];
	v9 =	vadd.f32 v46, v9;
	v3 =	vadd.f32 v39, v3  }
0x4db: {  	v32 =	vld [tilespmem:$0x1FE10];
	v10 =	vadd.f32 v10, v13;
	v4 =	vadd.f32 v29, v4  }
0x4dc: {  	v46 =	vld [tilespmem:$0x1FE60];
	v9 =	vadd.f32 v49, v9;
	v3 =	vadd.f32 v44, v3  }
0x4dd: {  	v63 =	vld [tilespmem:$0x60E0];
	v10 =	vadd.f32 v10, v58;
	v4 =	vadd.f32 v33, v4  }
0x4de: {  	v35 =	vld [tilespmem:$0x61E0];
	v9 =	vadd.f32 v52, v9;
	v3 =	vadd.f32 v47, v3  }
0x4df: {  	v49 =	vld [tilespmem:$0x63E0];
	v10 =	vsub.f32 $0.0e+00, v10;
	v4 =	vadd.f32 v36, v4  }
0x4e0: {  	v22 =	vld [tilespmem:$0x1FDC0];
	v9 =	vadd.f32 v56, v9;
	v3 =	vadd.f32 v50, v3  }
0x4e1: {  	v39 =	vld [tilespmem:$0x1FE30];
	v10 =	vmul.f32 $1.442695020e+00, v10;
	v4 =	vadd.f32 v41, v4  }
0x4e2: {  	v38 =	vld [tilespmem:$0x6260];
	v9 =	vadd.f32 v61, v9;
	v3 =	vadd.f32 v53, v3  }
0x4e3: {  	v2 =	vadd.f32 v55, v2;
	v43 =	vld [tilespmem:$0x1FE50];
	(erf) = vpow2.f32 v10;
	v4 =	vadd.f32 v45, v4  }
0x4e4: {  	v26 =	vld [tilespmem:$0x1FDE0];
	v9 =	vadd.f32 v19, v9;
	v3 =	vadd.f32 v57, v3  }
0x4e5: {  	v2 =	vadd.f32 v60, v2;
	v40 =	vld [tilespmem:$0x59F0];
	v4 =	vadd.f32 v48, v4  }
0x4e6: {  	v44 =	vld [tilespmem:$0x5A70];
	v9 =	vadd.f32 v23, v9;
	v3 =	vadd.f32 v62, v3  }
0x4e7: {  	v2 =	vadd.f32 v18, v2;
	v36 =	vld [tilespmem:$0x1FE20];
	v4 =	vadd.f32 v51, v4  }
0x4e8: {  	v56 =	vld [tilespmem:$0x1FEC0];
	v9 =	vadd.f32 v27, v9;
	v3 =	vadd.f32 v20, v3  }
0x4e9: {  	v29 =	vld [tilespmem:$0x64E0];
	v2 =	vadd.f32 v22, v2;
	v4 =	vadd.f32 v54, v4  }
0x4ea: {  	v33 =	vld [tilespmem:$0x58F0];
	v9 =	vadd.f32 v32, v9;
	v3 =	vadd.f32 v24, v3  }
0x4eb: {  	v47 =	vld [tilespmem:$0x1FE70];
	v2 =	vadd.f32 v26, v2;
	v4 =	vadd.f32 v59, v4  }
0x4ec: {  	v50 =	vld [tilespmem:$0x1FE80];
	v9 =	vadd.f32 v36, v9;
	v3 =	vadd.f32 v28, v3;
	v34 =	vpop (erf)  }
0x4ed: {  	v7 =	vcvt.s32.f32 v25;
	v53 =	vld [tilespmem:$0x1FEA0];
	v14 =	vadd.f32 $1.000000000e+00, v34;
	v4 =	vadd.f32 v63, v4  }
0x4ee: {  	v2 =	vadd.f32 v30, v2;
	v8 =	vcvt.s32.f32 v29;
	v41 =	vld [tilespmem:$0x62E0];
	v9 =	vadd.f32 v39, v9  }
0x4ef: {  	v51 =	vld [tilespmem:$0x1FE90];
	v3 =	vadd.f32 v33, v3;
	(erf) = vrcp.f32 v14;
	v4 =	vadd.f32 v21, v4  }
0x4f0: {  	v2 =	vadd.f32 v42, v2;
	v45 =	vld [tilespmem:$0x6360];
	v9 =	vadd.f32 v43, v9;
	(erf) = vrcp.f32 v7  }
0x4f1: {  	v54 =	vld [tilespmem:$0x1FEB0];
	v3 =	vadd.f32 v37, v3;
	v4 =	vadd.f32 v35, v4;
	(erf) = vrcp.f32 v8  }
0x4f2: {  	v2 =	vadd.f32 v46, v2;
	v48 =	vld [tilespmem:$0x5AF0];
	v9 =	vadd.f32 v47, v9  }
0x4f3: {  	v57 =	vld [tilespmem:$0x1FED0];
	v3 =	vadd.f32 v40, v3;
	v4 =	vadd.f32 v38, v4  }
0x4f4: {  	v52 =	vld [tilespmem:$0x5B70];
	v2 =	vadd.f32 v50, v2;
	v9 =	vadd.f32 v51, v9  }
0x4f5: {  	v61 =	vld [tilespmem:$0x1FEE0];
	v3 =	vadd.f32 v44, v3;
	v4 =	vadd.f32 v41, v4  }
0x4f6: {  	v55 =	vld [tilespmem:$0x5BF0];
	v2 =	vadd.f32 v53, v2;
	v7 =	vadd.f32 v54, v9  }
0x4f7: {  	v13 =	vld [tilespmem:$0x1FEF0];
	v3 =	vadd.f32 v48, v3;
	v4 =	vadd.f32 v45, v4  }
0x4f8: {  	v2 =	vadd.f32 v56, v2;
	v59 =	vld [tilespmem:$0x5C70];
	v7 =	vadd.f32 v57, v7;
	v8 =	vpop (erf)  }
0x4f9: {  	v17 =	vld [tilespmem:$0x1FF10];
	v3 =	vadd.f32 v52, v3;
	v4 =	vadd.f32 v49, v4;
	v60 =	vpop (erf)  }
0x4fa: {  	v63 =	vld [tilespmem:$0x5CF0];
	v7 =	vadd.f32 v61, v7;
	v62 =	vpop (erf)  }
0x4fb: {  	v25 =	vld [tilespmem:$0x5FF0];
	v3 =	vadd.f32 v55, v3;
	v2 =	vmul.f32 v60, v2;
	v4 =	vmul.f32 v62, v4  }
0x4fc: {  	v14 =	vld [tilespmem:$0x5D70];
	v5 =	vadd.f32 v13, v7  }
0x4fd: {  	v19 =	vld [tilespmem:$0x1FF20];
	v3 =	vadd.f32 v59, v3;
	v2 =	vadd.f32 v4, v2  }
0x4fe: {  	v18 =	vld [tilespmem:$0x5E70];
	v4 =	vadd.f32 v15, v5  }
0x4ff: {  	v21 =	vld [tilespmem:$0x1FF30];
	v3 =	vadd.f32 v63, v3;
	v2 =	vadd.f32 v2, v58  }
0x500: {  	v22 =	vld [tilespmem:$0x5F70];
	v4 =	vadd.f32 v17, v4  }
0x501: {  	v24 =	vld [tilespmem:$0x1FF40];
	v3 =	vadd.f32 v14, v3;
	v2 =	vsub.f32 $0.0e+00, v2  }
0x502: {  	v20 =	vld [tilespmem:$0x5EF0];
	v4 =	vadd.f32 v19, v4  }
0x503: {  	v26 =	vld [tilespmem:$0x1FF50];
	v3 =	vadd.f32 v16, v3;
	v2 =	vmul.f32 $1.442695020e+00, v2  }
0x504: {  	v29 =	vld [tilespmem:$0x1FF60];
	v4 =	vadd.f32 v21, v4  }
0x505: {  	v30 =	vld [tilespmem:$0x6170];
	v23 =	vadd.f32 v18, v3;
	(erf) = vpow2.f32 v2  }
0x506: {  	v27 =	vld [tilespmem:$0x6070];
	v3 =	vadd.f32 v24, v4  }
0x507: {  	v33 =	vld [tilespmem:$0x1FF70];
	v2 =	vadd.f32 v20, v23  }
0x508: {  	v32 =	vld [tilespmem:$0x6470];
	v3 =	vadd.f32 v26, v3  }
0x509: {  	v35 =	vld [tilespmem:$0x1FF80];
	v2 =	vadd.f32 v22, v2  }
0x50a: {  	v28 =	vld [tilespmem:$0x60F0];
	v3 =	vadd.f32 v29, v3  }
0x50b: {  	v34 =	vld [tilespmem:$0x64F0];
	v2 =	vadd.f32 v25, v2  }
0x50c: {  	v39 =	vld [tilespmem:$0x1FF90];
	v3 =	vadd.f32 v33, v3  }
0x50d: {  	v43 =	vld [tilespmem:$0x1FFA0];
	v2 =	vadd.f32 v27, v2  }
0x50e: {  	v37 =	vld [tilespmem:$0x61F0];
	v3 =	vadd.f32 v35, v3;
	v36 =	vpop (erf)  }
0x50f: {  	v40 =	vld [tilespmem:$0x6270];
	v2 =	vadd.f32 v28, v2;
	v38 =	vadd.f32 $1.000000000e+00, v36  }
0x510: {  	v41 =	vcvt.s32.f32 v34;
	v45 =	vld [tilespmem:$0x1FFB0];
	v4 =	vcvt.s32.f32 v32  }
0x511: {  	v42 =	vld [tilespmem:$0x62F0];
	v3 =	vadd.f32 v39, v3;
	v2 =	vadd.f32 v30, v2;
	(erf) = vrcp.f32 v38  }
0x512: {  	v47 =	vld [tilespmem:$0x1FFC0];
	(erf) = vrcp.f32 v4  }
0x513: {  	v44 =	vld [tilespmem:$0x6370];
	v3 =	vadd.f32 v43, v3;
	v2 =	vadd.f32 v37, v2;
	(erf) = vrcp.f32 v41  }
0x514: {  	v48 =	vld [tilespmem:$0x1FFD0]  }
0x515: {  	v46 =	vld [tilespmem:$0x63F0];
	v3 =	vadd.f32 v45, v3;
	v2 =	vadd.f32 v40, v2  }
0x516: {  	v51 =	vld [tilespmem:$0x1FFE0]  }
0x517: {  	v3 =	vadd.f32 v47, v3;
	v2 =	vadd.f32 v42, v2;
	_ =	sdelay $0x1  }
0x518: {  	v3 =	vadd.f32 v48, v3;
	v2 =	vadd.f32 v44, v2  }
0x519: {  	v49 =	vpop (erf)  }
0x51a: {  	v3 =	vadd.f32 v51, v3;
	v2 =	vadd.f32 v46, v2;
	v50 =	vpop (erf)  }
0x51b: {  	v52 =	vpop (erf)  }
0x51c: {  	v3 =	vmul.f32 v50, v3;
	v2 =	vmul.f32 v52, v2;
	_ =	sdelay $0x1  }
0x51d: {  	v2 =	vadd.f32 v2, v3;
	_ =	sdelay $0x1  }
0x51e: {  	v2 =	vadd.f32 v2, v58;
	_ =	sdelay $0x1  }
0x51f: {  	v2 =	vsub.f32 $0.0e+00, v2;
	_ =	sdelay $0x1  }
0x520: {  	v2 =	vmul.f32 $1.442695020e+00, v2;
	_ =	sdelay $0x1  }
0x521: {  	(erf) = vpow2.f32 v2;
	_ =	sdelay $0x7  }
0x522: {  	v53 =	vld [tilespmem:$0x1FFF0]  }
0x523: {  	[tilespmem:$0x6610] =	vst v31;
	v55 =	vpop (erf)  }
0x524: {  	[tilespmem:$0x6620] =	vst v6;
	v3 =	vadd.f32 $1.000000000e+00, v55  }
0x525: {  	[tilespmem:$0x6630] =	vst v1;
	v56 =	vsub.f32 $1.000000000e+00, v31  }
0x526: {  	[tilespmem:$0x6640] =	vst v0;
	(erf) = vrcp.f32 v3  }
0x527: {  	[tilespmem:$0x6590] =	vst v56;
	v54 =	vsub.f32 $1.000000000e+00, v53  }
0x528: {  	[tilespmem:$0x6600] =	vst v53;
	v57 =	vsub.f32 $1.000000000e+00, v6  }
0x529: {  	[tilespmem:$0x6580] =	vst v54  }
0x52a: {  	[tilespmem:$0x65A0] =	vst v57;
	v59 =	vsub.f32 $1.000000000e+00, v0  }
0x52b: {  	[tilespmem:$0x6650] =	vst v8;
	v60 =	vsub.f32 $1.000000000e+00, v8  }
0x52c: {  	[tilespmem:$0x65C0] =	vst v59  }
0x52d: {  	[tilespmem:$0x65D0] =	vst v60;
	v61 =	vsub.f32 $1.000000000e+00, v49  }
0x52e: {  	[tilespmem:$0x6660] =	vst v49;
	v58 =	vsub.f32 $1.000000000e+00, v1  }
0x52f: {  	[tilespmem:$0x65E0] =	vst v61;
	v62 =	vpop (erf)  }
0x530: {  	[tilespmem:$0x65B0] =	vst v58;
	v63 =	vsub.f32 $1.000000000e+00, v62  }
0x531: {  	[tilespmem:$0x6670] =	vst v62  }
0x532: {  	[tilespmem:$0x65F0] =	vst v63  }
0x533: {  	[hbm4b:s10+s2] =	stream.linear.scatter [tilespmem:s22], [sflag:$0x3], $0x80, $0x38;
	[tilespmem:$0x6680] =	vst v63  }
0x534: {  	_ =	swait.ge [sflag:s13], $0x80  }
0x535: {  	p0 =	sne.s32 s12, $0x1;
	[sflag:s13] =	ssyncset.done $0x0  }
.Ltmp0:
0x536: {  	[sflag:s13] =	ssyncadd.s32 $0xFFFFFF80;
	(pc) =	sbr.rel @p0 .LBB2_1-.Ltmp0, $4  }
0x537: {  	[hbm4b:s11+s2] =	stream.linear.scatter [tilespmem:s23], [sflag:$0x3], $0x80, $0x38;
	[tilespmem:$0x6680] =	vst v63  }
0x538: {  	_ =	swait.ge [sflag:s13], $0x80  }
0x539: {  	[sflag:s13] =	ssyncset.done $0x0  }
0x53a: {  	s12 =	sadd.s32 $0xFFFFFFFF, s12;
	[sflag:s13] =	ssyncadd.s32 $0xFFFFFF80  }
0x53b: {  	_ =	sfence.sel $0x180000  }
0x53c: {  	[bflag:$0x0] =	sbarrier.arrive $0xFFFF  }
0x53d: {  	p0 =	sne.s32 s1, $0x0;
	_ =	strace $0x90000047  }
0x53e: {  	s0 =	sadd.s32 @!p0 $0x100000, s0;
	[bflag:$0x2] =	sbarrier.arrive $0xFFFF  }
0x53f: {  	[sflag:s0] =	ssyncadd.tile.s32 @!p0 $0x1;
	_ =	shalt  }
.Lfunc_end2:
_tile_overlayer_lowered:
.L_overlay_start_2:
0x540: {  	(tag) =	ssettag $0x2  }
0x541: {  	s0 =	rddreg [dreg:$0x0];
	s2 =	stileid.u32  }
0x542: {  	s1 =	rddreg [dreg:$0x1];
	p0 =	sne.s32 s2, $0x0  }
0x543: {  	s3 =	rddreg [dreg:$0x2];
	[bflag:$0x3] =	sbarrier.arrive $0xFFFF;
	s2 =	simm.s32 @!p0 $0x1C03  }
0x544: {  	[timem:s3], [sflag:s2] =	dma.local @!p0 [hbm:s0], s1  }
0x545: {  	s0 =	simm.s32 @!p0 $0x3  }
0x546: {  	_ =	swait.ge @!p0 [sflag:s0], s1  }
0x547: {  	s1 =	ssub.s32 @!p0 $0x0, s1;
	[sflag:s0] =	ssyncset.done @!p0 $0x0  }
0x548: {  	[sflag:s0] =	ssyncadd.s32 @!p0 s1  }
0x549: {  	[bflag:$0x3] =	sbarrier.arrive $0xFFFF  }
0x54a: {  	_ =	shalt  }

</sc_bundles>
